<compile_context>
chip_gen: v7x
topology: tpu7x:2x2x1
jax: 0.10.2.dev20260603
libtpu: 0.0.44.dev20260713+nightly
codegen_flags: <defaults>
</compile_context>

<pallas_src>
import jax
import jax.numpy as jnp
import numpy as np
from jax import lax
from jax.experimental import pallas as pl
from jax.experimental.pallas import tpu as pltpu
from jax.experimental.pallas import tpu_sc as plsc

V = 642
F = 1280
H = 1001
W = 1001
N = 1048576

NC = 2
NS = 16
NW = NC * NS
L = 16
PT = N // NW
C = 4096
NG = C // L
NCH = PT // C
JROWS = C // 128

_MAGIC = np.float32(12582912.0)
_PI = np.float32(3.14159265358979)


def _sinp(x, terms):
    t = x * x
    r = np.float32(terms[0])
    for c in terms[1:]:
        r = r * t + np.float32(c)
    return x * r


def _cosp(x, terms):
    t = x * x
    r = np.float32(terms[0])
    for c in terms[1:]:
        r = r * t + np.float32(c)
    return r


_SIN_HI = (-1.0 / 39916800, 1.0 / 362880, -1.0 / 5040, 1.0 / 120, -1.0 / 6, 1.0)
_COS_HI = (1.0 / 479001600, -1.0 / 3628800, 1.0 / 40320, -1.0 / 720, 1.0 / 24,
           -0.5, 1.0)
_SIN_LO = (1.0 / 362880, -1.0 / 5040, 1.0 / 120, -1.0 / 6, 1.0)
_COS_LO = (-1.0 / 3628800, 1.0 / 40320, -1.0 / 720, 1.0 / 24, -0.5, 1.0)


def _sphere(u, v, sin_t, cos_t):
    h = _PI * (u - np.float32(0.5))
    th = _PI * (v - np.float32(0.5))
    sh = _sinp(h, sin_t)
    ch = _cosp(h, cos_t)
    sphi = np.float32(2.0) * sh * ch
    cphi = np.float32(1.0) - np.float32(2.0) * sh * sh
    st = _sinp(th, sin_t)
    ct = _cosp(th, cos_t)
    return ct * cphi, ct * sphi, st


def _rsqrt(s, iters):
    i = plsc.bitcast(s, jnp.int32)
    i = np.int32(0x5F3759DF) - lax.shift_right_logical(i, 1)
    y = plsc.bitcast(i, jnp.float32)
    for _ in range(iters):
        y = y * (np.float32(1.5) - np.float32(0.5) * s * y * y)
    return y


def _body(uvt, verts, uvv, faces, finds, out_f,
          s_faces, s_uvv, s_verts, s_struct, s_u, s_v, s_px, s_py, s_pz,
          s_lin, s_fi, s_out, sem_g):
    cid = lax.axis_index("c")
    sid = lax.axis_index("s")
    wid = sid * NC + cid

    pltpu.sync_copy(faces, s_faces)
    pltpu.sync_copy(uvv, s_uvv)
    pltpu.sync_copy(verts, s_verts)

    iota = lax.iota(jnp.int32, L)

    def build(g):
        fvec3 = (g * L + iota) * 3
        vi = [plsc.load_gather(s_faces, [fvec3 + k]) for k in range(3)]
        vi2 = [v2 * 2 for v2 in vi]
        uu = [plsc.load_gather(s_uvv, [vi2[k]]) for k in range(3)]
        vv = [plsc.load_gather(s_uvv, [vi2[k] + 1]) for k in range(3)]
        A = _sphere(uu[0], vv[0], _SIN_HI, _COS_HI)
        B = _sphere(uu[1], vv[1], _SIN_HI, _COS_HI)
        Cc = _sphere(uu[2], vv[2], _SIN_HI, _COS_HI)
        AB = [B[d] - A[d] for d in range(3)]
        AC = [Cc[d] - A[d] for d in range(3)]
        crx = AB[1] * AC[2] - AB[2] * AC[1]
        cry = AB[2] * AC[0] - AB[0] * AC[2]
        crz = AB[0] * AC[1] - AB[1] * AC[0]
        s0 = crx * crx + cry * cry + crz * crz
        ia = _rsqrt(s0, 3)
        gl = g * L
        for d in range(3):
            s_struct[pl.ds((0 + d) * F + gl, L)] = A[d]
            s_struct[pl.ds((3 + d) * F + gl, L)] = AB[d]
            s_struct[pl.ds((6 + d) * F + gl, L)] = AC[d]
        for k in range(3):
            vi3 = vi[k] * 3
            for d in range(3):
                s_struct[pl.ds((9 + k * 3 + d) * F + gl, L)] = plsc.load_gather(
                    s_verts, [vi3 + d])
        s_struct[pl.ds(18 * F + gl, L)] = ia

    plsc.parallel_loop(0, F // L, unroll=2)(build)

    def lin_pass(par):
        poff = par * C

        def linb(g):
            gsl0 = pl.ds(poff + g * L, L)
            u = s_u[gsl0]
            v = s_v[gsl0]
            x = (u * np.float32(1000.0) + _MAGIC) - _MAGIC
            y = (v * np.float32(1000.0) + _MAGIC) - _MAGIC
            lin = y.astype(jnp.int32) * W + x.astype(jnp.int32)
            s_lin[par * JROWS + g // 8, pl.ds((g % 8) * L, L)] = lin
            px, py, pz = _sphere(u, v, _SIN_LO, _COS_LO)
            gsl = pl.ds(poff + g * L, L)
            s_px[gsl] = px
            s_py[gsl] = py
            s_pz[gsl] = pz

        plsc.parallel_loop(0, NG, unroll=8)(linb)

    def math_pass(opar, obase):
        pltpu.make_async_copy(finds.at[pl.ds(0, C)],
                              s_fi.at[pl.ds(opar * C, C)], sem_g).wait()
        poff = opar * C

        def mathb(g):
            gsl = pl.ds(poff + g * L, L)
            fi = s_fi[gsl]
            px = s_px[gsl]
            py = s_py[gsl]
            pz = s_pz[gsl]

            def ld(r):
                return plsc.load_gather(s_struct, [fi + r * F])

            ax, ay, az = ld(0), ld(1), ld(2)
            abx, aby, abz = ld(3), ld(4), ld(5)
            acx, acy, acz = ld(6), ld(7), ld(8)
            bcx, bcy, bcz = acx - abx, acy - aby, acz - abz
            apx, apy, apz = px - ax, py - ay, pz - az
            bpx, bpy, bpz = apx - abx, apy - aby, apz - abz
            c1x = aby * apz - abz * apy
            c1y = abz * apx - abx * apz
            c1z = abx * apy - aby * apx
            c2x = acy * apz - acz * apy
            c2y = acz * apx - acx * apz
            c2z = acx * apy - acy * apx
            c3x = bcy * bpz - bcz * bpy
            c3y = bcz * bpx - bcx * bpz
            c3z = bcx * bpy - bcy * bpx
            s1 = c1x * c1x + c1y * c1y + c1z * c1z
            s2 = c2x * c2x + c2y * c2y + c2z * c2z
            s3 = c3x * c3x + c3y * c3y + c3z * c3z
            ia = ld(18)
            ww = s1 * _rsqrt(s1, 1) * ia
            vv_ = s2 * _rsqrt(s2, 1) * ia
            uu_ = s3 * _rsqrt(s3, 1) * ia
            l1 = jnp.maximum(uu_ + vv_ + ww, np.float32(1e-12))
            r = np.float32(1.0) / l1
            ru, rv, rw = uu_ * r, vv_ * r, ww * r
            for d in range(3):
                val = ld(9 + d) * ru + ld(12 + d) * rv + ld(15 + d) * rw
                s_out[pl.ds(d * C + g * L, L)] = val

        plsc.parallel_loop(0, NG, unroll=8)(mathb)
        ob = pl.multiple_of(obase, 2048)
        for d in range(3):
            pltpu.sync_copy(s_out.at[pl.ds(d * C, C)],
                            out_f.at[pl.ds(d * N + ob, C)])

    def chunk(i, carry):
        par = lax.rem(i, 2)
        base = wid * PT + i * C
        b = pl.multiple_of(base, 2048)
        pltpu.sync_copy(uvt.at[pl.ds(b, C)], s_u.at[pl.ds(par * C, C)])
        pltpu.sync_copy(uvt.at[pl.ds(N + b, C)], s_v.at[pl.ds(par * C, C)])
        lin_pass(par)
        for j in range(JROWS):
            pltpu.async_copy(finds.at[s_lin.at[par * JROWS + j]],
                             s_fi.at[pl.ds(par * C + j * 128, 128)], sem_g)

        @pl.when(i > 0)
        def _():
            math_pass(1 - par, base - C)

        return carry

    lax.fori_loop(0, NCH, chunk, None)
    math_pass((NCH - 1) % 2, wid * PT + (NCH - 1) * C)


def kernel(uv, verts_3d, uv_verts, faces, face_inds):
    uvt = uv.T.reshape(2 * N)
    finds = jnp.bitwise_and(face_inds, np.int32(0x7FFFFFFF)).reshape(-1)
    verts_f = verts_3d.reshape(-1)
    uvv_f = uv_verts.reshape(-1)
    faces_f = faces.reshape(-1)
    mesh = plsc.VectorSubcoreMesh(core_axis_name="c", subcore_axis_name="s")
    run = pl.kernel(
        _body,
        out_type=jax.ShapeDtypeStruct((3 * N,), jnp.float32),
        mesh=mesh,
        compiler_params=pltpu.CompilerParams(needs_layout_passes=False),
        scratch_types=[
            pltpu.VMEM((F * 3,), jnp.int32),
            pltpu.VMEM((V * 2,), jnp.float32),
            pltpu.VMEM((V * 3,), jnp.float32),
            pltpu.VMEM((19 * F,), jnp.float32),
            pltpu.VMEM((2 * C,), jnp.float32),
            pltpu.VMEM((2 * C,), jnp.float32),
            pltpu.VMEM((2 * C,), jnp.float32),
            pltpu.VMEM((2 * C,), jnp.float32),
            pltpu.VMEM((2 * C,), jnp.float32),
            pltpu.VMEM((2 * JROWS, 128), jnp.int32),
            pltpu.VMEM((2 * C,), jnp.int32),
            pltpu.VMEM((3 * C,), jnp.float32),
            pltpu.SemaphoreType.DMA,
        ],
    )
    out = run(uvt, verts_f, uvv_f, faces_f, finds)
    return jnp.stack([out[:N], out[N:2 * N], out[2 * N:]], axis=1)

# --- scband reference (transcript-rebuilt; emitter-appended) ---
"""Pipeline reference for scband-uvto3-d-78984448573770 (READ-ONLY COPY).

The authoritative reference and input builder live on the scoring server;
editing this copy changes nothing except your own understanding.
"""

import jax, jax.numpy as jnp
import numpy as np

V = 642
F = 1280
H = 1001
W = 1001
N = 1048576


def convert_uv_to_3d(uv):
    # geom_utils.convert_uv_to_3d_coordinates: map uv in [0,1]^2 to unit sphere
    phi = 2.0 * jnp.pi * (uv[..., 0] - 0.5)
    theta = jnp.pi * (uv[..., 1] - 0.5)
    x = jnp.cos(theta) * jnp.cos(phi)
    y = jnp.cos(theta) * jnp.sin(phi)
    z = jnp.sin(theta)
    return jnp.stack([x, y, z], axis=-1)


def setup_inputs(seed: int = 0):
    key = jax.random.key(seed)
    k1, k2, k3, k4, k5 = jax.random.split(key, 5)
    uv = jax.random.uniform(k1, (N, 2), dtype=jnp.float32)
    verts_3d = jax.random.normal(k2, (V, 3), dtype=jnp.float32)
    uv_verts = jax.random.uniform(k3, (V, 2), dtype=jnp.float32)
    faces = jax.random.randint(k4, (F, 3), 0, V, dtype=jnp.int32)
    face_inds = jax.random.randint(k5, (H, W), 0, F, dtype=jnp.int32)
    return {"uv": uv, "verts_3d": verts_3d, "uv_verts": uv_verts,
            "faces": faces, "face_inds": face_inds}


def compute_barycentric_coordinates(uv_verts_f, uv_points):
    verts = convert_uv_to_3d(uv_verts_f)   # [N, 3, 3]
    points = convert_uv_to_3d(uv_points)   # [N, 3]
    vertA = verts[:, 0, :]
    vertB = verts[:, 1, :]
    vertC = verts[:, 2, :]
    AB = vertB - vertA
    AC = vertC - vertA
    BC = vertC - vertB
    AP = points - vertA
    BP = points - vertB
    CP = points - vertC
    areaBAC = jnp.linalg.norm(jnp.cross(AB, AC), axis=1)
    areaBAP = jnp.linalg.norm(jnp.cross(AB, AP), axis=1)
    areaCAP = jnp.linalg.norm(jnp.cross(AC, AP), axis=1)
    areaCBP = jnp.linalg.norm(jnp.cross(BC, BP), axis=1)
    w = areaBAP / areaBAC
    v = areaCAP / areaBAC
    u = areaCBP / areaBAC
    bc = jnp.stack([u, v, w], axis=1)
    # F.normalize(p=1): divide by max(l1-norm, eps)
    l1 = jnp.clip(jnp.sum(jnp.abs(bc), axis=1, keepdims=True), 1e-12, None)
    return bc / l1


def reference(uv, verts_3d, uv_verts, faces, face_inds):
    uv_map_size = jnp.array([[W - 1, H - 1]], dtype=uv.dtype)
    uv_inds = jnp.round(uv_map_size * uv).astype(jnp.int32)  # detached in torch
    uv_inds = jax.lax.stop_gradient(uv_inds)
    face_ind = face_inds[uv_inds[:, 1], uv_inds[:, 0]]       # [N]
    face_vert_inds = faces[face_ind, :]                       # [N, 3]
    face_verts = verts_3d[face_vert_inds]                     # [N, 3, 3]
    face_uv_verts = uv_verts[face_vert_inds]                  # [N, 3, 2]
    bary_cord = compute_barycentric_coordinates(face_uv_verts, uv)
    points3d = (face_verts * bary_cord[:, :, None]).sum(1)    # [N, 3]
    return points3d

if __name__ == "__main__":
    import jax
    _d = setup_inputs()
    print(jax.jit(kernel)(*tuple(_d.values())))

</pallas_src>

<mosaic_0001>
#map = affine_map<(d0, d1) -> (0)>
module attributes {stable_mosaic.version = 14 : i64} {
  func.func @_body(%arg0: i32, %arg1: i32, %arg2: memref<2097152xf32, #tpu.memory_space<hbm>>, %arg3: memref<1926xf32, #tpu.memory_space<hbm>>, %arg4: memref<1284xf32, #tpu.memory_space<hbm>>, %arg5: memref<3840xi32, #tpu.memory_space<hbm>>, %arg6: memref<1002001xi32, #tpu.memory_space<hbm>>, %arg7: memref<3145728xf32, #tpu.memory_space<hbm>>, %arg8: memref<3840xi32, #tpu.memory_space<vmem>>, %arg9: memref<1284xf32, #tpu.memory_space<vmem>>, %arg10: memref<1926xf32, #tpu.memory_space<vmem>>, %arg11: memref<24320xf32, #tpu.memory_space<vmem>>, %arg12: memref<8192xf32, #tpu.memory_space<vmem>>, %arg13: memref<8192xf32, #tpu.memory_space<vmem>>, %arg14: memref<8192xf32, #tpu.memory_space<vmem>>, %arg15: memref<8192xf32, #tpu.memory_space<vmem>>, %arg16: memref<8192xf32, #tpu.memory_space<vmem>>, %arg17: memref<64x128xi32, #tpu.memory_space<vmem>>, %arg18: memref<8192xi32, #tpu.memory_space<vmem>>, %arg19: memref<12288xf32, #tpu.memory_space<vmem>>, %arg20: memref<!tpu.dma_semaphore, #tpu.memory_space<semaphore_mem>>) attributes {dimension_semantics = [#tpu.dimension_semantics<core_parallel>, #tpu.dimension_semantics<subcore_parallel>], iteration_bounds = array<i64: 2, 16>, scalar_prefetch = 0 : i64, scratch_operands = 13 : i64, tpu.core_type = #tpu.core_type<sc_vector_subcore>, window_params = [{transform_indices = #map}, {transform_indices = #map}, {transform_indices = #map}, {transform_indices = #map}, {transform_indices = #map}, {transform_indices = #map}]} {
    %mul3A = arith.constant 2 : i32
    %mul3A_0 = arith.muli %arg1, %mul3A : i32
    %add3A = arith.addi %mul3A_0, %arg0 : i32
    "tpu.region"() ({
      %run_scoped3A = tpu.sem_alloc : memref<!tpu.dma_semaphore, #tpu.memory_space<semaphore_mem>>
      tpu.enqueue_dma source(%arg5 : memref<3840xi32, #tpu.memory_space<hbm>>) target(%arg8 : memref<3840xi32, #tpu.memory_space<vmem>>) target_semaphore(%run_scoped3A : memref<!tpu.dma_semaphore, #tpu.memory_space<semaphore_mem>>)
      tpu.wait_dma2 semaphore(%run_scoped3A : memref<!tpu.dma_semaphore, #tpu.memory_space<semaphore_mem>>) src(%arg5 : memref<3840xi32, #tpu.memory_space<hbm>>) dst(%arg8 : memref<3840xi32, #tpu.memory_space<vmem>>)
      tpu.yield
    }) : () -> ()
    "tpu.region"() ({
      %run_scoped3A = tpu.sem_alloc : memref<!tpu.dma_semaphore, #tpu.memory_space<semaphore_mem>>
      tpu.enqueue_dma source(%arg4 : memref<1284xf32, #tpu.memory_space<hbm>>) target(%arg9 : memref<1284xf32, #tpu.memory_space<vmem>>) target_semaphore(%run_scoped3A : memref<!tpu.dma_semaphore, #tpu.memory_space<semaphore_mem>>)
      tpu.wait_dma2 semaphore(%run_scoped3A : memref<!tpu.dma_semaphore, #tpu.memory_space<semaphore_mem>>) src(%arg4 : memref<1284xf32, #tpu.memory_space<hbm>>) dst(%arg9 : memref<1284xf32, #tpu.memory_space<vmem>>)
      tpu.yield
    }) : () -> ()
    "tpu.region"() ({
      %run_scoped3A = tpu.sem_alloc : memref<!tpu.dma_semaphore, #tpu.memory_space<semaphore_mem>>
      tpu.enqueue_dma source(%arg3 : memref<1926xf32, #tpu.memory_space<hbm>>) target(%arg10 : memref<1926xf32, #tpu.memory_space<vmem>>) target_semaphore(%run_scoped3A : memref<!tpu.dma_semaphore, #tpu.memory_space<semaphore_mem>>)
      tpu.wait_dma2 semaphore(%run_scoped3A : memref<!tpu.dma_semaphore, #tpu.memory_space<semaphore_mem>>) src(%arg3 : memref<1926xf32, #tpu.memory_space<hbm>>) dst(%arg10 : memref<1926xf32, #tpu.memory_space<vmem>>)
      tpu.yield
    }) : () -> ()
    %iota3A = tpu.iota {dimensions = array<i32: 0>} : vector<16xi32>
    %parallel_loop3A = arith.constant 0 : i32
    %parallel_loop3A_1 = arith.constant 80 : i32
    %parallel_loop3A_2 = arith.constant 1 : i32
    scf.for %parallel_loop3A_27 = %parallel_loop3A to %parallel_loop3A_1 step %parallel_loop3A_2  : i32 {
      %parallel_loop3A_28 = arith.constant 16 : i32
      %parallel_loop3A_29 = arith.muli %parallel_loop3A_27, %parallel_loop3A_28 : i32
      %parallel_loop3A_30 = vector.broadcast %parallel_loop3A_29 : i32 to vector<16xi32>
      %parallel_loop3A_31 = arith.addi %parallel_loop3A_30, %iota3A : vector<16xi32>
      %parallel_loop3A_32 = arith.constant 3 : i32
      %parallel_loop3A_33 = vector.broadcast %parallel_loop3A_32 : i32 to vector<16xi32>
      %parallel_loop3A_34 = arith.muli %parallel_loop3A_31, %parallel_loop3A_33 : vector<16xi32>
      %parallel_loop3A_35 = arith.constant 0 : i32
      %parallel_loop3A_36 = vector.broadcast %parallel_loop3A_35 : i32 to vector<16xi32>
      %parallel_loop3A_37 = arith.addi %parallel_loop3A_34, %parallel_loop3A_36 : vector<16xi32>
      %parallel_loop3A_38 = tpu.vector_load_idx %arg8[%parallel_loop3A_37] : memref<3840xi32, #tpu.memory_space<vmem>>[vector<16xi32>], vector<16xi32>,
      %parallel_loop3A_39 = arith.constant 1 : i32
      %parallel_loop3A_40 = vector.broadcast %parallel_loop3A_39 : i32 to vector<16xi32>
      %parallel_loop3A_41 = arith.addi %parallel_loop3A_34, %parallel_loop3A_40 : vector<16xi32>
      %parallel_loop3A_42 = tpu.vector_load_idx %arg8[%parallel_loop3A_41] : memref<3840xi32, #tpu.memory_space<vmem>>[vector<16xi32>], vector<16xi32>,
      %parallel_loop3A_43 = arith.constant 2 : i32
      %parallel_loop3A_44 = vector.broadcast %parallel_loop3A_43 : i32 to vector<16xi32>
      %parallel_loop3A_45 = arith.addi %parallel_loop3A_34, %parallel_loop3A_44 : vector<16xi32>
      %parallel_loop3A_46 = tpu.vector_load_idx %arg8[%parallel_loop3A_45] : memref<3840xi32, #tpu.memory_space<vmem>>[vector<16xi32>], vector<16xi32>,
      %parallel_loop3A_47 = arith.constant 2 : i32
      %parallel_loop3A_48 = vector.broadcast %parallel_loop3A_47 : i32 to vector<16xi32>
      %parallel_loop3A_49 = arith.muli %parallel_loop3A_38, %parallel_loop3A_48 : vector<16xi32>
      %parallel_loop3A_50 = arith.constant 2 : i32
      %parallel_loop3A_51 = vector.broadcast %parallel_loop3A_50 : i32 to vector<16xi32>
      %parallel_loop3A_52 = arith.muli %parallel_loop3A_42, %parallel_loop3A_51 : vector<16xi32>
      %parallel_loop3A_53 = arith.constant 2 : i32
      %parallel_loop3A_54 = vector.broadcast %parallel_loop3A_53 : i32 to vector<16xi32>
      %parallel_loop3A_55 = arith.muli %parallel_loop3A_46, %parallel_loop3A_54 : vector<16xi32>
      %parallel_loop3A_56 = tpu.vector_load_idx %arg9[%parallel_loop3A_49] : memref<1284xf32, #tpu.memory_space<vmem>>[vector<16xi32>], vector<16xf32>,
      %parallel_loop3A_57 = tpu.vector_load_idx %arg9[%parallel_loop3A_52] : memref<1284xf32, #tpu.memory_space<vmem>>[vector<16xi32>], vector<16xf32>,
      %parallel_loop3A_58 = tpu.vector_load_idx %arg9[%parallel_loop3A_55] : memref<1284xf32, #tpu.memory_space<vmem>>[vector<16xi32>], vector<16xf32>,
      %parallel_loop3A_59 = arith.constant 1 : i32
      %parallel_loop3A_60 = vector.broadcast %parallel_loop3A_59 : i32 to vector<16xi32>
      %parallel_loop3A_61 = arith.addi %parallel_loop3A_49, %parallel_loop3A_60 : vector<16xi32>
      %parallel_loop3A_62 = tpu.vector_load_idx %arg9[%parallel_loop3A_61] : memref<1284xf32, #tpu.memory_space<vmem>>[vector<16xi32>], vector<16xf32>,
      %parallel_loop3A_63 = arith.constant 1 : i32
      %parallel_loop3A_64 = vector.broadcast %parallel_loop3A_63 : i32 to vector<16xi32>
      %parallel_loop3A_65 = arith.addi %parallel_loop3A_52, %parallel_loop3A_64 : vector<16xi32>
      %parallel_loop3A_66 = tpu.vector_load_idx %arg9[%parallel_loop3A_65] : memref<1284xf32, #tpu.memory_space<vmem>>[vector<16xi32>], vector<16xf32>,
      %parallel_loop3A_67 = arith.constant 1 : i32
      %parallel_loop3A_68 = vector.broadcast %parallel_loop3A_67 : i32 to vector<16xi32>
      %parallel_loop3A_69 = arith.addi %parallel_loop3A_55, %parallel_loop3A_68 : vector<16xi32>
      %parallel_loop3A_70 = tpu.vector_load_idx %arg9[%parallel_loop3A_69] : memref<1284xf32, #tpu.memory_space<vmem>>[vector<16xi32>], vector<16xf32>,
      %parallel_loop3A_71 = arith.constant 5.000000e-01 : f32
      %parallel_loop3A_72 = vector.broadcast %parallel_loop3A_71 : f32 to vector<16xf32>
      %parallel_loop3A_73 = arith.subf %parallel_loop3A_56, %parallel_loop3A_72 : vector<16xf32>
      %parallel_loop3A_74 = arith.constant 3.14159274 : f32
      %parallel_loop3A_75 = vector.broadcast %parallel_loop3A_74 : f32 to vector<16xf32>
      %parallel_loop3A_76 = arith.mulf %parallel_loop3A_75, %parallel_loop3A_73 : vector<16xf32>
      %parallel_loop3A_77 = arith.constant 5.000000e-01 : f32
      %parallel_loop3A_78 = vector.broadcast %parallel_loop3A_77 : f32 to vector<16xf32>
      %parallel_loop3A_79 = arith.subf %parallel_loop3A_62, %parallel_loop3A_78 : vector<16xf32>
      %parallel_loop3A_80 = arith.constant 3.14159274 : f32
      %parallel_loop3A_81 = vector.broadcast %parallel_loop3A_80 : f32 to vector<16xf32>
      %parallel_loop3A_82 = arith.mulf %parallel_loop3A_81, %parallel_loop3A_79 : vector<16xf32>
      %parallel_loop3A_83 = arith.mulf %parallel_loop3A_76, %parallel_loop3A_76 : vector<16xf32>
      %parallel_loop3A_84 = arith.constant -2.50521079E-8 : f32
      %parallel_loop3A_85 = vector.broadcast %parallel_loop3A_84 : f32 to vector<16xf32>
      %parallel_loop3A_86 = arith.mulf %parallel_loop3A_85, %parallel_loop3A_83 : vector<16xf32>
      %parallel_loop3A_87 = arith.constant 2.75573188E-6 : f32
      %parallel_loop3A_88 = vector.broadcast %parallel_loop3A_87 : f32 to vector<16xf32>
      %parallel_loop3A_89 = arith.addf %parallel_loop3A_86, %parallel_loop3A_88 : vector<16xf32>
      %parallel_loop3A_90 = arith.mulf %parallel_loop3A_89, %parallel_loop3A_83 : vector<16xf32>
      %parallel_loop3A_91 = arith.constant -1.98412701E-4 : f32
      %parallel_loop3A_92 = vector.broadcast %parallel_loop3A_91 : f32 to vector<16xf32>
      %parallel_loop3A_93 = arith.addf %parallel_loop3A_90, %parallel_loop3A_92 : vector<16xf32>
      %parallel_loop3A_94 = arith.mulf %parallel_loop3A_93, %parallel_loop3A_83 : vector<16xf32>
      %parallel_loop3A_95 = arith.constant 0.00833333377 : f32
      %parallel_loop3A_96 = vector.broadcast %parallel_loop3A_95 : f32 to vector<16xf32>
      %parallel_loop3A_97 = arith.addf %parallel_loop3A_94, %parallel_loop3A_96 : vector<16xf32>
      %parallel_loop3A_98 = arith.mulf %parallel_loop3A_97, %parallel_loop3A_83 : vector<16xf32>
      %parallel_loop3A_99 = arith.constant -0.166666672 : f32
      %parallel_loop3A_100 = vector.broadcast %parallel_loop3A_99 : f32 to vector<16xf32>
      %parallel_loop3A_101 = arith.addf %parallel_loop3A_98, %parallel_loop3A_100 : vector<16xf32>
      %parallel_loop3A_102 = arith.mulf %parallel_loop3A_101, %parallel_loop3A_83 : vector<16xf32>
      %parallel_loop3A_103 = arith.constant 1.000000e+00 : f32
      %parallel_loop3A_104 = vector.broadcast %parallel_loop3A_103 : f32 to vector<16xf32>
      %parallel_loop3A_105 = arith.addf %parallel_loop3A_102, %parallel_loop3A_104 : vector<16xf32>
      %parallel_loop3A_106 = arith.mulf %parallel_loop3A_76, %parallel_loop3A_105 : vector<16xf32>
      %parallel_loop3A_107 = arith.mulf %parallel_loop3A_76, %parallel_loop3A_76 : vector<16xf32>
      %parallel_loop3A_108 = arith.constant 2.08767559E-9 : f32
      %parallel_loop3A_109 = vector.broadcast %parallel_loop3A_108 : f32 to vector<16xf32>
      %parallel_loop3A_110 = arith.mulf %parallel_loop3A_109, %parallel_loop3A_107 : vector<16xf32>
      %parallel_loop3A_111 = arith.constant -2.755732E-7 : f32
      %parallel_loop3A_112 = vector.broadcast %parallel_loop3A_111 : f32 to vector<16xf32>
      %parallel_loop3A_113 = arith.addf %parallel_loop3A_110, %parallel_loop3A_112 : vector<16xf32>
      %parallel_loop3A_114 = arith.mulf %parallel_loop3A_113, %parallel_loop3A_107 : vector<16xf32>
      %parallel_loop3A_115 = arith.constant 2.48015876E-5 : f32
      %parallel_loop3A_116 = vector.broadcast %parallel_loop3A_115 : f32 to vector<16xf32>
      %parallel_loop3A_117 = arith.addf %parallel_loop3A_114, %parallel_loop3A_116 : vector<16xf32>
      %parallel_loop3A_118 = arith.mulf %parallel_loop3A_117, %parallel_loop3A_107 : vector<16xf32>
      %parallel_loop3A_119 = arith.constant -0.00138888892 : f32
      %parallel_loop3A_120 = vector.broadcast %parallel_loop3A_119 : f32 to vector<16xf32>
      %parallel_loop3A_121 = arith.addf %parallel_loop3A_118, %parallel_loop3A_120 : vector<16xf32>
      %parallel_loop3A_122 = arith.mulf %parallel_loop3A_121, %parallel_loop3A_107 : vector<16xf32>
      %parallel_loop3A_123 = arith.constant 0.0416666679 : f32
      %parallel_loop3A_124 = vector.broadcast %parallel_loop3A_123 : f32 to vector<16xf32>
      %parallel_loop3A_125 = arith.addf %parallel_loop3A_122, %parallel_loop3A_124 : vector<16xf32>
      %parallel_loop3A_126 = arith.mulf %parallel_loop3A_125, %parallel_loop3A_107 : vector<16xf32>
      %parallel_loop3A_127 = arith.constant -5.000000e-01 : f32
      %parallel_loop3A_128 = vector.broadcast %parallel_loop3A_127 : f32 to vector<16xf32>
      %parallel_loop3A_129 = arith.addf %parallel_loop3A_126, %parallel_loop3A_128 : vector<16xf32>
      %parallel_loop3A_130 = arith.mulf %parallel_loop3A_129, %parallel_loop3A_107 : vector<16xf32>
      %parallel_loop3A_131 = arith.constant 1.000000e+00 : f32
      %parallel_loop3A_132 = vector.broadcast %parallel_loop3A_131 : f32 to vector<16xf32>
      %parallel_loop3A_133 = arith.addf %parallel_loop3A_130, %parallel_loop3A_132 : vector<16xf32>
      %parallel_loop3A_134 = arith.constant 2.000000e+00 : f32
      %parallel_loop3A_135 = vector.broadcast %parallel_loop3A_134 : f32 to vector<16xf32>
      %parallel_loop3A_136 = arith.mulf %parallel_loop3A_135, %parallel_loop3A_106 : vector<16xf32>
      %parallel_loop3A_137 = arith.mulf %parallel_loop3A_136, %parallel_loop3A_133 : vector<16xf32>
      %parallel_loop3A_138 = arith.constant 2.000000e+00 : f32
      %parallel_loop3A_139 = vector.broadcast %parallel_loop3A_138 : f32 to vector<16xf32>
      %parallel_loop3A_140 = arith.mulf %parallel_loop3A_139, %parallel_loop3A_106 : vector<16xf32>
      %parallel_loop3A_141 = arith.mulf %parallel_loop3A_140, %parallel_loop3A_106 : vector<16xf32>
      %parallel_loop3A_142 = arith.constant 1.000000e+00 : f32
      %parallel_loop3A_143 = vector.broadcast %parallel_loop3A_142 : f32 to vector<16xf32>
      %parallel_loop3A_144 = arith.subf %parallel_loop3A_143, %parallel_loop3A_141 : vector<16xf32>
      %parallel_loop3A_145 = arith.mulf %parallel_loop3A_82, %parallel_loop3A_82 : vector<16xf32>
      %parallel_loop3A_146 = arith.constant -2.50521079E-8 : f32
      %parallel_loop3A_147 = vector.broadcast %parallel_loop3A_146 : f32 to vector<16xf32>
      %parallel_loop3A_148 = arith.mulf %parallel_loop3A_147, %parallel_loop3A_145 : vector<16xf32>
      %parallel_loop3A_149 = arith.constant 2.75573188E-6 : f32
      %parallel_loop3A_150 = vector.broadcast %parallel_loop3A_149 : f32 to vector<16xf32>
      %parallel_loop3A_151 = arith.addf %parallel_loop3A_148, %parallel_loop3A_150 : vector<16xf32>
      %parallel_loop3A_152 = arith.mulf %parallel_loop3A_151, %parallel_loop3A_145 : vector<16xf32>
      %parallel_loop3A_153 = arith.constant -1.98412701E-4 : f32
      %parallel_loop3A_154 = vector.broadcast %parallel_loop3A_153 : f32 to vector<16xf32>
      %parallel_loop3A_155 = arith.addf %parallel_loop3A_152, %parallel_loop3A_154 : vector<16xf32>
      %parallel_loop3A_156 = arith.mulf %parallel_loop3A_155, %parallel_loop3A_145 : vector<16xf32>
      %parallel_loop3A_157 = arith.constant 0.00833333377 : f32
      %parallel_loop3A_158 = vector.broadcast %parallel_loop3A_157 : f32 to vector<16xf32>
      %parallel_loop3A_159 = arith.addf %parallel_loop3A_156, %parallel_loop3A_158 : vector<16xf32>
      %parallel_loop3A_160 = arith.mulf %parallel_loop3A_159, %parallel_loop3A_145 : vector<16xf32>
      %parallel_loop3A_161 = arith.constant -0.166666672 : f32
      %parallel_loop3A_162 = vector.broadcast %parallel_loop3A_161 : f32 to vector<16xf32>
      %parallel_loop3A_163 = arith.addf %parallel_loop3A_160, %parallel_loop3A_162 : vector<16xf32>
      %parallel_loop3A_164 = arith.mulf %parallel_loop3A_163, %parallel_loop3A_145 : vector<16xf32>
      %parallel_loop3A_165 = arith.constant 1.000000e+00 : f32
      %parallel_loop3A_166 = vector.broadcast %parallel_loop3A_165 : f32 to vector<16xf32>
      %parallel_loop3A_167 = arith.addf %parallel_loop3A_164, %parallel_loop3A_166 : vector<16xf32>
      %parallel_loop3A_168 = arith.mulf %parallel_loop3A_82, %parallel_loop3A_167 : vector<16xf32>
      %parallel_loop3A_169 = arith.mulf %parallel_loop3A_82, %parallel_loop3A_82 : vector<16xf32>
      %parallel_loop3A_170 = arith.constant 2.08767559E-9 : f32
      %parallel_loop3A_171 = vector.broadcast %parallel_loop3A_170 : f32 to vector<16xf32>
      %parallel_loop3A_172 = arith.mulf %parallel_loop3A_171, %parallel_loop3A_169 : vector<16xf32>
      %parallel_loop3A_173 = arith.constant -2.755732E-7 : f32
      %parallel_loop3A_174 = vector.broadcast %parallel_loop3A_173 : f32 to vector<16xf32>
      %parallel_loop3A_175 = arith.addf %parallel_loop3A_172, %parallel_loop3A_174 : vector<16xf32>
      %parallel_loop3A_176 = arith.mulf %parallel_loop3A_175, %parallel_loop3A_169 : vector<16xf32>
      %parallel_loop3A_177 = arith.constant 2.48015876E-5 : f32
      %parallel_loop3A_178 = vector.broadcast %parallel_loop3A_177 : f32 to vector<16xf32>
      %parallel_loop3A_179 = arith.addf %parallel_loop3A_176, %parallel_loop3A_178 : vector<16xf32>
      %parallel_loop3A_180 = arith.mulf %parallel_loop3A_179, %parallel_loop3A_169 : vector<16xf32>
      %parallel_loop3A_181 = arith.constant -0.00138888892 : f32
      %parallel_loop3A_182 = vector.broadcast %parallel_loop3A_181 : f32 to vector<16xf32>
      %parallel_loop3A_183 = arith.addf %parallel_loop3A_180, %parallel_loop3A_182 : vector<16xf32>
      %parallel_loop3A_184 = arith.mulf %parallel_loop3A_183, %parallel_loop3A_169 : vector<16xf32>
      %parallel_loop3A_185 = arith.constant 0.0416666679 : f32
      %parallel_loop3A_186 = vector.broadcast %parallel_loop3A_185 : f32 to vector<16xf32>
      %parallel_loop3A_187 = arith.addf %parallel_loop3A_184, %parallel_loop3A_186 : vector<16xf32>
      %parallel_loop3A_188 = arith.mulf %parallel_loop3A_187, %parallel_loop3A_169 : vector<16xf32>
      %parallel_loop3A_189 = arith.constant -5.000000e-01 : f32
      %parallel_loop3A_190 = vector.broadcast %parallel_loop3A_189 : f32 to vector<16xf32>
      %parallel_loop3A_191 = arith.addf %parallel_loop3A_188, %parallel_loop3A_190 : vector<16xf32>
      %parallel_loop3A_192 = arith.mulf %parallel_loop3A_191, %parallel_loop3A_169 : vector<16xf32>
      %parallel_loop3A_193 = arith.constant 1.000000e+00 : f32
      %parallel_loop3A_194 = vector.broadcast %parallel_loop3A_193 : f32 to vector<16xf32>
      %parallel_loop3A_195 = arith.addf %parallel_loop3A_192, %parallel_loop3A_194 : vector<16xf32>
      %parallel_loop3A_196 = arith.mulf %parallel_loop3A_195, %parallel_loop3A_144 : vector<16xf32>
      %parallel_loop3A_197 = arith.mulf %parallel_loop3A_195, %parallel_loop3A_137 : vector<16xf32>
      %parallel_loop3A_198 = arith.constant 5.000000e-01 : f32
      %parallel_loop3A_199 = vector.broadcast %parallel_loop3A_198 : f32 to vector<16xf32>
      %parallel_loop3A_200 = arith.subf %parallel_loop3A_57, %parallel_loop3A_199 : vector<16xf32>
      %parallel_loop3A_201 = arith.constant 3.14159274 : f32
      %parallel_loop3A_202 = vector.broadcast %parallel_loop3A_201 : f32 to vector<16xf32>
      %parallel_loop3A_203 = arith.mulf %parallel_loop3A_202, %parallel_loop3A_200 : vector<16xf32>
      %parallel_loop3A_204 = arith.constant 5.000000e-01 : f32
      %parallel_loop3A_205 = vector.broadcast %parallel_loop3A_204 : f32 to vector<16xf32>
      %parallel_loop3A_206 = arith.subf %parallel_loop3A_66, %parallel_loop3A_205 : vector<16xf32>
      %parallel_loop3A_207 = arith.constant 3.14159274 : f32
      %parallel_loop3A_208 = vector.broadcast %parallel_loop3A_207 : f32 to vector<16xf32>
      %parallel_loop3A_209 = arith.mulf %parallel_loop3A_208, %parallel_loop3A_206 : vector<16xf32>
      %parallel_loop3A_210 = arith.mulf %parallel_loop3A_203, %parallel_loop3A_203 : vector<16xf32>
      %parallel_loop3A_211 = arith.constant -2.50521079E-8 : f32
      %parallel_loop3A_212 = vector.broadcast %parallel_loop3A_211 : f32 to vector<16xf32>
      %parallel_loop3A_213 = arith.mulf %parallel_loop3A_212, %parallel_loop3A_210 : vector<16xf32>
      %parallel_loop3A_214 = arith.constant 2.75573188E-6 : f32
      %parallel_loop3A_215 = vector.broadcast %parallel_loop3A_214 : f32 to vector<16xf32>
      %parallel_loop3A_216 = arith.addf %parallel_loop3A_213, %parallel_loop3A_215 : vector<16xf32>
      %parallel_loop3A_217 = arith.mulf %parallel_loop3A_216, %parallel_loop3A_210 : vector<16xf32>
      %parallel_loop3A_218 = arith.constant -1.98412701E-4 : f32
      %parallel_loop3A_219 = vector.broadcast %parallel_loop3A_218 : f32 to vector<16xf32>
      %parallel_loop3A_220 = arith.addf %parallel_loop3A_217, %parallel_loop3A_219 : vector<16xf32>
      %parallel_loop3A_221 = arith.mulf %parallel_loop3A_220, %parallel_loop3A_210 : vector<16xf32>
      %parallel_loop3A_222 = arith.constant 0.00833333377 : f32
      %parallel_loop3A_223 = vector.broadcast %parallel_loop3A_222 : f32 to vector<16xf32>
      %parallel_loop3A_224 = arith.addf %parallel_loop3A_221, %parallel_loop3A_223 : vector<16xf32>
      %parallel_loop3A_225 = arith.mulf %parallel_loop3A_224, %parallel_loop3A_210 : vector<16xf32>
      %parallel_loop3A_226 = arith.constant -0.166666672 : f32
      %parallel_loop3A_227 = vector.broadcast %parallel_loop3A_226 : f32 to vector<16xf32>
      %parallel_loop3A_228 = arith.addf %parallel_loop3A_225, %parallel_loop3A_227 : vector<16xf32>
      %parallel_loop3A_229 = arith.mulf %parallel_loop3A_228, %parallel_loop3A_210 : vector<16xf32>
      %parallel_loop3A_230 = arith.constant 1.000000e+00 : f32
      %parallel_loop3A_231 = vector.broadcast %parallel_loop3A_230 : f32 to vector<16xf32>
      %parallel_loop3A_232 = arith.addf %parallel_loop3A_229, %parallel_loop3A_231 : vector<16xf32>
      %parallel_loop3A_233 = arith.mulf %parallel_loop3A_203, %parallel_loop3A_232 : vector<16xf32>
      %parallel_loop3A_234 = arith.mulf %parallel_loop3A_203, %parallel_loop3A_203 : vector<16xf32>
      %parallel_loop3A_235 = arith.constant 2.08767559E-9 : f32
      %parallel_loop3A_236 = vector.broadcast %parallel_loop3A_235 : f32 to vector<16xf32>
      %parallel_loop3A_237 = arith.mulf %parallel_loop3A_236, %parallel_loop3A_234 : vector<16xf32>
      %parallel_loop3A_238 = arith.constant -2.755732E-7 : f32
      %parallel_loop3A_239 = vector.broadcast %parallel_loop3A_238 : f32 to vector<16xf32>
      %parallel_loop3A_240 = arith.addf %parallel_loop3A_237, %parallel_loop3A_239 : vector<16xf32>
      %parallel_loop3A_241 = arith.mulf %parallel_loop3A_240, %parallel_loop3A_234 : vector<16xf32>
      %parallel_loop3A_242 = arith.constant 2.48015876E-5 : f32
      %parallel_loop3A_243 = vector.broadcast %parallel_loop3A_242 : f32 to vector<16xf32>
      %parallel_loop3A_244 = arith.addf %parallel_loop3A_241, %parallel_loop3A_243 : vector<16xf32>
      %parallel_loop3A_245 = arith.mulf %parallel_loop3A_244, %parallel_loop3A_234 : vector<16xf32>
      %parallel_loop3A_246 = arith.constant -0.00138888892 : f32
      %parallel_loop3A_247 = vector.broadcast %parallel_loop3A_246 : f32 to vector<16xf32>
      %parallel_loop3A_248 = arith.addf %parallel_loop3A_245, %parallel_loop3A_247 : vector<16xf32>
      %parallel_loop3A_249 = arith.mulf %parallel_loop3A_248, %parallel_loop3A_234 : vector<16xf32>
      %parallel_loop3A_250 = arith.constant 0.0416666679 : f32
      %parallel_loop3A_251 = vector.broadcast %parallel_loop3A_250 : f32 to vector<16xf32>
      %parallel_loop3A_252 = arith.addf %parallel_loop3A_249, %parallel_loop3A_251 : vector<16xf32>
      %parallel_loop3A_253 = arith.mulf %parallel_loop3A_252, %parallel_loop3A_234 : vector<16xf32>
      %parallel_loop3A_254 = arith.constant -5.000000e-01 : f32
      %parallel_loop3A_255 = vector.broadcast %parallel_loop3A_254 : f32 to vector<16xf32>
      %parallel_loop3A_256 = arith.addf %parallel_loop3A_253, %parallel_loop3A_255 : vector<16xf32>
      %parallel_loop3A_257 = arith.mulf %parallel_loop3A_256, %parallel_loop3A_234 : vector<16xf32>
      %parallel_loop3A_258 = arith.constant 1.000000e+00 : f32
      %parallel_loop3A_259 = vector.broadcast %parallel_loop3A_258 : f32 to vector<16xf32>
      %parallel_loop3A_260 = arith.addf %parallel_loop3A_257, %parallel_loop3A_259 : vector<16xf32>
      %parallel_loop3A_261 = arith.constant 2.000000e+00 : f32
      %parallel_loop3A_262 = vector.broadcast %parallel_loop3A_261 : f32 to vector<16xf32>
      %parallel_loop3A_263 = arith.mulf %parallel_loop3A_262, %parallel_loop3A_233 : vector<16xf32>
      %parallel_loop3A_264 = arith.mulf %parallel_loop3A_263, %parallel_loop3A_260 : vector<16xf32>
      %parallel_loop3A_265 = arith.constant 2.000000e+00 : f32
      %parallel_loop3A_266 = vector.broadcast %parallel_loop3A_265 : f32 to vector<16xf32>
      %parallel_loop3A_267 = arith.mulf %parallel_loop3A_266, %parallel_loop3A_233 : vector<16xf32>
      %parallel_loop3A_268 = arith.mulf %parallel_loop3A_267, %parallel_loop3A_233 : vector<16xf32>
      %parallel_loop3A_269 = arith.constant 1.000000e+00 : f32
      %parallel_loop3A_270 = vector.broadcast %parallel_loop3A_269 : f32 to vector<16xf32>
      %parallel_loop3A_271 = arith.subf %parallel_loop3A_270, %parallel_loop3A_268 : vector<16xf32>
      %parallel_loop3A_272 = arith.mulf %parallel_loop3A_209, %parallel_loop3A_209 : vector<16xf32>
      %parallel_loop3A_273 = arith.constant -2.50521079E-8 : f32
      %parallel_loop3A_274 = vector.broadcast %parallel_loop3A_273 : f32 to vector<16xf32>
      %parallel_loop3A_275 = arith.mulf %parallel_loop3A_274, %parallel_loop3A_272 : vector<16xf32>
      %parallel_loop3A_276 = arith.constant 2.75573188E-6 : f32
      %parallel_loop3A_277 = vector.broadcast %parallel_loop3A_276 : f32 to vector<16xf32>
      %parallel_loop3A_278 = arith.addf %parallel_loop3A_275, %parallel_loop3A_277 : vector<16xf32>
      %parallel_loop3A_279 = arith.mulf %parallel_loop3A_278, %parallel_loop3A_272 : vector<16xf32>
      %parallel_loop3A_280 = arith.constant -1.98412701E-4 : f32
      %parallel_loop3A_281 = vector.broadcast %parallel_loop3A_280 : f32 to vector<16xf32>
      %parallel_loop3A_282 = arith.addf %parallel_loop3A_279, %parallel_loop3A_281 : vector<16xf32>
      %parallel_loop3A_283 = arith.mulf %parallel_loop3A_282, %parallel_loop3A_272 : vector<16xf32>
      %parallel_loop3A_284 = arith.constant 0.00833333377 : f32
      %parallel_loop3A_285 = vector.broadcast %parallel_loop3A_284 : f32 to vector<16xf32>
      %parallel_loop3A_286 = arith.addf %parallel_loop3A_283, %parallel_loop3A_285 : vector<16xf32>
      %parallel_loop3A_287 = arith.mulf %parallel_loop3A_286, %parallel_loop3A_272 : vector<16xf32>
      %parallel_loop3A_288 = arith.constant -0.166666672 : f32
      %parallel_loop3A_289 = vector.broadcast %parallel_loop3A_288 : f32 to vector<16xf32>
      %parallel_loop3A_290 = arith.addf %parallel_loop3A_287, %parallel_loop3A_289 : vector<16xf32>
      %parallel_loop3A_291 = arith.mulf %parallel_loop3A_290, %parallel_loop3A_272 : vector<16xf32>
      %parallel_loop3A_292 = arith.constant 1.000000e+00 : f32
      %parallel_loop3A_293 = vector.broadcast %parallel_loop3A_292 : f32 to vector<16xf32>
      %parallel_loop3A_294 = arith.addf %parallel_loop3A_291, %parallel_loop3A_293 : vector<16xf32>
      %parallel_loop3A_295 = arith.mulf %parallel_loop3A_209, %parallel_loop3A_294 : vector<16xf32>
      %parallel_loop3A_296 = arith.mulf %parallel_loop3A_209, %parallel_loop3A_209 : vector<16xf32>
      %parallel_loop3A_297 = arith.constant 2.08767559E-9 : f32
      %parallel_loop3A_298 = vector.broadcast %parallel_loop3A_297 : f32 to vector<16xf32>
      %parallel_loop3A_299 = arith.mulf %parallel_loop3A_298, %parallel_loop3A_296 : vector<16xf32>
      %parallel_loop3A_300 = arith.constant -2.755732E-7 : f32
      %parallel_loop3A_301 = vector.broadcast %parallel_loop3A_300 : f32 to vector<16xf32>
      %parallel_loop3A_302 = arith.addf %parallel_loop3A_299, %parallel_loop3A_301 : vector<16xf32>
      %parallel_loop3A_303 = arith.mulf %parallel_loop3A_302, %parallel_loop3A_296 : vector<16xf32>
      %parallel_loop3A_304 = arith.constant 2.48015876E-5 : f32
      %parallel_loop3A_305 = vector.broadcast %parallel_loop3A_304 : f32 to vector<16xf32>
      %parallel_loop3A_306 = arith.addf %parallel_loop3A_303, %parallel_loop3A_305 : vector<16xf32>
      %parallel_loop3A_307 = arith.mulf %parallel_loop3A_306, %parallel_loop3A_296 : vector<16xf32>
      %parallel_loop3A_308 = arith.constant -0.00138888892 : f32
      %parallel_loop3A_309 = vector.broadcast %parallel_loop3A_308 : f32 to vector<16xf32>
      %parallel_loop3A_310 = arith.addf %parallel_loop3A_307, %parallel_loop3A_309 : vector<16xf32>
      %parallel_loop3A_311 = arith.mulf %parallel_loop3A_310, %parallel_loop3A_296 : vector<16xf32>
      %parallel_loop3A_312 = arith.constant 0.0416666679 : f32
      %parallel_loop3A_313 = vector.broadcast %parallel_loop3A_312 : f32 to vector<16xf32>
      %parallel_loop3A_314 = arith.addf %parallel_loop3A_311, %parallel_loop3A_313 : vector<16xf32>
      %parallel_loop3A_315 = arith.mulf %parallel_loop3A_314, %parallel_loop3A_296 : vector<16xf32>
      %parallel_loop3A_316 = arith.constant -5.000000e-01 : f32
      %parallel_loop3A_317 = vector.broadcast %parallel_loop3A_316 : f32 to vector<16xf32>
      %parallel_loop3A_318 = arith.addf %parallel_loop3A_315, %parallel_loop3A_317 : vector<16xf32>
      %parallel_loop3A_319 = arith.mulf %parallel_loop3A_318, %parallel_loop3A_296 : vector<16xf32>
      %parallel_loop3A_320 = arith.constant 1.000000e+00 : f32
      %parallel_loop3A_321 = vector.broadcast %parallel_loop3A_320 : f32 to vector<16xf32>
      %parallel_loop3A_322 = arith.addf %parallel_loop3A_319, %parallel_loop3A_321 : vector<16xf32>
      %parallel_loop3A_323 = arith.mulf %parallel_loop3A_322, %parallel_loop3A_271 : vector<16xf32>
      %parallel_loop3A_324 = arith.mulf %parallel_loop3A_322, %parallel_loop3A_264 : vector<16xf32>
      %parallel_loop3A_325 = arith.constant 5.000000e-01 : f32
      %parallel_loop3A_326 = vector.broadcast %parallel_loop3A_325 : f32 to vector<16xf32>
      %parallel_loop3A_327 = arith.subf %parallel_loop3A_58, %parallel_loop3A_326 : vector<16xf32>
      %parallel_loop3A_328 = arith.constant 3.14159274 : f32
      %parallel_loop3A_329 = vector.broadcast %parallel_loop3A_328 : f32 to vector<16xf32>
      %parallel_loop3A_330 = arith.mulf %parallel_loop3A_329, %parallel_loop3A_327 : vector<16xf32>
      %parallel_loop3A_331 = arith.constant 5.000000e-01 : f32
      %parallel_loop3A_332 = vector.broadcast %parallel_loop3A_331 : f32 to vector<16xf32>
      %parallel_loop3A_333 = arith.subf %parallel_loop3A_70, %parallel_loop3A_332 : vector<16xf32>
      %parallel_loop3A_334 = arith.constant 3.14159274 : f32
      %parallel_loop3A_335 = vector.broadcast %parallel_loop3A_334 : f32 to vector<16xf32>
      %parallel_loop3A_336 = arith.mulf %parallel_loop3A_335, %parallel_loop3A_333 : vector<16xf32>
      %parallel_loop3A_337 = arith.mulf %parallel_loop3A_330, %parallel_loop3A_330 : vector<16xf32>
      %parallel_loop3A_338 = arith.constant -2.50521079E-8 : f32
      %parallel_loop3A_339 = vector.broadcast %parallel_loop3A_338 : f32 to vector<16xf32>
      %parallel_loop3A_340 = arith.mulf %parallel_loop3A_339, %parallel_loop3A_337 : vector<16xf32>
      %parallel_loop3A_341 = arith.constant 2.75573188E-6 : f32
      %parallel_loop3A_342 = vector.broadcast %parallel_loop3A_341 : f32 to vector<16xf32>
      %parallel_loop3A_343 = arith.addf %parallel_loop3A_340, %parallel_loop3A_342 : vector<16xf32>
      %parallel_loop3A_344 = arith.mulf %parallel_loop3A_343, %parallel_loop3A_337 : vector<16xf32>
      %parallel_loop3A_345 = arith.constant -1.98412701E-4 : f32
      %parallel_loop3A_346 = vector.broadcast %parallel_loop3A_345 : f32 to vector<16xf32>
      %parallel_loop3A_347 = arith.addf %parallel_loop3A_344, %parallel_loop3A_346 : vector<16xf32>
      %parallel_loop3A_348 = arith.mulf %parallel_loop3A_347, %parallel_loop3A_337 : vector<16xf32>
      %parallel_loop3A_349 = arith.constant 0.00833333377 : f32
      %parallel_loop3A_350 = vector.broadcast %parallel_loop3A_349 : f32 to vector<16xf32>
      %parallel_loop3A_351 = arith.addf %parallel_loop3A_348, %parallel_loop3A_350 : vector<16xf32>
      %parallel_loop3A_352 = arith.mulf %parallel_loop3A_351, %parallel_loop3A_337 : vector<16xf32>
      %parallel_loop3A_353 = arith.constant -0.166666672 : f32
      %parallel_loop3A_354 = vector.broadcast %parallel_loop3A_353 : f32 to vector<16xf32>
      %parallel_loop3A_355 = arith.addf %parallel_loop3A_352, %parallel_loop3A_354 : vector<16xf32>
      %parallel_loop3A_356 = arith.mulf %parallel_loop3A_355, %parallel_loop3A_337 : vector<16xf32>
      %parallel_loop3A_357 = arith.constant 1.000000e+00 : f32
      %parallel_loop3A_358 = vector.broadcast %parallel_loop3A_357 : f32 to vector<16xf32>
      %parallel_loop3A_359 = arith.addf %parallel_loop3A_356, %parallel_loop3A_358 : vector<16xf32>
      %parallel_loop3A_360 = arith.mulf %parallel_loop3A_330, %parallel_loop3A_359 : vector<16xf32>
      %parallel_loop3A_361 = arith.mulf %parallel_loop3A_330, %parallel_loop3A_330 : vector<16xf32>
      %parallel_loop3A_362 = arith.constant 2.08767559E-9 : f32
      %parallel_loop3A_363 = vector.broadcast %parallel_loop3A_362 : f32 to vector<16xf32>
      %parallel_loop3A_364 = arith.mulf %parallel_loop3A_363, %parallel_loop3A_361 : vector<16xf32>
      %parallel_loop3A_365 = arith.constant -2.755732E-7 : f32
      %parallel_loop3A_366 = vector.broadcast %parallel_loop3A_365 : f32 to vector<16xf32>
      %parallel_loop3A_367 = arith.addf %parallel_loop3A_364, %parallel_loop3A_366 : vector<16xf32>
      %parallel_loop3A_368 = arith.mulf %parallel_loop3A_367, %parallel_loop3A_361 : vector<16xf32>
      %parallel_loop3A_369 = arith.constant 2.48015876E-5 : f32
      %parallel_loop3A_370 = vector.broadcast %parallel_loop3A_369 : f32 to vector<16xf32>
      %parallel_loop3A_371 = arith.addf %parallel_loop3A_368, %parallel_loop3A_370 : vector<16xf32>
      %parallel_loop3A_372 = arith.mulf %parallel_loop3A_371, %parallel_loop3A_361 : vector<16xf32>
      %parallel_loop3A_373 = arith.constant -0.00138888892 : f32
      %parallel_loop3A_374 = vector.broadcast %parallel_loop3A_373 : f32 to vector<16xf32>
      %parallel_loop3A_375 = arith.addf %parallel_loop3A_372, %parallel_loop3A_374 : vector<16xf32>
      %parallel_loop3A_376 = arith.mulf %parallel_loop3A_375, %parallel_loop3A_361 : vector<16xf32>
      %parallel_loop3A_377 = arith.constant 0.0416666679 : f32
      %parallel_loop3A_378 = vector.broadcast %parallel_loop3A_377 : f32 to vector<16xf32>
      %parallel_loop3A_379 = arith.addf %parallel_loop3A_376, %parallel_loop3A_378 : vector<16xf32>
      %parallel_loop3A_380 = arith.mulf %parallel_loop3A_379, %parallel_loop3A_361 : vector<16xf32>
      %parallel_loop3A_381 = arith.constant -5.000000e-01 : f32
      %parallel_loop3A_382 = vector.broadcast %parallel_loop3A_381 : f32 to vector<16xf32>
      %parallel_loop3A_383 = arith.addf %parallel_loop3A_380, %parallel_loop3A_382 : vector<16xf32>
      %parallel_loop3A_384 = arith.mulf %parallel_loop3A_383, %parallel_loop3A_361 : vector<16xf32>
      %parallel_loop3A_385 = arith.constant 1.000000e+00 : f32
      %parallel_loop3A_386 = vector.broadcast %parallel_loop3A_385 : f32 to vector<16xf32>
      %parallel_loop3A_387 = arith.addf %parallel_loop3A_384, %parallel_loop3A_386 : vector<16xf32>
      %parallel_loop3A_388 = arith.constant 2.000000e+00 : f32
      %parallel_loop3A_389 = vector.broadcast %parallel_loop3A_388 : f32 to vector<16xf32>
      %parallel_loop3A_390 = arith.mulf %parallel_loop3A_389, %parallel_loop3A_360 : vector<16xf32>
      %parallel_loop3A_391 = arith.mulf %parallel_loop3A_390, %parallel_loop3A_387 : vector<16xf32>
      %parallel_loop3A_392 = arith.constant 2.000000e+00 : f32
      %parallel_loop3A_393 = vector.broadcast %parallel_loop3A_392 : f32 to vector<16xf32>
      %parallel_loop3A_394 = arith.mulf %parallel_loop3A_393, %parallel_loop3A_360 : vector<16xf32>
      %parallel_loop3A_395 = arith.mulf %parallel_loop3A_394, %parallel_loop3A_360 : vector<16xf32>
      %parallel_loop3A_396 = arith.constant 1.000000e+00 : f32
      %parallel_loop3A_397 = vector.broadcast %parallel_loop3A_396 : f32 to vector<16xf32>
      %parallel_loop3A_398 = arith.subf %parallel_loop3A_397, %parallel_loop3A_395 : vector<16xf32>
      %parallel_loop3A_399 = arith.mulf %parallel_loop3A_336, %parallel_loop3A_336 : vector<16xf32>
      %parallel_loop3A_400 = arith.constant -2.50521079E-8 : f32
      %parallel_loop3A_401 = vector.broadcast %parallel_loop3A_400 : f32 to vector<16xf32>
      %parallel_loop3A_402 = arith.mulf %parallel_loop3A_401, %parallel_loop3A_399 : vector<16xf32>
      %parallel_loop3A_403 = arith.constant 2.75573188E-6 : f32
      %parallel_loop3A_404 = vector.broadcast %parallel_loop3A_403 : f32 to vector<16xf32>
      %parallel_loop3A_405 = arith.addf %parallel_loop3A_402, %parallel_loop3A_404 : vector<16xf32>
      %parallel_loop3A_406 = arith.mulf %parallel_loop3A_405, %parallel_loop3A_399 : vector<16xf32>
      %parallel_loop3A_407 = arith.constant -1.98412701E-4 : f32
      %parallel_loop3A_408 = vector.broadcast %parallel_loop3A_407 : f32 to vector<16xf32>
      %parallel_loop3A_409 = arith.addf %parallel_loop3A_406, %parallel_loop3A_408 : vector<16xf32>
      %parallel_loop3A_410 = arith.mulf %parallel_loop3A_409, %parallel_loop3A_399 : vector<16xf32>
      %parallel_loop3A_411 = arith.constant 0.00833333377 : f32
      %parallel_loop3A_412 = vector.broadcast %parallel_loop3A_411 : f32 to vector<16xf32>
      %parallel_loop3A_413 = arith.addf %parallel_loop3A_410, %parallel_loop3A_412 : vector<16xf32>
      %parallel_loop3A_414 = arith.mulf %parallel_loop3A_413, %parallel_loop3A_399 : vector<16xf32>
      %parallel_loop3A_415 = arith.constant -0.166666672 : f32
      %parallel_loop3A_416 = vector.broadcast %parallel_loop3A_415 : f32 to vector<16xf32>
      %parallel_loop3A_417 = arith.addf %parallel_loop3A_414, %parallel_loop3A_416 : vector<16xf32>
      %parallel_loop3A_418 = arith.mulf %parallel_loop3A_417, %parallel_loop3A_399 : vector<16xf32>
      %parallel_loop3A_419 = arith.constant 1.000000e+00 : f32
      %parallel_loop3A_420 = vector.broadcast %parallel_loop3A_419 : f32 to vector<16xf32>
      %parallel_loop3A_421 = arith.addf %parallel_loop3A_418, %parallel_loop3A_420 : vector<16xf32>
      %parallel_loop3A_422 = arith.mulf %parallel_loop3A_336, %parallel_loop3A_421 : vector<16xf32>
      %parallel_loop3A_423 = arith.mulf %parallel_loop3A_336, %parallel_loop3A_336 : vector<16xf32>
      %parallel_loop3A_424 = arith.constant 2.08767559E-9 : f32
      %parallel_loop3A_425 = vector.broadcast %parallel_loop3A_424 : f32 to vector<16xf32>
      %parallel_loop3A_426 = arith.mulf %parallel_loop3A_425, %parallel_loop3A_423 : vector<16xf32>
      %parallel_loop3A_427 = arith.constant -2.755732E-7 : f32
      %parallel_loop3A_428 = vector.broadcast %parallel_loop3A_427 : f32 to vector<16xf32>
      %parallel_loop3A_429 = arith.addf %parallel_loop3A_426, %parallel_loop3A_428 : vector<16xf32>
      %parallel_loop3A_430 = arith.mulf %parallel_loop3A_429, %parallel_loop3A_423 : vector<16xf32>
      %parallel_loop3A_431 = arith.constant 2.48015876E-5 : f32
      %parallel_loop3A_432 = vector.broadcast %parallel_loop3A_431 : f32 to vector<16xf32>
      %parallel_loop3A_433 = arith.addf %parallel_loop3A_430, %parallel_loop3A_432 : vector<16xf32>
      %parallel_loop3A_434 = arith.mulf %parallel_loop3A_433, %parallel_loop3A_423 : vector<16xf32>
      %parallel_loop3A_435 = arith.constant -0.00138888892 : f32
      %parallel_loop3A_436 = vector.broadcast %parallel_loop3A_435 : f32 to vector<16xf32>
      %parallel_loop3A_437 = arith.addf %parallel_loop3A_434, %parallel_loop3A_436 : vector<16xf32>
      %parallel_loop3A_438 = arith.mulf %parallel_loop3A_437, %parallel_loop3A_423 : vector<16xf32>
      %parallel_loop3A_439 = arith.constant 0.0416666679 : f32
      %parallel_loop3A_440 = vector.broadcast %parallel_loop3A_439 : f32 to vector<16xf32>
      %parallel_loop3A_441 = arith.addf %parallel_loop3A_438, %parallel_loop3A_440 : vector<16xf32>
      %parallel_loop3A_442 = arith.mulf %parallel_loop3A_441, %parallel_loop3A_423 : vector<16xf32>
      %parallel_loop3A_443 = arith.constant -5.000000e-01 : f32
      %parallel_loop3A_444 = vector.broadcast %parallel_loop3A_443 : f32 to vector<16xf32>
      %parallel_loop3A_445 = arith.addf %parallel_loop3A_442, %parallel_loop3A_444 : vector<16xf32>
      %parallel_loop3A_446 = arith.mulf %parallel_loop3A_445, %parallel_loop3A_423 : vector<16xf32>
      %parallel_loop3A_447 = arith.constant 1.000000e+00 : f32
      %parallel_loop3A_448 = vector.broadcast %parallel_loop3A_447 : f32 to vector<16xf32>
      %parallel_loop3A_449 = arith.addf %parallel_loop3A_446, %parallel_loop3A_448 : vector<16xf32>
      %parallel_loop3A_450 = arith.mulf %parallel_loop3A_449, %parallel_loop3A_398 : vector<16xf32>
      %parallel_loop3A_451 = arith.mulf %parallel_loop3A_449, %parallel_loop3A_391 : vector<16xf32>
      %parallel_loop3A_452 = arith.subf %parallel_loop3A_323, %parallel_loop3A_196 : vector<16xf32>
      %parallel_loop3A_453 = arith.subf %parallel_loop3A_324, %parallel_loop3A_197 : vector<16xf32>
      %parallel_loop3A_454 = arith.subf %parallel_loop3A_295, %parallel_loop3A_168 : vector<16xf32>
      %parallel_loop3A_455 = arith.subf %parallel_loop3A_450, %parallel_loop3A_196 : vector<16xf32>
      %parallel_loop3A_456 = arith.subf %parallel_loop3A_451, %parallel_loop3A_197 : vector<16xf32>
      %parallel_loop3A_457 = arith.subf %parallel_loop3A_422, %parallel_loop3A_168 : vector<16xf32>
      %parallel_loop3A_458 = arith.mulf %parallel_loop3A_453, %parallel_loop3A_457 : vector<16xf32>
      %parallel_loop3A_459 = arith.mulf %parallel_loop3A_454, %parallel_loop3A_456 : vector<16xf32>
      %parallel_loop3A_460 = arith.subf %parallel_loop3A_458, %parallel_loop3A_459 : vector<16xf32>
      %parallel_loop3A_461 = arith.mulf %parallel_loop3A_454, %parallel_loop3A_455 : vector<16xf32>
      %parallel_loop3A_462 = arith.mulf %parallel_loop3A_452, %parallel_loop3A_457 : vector<16xf32>
      %parallel_loop3A_463 = arith.subf %parallel_loop3A_461, %parallel_loop3A_462 : vector<16xf32>
      %parallel_loop3A_464 = arith.mulf %parallel_loop3A_452, %parallel_loop3A_456 : vector<16xf32>
      %parallel_loop3A_465 = arith.mulf %parallel_loop3A_453, %parallel_loop3A_455 : vector<16xf32>
      %parallel_loop3A_466 = arith.subf %parallel_loop3A_464, %parallel_loop3A_465 : vector<16xf32>
      %parallel_loop3A_467 = arith.mulf %parallel_loop3A_460, %parallel_loop3A_460 : vector<16xf32>
      %parallel_loop3A_468 = arith.mulf %parallel_loop3A_463, %parallel_loop3A_463 : vector<16xf32>
      %parallel_loop3A_469 = arith.addf %parallel_loop3A_467, %parallel_loop3A_468 : vector<16xf32>
      %parallel_loop3A_470 = arith.mulf %parallel_loop3A_466, %parallel_loop3A_466 : vector<16xf32>
      %parallel_loop3A_471 = arith.addf %parallel_loop3A_469, %parallel_loop3A_470 : vector<16xf32>
      %parallel_loop3A_472 = vector.bitcast %parallel_loop3A_471 : vector<16xf32> to vector<16xi32>
      %parallel_loop3A_473 = arith.constant 1 : i32
      %parallel_loop3A_474 = vector.broadcast %parallel_loop3A_473 : i32 to vector<16xi32>
      %parallel_loop3A_475 = arith.shrui %parallel_loop3A_472, %parallel_loop3A_474 : vector<16xi32>
      %parallel_loop3A_476 = arith.constant 1597463007 : i32
      %parallel_loop3A_477 = vector.broadcast %parallel_loop3A_476 : i32 to vector<16xi32>
      %parallel_loop3A_478 = arith.subi %parallel_loop3A_477, %parallel_loop3A_475 : vector<16xi32>
      %parallel_loop3A_479 = vector.bitcast %parallel_loop3A_478 : vector<16xi32> to vector<16xf32>
      %parallel_loop3A_480 = arith.constant 5.000000e-01 : f32
      %parallel_loop3A_481 = vector.broadcast %parallel_loop3A_480 : f32 to vector<16xf32>
      %parallel_loop3A_482 = arith.mulf %parallel_loop3A_481, %parallel_loop3A_471 : vector<16xf32>
      %parallel_loop3A_483 = arith.mulf %parallel_loop3A_482, %parallel_loop3A_479 : vector<16xf32>
      %parallel_loop3A_484 = arith.mulf %parallel_loop3A_483, %parallel_loop3A_479 : vector<16xf32>
      %parallel_loop3A_485 = arith.constant 1.500000e+00 : f32
      %parallel_loop3A_486 = vector.broadcast %parallel_loop3A_485 : f32 to vector<16xf32>
      %parallel_loop3A_487 = arith.subf %parallel_loop3A_486, %parallel_loop3A_484 : vector<16xf32>
      %parallel_loop3A_488 = arith.mulf %parallel_loop3A_479, %parallel_loop3A_487 : vector<16xf32>
      %parallel_loop3A_489 = arith.constant 5.000000e-01 : f32
      %parallel_loop3A_490 = vector.broadcast %parallel_loop3A_489 : f32 to vector<16xf32>
      %parallel_loop3A_491 = arith.mulf %parallel_loop3A_490, %parallel_loop3A_471 : vector<16xf32>
      %parallel_loop3A_492 = arith.mulf %parallel_loop3A_491, %parallel_loop3A_488 : vector<16xf32>
      %parallel_loop3A_493 = arith.mulf %parallel_loop3A_492, %parallel_loop3A_488 : vector<16xf32>
      %parallel_loop3A_494 = arith.constant 1.500000e+00 : f32
      %parallel_loop3A_495 = vector.broadcast %parallel_loop3A_494 : f32 to vector<16xf32>
      %parallel_loop3A_496 = arith.subf %parallel_loop3A_495, %parallel_loop3A_493 : vector<16xf32>
      %parallel_loop3A_497 = arith.mulf %parallel_loop3A_488, %parallel_loop3A_496 : vector<16xf32>
      %parallel_loop3A_498 = arith.constant 5.000000e-01 : f32
      %parallel_loop3A_499 = vector.broadcast %parallel_loop3A_498 : f32 to vector<16xf32>
      %parallel_loop3A_500 = arith.mulf %parallel_loop3A_499, %parallel_loop3A_471 : vector<16xf32>
      %parallel_loop3A_501 = arith.mulf %parallel_loop3A_500, %parallel_loop3A_497 : vector<16xf32>
      %parallel_loop3A_502 = arith.mulf %parallel_loop3A_501, %parallel_loop3A_497 : vector<16xf32>
      %parallel_loop3A_503 = arith.constant 1.500000e+00 : f32
      %parallel_loop3A_504 = vector.broadcast %parallel_loop3A_503 : f32 to vector<16xf32>
      %parallel_loop3A_505 = arith.subf %parallel_loop3A_504, %parallel_loop3A_502 : vector<16xf32>
      %parallel_loop3A_506 = arith.mulf %parallel_loop3A_497, %parallel_loop3A_505 : vector<16xf32>
      %parallel_loop3A_507 = arith.constant 16 : i32
      %parallel_loop3A_508 = arith.muli %parallel_loop3A_27, %parallel_loop3A_507 : i32
      %parallel_loop3A_509 = arith.constant 0 : i32
      %parallel_loop3A_510 = arith.addi %parallel_loop3A_509, %parallel_loop3A_508 : i32
      %parallel_loop3A_511 = arith.index_cast %parallel_loop3A_510 : i32 to index
      %parallel_loop3A_512 = tpu.vector_load %arg11[%parallel_loop3A_511] {strides = array<i32>} : memref<24320xf32, #tpu.memory_space<vmem>>, vector<16xf32>,
      tpu.vector_store %arg11[%parallel_loop3A_511], %parallel_loop3A_196 {strides = array<i32>} : memref<24320xf32, #tpu.memory_space<vmem>>, vector<16xf32>,
      %parallel_loop3A_513 = arith.constant 3840 : i32
      %parallel_loop3A_514 = arith.addi %parallel_loop3A_513, %parallel_loop3A_508 : i32
      %parallel_loop3A_515 = arith.index_cast %parallel_loop3A_514 : i32 to index
      %parallel_loop3A_516 = tpu.vector_load %arg11[%parallel_loop3A_515] {strides = array<i32>} : memref<24320xf32, #tpu.memory_space<vmem>>, vector<16xf32>,
      tpu.vector_store %arg11[%parallel_loop3A_515], %parallel_loop3A_452 {strides = array<i32>} : memref<24320xf32, #tpu.memory_space<vmem>>, vector<16xf32>,
      %parallel_loop3A_517 = arith.constant 7680 : i32
      %parallel_loop3A_518 = arith.addi %parallel_loop3A_517, %parallel_loop3A_508 : i32
      %parallel_loop3A_519 = arith.index_cast %parallel_loop3A_518 : i32 to index
      %parallel_loop3A_520 = tpu.vector_load %arg11[%parallel_loop3A_519] {strides = array<i32>} : memref<24320xf32, #tpu.memory_space<vmem>>, vector<16xf32>,
      tpu.vector_store %arg11[%parallel_loop3A_519], %parallel_loop3A_455 {strides = array<i32>} : memref<24320xf32, #tpu.memory_space<vmem>>, vector<16xf32>,
      %parallel_loop3A_521 = arith.constant 1280 : i32
      %parallel_loop3A_522 = arith.addi %parallel_loop3A_521, %parallel_loop3A_508 : i32
      %parallel_loop3A_523 = arith.index_cast %parallel_loop3A_522 : i32 to index
      %parallel_loop3A_524 = tpu.vector_load %arg11[%parallel_loop3A_523] {strides = array<i32>} : memref<24320xf32, #tpu.memory_space<vmem>>, vector<16xf32>,
      tpu.vector_store %arg11[%parallel_loop3A_523], %parallel_loop3A_197 {strides = array<i32>} : memref<24320xf32, #tpu.memory_space<vmem>>, vector<16xf32>,
      %parallel_loop3A_525 = arith.constant 5120 : i32
      %parallel_loop3A_526 = arith.addi %parallel_loop3A_525, %parallel_loop3A_508 : i32
      %parallel_loop3A_527 = arith.index_cast %parallel_loop3A_526 : i32 to index
      %parallel_loop3A_528 = tpu.vector_load %arg11[%parallel_loop3A_527] {strides = array<i32>} : memref<24320xf32, #tpu.memory_space<vmem>>, vector<16xf32>,
      tpu.vector_store %arg11[%parallel_loop3A_527], %parallel_loop3A_453 {strides = array<i32>} : memref<24320xf32, #tpu.memory_space<vmem>>, vector<16xf32>,
      %parallel_loop3A_529 = arith.constant 8960 : i32
      %parallel_loop3A_530 = arith.addi %parallel_loop3A_529, %parallel_loop3A_508 : i32
      %parallel_loop3A_531 = arith.index_cast %parallel_loop3A_530 : i32 to index
      %parallel_loop3A_532 = tpu.vector_load %arg11[%parallel_loop3A_531] {strides = array<i32>} : memref<24320xf32, #tpu.memory_space<vmem>>, vector<16xf32>,
      tpu.vector_store %arg11[%parallel_loop3A_531], %parallel_loop3A_456 {strides = array<i32>} : memref<24320xf32, #tpu.memory_space<vmem>>, vector<16xf32>,
      %parallel_loop3A_533 = arith.constant 2560 : i32
      %parallel_loop3A_534 = arith.addi %parallel_loop3A_533, %parallel_loop3A_508 : i32
      %parallel_loop3A_535 = arith.index_cast %parallel_loop3A_534 : i32 to index
      %parallel_loop3A_536 = tpu.vector_load %arg11[%parallel_loop3A_535] {strides = array<i32>} : memref<24320xf32, #tpu.memory_space<vmem>>, vector<16xf32>,
      tpu.vector_store %arg11[%parallel_loop3A_535], %parallel_loop3A_168 {strides = array<i32>} : memref<24320xf32, #tpu.memory_space<vmem>>, vector<16xf32>,
      %parallel_loop3A_537 = arith.constant 6400 : i32
      %parallel_loop3A_538 = arith.addi %parallel_loop3A_537, %parallel_loop3A_508 : i32
      %parallel_loop3A_539 = arith.index_cast %parallel_loop3A_538 : i32 to index
      %parallel_loop3A_540 = tpu.vector_load %arg11[%parallel_loop3A_539] {strides = array<i32>} : memref<24320xf32, #tpu.memory_space<vmem>>, vector<16xf32>,
      tpu.vector_store %arg11[%parallel_loop3A_539], %parallel_loop3A_454 {strides = array<i32>} : memref<24320xf32, #tpu.memory_space<vmem>>, vector<16xf32>,
      %parallel_loop3A_541 = arith.constant 10240 : i32
      %parallel_loop3A_542 = arith.addi %parallel_loop3A_541, %parallel_loop3A_508 : i32
      %parallel_loop3A_543 = arith.index_cast %parallel_loop3A_542 : i32 to index
      %parallel_loop3A_544 = tpu.vector_load %arg11[%parallel_loop3A_543] {strides = array<i32>} : memref<24320xf32, #tpu.memory_space<vmem>>, vector<16xf32>,
      tpu.vector_store %arg11[%parallel_loop3A_543], %parallel_loop3A_457 {strides = array<i32>} : memref<24320xf32, #tpu.memory_space<vmem>>, vector<16xf32>,
      %parallel_loop3A_545 = arith.constant 3 : i32
      %parallel_loop3A_546 = vector.broadcast %parallel_loop3A_545 : i32 to vector<16xi32>
      %parallel_loop3A_547 = arith.muli %parallel_loop3A_38, %parallel_loop3A_546 : vector<16xi32>
      %parallel_loop3A_548 = arith.constant 0 : i32
      %parallel_loop3A_549 = vector.broadcast %parallel_loop3A_548 : i32 to vector<16xi32>
      %parallel_loop3A_550 = arith.addi %parallel_loop3A_547, %parallel_loop3A_549 : vector<16xi32>
      %parallel_loop3A_551 = tpu.vector_load_idx %arg10[%parallel_loop3A_550] : memref<1926xf32, #tpu.memory_space<vmem>>[vector<16xi32>], vector<16xf32>,
      %parallel_loop3A_552 = arith.constant 11520 : i32
      %parallel_loop3A_553 = arith.addi %parallel_loop3A_552, %parallel_loop3A_508 : i32
      %parallel_loop3A_554 = arith.index_cast %parallel_loop3A_553 : i32 to index
      %parallel_loop3A_555 = tpu.vector_load %arg11[%parallel_loop3A_554] {strides = array<i32>} : memref<24320xf32, #tpu.memory_space<vmem>>, vector<16xf32>,
      tpu.vector_store %arg11[%parallel_loop3A_554], %parallel_loop3A_551 {strides = array<i32>} : memref<24320xf32, #tpu.memory_space<vmem>>, vector<16xf32>,
      %parallel_loop3A_556 = arith.constant 1 : i32
      %parallel_loop3A_557 = vector.broadcast %parallel_loop3A_556 : i32 to vector<16xi32>
      %parallel_loop3A_558 = arith.addi %parallel_loop3A_547, %parallel_loop3A_557 : vector<16xi32>
      %parallel_loop3A_559 = tpu.vector_load_idx %arg10[%parallel_loop3A_558] : memref<1926xf32, #tpu.memory_space<vmem>>[vector<16xi32>], vector<16xf32>,
      %parallel_loop3A_560 = arith.constant 12800 : i32
      %parallel_loop3A_561 = arith.addi %parallel_loop3A_560, %parallel_loop3A_508 : i32
      %parallel_loop3A_562 = arith.index_cast %parallel_loop3A_561 : i32 to index
      %parallel_loop3A_563 = tpu.vector_load %arg11[%parallel_loop3A_562] {strides = array<i32>} : memref<24320xf32, #tpu.memory_space<vmem>>, vector<16xf32>,
      tpu.vector_store %arg11[%parallel_loop3A_562], %parallel_loop3A_559 {strides = array<i32>} : memref<24320xf32, #tpu.memory_space<vmem>>, vector<16xf32>,
      %parallel_loop3A_564 = arith.constant 2 : i32
      %parallel_loop3A_565 = vector.broadcast %parallel_loop3A_564 : i32 to vector<16xi32>
      %parallel_loop3A_566 = arith.addi %parallel_loop3A_547, %parallel_loop3A_565 : vector<16xi32>
      %parallel_loop3A_567 = tpu.vector_load_idx %arg10[%parallel_loop3A_566] : memref<1926xf32, #tpu.memory_space<vmem>>[vector<16xi32>], vector<16xf32>,
      %parallel_loop3A_568 = arith.constant 14080 : i32
      %parallel_loop3A_569 = arith.addi %parallel_loop3A_568, %parallel_loop3A_508 : i32
      %parallel_loop3A_570 = arith.index_cast %parallel_loop3A_569 : i32 to index
      %parallel_loop3A_571 = tpu.vector_load %arg11[%parallel_loop3A_570] {strides = array<i32>} : memref<24320xf32, #tpu.memory_space<vmem>>, vector<16xf32>,
      tpu.vector_store %arg11[%parallel_loop3A_570], %parallel_loop3A_567 {strides = array<i32>} : memref<24320xf32, #tpu.memory_space<vmem>>, vector<16xf32>,
      %parallel_loop3A_572 = arith.constant 3 : i32
      %parallel_loop3A_573 = vector.broadcast %parallel_loop3A_572 : i32 to vector<16xi32>
      %parallel_loop3A_574 = arith.muli %parallel_loop3A_42, %parallel_loop3A_573 : vector<16xi32>
      %parallel_loop3A_575 = arith.constant 0 : i32
      %parallel_loop3A_576 = vector.broadcast %parallel_loop3A_575 : i32 to vector<16xi32>
      %parallel_loop3A_577 = arith.addi %parallel_loop3A_574, %parallel_loop3A_576 : vector<16xi32>
      %parallel_loop3A_578 = tpu.vector_load_idx %arg10[%parallel_loop3A_577] : memref<1926xf32, #tpu.memory_space<vmem>>[vector<16xi32>], vector<16xf32>,
      %parallel_loop3A_579 = arith.constant 15360 : i32
      %parallel_loop3A_580 = arith.addi %parallel_loop3A_579, %parallel_loop3A_508 : i32
      %parallel_loop3A_581 = arith.index_cast %parallel_loop3A_580 : i32 to index
      %parallel_loop3A_582 = tpu.vector_load %arg11[%parallel_loop3A_581] {strides = array<i32>} : memref<24320xf32, #tpu.memory_space<vmem>>, vector<16xf32>,
      tpu.vector_store %arg11[%parallel_loop3A_581], %parallel_loop3A_578 {strides = array<i32>} : memref<24320xf32, #tpu.memory_space<vmem>>, vector<16xf32>,
      %parallel_loop3A_583 = arith.constant 1 : i32
      %parallel_loop3A_584 = vector.broadcast %parallel_loop3A_583 : i32 to vector<16xi32>
      %parallel_loop3A_585 = arith.addi %parallel_loop3A_574, %parallel_loop3A_584 : vector<16xi32>
      %parallel_loop3A_586 = tpu.vector_load_idx %arg10[%parallel_loop3A_585] : memref<1926xf32, #tpu.memory_space<vmem>>[vector<16xi32>], vector<16xf32>,
      %parallel_loop3A_587 = arith.constant 16640 : i32
      %parallel_loop3A_588 = arith.addi %parallel_loop3A_587, %parallel_loop3A_508 : i32
      %parallel_loop3A_589 = arith.index_cast %parallel_loop3A_588 : i32 to index
      %parallel_loop3A_590 = tpu.vector_load %arg11[%parallel_loop3A_589] {strides = array<i32>} : memref<24320xf32, #tpu.memory_space<vmem>>, vector<16xf32>,
      tpu.vector_store %arg11[%parallel_loop3A_589], %parallel_loop3A_586 {strides = array<i32>} : memref<24320xf32, #tpu.memory_space<vmem>>, vector<16xf32>,
      %parallel_loop3A_591 = arith.constant 2 : i32
      %parallel_loop3A_592 = vector.broadcast %parallel_loop3A_591 : i32 to vector<16xi32>
      %parallel_loop3A_593 = arith.addi %parallel_loop3A_574, %parallel_loop3A_592 : vector<16xi32>
      %parallel_loop3A_594 = tpu.vector_load_idx %arg10[%parallel_loop3A_593] : memref<1926xf32, #tpu.memory_space<vmem>>[vector<16xi32>], vector<16xf32>,
      %parallel_loop3A_595 = arith.constant 17920 : i32
      %parallel_loop3A_596 = arith.addi %parallel_loop3A_595, %parallel_loop3A_508 : i32
      %parallel_loop3A_597 = arith.index_cast %parallel_loop3A_596 : i32 to index
      %parallel_loop3A_598 = tpu.vector_load %arg11[%parallel_loop3A_597] {strides = array<i32>} : memref<24320xf32, #tpu.memory_space<vmem>>, vector<16xf32>,
      tpu.vector_store %arg11[%parallel_loop3A_597], %parallel_loop3A_594 {strides = array<i32>} : memref<24320xf32, #tpu.memory_space<vmem>>, vector<16xf32>,
      %parallel_loop3A_599 = arith.constant 3 : i32
      %parallel_loop3A_600 = vector.broadcast %parallel_loop3A_599 : i32 to vector<16xi32>
      %parallel_loop3A_601 = arith.muli %parallel_loop3A_46, %parallel_loop3A_600 : vector<16xi32>
      %parallel_loop3A_602 = arith.constant 0 : i32
      %parallel_loop3A_603 = vector.broadcast %parallel_loop3A_602 : i32 to vector<16xi32>
      %parallel_loop3A_604 = arith.addi %parallel_loop3A_601, %parallel_loop3A_603 : vector<16xi32>
      %parallel_loop3A_605 = tpu.vector_load_idx %arg10[%parallel_loop3A_604] : memref<1926xf32, #tpu.memory_space<vmem>>[vector<16xi32>], vector<16xf32>,
      %parallel_loop3A_606 = arith.constant 19200 : i32
      %parallel_loop3A_607 = arith.addi %parallel_loop3A_606, %parallel_loop3A_508 : i32
      %parallel_loop3A_608 = arith.index_cast %parallel_loop3A_607 : i32 to index
      %parallel_loop3A_609 = tpu.vector_load %arg11[%parallel_loop3A_608] {strides = array<i32>} : memref<24320xf32, #tpu.memory_space<vmem>>, vector<16xf32>,
      tpu.vector_store %arg11[%parallel_loop3A_608], %parallel_loop3A_605 {strides = array<i32>} : memref<24320xf32, #tpu.memory_space<vmem>>, vector<16xf32>,
      %parallel_loop3A_610 = arith.constant 1 : i32
      %parallel_loop3A_611 = vector.broadcast %parallel_loop3A_610 : i32 to vector<16xi32>
      %parallel_loop3A_612 = arith.addi %parallel_loop3A_601, %parallel_loop3A_611 : vector<16xi32>
      %parallel_loop3A_613 = tpu.vector_load_idx %arg10[%parallel_loop3A_612] : memref<1926xf32, #tpu.memory_space<vmem>>[vector<16xi32>], vector<16xf32>,
      %parallel_loop3A_614 = arith.constant 20480 : i32
      %parallel_loop3A_615 = arith.addi %parallel_loop3A_614, %parallel_loop3A_508 : i32
      %parallel_loop3A_616 = arith.index_cast %parallel_loop3A_615 : i32 to index
      %parallel_loop3A_617 = tpu.vector_load %arg11[%parallel_loop3A_616] {strides = array<i32>} : memref<24320xf32, #tpu.memory_space<vmem>>, vector<16xf32>,
      tpu.vector_store %arg11[%parallel_loop3A_616], %parallel_loop3A_613 {strides = array<i32>} : memref<24320xf32, #tpu.memory_space<vmem>>, vector<16xf32>,
      %parallel_loop3A_618 = arith.constant 2 : i32
      %parallel_loop3A_619 = vector.broadcast %parallel_loop3A_618 : i32 to vector<16xi32>
      %parallel_loop3A_620 = arith.addi %parallel_loop3A_601, %parallel_loop3A_619 : vector<16xi32>
      %parallel_loop3A_621 = tpu.vector_load_idx %arg10[%parallel_loop3A_620] : memref<1926xf32, #tpu.memory_space<vmem>>[vector<16xi32>], vector<16xf32>,
      %parallel_loop3A_622 = arith.constant 21760 : i32
      %parallel_loop3A_623 = arith.addi %parallel_loop3A_622, %parallel_loop3A_508 : i32
      %parallel_loop3A_624 = arith.index_cast %parallel_loop3A_623 : i32 to index
      %parallel_loop3A_625 = tpu.vector_load %arg11[%parallel_loop3A_624] {strides = array<i32>} : memref<24320xf32, #tpu.memory_space<vmem>>, vector<16xf32>,
      tpu.vector_store %arg11[%parallel_loop3A_624], %parallel_loop3A_621 {strides = array<i32>} : memref<24320xf32, #tpu.memory_space<vmem>>, vector<16xf32>,
      %parallel_loop3A_626 = arith.constant 23040 : i32
      %parallel_loop3A_627 = arith.addi %parallel_loop3A_626, %parallel_loop3A_508 : i32
      %parallel_loop3A_628 = arith.index_cast %parallel_loop3A_627 : i32 to index
      %parallel_loop3A_629 = tpu.vector_load %arg11[%parallel_loop3A_628] {strides = array<i32>} : memref<24320xf32, #tpu.memory_space<vmem>>, vector<16xf32>,
      tpu.vector_store %arg11[%parallel_loop3A_628], %parallel_loop3A_506 {strides = array<i32>} : memref<24320xf32, #tpu.memory_space<vmem>>, vector<16xf32>,
    } {sc.loop_unroll_factor = 2 : i64, sc.parallel_access}
    %scan3A = arith.constant 0 : i32
    %scan3A_3 = arith.constant 8 : i32
    %scan3A_4 = arith.addi %scan3A, %scan3A_3 : i32
    %scan3A_5 = arith.constant 1 : i32
    scf.for %scan3A_27 = %scan3A to %scan3A_4 step %scan3A_5  : i32 {
      %rem3A = arith.constant 2 : i32
      %rem3A_28 = arith.remsi %scan3A_27, %rem3A : i32
      %mul3A_29 = arith.constant 32768 : i32
      %mul3A_30 = arith.muli %add3A, %mul3A_29 : i32
      %mul3A_31 = arith.constant 4096 : i32
      %mul3A_32 = arith.muli %scan3A_27, %mul3A_31 : i32
      %add3A_33 = arith.addi %mul3A_30, %mul3A_32 : i32
      %multiple_of3A_34 = tpu.assume_multiple %add3A_33, 2048 : i32
      %mul3A_35 = arith.constant 4096 : i32
      %mul3A_36 = arith.muli %rem3A_28, %mul3A_35 : i32
      "tpu.region"() ({
        %run_scoped3A = tpu.sem_alloc : memref<!tpu.dma_semaphore, #tpu.memory_space<semaphore_mem>>
        %dma_start3A_495 = tpu.memref_slice %arg12[%mul3A_36] : memref<8192xf32, #tpu.memory_space<vmem>> -> memref<4096xf32, #tpu.memory_space<vmem>>
        %dma_start3A_496 = tpu.memref_slice %arg2[%multiple_of3A_34] : memref<2097152xf32, #tpu.memory_space<hbm>> -> memref<4096xf32, #tpu.memory_space<hbm>>
        %dma_start3A_497 = tpu.memref_slice %arg12[%mul3A_36] : memref<8192xf32, #tpu.memory_space<vmem>> -> memref<4096xf32, #tpu.memory_space<vmem>>
        %dma_start3A_498 = tpu.memref_slice %arg2[%multiple_of3A_34] : memref<2097152xf32, #tpu.memory_space<hbm>> -> memref<4096xf32, #tpu.memory_space<hbm>>
        tpu.enqueue_dma source(%dma_start3A_498 : memref<4096xf32, #tpu.memory_space<hbm>>) target(%dma_start3A_497 : memref<4096xf32, #tpu.memory_space<vmem>>) target_semaphore(%run_scoped3A : memref<!tpu.dma_semaphore, #tpu.memory_space<semaphore_mem>>)
        %dma_wait3A_499 = tpu.memref_slice %arg12[%mul3A_36] : memref<8192xf32, #tpu.memory_space<vmem>> -> memref<4096xf32, #tpu.memory_space<vmem>>
        %dma_wait3A_500 = tpu.memref_slice %arg2[%multiple_of3A_34] : memref<2097152xf32, #tpu.memory_space<hbm>> -> memref<4096xf32, #tpu.memory_space<hbm>>
        %dma_wait3A_501 = tpu.memref_slice %arg12[%mul3A_36] : memref<8192xf32, #tpu.memory_space<vmem>> -> memref<4096xf32, #tpu.memory_space<vmem>>
        %dma_wait3A_502 = tpu.memref_slice %arg2[%multiple_of3A_34] : memref<2097152xf32, #tpu.memory_space<hbm>> -> memref<4096xf32, #tpu.memory_space<hbm>>
        tpu.wait_dma2 semaphore(%run_scoped3A : memref<!tpu.dma_semaphore, #tpu.memory_space<semaphore_mem>>) src(%dma_wait3A_502 : memref<4096xf32, #tpu.memory_space<hbm>>) dst(%dma_wait3A_501 : memref<4096xf32, #tpu.memory_space<vmem>>)
        tpu.yield
      }) : () -> ()
      %add3A_37 = arith.constant 1048576 : i32
      %add3A_38 = arith.addi %add3A_37, %multiple_of3A_34 : i32
      %mul3A_39 = arith.constant 4096 : i32
      %mul3A_40 = arith.muli %rem3A_28, %mul3A_39 : i32
      "tpu.region"() ({
        %run_scoped3A = tpu.sem_alloc : memref<!tpu.dma_semaphore, #tpu.memory_space<semaphore_mem>>
        %dma_start3A_495 = tpu.memref_slice %arg13[%mul3A_40] : memref<8192xf32, #tpu.memory_space<vmem>> -> memref<4096xf32, #tpu.memory_space<vmem>>
        %dma_start3A_496 = tpu.memref_slice %arg2[%add3A_38] : memref<2097152xf32, #tpu.memory_space<hbm>> -> memref<4096xf32, #tpu.memory_space<hbm>>
        %dma_start3A_497 = tpu.memref_slice %arg13[%mul3A_40] : memref<8192xf32, #tpu.memory_space<vmem>> -> memref<4096xf32, #tpu.memory_space<vmem>>
        %dma_start3A_498 = tpu.memref_slice %arg2[%add3A_38] : memref<2097152xf32, #tpu.memory_space<hbm>> -> memref<4096xf32, #tpu.memory_space<hbm>>
        tpu.enqueue_dma source(%dma_start3A_498 : memref<4096xf32, #tpu.memory_space<hbm>>) target(%dma_start3A_497 : memref<4096xf32, #tpu.memory_space<vmem>>) target_semaphore(%run_scoped3A : memref<!tpu.dma_semaphore, #tpu.memory_space<semaphore_mem>>)
        %dma_wait3A_499 = tpu.memref_slice %arg13[%mul3A_40] : memref<8192xf32, #tpu.memory_space<vmem>> -> memref<4096xf32, #tpu.memory_space<vmem>>
        %dma_wait3A_500 = tpu.memref_slice %arg2[%add3A_38] : memref<2097152xf32, #tpu.memory_space<hbm>> -> memref<4096xf32, #tpu.memory_space<hbm>>
        %dma_wait3A_501 = tpu.memref_slice %arg13[%mul3A_40] : memref<8192xf32, #tpu.memory_space<vmem>> -> memref<4096xf32, #tpu.memory_space<vmem>>
        %dma_wait3A_502 = tpu.memref_slice %arg2[%add3A_38] : memref<2097152xf32, #tpu.memory_space<hbm>> -> memref<4096xf32, #tpu.memory_space<hbm>>
        tpu.wait_dma2 semaphore(%run_scoped3A : memref<!tpu.dma_semaphore, #tpu.memory_space<semaphore_mem>>) src(%dma_wait3A_502 : memref<4096xf32, #tpu.memory_space<hbm>>) dst(%dma_wait3A_501 : memref<4096xf32, #tpu.memory_space<vmem>>)
        tpu.yield
      }) : () -> ()
      %mul3A_41 = arith.constant 4096 : i32
      %mul3A_42 = arith.muli %rem3A_28, %mul3A_41 : i32
      %parallel_loop3A_43 = arith.constant 0 : i32
      %parallel_loop3A_44 = arith.constant 256 : i32
      %parallel_loop3A_45 = arith.constant 1 : i32
      scf.for %parallel_loop3A_495 = %parallel_loop3A_43 to %parallel_loop3A_44 step %parallel_loop3A_45  : i32 {
        %parallel_loop3A_496 = arith.constant 16 : i32
        %parallel_loop3A_497 = arith.muli %parallel_loop3A_495, %parallel_loop3A_496 : i32
        %parallel_loop3A_498 = arith.addi %mul3A_42, %parallel_loop3A_497 : i32
        %parallel_loop3A_499 = arith.index_cast %parallel_loop3A_498 : i32 to index
        %parallel_loop3A_500 = tpu.vector_load %arg12[%parallel_loop3A_499] {strides = array<i32>} : memref<8192xf32, #tpu.memory_space<vmem>>, vector<16xf32>,
        %parallel_loop3A_501 = arith.index_cast %parallel_loop3A_498 : i32 to index
        %parallel_loop3A_502 = tpu.vector_load %arg13[%parallel_loop3A_501] {strides = array<i32>} : memref<8192xf32, #tpu.memory_space<vmem>>, vector<16xf32>,
        %parallel_loop3A_503 = arith.constant 1.000000e+03 : f32
        %parallel_loop3A_504 = vector.broadcast %parallel_loop3A_503 : f32 to vector<16xf32>
        %parallel_loop3A_505 = arith.mulf %parallel_loop3A_500, %parallel_loop3A_504 : vector<16xf32>
        %parallel_loop3A_506 = arith.constant 0x4B400000 : f32
        %parallel_loop3A_507 = vector.broadcast %parallel_loop3A_506 : f32 to vector<16xf32>
        %parallel_loop3A_508 = arith.addf %parallel_loop3A_505, %parallel_loop3A_507 : vector<16xf32>
        %parallel_loop3A_509 = arith.constant 0x4B400000 : f32
        %parallel_loop3A_510 = vector.broadcast %parallel_loop3A_509 : f32 to vector<16xf32>
        %parallel_loop3A_511 = arith.subf %parallel_loop3A_508, %parallel_loop3A_510 : vector<16xf32>
        %parallel_loop3A_512 = arith.constant 1.000000e+03 : f32
        %parallel_loop3A_513 = vector.broadcast %parallel_loop3A_512 : f32 to vector<16xf32>
        %parallel_loop3A_514 = arith.mulf %parallel_loop3A_502, %parallel_loop3A_513 : vector<16xf32>
        %parallel_loop3A_515 = arith.constant 0x4B400000 : f32
        %parallel_loop3A_516 = vector.broadcast %parallel_loop3A_515 : f32 to vector<16xf32>
        %parallel_loop3A_517 = arith.addf %parallel_loop3A_514, %parallel_loop3A_516 : vector<16xf32>
        %parallel_loop3A_518 = arith.constant 0x4B400000 : f32
        %parallel_loop3A_519 = vector.broadcast %parallel_loop3A_518 : f32 to vector<16xf32>
        %parallel_loop3A_520 = arith.subf %parallel_loop3A_517, %parallel_loop3A_519 : vector<16xf32>
        %parallel_loop3A_521 = arith.fptosi %parallel_loop3A_520 : vector<16xf32> to vector<16xi32>
        %parallel_loop3A_522 = arith.constant 1001 : i32
        %parallel_loop3A_523 = vector.broadcast %parallel_loop3A_522 : i32 to vector<16xi32>
        %parallel_loop3A_524 = arith.muli %parallel_loop3A_521, %parallel_loop3A_523 : vector<16xi32>
        %parallel_loop3A_525 = arith.fptosi %parallel_loop3A_511 : vector<16xf32> to vector<16xi32>
        %parallel_loop3A_526 = arith.addi %parallel_loop3A_524, %parallel_loop3A_525 : vector<16xi32>
        %parallel_loop3A_527 = arith.constant 32 : i32
        %parallel_loop3A_528 = arith.muli %rem3A_28, %parallel_loop3A_527 : i32
        %parallel_loop3A_529 = arith.constant 8 : i32
        %parallel_loop3A_530 = arith.divsi %parallel_loop3A_495, %parallel_loop3A_529 : i32
        %parallel_loop3A_531 = arith.constant 0 : i32
        %parallel_loop3A_532 = arith.cmpi sgt, %parallel_loop3A_495, %parallel_loop3A_531 : i32
        %parallel_loop3A_533 = arith.extui %parallel_loop3A_532 : i1 to i32
        %parallel_loop3A_534 = arith.constant 0 : i32
        %parallel_loop3A_535 = arith.cmpi slt, %parallel_loop3A_495, %parallel_loop3A_534 : i32
        %parallel_loop3A_536 = arith.extui %parallel_loop3A_535 : i1 to i32
        %parallel_loop3A_537 = arith.subi %parallel_loop3A_533, %parallel_loop3A_536 : i32
        %parallel_loop3A_538 = arith.constant 0 : i32
        %parallel_loop3A_539 = arith.cmpi sgt, %parallel_loop3A_529, %parallel_loop3A_538 : i32
        %parallel_loop3A_540 = arith.extui %parallel_loop3A_539 : i1 to i32
        %parallel_loop3A_541 = arith.constant 0 : i32
        %parallel_loop3A_542 = arith.cmpi slt, %parallel_loop3A_529, %parallel_loop3A_541 : i32
        %parallel_loop3A_543 = arith.extui %parallel_loop3A_542 : i1 to i32
        %parallel_loop3A_544 = arith.subi %parallel_loop3A_540, %parallel_loop3A_543 : i32
        %parallel_loop3A_545 = arith.cmpi ne, %parallel_loop3A_537, %parallel_loop3A_544 : i32
        %parallel_loop3A_546 = arith.remsi %parallel_loop3A_495, %parallel_loop3A_529 : i32
        %parallel_loop3A_547 = arith.constant 0 : i32
        %parallel_loop3A_548 = arith.cmpi ne, %parallel_loop3A_546, %parallel_loop3A_547 : i32
        %parallel_loop3A_549 = arith.andi %parallel_loop3A_545, %parallel_loop3A_548 : i1
        %parallel_loop3A_550 = arith.constant 1 : i32
        %parallel_loop3A_551 = arith.subi %parallel_loop3A_530, %parallel_loop3A_550 : i32
        %parallel_loop3A_552 = arith.select %parallel_loop3A_549, %parallel_loop3A_551, %parallel_loop3A_530 : i32
        %parallel_loop3A_553 = arith.addi %parallel_loop3A_528, %parallel_loop3A_552 : i32
        %parallel_loop3A_554 = arith.constant 8 : i32
        %parallel_loop3A_555 = arith.constant 0 : i32
        %parallel_loop3A_556 = arith.cmpi eq, %parallel_loop3A_554, %parallel_loop3A_555 : i32
        %parallel_loop3A_557 = arith.constant 1 : i32
        %parallel_loop3A_558 = arith.select %parallel_loop3A_556, %parallel_loop3A_557, %parallel_loop3A_554 : i32
        %parallel_loop3A_559 = arith.remsi %parallel_loop3A_495, %parallel_loop3A_558 : i32
        %parallel_loop3A_560 = arith.constant 0 : i32
        %parallel_loop3A_561 = arith.cmpi ne, %parallel_loop3A_559, %parallel_loop3A_560 : i32
        %parallel_loop3A_562 = arith.constant 0 : i32
        %parallel_loop3A_563 = arith.cmpi slt, %parallel_loop3A_559, %parallel_loop3A_562 : i32
        %parallel_loop3A_564 = arith.constant 0 : i32
        %parallel_loop3A_565 = arith.cmpi slt, %parallel_loop3A_558, %parallel_loop3A_564 : i32
        %parallel_loop3A_566 = arith.xori %parallel_loop3A_563, %parallel_loop3A_565 : i1
        %parallel_loop3A_567 = arith.andi %parallel_loop3A_566, %parallel_loop3A_561 : i1
        %parallel_loop3A_568 = arith.addi %parallel_loop3A_559, %parallel_loop3A_558 : i32
        %parallel_loop3A_569 = arith.select %parallel_loop3A_567, %parallel_loop3A_568, %parallel_loop3A_559 : i32
        %parallel_loop3A_570 = arith.constant 16 : i32
        %parallel_loop3A_571 = arith.muli %parallel_loop3A_569, %parallel_loop3A_570 : i32
        %parallel_loop3A_572 = arith.index_cast %parallel_loop3A_553 : i32 to index
        %parallel_loop3A_573 = arith.index_cast %parallel_loop3A_571 : i32 to index
        %parallel_loop3A_574 = tpu.vector_load %arg17[%parallel_loop3A_572, %parallel_loop3A_573] {strides = array<i32>} : memref<64x128xi32, #tpu.memory_space<vmem>>, vector<16xi32>,
        tpu.vector_store %arg17[%parallel_loop3A_572, %parallel_loop3A_573], %parallel_loop3A_526 {strides = array<i32>} : memref<64x128xi32, #tpu.memory_space<vmem>>, vector<16xi32>,
        %parallel_loop3A_575 = arith.constant 5.000000e-01 : f32
        %parallel_loop3A_576 = vector.broadcast %parallel_loop3A_575 : f32 to vector<16xf32>
        %parallel_loop3A_577 = arith.subf %parallel_loop3A_500, %parallel_loop3A_576 : vector<16xf32>
        %parallel_loop3A_578 = arith.constant 3.14159274 : f32
        %parallel_loop3A_579 = vector.broadcast %parallel_loop3A_578 : f32 to vector<16xf32>
        %parallel_loop3A_580 = arith.mulf %parallel_loop3A_579, %parallel_loop3A_577 : vector<16xf32>
        %parallel_loop3A_581 = arith.constant 5.000000e-01 : f32
        %parallel_loop3A_582 = vector.broadcast %parallel_loop3A_581 : f32 to vector<16xf32>
        %parallel_loop3A_583 = arith.subf %parallel_loop3A_502, %parallel_loop3A_582 : vector<16xf32>
        %parallel_loop3A_584 = arith.constant 3.14159274 : f32
        %parallel_loop3A_585 = vector.broadcast %parallel_loop3A_584 : f32 to vector<16xf32>
        %parallel_loop3A_586 = arith.mulf %parallel_loop3A_585, %parallel_loop3A_583 : vector<16xf32>
        %parallel_loop3A_587 = arith.mulf %parallel_loop3A_580, %parallel_loop3A_580 : vector<16xf32>
        %parallel_loop3A_588 = arith.constant 2.75573188E-6 : f32
        %parallel_loop3A_589 = vector.broadcast %parallel_loop3A_588 : f32 to vector<16xf32>
        %parallel_loop3A_590 = arith.mulf %parallel_loop3A_589, %parallel_loop3A_587 : vector<16xf32>
        %parallel_loop3A_591 = arith.constant -1.98412701E-4 : f32
        %parallel_loop3A_592 = vector.broadcast %parallel_loop3A_591 : f32 to vector<16xf32>
        %parallel_loop3A_593 = arith.addf %parallel_loop3A_590, %parallel_loop3A_592 : vector<16xf32>
        %parallel_loop3A_594 = arith.mulf %parallel_loop3A_593, %parallel_loop3A_587 : vector<16xf32>
        %parallel_loop3A_595 = arith.constant 0.00833333377 : f32
        %parallel_loop3A_596 = vector.broadcast %parallel_loop3A_595 : f32 to vector<16xf32>
        %parallel_loop3A_597 = arith.addf %parallel_loop3A_594, %parallel_loop3A_596 : vector<16xf32>
        %parallel_loop3A_598 = arith.mulf %parallel_loop3A_597, %parallel_loop3A_587 : vector<16xf32>
        %parallel_loop3A_599 = arith.constant -0.166666672 : f32
        %parallel_loop3A_600 = vector.broadcast %parallel_loop3A_599 : f32 to vector<16xf32>
        %parallel_loop3A_601 = arith.addf %parallel_loop3A_598, %parallel_loop3A_600 : vector<16xf32>
        %parallel_loop3A_602 = arith.mulf %parallel_loop3A_601, %parallel_loop3A_587 : vector<16xf32>
        %parallel_loop3A_603 = arith.constant 1.000000e+00 : f32
        %parallel_loop3A_604 = vector.broadcast %parallel_loop3A_603 : f32 to vector<16xf32>
        %parallel_loop3A_605 = arith.addf %parallel_loop3A_602, %parallel_loop3A_604 : vector<16xf32>
        %parallel_loop3A_606 = arith.mulf %parallel_loop3A_580, %parallel_loop3A_605 : vector<16xf32>
        %parallel_loop3A_607 = arith.mulf %parallel_loop3A_580, %parallel_loop3A_580 : vector<16xf32>
        %parallel_loop3A_608 = arith.constant -2.755732E-7 : f32
        %parallel_loop3A_609 = vector.broadcast %parallel_loop3A_608 : f32 to vector<16xf32>
        %parallel_loop3A_610 = arith.mulf %parallel_loop3A_609, %parallel_loop3A_607 : vector<16xf32>
        %parallel_loop3A_611 = arith.constant 2.48015876E-5 : f32
        %parallel_loop3A_612 = vector.broadcast %parallel_loop3A_611 : f32 to vector<16xf32>
        %parallel_loop3A_613 = arith.addf %parallel_loop3A_610, %parallel_loop3A_612 : vector<16xf32>
        %parallel_loop3A_614 = arith.mulf %parallel_loop3A_613, %parallel_loop3A_607 : vector<16xf32>
        %parallel_loop3A_615 = arith.constant -0.00138888892 : f32
        %parallel_loop3A_616 = vector.broadcast %parallel_loop3A_615 : f32 to vector<16xf32>
        %parallel_loop3A_617 = arith.addf %parallel_loop3A_614, %parallel_loop3A_616 : vector<16xf32>
        %parallel_loop3A_618 = arith.mulf %parallel_loop3A_617, %parallel_loop3A_607 : vector<16xf32>
        %parallel_loop3A_619 = arith.constant 0.0416666679 : f32
        %parallel_loop3A_620 = vector.broadcast %parallel_loop3A_619 : f32 to vector<16xf32>
        %parallel_loop3A_621 = arith.addf %parallel_loop3A_618, %parallel_loop3A_620 : vector<16xf32>
        %parallel_loop3A_622 = arith.mulf %parallel_loop3A_621, %parallel_loop3A_607 : vector<16xf32>
        %parallel_loop3A_623 = arith.constant -5.000000e-01 : f32
        %parallel_loop3A_624 = vector.broadcast %parallel_loop3A_623 : f32 to vector<16xf32>
        %parallel_loop3A_625 = arith.addf %parallel_loop3A_622, %parallel_loop3A_624 : vector<16xf32>
        %parallel_loop3A_626 = arith.mulf %parallel_loop3A_625, %parallel_loop3A_607 : vector<16xf32>
        %parallel_loop3A_627 = arith.constant 1.000000e+00 : f32
        %parallel_loop3A_628 = vector.broadcast %parallel_loop3A_627 : f32 to vector<16xf32>
        %parallel_loop3A_629 = arith.addf %parallel_loop3A_626, %parallel_loop3A_628 : vector<16xf32>
        %parallel_loop3A_630 = arith.constant 2.000000e+00 : f32
        %parallel_loop3A_631 = vector.broadcast %parallel_loop3A_630 : f32 to vector<16xf32>
        %parallel_loop3A_632 = arith.mulf %parallel_loop3A_631, %parallel_loop3A_606 : vector<16xf32>
        %parallel_loop3A_633 = arith.mulf %parallel_loop3A_632, %parallel_loop3A_629 : vector<16xf32>
        %parallel_loop3A_634 = arith.constant 2.000000e+00 : f32
        %parallel_loop3A_635 = vector.broadcast %parallel_loop3A_634 : f32 to vector<16xf32>
        %parallel_loop3A_636 = arith.mulf %parallel_loop3A_635, %parallel_loop3A_606 : vector<16xf32>
        %parallel_loop3A_637 = arith.mulf %parallel_loop3A_636, %parallel_loop3A_606 : vector<16xf32>
        %parallel_loop3A_638 = arith.constant 1.000000e+00 : f32
        %parallel_loop3A_639 = vector.broadcast %parallel_loop3A_638 : f32 to vector<16xf32>
        %parallel_loop3A_640 = arith.subf %parallel_loop3A_639, %parallel_loop3A_637 : vector<16xf32>
        %parallel_loop3A_641 = arith.mulf %parallel_loop3A_586, %parallel_loop3A_586 : vector<16xf32>
        %parallel_loop3A_642 = arith.constant 2.75573188E-6 : f32
        %parallel_loop3A_643 = vector.broadcast %parallel_loop3A_642 : f32 to vector<16xf32>
        %parallel_loop3A_644 = arith.mulf %parallel_loop3A_643, %parallel_loop3A_641 : vector<16xf32>
        %parallel_loop3A_645 = arith.constant -1.98412701E-4 : f32
        %parallel_loop3A_646 = vector.broadcast %parallel_loop3A_645 : f32 to vector<16xf32>
        %parallel_loop3A_647 = arith.addf %parallel_loop3A_644, %parallel_loop3A_646 : vector<16xf32>
        %parallel_loop3A_648 = arith.mulf %parallel_loop3A_647, %parallel_loop3A_641 : vector<16xf32>
        %parallel_loop3A_649 = arith.constant 0.00833333377 : f32
        %parallel_loop3A_650 = vector.broadcast %parallel_loop3A_649 : f32 to vector<16xf32>
        %parallel_loop3A_651 = arith.addf %parallel_loop3A_648, %parallel_loop3A_650 : vector<16xf32>
        %parallel_loop3A_652 = arith.mulf %parallel_loop3A_651, %parallel_loop3A_641 : vector<16xf32>
        %parallel_loop3A_653 = arith.constant -0.166666672 : f32
        %parallel_loop3A_654 = vector.broadcast %parallel_loop3A_653 : f32 to vector<16xf32>
        %parallel_loop3A_655 = arith.addf %parallel_loop3A_652, %parallel_loop3A_654 : vector<16xf32>
        %parallel_loop3A_656 = arith.mulf %parallel_loop3A_655, %parallel_loop3A_641 : vector<16xf32>
        %parallel_loop3A_657 = arith.constant 1.000000e+00 : f32
        %parallel_loop3A_658 = vector.broadcast %parallel_loop3A_657 : f32 to vector<16xf32>
        %parallel_loop3A_659 = arith.addf %parallel_loop3A_656, %parallel_loop3A_658 : vector<16xf32>
        %parallel_loop3A_660 = arith.mulf %parallel_loop3A_586, %parallel_loop3A_659 : vector<16xf32>
        %parallel_loop3A_661 = arith.mulf %parallel_loop3A_586, %parallel_loop3A_586 : vector<16xf32>
        %parallel_loop3A_662 = arith.constant -2.755732E-7 : f32
        %parallel_loop3A_663 = vector.broadcast %parallel_loop3A_662 : f32 to vector<16xf32>
        %parallel_loop3A_664 = arith.mulf %parallel_loop3A_663, %parallel_loop3A_661 : vector<16xf32>
        %parallel_loop3A_665 = arith.constant 2.48015876E-5 : f32
        %parallel_loop3A_666 = vector.broadcast %parallel_loop3A_665 : f32 to vector<16xf32>
        %parallel_loop3A_667 = arith.addf %parallel_loop3A_664, %parallel_loop3A_666 : vector<16xf32>
        %parallel_loop3A_668 = arith.mulf %parallel_loop3A_667, %parallel_loop3A_661 : vector<16xf32>
        %parallel_loop3A_669 = arith.constant -0.00138888892 : f32
        %parallel_loop3A_670 = vector.broadcast %parallel_loop3A_669 : f32 to vector<16xf32>
        %parallel_loop3A_671 = arith.addf %parallel_loop3A_668, %parallel_loop3A_670 : vector<16xf32>
        %parallel_loop3A_672 = arith.mulf %parallel_loop3A_671, %parallel_loop3A_661 : vector<16xf32>
        %parallel_loop3A_673 = arith.constant 0.0416666679 : f32
        %parallel_loop3A_674 = vector.broadcast %parallel_loop3A_673 : f32 to vector<16xf32>
        %parallel_loop3A_675 = arith.addf %parallel_loop3A_672, %parallel_loop3A_674 : vector<16xf32>
        %parallel_loop3A_676 = arith.mulf %parallel_loop3A_675, %parallel_loop3A_661 : vector<16xf32>
        %parallel_loop3A_677 = arith.constant -5.000000e-01 : f32
        %parallel_loop3A_678 = vector.broadcast %parallel_loop3A_677 : f32 to vector<16xf32>
        %parallel_loop3A_679 = arith.addf %parallel_loop3A_676, %parallel_loop3A_678 : vector<16xf32>
        %parallel_loop3A_680 = arith.mulf %parallel_loop3A_679, %parallel_loop3A_661 : vector<16xf32>
        %parallel_loop3A_681 = arith.constant 1.000000e+00 : f32
        %parallel_loop3A_682 = vector.broadcast %parallel_loop3A_681 : f32 to vector<16xf32>
        %parallel_loop3A_683 = arith.addf %parallel_loop3A_680, %parallel_loop3A_682 : vector<16xf32>
        %parallel_loop3A_684 = arith.mulf %parallel_loop3A_683, %parallel_loop3A_640 : vector<16xf32>
        %parallel_loop3A_685 = arith.mulf %parallel_loop3A_683, %parallel_loop3A_633 : vector<16xf32>
        %parallel_loop3A_686 = arith.constant 16 : i32
        %parallel_loop3A_687 = arith.muli %parallel_loop3A_495, %parallel_loop3A_686 : i32
        %parallel_loop3A_688 = arith.addi %mul3A_42, %parallel_loop3A_687 : i32
        %parallel_loop3A_689 = arith.index_cast %parallel_loop3A_688 : i32 to index
        %parallel_loop3A_690 = tpu.vector_load %arg14[%parallel_loop3A_689] {strides = array<i32>} : memref<8192xf32, #tpu.memory_space<vmem>>, vector<16xf32>,
        tpu.vector_store %arg14[%parallel_loop3A_689], %parallel_loop3A_684 {strides = array<i32>} : memref<8192xf32, #tpu.memory_space<vmem>>, vector<16xf32>,
        %parallel_loop3A_691 = arith.index_cast %parallel_loop3A_688 : i32 to index
        %parallel_loop3A_692 = tpu.vector_load %arg15[%parallel_loop3A_691] {strides = array<i32>} : memref<8192xf32, #tpu.memory_space<vmem>>, vector<16xf32>,
        tpu.vector_store %arg15[%parallel_loop3A_691], %parallel_loop3A_685 {strides = array<i32>} : memref<8192xf32, #tpu.memory_space<vmem>>, vector<16xf32>,
        %parallel_loop3A_693 = arith.index_cast %parallel_loop3A_688 : i32 to index
        %parallel_loop3A_694 = tpu.vector_load %arg16[%parallel_loop3A_693] {strides = array<i32>} : memref<8192xf32, #tpu.memory_space<vmem>>, vector<16xf32>,
        tpu.vector_store %arg16[%parallel_loop3A_693], %parallel_loop3A_660 {strides = array<i32>} : memref<8192xf32, #tpu.memory_space<vmem>>, vector<16xf32>,
      } {sc.loop_unroll_factor = 8 : i64, sc.parallel_access}
      %mul3A_46 = arith.constant 32 : i32
      %mul3A_47 = arith.muli %rem3A_28, %mul3A_46 : i32
      %add3A_48 = arith.constant 0 : i32
      %add3A_49 = arith.addi %mul3A_47, %add3A_48 : i32
      %mul3A_50 = arith.constant 4096 : i32
      %mul3A_51 = arith.muli %rem3A_28, %mul3A_50 : i32
      %add3A_52 = arith.constant 0 : i32
      %add3A_53 = arith.addi %mul3A_51, %add3A_52 : i32
      %dma_start3A = tpu.memref_slice %arg18[%add3A_53] : memref<8192xi32, #tpu.memory_space<vmem>> -> memref<128xi32, #tpu.memory_space<vmem>>
      %dma_start3A_54 = arith.constant 0 : i32
      %dma_start3A_55 = tpu.memref_slice %arg17[%add3A_49, %dma_start3A_54] : memref<64x128xi32, #tpu.memory_space<vmem>> -> memref<1x128xi32, #tpu.memory_space<vmem>>
      %dma_start3A_56 = tpu.memref_squeeze %dma_start3A_55 : memref<1x128xi32, #tpu.memory_space<vmem>> -> memref<128xi32, #tpu.memory_space<vmem>>
      %dma_start3A_57 = arith.constant 0 : i32
      %dma_start3A_58 = tpu.memref_slice %arg6[%dma_start3A_57] : memref<1002001xi32, #tpu.memory_space<hbm>> -> memref<1002001xi32, #tpu.memory_space<hbm>>
      tpu.enqueue_indirect_dma source(%dma_start3A_58 : memref<1002001xi32, #tpu.memory_space<hbm>>) target(%dma_start3A : memref<128xi32, #tpu.memory_space<vmem>>) offsets(%dma_start3A_56 : memref<128xi32, #tpu.memory_space<vmem>>) semaphore(%arg20 : memref<!tpu.dma_semaphore, #tpu.memory_space<semaphore_mem>>)
      %mul3A_59 = arith.constant 32 : i32
      %mul3A_60 = arith.muli %rem3A_28, %mul3A_59 : i32
      %add3A_61 = arith.constant 1 : i32
      %add3A_62 = arith.addi %mul3A_60, %add3A_61 : i32
      %mul3A_63 = arith.constant 4096 : i32
      %mul3A_64 = arith.muli %rem3A_28, %mul3A_63 : i32
      %add3A_65 = arith.constant 128 : i32
      %add3A_66 = arith.addi %mul3A_64, %add3A_65 : i32
      %dma_start3A_67 = tpu.memref_slice %arg18[%add3A_66] : memref<8192xi32, #tpu.memory_space<vmem>> -> memref<128xi32, #tpu.memory_space<vmem>>
      %dma_start3A_68 = arith.constant 0 : i32
      %dma_start3A_69 = tpu.memref_slice %arg17[%add3A_62, %dma_start3A_68] : memref<64x128xi32, #tpu.memory_space<vmem>> -> memref<1x128xi32, #tpu.memory_space<vmem>>
      %dma_start3A_70 = tpu.memref_squeeze %dma_start3A_69 : memref<1x128xi32, #tpu.memory_space<vmem>> -> memref<128xi32, #tpu.memory_space<vmem>>
      %dma_start3A_71 = arith.constant 0 : i32
      %dma_start3A_72 = tpu.memref_slice %arg6[%dma_start3A_71] : memref<1002001xi32, #tpu.memory_space<hbm>> -> memref<1002001xi32, #tpu.memory_space<hbm>>
      tpu.enqueue_indirect_dma source(%dma_start3A_72 : memref<1002001xi32, #tpu.memory_space<hbm>>) target(%dma_start3A_67 : memref<128xi32, #tpu.memory_space<vmem>>) offsets(%dma_start3A_70 : memref<128xi32, #tpu.memory_space<vmem>>) semaphore(%arg20 : memref<!tpu.dma_semaphore, #tpu.memory_space<semaphore_mem>>)
      %mul3A_73 = arith.constant 32 : i32
      %mul3A_74 = arith.muli %rem3A_28, %mul3A_73 : i32
      %add3A_75 = arith.constant 2 : i32
      %add3A_76 = arith.addi %mul3A_74, %add3A_75 : i32
      %mul3A_77 = arith.constant 4096 : i32
      %mul3A_78 = arith.muli %rem3A_28, %mul3A_77 : i32
      %add3A_79 = arith.constant 256 : i32
      %add3A_80 = arith.addi %mul3A_78, %add3A_79 : i32
      %dma_start3A_81 = tpu.memref_slice %arg18[%add3A_80] : memref<8192xi32, #tpu.memory_space<vmem>> -> memref<128xi32, #tpu.memory_space<vmem>>
      %dma_start3A_82 = arith.constant 0 : i32
      %dma_start3A_83 = tpu.memref_slice %arg17[%add3A_76, %dma_start3A_82] : memref<64x128xi32, #tpu.memory_space<vmem>> -> memref<1x128xi32, #tpu.memory_space<vmem>>
      %dma_start3A_84 = tpu.memref_squeeze %dma_start3A_83 : memref<1x128xi32, #tpu.memory_space<vmem>> -> memref<128xi32, #tpu.memory_space<vmem>>
      %dma_start3A_85 = arith.constant 0 : i32
      %dma_start3A_86 = tpu.memref_slice %arg6[%dma_start3A_85] : memref<1002001xi32, #tpu.memory_space<hbm>> -> memref<1002001xi32, #tpu.memory_space<hbm>>
      tpu.enqueue_indirect_dma source(%dma_start3A_86 : memref<1002001xi32, #tpu.memory_space<hbm>>) target(%dma_start3A_81 : memref<128xi32, #tpu.memory_space<vmem>>) offsets(%dma_start3A_84 : memref<128xi32, #tpu.memory_space<vmem>>) semaphore(%arg20 : memref<!tpu.dma_semaphore, #tpu.memory_space<semaphore_mem>>)
      %mul3A_87 = arith.constant 32 : i32
      %mul3A_88 = arith.muli %rem3A_28, %mul3A_87 : i32
      %add3A_89 = arith.constant 3 : i32
      %add3A_90 = arith.addi %mul3A_88, %add3A_89 : i32
      %mul3A_91 = arith.constant 4096 : i32
      %mul3A_92 = arith.muli %rem3A_28, %mul3A_91 : i32
      %add3A_93 = arith.constant 384 : i32
      %add3A_94 = arith.addi %mul3A_92, %add3A_93 : i32
      %dma_start3A_95 = tpu.memref_slice %arg18[%add3A_94] : memref<8192xi32, #tpu.memory_space<vmem>> -> memref<128xi32, #tpu.memory_space<vmem>>
      %dma_start3A_96 = arith.constant 0 : i32
      %dma_start3A_97 = tpu.memref_slice %arg17[%add3A_90, %dma_start3A_96] : memref<64x128xi32, #tpu.memory_space<vmem>> -> memref<1x128xi32, #tpu.memory_space<vmem>>
      %dma_start3A_98 = tpu.memref_squeeze %dma_start3A_97 : memref<1x128xi32, #tpu.memory_space<vmem>> -> memref<128xi32, #tpu.memory_space<vmem>>
      %dma_start3A_99 = arith.constant 0 : i32
      %dma_start3A_100 = tpu.memref_slice %arg6[%dma_start3A_99] : memref<1002001xi32, #tpu.memory_space<hbm>> -> memref<1002001xi32, #tpu.memory_space<hbm>>
      tpu.enqueue_indirect_dma source(%dma_start3A_100 : memref<1002001xi32, #tpu.memory_space<hbm>>) target(%dma_start3A_95 : memref<128xi32, #tpu.memory_space<vmem>>) offsets(%dma_start3A_98 : memref<128xi32, #tpu.memory_space<vmem>>) semaphore(%arg20 : memref<!tpu.dma_semaphore, #tpu.memory_space<semaphore_mem>>)
      %mul3A_101 = arith.constant 32 : i32
      %mul3A_102 = arith.muli %rem3A_28, %mul3A_101 : i32
      %add3A_103 = arith.constant 4 : i32
      %add3A_104 = arith.addi %mul3A_102, %add3A_103 : i32
      %mul3A_105 = arith.constant 4096 : i32
      %mul3A_106 = arith.muli %rem3A_28, %mul3A_105 : i32
      %add3A_107 = arith.constant 512 : i32
      %add3A_108 = arith.addi %mul3A_106, %add3A_107 : i32
      %dma_start3A_109 = tpu.memref_slice %arg18[%add3A_108] : memref<8192xi32, #tpu.memory_space<vmem>> -> memref<128xi32, #tpu.memory_space<vmem>>
      %dma_start3A_110 = arith.constant 0 : i32
      %dma_start3A_111 = tpu.memref_slice %arg17[%add3A_104, %dma_start3A_110] : memref<64x128xi32, #tpu.memory_space<vmem>> -> memref<1x128xi32, #tpu.memory_space<vmem>>
      %dma_start3A_112 = tpu.memref_squeeze %dma_start3A_111 : memref<1x128xi32, #tpu.memory_space<vmem>> -> memref<128xi32, #tpu.memory_space<vmem>>
      %dma_start3A_113 = arith.constant 0 : i32
      %dma_start3A_114 = tpu.memref_slice %arg6[%dma_start3A_113] : memref<1002001xi32, #tpu.memory_space<hbm>> -> memref<1002001xi32, #tpu.memory_space<hbm>>
      tpu.enqueue_indirect_dma source(%dma_start3A_114 : memref<1002001xi32, #tpu.memory_space<hbm>>) target(%dma_start3A_109 : memref<128xi32, #tpu.memory_space<vmem>>) offsets(%dma_start3A_112 : memref<128xi32, #tpu.memory_space<vmem>>) semaphore(%arg20 : memref<!tpu.dma_semaphore, #tpu.memory_space<semaphore_mem>>)
      %mul3A_115 = arith.constant 32 : i32
      %mul3A_116 = arith.muli %rem3A_28, %mul3A_115 : i32
      %add3A_117 = arith.constant 5 : i32
      %add3A_118 = arith.addi %mul3A_116, %add3A_117 : i32
      %mul3A_119 = arith.constant 4096 : i32
      %mul3A_120 = arith.muli %rem3A_28, %mul3A_119 : i32
      %add3A_121 = arith.constant 640 : i32
      %add3A_122 = arith.addi %mul3A_120, %add3A_121 : i32
      %dma_start3A_123 = tpu.memref_slice %arg18[%add3A_122] : memref<8192xi32, #tpu.memory_space<vmem>> -> memref<128xi32, #tpu.memory_space<vmem>>
      %dma_start3A_124 = arith.constant 0 : i32
      %dma_start3A_125 = tpu.memref_slice %arg17[%add3A_118, %dma_start3A_124] : memref<64x128xi32, #tpu.memory_space<vmem>> -> memref<1x128xi32, #tpu.memory_space<vmem>>
      %dma_start3A_126 = tpu.memref_squeeze %dma_start3A_125 : memref<1x128xi32, #tpu.memory_space<vmem>> -> memref<128xi32, #tpu.memory_space<vmem>>
      %dma_start3A_127 = arith.constant 0 : i32
      %dma_start3A_128 = tpu.memref_slice %arg6[%dma_start3A_127] : memref<1002001xi32, #tpu.memory_space<hbm>> -> memref<1002001xi32, #tpu.memory_space<hbm>>
      tpu.enqueue_indirect_dma source(%dma_start3A_128 : memref<1002001xi32, #tpu.memory_space<hbm>>) target(%dma_start3A_123 : memref<128xi32, #tpu.memory_space<vmem>>) offsets(%dma_start3A_126 : memref<128xi32, #tpu.memory_space<vmem>>) semaphore(%arg20 : memref<!tpu.dma_semaphore, #tpu.memory_space<semaphore_mem>>)
      %mul3A_129 = arith.constant 32 : i32
      %mul3A_130 = arith.muli %rem3A_28, %mul3A_129 : i32
      %add3A_131 = arith.constant 6 : i32
      %add3A_132 = arith.addi %mul3A_130, %add3A_131 : i32
      %mul3A_133 = arith.constant 4096 : i32
      %mul3A_134 = arith.muli %rem3A_28, %mul3A_133 : i32
      %add3A_135 = arith.constant 768 : i32
      %add3A_136 = arith.addi %mul3A_134, %add3A_135 : i32
      %dma_start3A_137 = tpu.memref_slice %arg18[%add3A_136] : memref<8192xi32, #tpu.memory_space<vmem>> -> memref<128xi32, #tpu.memory_space<vmem>>
      %dma_start3A_138 = arith.constant 0 : i32
      %dma_start3A_139 = tpu.memref_slice %arg17[%add3A_132, %dma_start3A_138] : memref<64x128xi32, #tpu.memory_space<vmem>> -> memref<1x128xi32, #tpu.memory_space<vmem>>
      %dma_start3A_140 = tpu.memref_squeeze %dma_start3A_139 : memref<1x128xi32, #tpu.memory_space<vmem>> -> memref<128xi32, #tpu.memory_space<vmem>>
      %dma_start3A_141 = arith.constant 0 : i32
      %dma_start3A_142 = tpu.memref_slice %arg6[%dma_start3A_141] : memref<1002001xi32, #tpu.memory_space<hbm>> -> memref<1002001xi32, #tpu.memory_space<hbm>>
      tpu.enqueue_indirect_dma source(%dma_start3A_142 : memref<1002001xi32, #tpu.memory_space<hbm>>) target(%dma_start3A_137 : memref<128xi32, #tpu.memory_space<vmem>>) offsets(%dma_start3A_140 : memref<128xi32, #tpu.memory_space<vmem>>) semaphore(%arg20 : memref<!tpu.dma_semaphore, #tpu.memory_space<semaphore_mem>>)
      %mul3A_143 = arith.constant 32 : i32
      %mul3A_144 = arith.muli %rem3A_28, %mul3A_143 : i32
      %add3A_145 = arith.constant 7 : i32
      %add3A_146 = arith.addi %mul3A_144, %add3A_145 : i32
      %mul3A_147 = arith.constant 4096 : i32
      %mul3A_148 = arith.muli %rem3A_28, %mul3A_147 : i32
      %add3A_149 = arith.constant 896 : i32
      %add3A_150 = arith.addi %mul3A_148, %add3A_149 : i32
      %dma_start3A_151 = tpu.memref_slice %arg18[%add3A_150] : memref<8192xi32, #tpu.memory_space<vmem>> -> memref<128xi32, #tpu.memory_space<vmem>>
      %dma_start3A_152 = arith.constant 0 : i32
      %dma_start3A_153 = tpu.memref_slice %arg17[%add3A_146, %dma_start3A_152] : memref<64x128xi32, #tpu.memory_space<vmem>> -> memref<1x128xi32, #tpu.memory_space<vmem>>
      %dma_start3A_154 = tpu.memref_squeeze %dma_start3A_153 : memref<1x128xi32, #tpu.memory_space<vmem>> -> memref<128xi32, #tpu.memory_space<vmem>>
      %dma_start3A_155 = arith.constant 0 : i32
      %dma_start3A_156 = tpu.memref_slice %arg6[%dma_start3A_155] : memref<1002001xi32, #tpu.memory_space<hbm>> -> memref<1002001xi32, #tpu.memory_space<hbm>>
      tpu.enqueue_indirect_dma source(%dma_start3A_156 : memref<1002001xi32, #tpu.memory_space<hbm>>) target(%dma_start3A_151 : memref<128xi32, #tpu.memory_space<vmem>>) offsets(%dma_start3A_154 : memref<128xi32, #tpu.memory_space<vmem>>) semaphore(%arg20 : memref<!tpu.dma_semaphore, #tpu.memory_space<semaphore_mem>>)
      %mul3A_157 = arith.constant 32 : i32
      %mul3A_158 = arith.muli %rem3A_28, %mul3A_157 : i32
      %add3A_159 = arith.constant 8 : i32
      %add3A_160 = arith.addi %mul3A_158, %add3A_159 : i32
      %mul3A_161 = arith.constant 4096 : i32
      %mul3A_162 = arith.muli %rem3A_28, %mul3A_161 : i32
      %add3A_163 = arith.constant 1024 : i32
      %add3A_164 = arith.addi %mul3A_162, %add3A_163 : i32
      %dma_start3A_165 = tpu.memref_slice %arg18[%add3A_164] : memref<8192xi32, #tpu.memory_space<vmem>> -> memref<128xi32, #tpu.memory_space<vmem>>
      %dma_start3A_166 = arith.constant 0 : i32
      %dma_start3A_167 = tpu.memref_slice %arg17[%add3A_160, %dma_start3A_166] : memref<64x128xi32, #tpu.memory_space<vmem>> -> memref<1x128xi32, #tpu.memory_space<vmem>>
      %dma_start3A_168 = tpu.memref_squeeze %dma_start3A_167 : memref<1x128xi32, #tpu.memory_space<vmem>> -> memref<128xi32, #tpu.memory_space<vmem>>
      %dma_start3A_169 = arith.constant 0 : i32
      %dma_start3A_170 = tpu.memref_slice %arg6[%dma_start3A_169] : memref<1002001xi32, #tpu.memory_space<hbm>> -> memref<1002001xi32, #tpu.memory_space<hbm>>
      tpu.enqueue_indirect_dma source(%dma_start3A_170 : memref<1002001xi32, #tpu.memory_space<hbm>>) target(%dma_start3A_165 : memref<128xi32, #tpu.memory_space<vmem>>) offsets(%dma_start3A_168 : memref<128xi32, #tpu.memory_space<vmem>>) semaphore(%arg20 : memref<!tpu.dma_semaphore, #tpu.memory_space<semaphore_mem>>)
      %mul3A_171 = arith.constant 32 : i32
      %mul3A_172 = arith.muli %rem3A_28, %mul3A_171 : i32
      %add3A_173 = arith.constant 9 : i32
      %add3A_174 = arith.addi %mul3A_172, %add3A_173 : i32
      %mul3A_175 = arith.constant 4096 : i32
      %mul3A_176 = arith.muli %rem3A_28, %mul3A_175 : i32
      %add3A_177 = arith.constant 1152 : i32
      %add3A_178 = arith.addi %mul3A_176, %add3A_177 : i32
      %dma_start3A_179 = tpu.memref_slice %arg18[%add3A_178] : memref<8192xi32, #tpu.memory_space<vmem>> -> memref<128xi32, #tpu.memory_space<vmem>>
      %dma_start3A_180 = arith.constant 0 : i32
      %dma_start3A_181 = tpu.memref_slice %arg17[%add3A_174, %dma_start3A_180] : memref<64x128xi32, #tpu.memory_space<vmem>> -> memref<1x128xi32, #tpu.memory_space<vmem>>
      %dma_start3A_182 = tpu.memref_squeeze %dma_start3A_181 : memref<1x128xi32, #tpu.memory_space<vmem>> -> memref<128xi32, #tpu.memory_space<vmem>>
      %dma_start3A_183 = arith.constant 0 : i32
      %dma_start3A_184 = tpu.memref_slice %arg6[%dma_start3A_183] : memref<1002001xi32, #tpu.memory_space<hbm>> -> memref<1002001xi32, #tpu.memory_space<hbm>>
      tpu.enqueue_indirect_dma source(%dma_start3A_184 : memref<1002001xi32, #tpu.memory_space<hbm>>) target(%dma_start3A_179 : memref<128xi32, #tpu.memory_space<vmem>>) offsets(%dma_start3A_182 : memref<128xi32, #tpu.memory_space<vmem>>) semaphore(%arg20 : memref<!tpu.dma_semaphore, #tpu.memory_space<semaphore_mem>>)
      %mul3A_185 = arith.constant 32 : i32
      %mul3A_186 = arith.muli %rem3A_28, %mul3A_185 : i32
      %add3A_187 = arith.constant 10 : i32
      %add3A_188 = arith.addi %mul3A_186, %add3A_187 : i32
      %mul3A_189 = arith.constant 4096 : i32
      %mul3A_190 = arith.muli %rem3A_28, %mul3A_189 : i32
      %add3A_191 = arith.constant 1280 : i32
      %add3A_192 = arith.addi %mul3A_190, %add3A_191 : i32
      %dma_start3A_193 = tpu.memref_slice %arg18[%add3A_192] : memref<8192xi32, #tpu.memory_space<vmem>> -> memref<128xi32, #tpu.memory_space<vmem>>
      %dma_start3A_194 = arith.constant 0 : i32
      %dma_start3A_195 = tpu.memref_slice %arg17[%add3A_188, %dma_start3A_194] : memref<64x128xi32, #tpu.memory_space<vmem>> -> memref<1x128xi32, #tpu.memory_space<vmem>>
      %dma_start3A_196 = tpu.memref_squeeze %dma_start3A_195 : memref<1x128xi32, #tpu.memory_space<vmem>> -> memref<128xi32, #tpu.memory_space<vmem>>
      %dma_start3A_197 = arith.constant 0 : i32
      %dma_start3A_198 = tpu.memref_slice %arg6[%dma_start3A_197] : memref<1002001xi32, #tpu.memory_space<hbm>> -> memref<1002001xi32, #tpu.memory_space<hbm>>
      tpu.enqueue_indirect_dma source(%dma_start3A_198 : memref<1002001xi32, #tpu.memory_space<hbm>>) target(%dma_start3A_193 : memref<128xi32, #tpu.memory_space<vmem>>) offsets(%dma_start3A_196 : memref<128xi32, #tpu.memory_space<vmem>>) semaphore(%arg20 : memref<!tpu.dma_semaphore, #tpu.memory_space<semaphore_mem>>)
      %mul3A_199 = arith.constant 32 : i32
      %mul3A_200 = arith.muli %rem3A_28, %mul3A_199 : i32
      %add3A_201 = arith.constant 11 : i32
      %add3A_202 = arith.addi %mul3A_200, %add3A_201 : i32
      %mul3A_203 = arith.constant 4096 : i32
      %mul3A_204 = arith.muli %rem3A_28, %mul3A_203 : i32
      %add3A_205 = arith.constant 1408 : i32
      %add3A_206 = arith.addi %mul3A_204, %add3A_205 : i32
      %dma_start3A_207 = tpu.memref_slice %arg18[%add3A_206] : memref<8192xi32, #tpu.memory_space<vmem>> -> memref<128xi32, #tpu.memory_space<vmem>>
      %dma_start3A_208 = arith.constant 0 : i32
      %dma_start3A_209 = tpu.memref_slice %arg17[%add3A_202, %dma_start3A_208] : memref<64x128xi32, #tpu.memory_space<vmem>> -> memref<1x128xi32, #tpu.memory_space<vmem>>
      %dma_start3A_210 = tpu.memref_squeeze %dma_start3A_209 : memref<1x128xi32, #tpu.memory_space<vmem>> -> memref<128xi32, #tpu.memory_space<vmem>>
      %dma_start3A_211 = arith.constant 0 : i32
      %dma_start3A_212 = tpu.memref_slice %arg6[%dma_start3A_211] : memref<1002001xi32, #tpu.memory_space<hbm>> -> memref<1002001xi32, #tpu.memory_space<hbm>>
      tpu.enqueue_indirect_dma source(%dma_start3A_212 : memref<1002001xi32, #tpu.memory_space<hbm>>) target(%dma_start3A_207 : memref<128xi32, #tpu.memory_space<vmem>>) offsets(%dma_start3A_210 : memref<128xi32, #tpu.memory_space<vmem>>) semaphore(%arg20 : memref<!tpu.dma_semaphore, #tpu.memory_space<semaphore_mem>>)
      %mul3A_213 = arith.constant 32 : i32
      %mul3A_214 = arith.muli %rem3A_28, %mul3A_213 : i32
      %add3A_215 = arith.constant 12 : i32
      %add3A_216 = arith.addi %mul3A_214, %add3A_215 : i32
      %mul3A_217 = arith.constant 4096 : i32
      %mul3A_218 = arith.muli %rem3A_28, %mul3A_217 : i32
      %add3A_219 = arith.constant 1536 : i32
      %add3A_220 = arith.addi %mul3A_218, %add3A_219 : i32
      %dma_start3A_221 = tpu.memref_slice %arg18[%add3A_220] : memref<8192xi32, #tpu.memory_space<vmem>> -> memref<128xi32, #tpu.memory_space<vmem>>
      %dma_start3A_222 = arith.constant 0 : i32
      %dma_start3A_223 = tpu.memref_slice %arg17[%add3A_216, %dma_start3A_222] : memref<64x128xi32, #tpu.memory_space<vmem>> -> memref<1x128xi32, #tpu.memory_space<vmem>>
      %dma_start3A_224 = tpu.memref_squeeze %dma_start3A_223 : memref<1x128xi32, #tpu.memory_space<vmem>> -> memref<128xi32, #tpu.memory_space<vmem>>
      %dma_start3A_225 = arith.constant 0 : i32
      %dma_start3A_226 = tpu.memref_slice %arg6[%dma_start3A_225] : memref<1002001xi32, #tpu.memory_space<hbm>> -> memref<1002001xi32, #tpu.memory_space<hbm>>
      tpu.enqueue_indirect_dma source(%dma_start3A_226 : memref<1002001xi32, #tpu.memory_space<hbm>>) target(%dma_start3A_221 : memref<128xi32, #tpu.memory_space<vmem>>) offsets(%dma_start3A_224 : memref<128xi32, #tpu.memory_space<vmem>>) semaphore(%arg20 : memref<!tpu.dma_semaphore, #tpu.memory_space<semaphore_mem>>)
      %mul3A_227 = arith.constant 32 : i32
      %mul3A_228 = arith.muli %rem3A_28, %mul3A_227 : i32
      %add3A_229 = arith.constant 13 : i32
      %add3A_230 = arith.addi %mul3A_228, %add3A_229 : i32
      %mul3A_231 = arith.constant 4096 : i32
      %mul3A_232 = arith.muli %rem3A_28, %mul3A_231 : i32
      %add3A_233 = arith.constant 1664 : i32
      %add3A_234 = arith.addi %mul3A_232, %add3A_233 : i32
      %dma_start3A_235 = tpu.memref_slice %arg18[%add3A_234] : memref<8192xi32, #tpu.memory_space<vmem>> -> memref<128xi32, #tpu.memory_space<vmem>>
      %dma_start3A_236 = arith.constant 0 : i32
      %dma_start3A_237 = tpu.memref_slice %arg17[%add3A_230, %dma_start3A_236] : memref<64x128xi32, #tpu.memory_space<vmem>> -> memref<1x128xi32, #tpu.memory_space<vmem>>
      %dma_start3A_238 = tpu.memref_squeeze %dma_start3A_237 : memref<1x128xi32, #tpu.memory_space<vmem>> -> memref<128xi32, #tpu.memory_space<vmem>>
      %dma_start3A_239 = arith.constant 0 : i32
      %dma_start3A_240 = tpu.memref_slice %arg6[%dma_start3A_239] : memref<1002001xi32, #tpu.memory_space<hbm>> -> memref<1002001xi32, #tpu.memory_space<hbm>>
      tpu.enqueue_indirect_dma source(%dma_start3A_240 : memref<1002001xi32, #tpu.memory_space<hbm>>) target(%dma_start3A_235 : memref<128xi32, #tpu.memory_space<vmem>>) offsets(%dma_start3A_238 : memref<128xi32, #tpu.memory_space<vmem>>) semaphore(%arg20 : memref<!tpu.dma_semaphore, #tpu.memory_space<semaphore_mem>>)
      %mul3A_241 = arith.constant 32 : i32
      %mul3A_242 = arith.muli %rem3A_28, %mul3A_241 : i32
      %add3A_243 = arith.constant 14 : i32
      %add3A_244 = arith.addi %mul3A_242, %add3A_243 : i32
      %mul3A_245 = arith.constant 4096 : i32
      %mul3A_246 = arith.muli %rem3A_28, %mul3A_245 : i32
      %add3A_247 = arith.constant 1792 : i32
      %add3A_248 = arith.addi %mul3A_246, %add3A_247 : i32
      %dma_start3A_249 = tpu.memref_slice %arg18[%add3A_248] : memref<8192xi32, #tpu.memory_space<vmem>> -> memref<128xi32, #tpu.memory_space<vmem>>
      %dma_start3A_250 = arith.constant 0 : i32
      %dma_start3A_251 = tpu.memref_slice %arg17[%add3A_244, %dma_start3A_250] : memref<64x128xi32, #tpu.memory_space<vmem>> -> memref<1x128xi32, #tpu.memory_space<vmem>>
      %dma_start3A_252 = tpu.memref_squeeze %dma_start3A_251 : memref<1x128xi32, #tpu.memory_space<vmem>> -> memref<128xi32, #tpu.memory_space<vmem>>
      %dma_start3A_253 = arith.constant 0 : i32
      %dma_start3A_254 = tpu.memref_slice %arg6[%dma_start3A_253] : memref<1002001xi32, #tpu.memory_space<hbm>> -> memref<1002001xi32, #tpu.memory_space<hbm>>
      tpu.enqueue_indirect_dma source(%dma_start3A_254 : memref<1002001xi32, #tpu.memory_space<hbm>>) target(%dma_start3A_249 : memref<128xi32, #tpu.memory_space<vmem>>) offsets(%dma_start3A_252 : memref<128xi32, #tpu.memory_space<vmem>>) semaphore(%arg20 : memref<!tpu.dma_semaphore, #tpu.memory_space<semaphore_mem>>)
      %mul3A_255 = arith.constant 32 : i32
      %mul3A_256 = arith.muli %rem3A_28, %mul3A_255 : i32
      %add3A_257 = arith.constant 15 : i32
      %add3A_258 = arith.addi %mul3A_256, %add3A_257 : i32
      %mul3A_259 = arith.constant 4096 : i32
      %mul3A_260 = arith.muli %rem3A_28, %mul3A_259 : i32
      %add3A_261 = arith.constant 1920 : i32
      %add3A_262 = arith.addi %mul3A_260, %add3A_261 : i32
      %dma_start3A_263 = tpu.memref_slice %arg18[%add3A_262] : memref<8192xi32, #tpu.memory_space<vmem>> -> memref<128xi32, #tpu.memory_space<vmem>>
      %dma_start3A_264 = arith.constant 0 : i32
      %dma_start3A_265 = tpu.memref_slice %arg17[%add3A_258, %dma_start3A_264] : memref<64x128xi32, #tpu.memory_space<vmem>> -> memref<1x128xi32, #tpu.memory_space<vmem>>
      %dma_start3A_266 = tpu.memref_squeeze %dma_start3A_265 : memref<1x128xi32, #tpu.memory_space<vmem>> -> memref<128xi32, #tpu.memory_space<vmem>>
      %dma_start3A_267 = arith.constant 0 : i32
      %dma_start3A_268 = tpu.memref_slice %arg6[%dma_start3A_267] : memref<1002001xi32, #tpu.memory_space<hbm>> -> memref<1002001xi32, #tpu.memory_space<hbm>>
      tpu.enqueue_indirect_dma source(%dma_start3A_268 : memref<1002001xi32, #tpu.memory_space<hbm>>) target(%dma_start3A_263 : memref<128xi32, #tpu.memory_space<vmem>>) offsets(%dma_start3A_266 : memref<128xi32, #tpu.memory_space<vmem>>) semaphore(%arg20 : memref<!tpu.dma_semaphore, #tpu.memory_space<semaphore_mem>>)
      %mul3A_269 = arith.constant 32 : i32
      %mul3A_270 = arith.muli %rem3A_28, %mul3A_269 : i32
      %add3A_271 = arith.constant 16 : i32
      %add3A_272 = arith.addi %mul3A_270, %add3A_271 : i32
      %mul3A_273 = arith.constant 4096 : i32
      %mul3A_274 = arith.muli %rem3A_28, %mul3A_273 : i32
      %add3A_275 = arith.constant 2048 : i32
      %add3A_276 = arith.addi %mul3A_274, %add3A_275 : i32
      %dma_start3A_277 = tpu.memref_slice %arg18[%add3A_276] : memref<8192xi32, #tpu.memory_space<vmem>> -> memref<128xi32, #tpu.memory_space<vmem>>
      %dma_start3A_278 = arith.constant 0 : i32
      %dma_start3A_279 = tpu.memref_slice %arg17[%add3A_272, %dma_start3A_278] : memref<64x128xi32, #tpu.memory_space<vmem>> -> memref<1x128xi32, #tpu.memory_space<vmem>>
      %dma_start3A_280 = tpu.memref_squeeze %dma_start3A_279 : memref<1x128xi32, #tpu.memory_space<vmem>> -> memref<128xi32, #tpu.memory_space<vmem>>
      %dma_start3A_281 = arith.constant 0 : i32
      %dma_start3A_282 = tpu.memref_slice %arg6[%dma_start3A_281] : memref<1002001xi32, #tpu.memory_space<hbm>> -> memref<1002001xi32, #tpu.memory_space<hbm>>
      tpu.enqueue_indirect_dma source(%dma_start3A_282 : memref<1002001xi32, #tpu.memory_space<hbm>>) target(%dma_start3A_277 : memref<128xi32, #tpu.memory_space<vmem>>) offsets(%dma_start3A_280 : memref<128xi32, #tpu.memory_space<vmem>>) semaphore(%arg20 : memref<!tpu.dma_semaphore, #tpu.memory_space<semaphore_mem>>)
      %mul3A_283 = arith.constant 32 : i32
      %mul3A_284 = arith.muli %rem3A_28, %mul3A_283 : i32
      %add3A_285 = arith.constant 17 : i32
      %add3A_286 = arith.addi %mul3A_284, %add3A_285 : i32
      %mul3A_287 = arith.constant 4096 : i32
      %mul3A_288 = arith.muli %rem3A_28, %mul3A_287 : i32
      %add3A_289 = arith.constant 2176 : i32
      %add3A_290 = arith.addi %mul3A_288, %add3A_289 : i32
      %dma_start3A_291 = tpu.memref_slice %arg18[%add3A_290] : memref<8192xi32, #tpu.memory_space<vmem>> -> memref<128xi32, #tpu.memory_space<vmem>>
      %dma_start3A_292 = arith.constant 0 : i32
      %dma_start3A_293 = tpu.memref_slice %arg17[%add3A_286, %dma_start3A_292] : memref<64x128xi32, #tpu.memory_space<vmem>> -> memref<1x128xi32, #tpu.memory_space<vmem>>
      %dma_start3A_294 = tpu.memref_squeeze %dma_start3A_293 : memref<1x128xi32, #tpu.memory_space<vmem>> -> memref<128xi32, #tpu.memory_space<vmem>>
      %dma_start3A_295 = arith.constant 0 : i32
      %dma_start3A_296 = tpu.memref_slice %arg6[%dma_start3A_295] : memref<1002001xi32, #tpu.memory_space<hbm>> -> memref<1002001xi32, #tpu.memory_space<hbm>>
      tpu.enqueue_indirect_dma source(%dma_start3A_296 : memref<1002001xi32, #tpu.memory_space<hbm>>) target(%dma_start3A_291 : memref<128xi32, #tpu.memory_space<vmem>>) offsets(%dma_start3A_294 : memref<128xi32, #tpu.memory_space<vmem>>) semaphore(%arg20 : memref<!tpu.dma_semaphore, #tpu.memory_space<semaphore_mem>>)
      %mul3A_297 = arith.constant 32 : i32
      %mul3A_298 = arith.muli %rem3A_28, %mul3A_297 : i32
      %add3A_299 = arith.constant 18 : i32
      %add3A_300 = arith.addi %mul3A_298, %add3A_299 : i32
      %mul3A_301 = arith.constant 4096 : i32
      %mul3A_302 = arith.muli %rem3A_28, %mul3A_301 : i32
      %add3A_303 = arith.constant 2304 : i32
      %add3A_304 = arith.addi %mul3A_302, %add3A_303 : i32
      %dma_start3A_305 = tpu.memref_slice %arg18[%add3A_304] : memref<8192xi32, #tpu.memory_space<vmem>> -> memref<128xi32, #tpu.memory_space<vmem>>
      %dma_start3A_306 = arith.constant 0 : i32
      %dma_start3A_307 = tpu.memref_slice %arg17[%add3A_300, %dma_start3A_306] : memref<64x128xi32, #tpu.memory_space<vmem>> -> memref<1x128xi32, #tpu.memory_space<vmem>>
      %dma_start3A_308 = tpu.memref_squeeze %dma_start3A_307 : memref<1x128xi32, #tpu.memory_space<vmem>> -> memref<128xi32, #tpu.memory_space<vmem>>
      %dma_start3A_309 = arith.constant 0 : i32
      %dma_start3A_310 = tpu.memref_slice %arg6[%dma_start3A_309] : memref<1002001xi32, #tpu.memory_space<hbm>> -> memref<1002001xi32, #tpu.memory_space<hbm>>
      tpu.enqueue_indirect_dma source(%dma_start3A_310 : memref<1002001xi32, #tpu.memory_space<hbm>>) target(%dma_start3A_305 : memref<128xi32, #tpu.memory_space<vmem>>) offsets(%dma_start3A_308 : memref<128xi32, #tpu.memory_space<vmem>>) semaphore(%arg20 : memref<!tpu.dma_semaphore, #tpu.memory_space<semaphore_mem>>)
      %mul3A_311 = arith.constant 32 : i32
      %mul3A_312 = arith.muli %rem3A_28, %mul3A_311 : i32
      %add3A_313 = arith.constant 19 : i32
      %add3A_314 = arith.addi %mul3A_312, %add3A_313 : i32
      %mul3A_315 = arith.constant 4096 : i32
      %mul3A_316 = arith.muli %rem3A_28, %mul3A_315 : i32
      %add3A_317 = arith.constant 2432 : i32
      %add3A_318 = arith.addi %mul3A_316, %add3A_317 : i32
      %dma_start3A_319 = tpu.memref_slice %arg18[%add3A_318] : memref<8192xi32, #tpu.memory_space<vmem>> -> memref<128xi32, #tpu.memory_space<vmem>>
      %dma_start3A_320 = arith.constant 0 : i32
      %dma_start3A_321 = tpu.memref_slice %arg17[%add3A_314, %dma_start3A_320] : memref<64x128xi32, #tpu.memory_space<vmem>> -> memref<1x128xi32, #tpu.memory_space<vmem>>
      %dma_start3A_322 = tpu.memref_squeeze %dma_start3A_321 : memref<1x128xi32, #tpu.memory_space<vmem>> -> memref<128xi32, #tpu.memory_space<vmem>>
      %dma_start3A_323 = arith.constant 0 : i32
      %dma_start3A_324 = tpu.memref_slice %arg6[%dma_start3A_323] : memref<1002001xi32, #tpu.memory_space<hbm>> -> memref<1002001xi32, #tpu.memory_space<hbm>>
      tpu.enqueue_indirect_dma source(%dma_start3A_324 : memref<1002001xi32, #tpu.memory_space<hbm>>) target(%dma_start3A_319 : memref<128xi32, #tpu.memory_space<vmem>>) offsets(%dma_start3A_322 : memref<128xi32, #tpu.memory_space<vmem>>) semaphore(%arg20 : memref<!tpu.dma_semaphore, #tpu.memory_space<semaphore_mem>>)
      %mul3A_325 = arith.constant 32 : i32
      %mul3A_326 = arith.muli %rem3A_28, %mul3A_325 : i32
      %add3A_327 = arith.constant 20 : i32
      %add3A_328 = arith.addi %mul3A_326, %add3A_327 : i32
      %mul3A_329 = arith.constant 4096 : i32
      %mul3A_330 = arith.muli %rem3A_28, %mul3A_329 : i32
      %add3A_331 = arith.constant 2560 : i32
      %add3A_332 = arith.addi %mul3A_330, %add3A_331 : i32
      %dma_start3A_333 = tpu.memref_slice %arg18[%add3A_332] : memref<8192xi32, #tpu.memory_space<vmem>> -> memref<128xi32, #tpu.memory_space<vmem>>
      %dma_start3A_334 = arith.constant 0 : i32
      %dma_start3A_335 = tpu.memref_slice %arg17[%add3A_328, %dma_start3A_334] : memref<64x128xi32, #tpu.memory_space<vmem>> -> memref<1x128xi32, #tpu.memory_space<vmem>>
      %dma_start3A_336 = tpu.memref_squeeze %dma_start3A_335 : memref<1x128xi32, #tpu.memory_space<vmem>> -> memref<128xi32, #tpu.memory_space<vmem>>
      %dma_start3A_337 = arith.constant 0 : i32
      %dma_start3A_338 = tpu.memref_slice %arg6[%dma_start3A_337] : memref<1002001xi32, #tpu.memory_space<hbm>> -> memref<1002001xi32, #tpu.memory_space<hbm>>
      tpu.enqueue_indirect_dma source(%dma_start3A_338 : memref<1002001xi32, #tpu.memory_space<hbm>>) target(%dma_start3A_333 : memref<128xi32, #tpu.memory_space<vmem>>) offsets(%dma_start3A_336 : memref<128xi32, #tpu.memory_space<vmem>>) semaphore(%arg20 : memref<!tpu.dma_semaphore, #tpu.memory_space<semaphore_mem>>)
      %mul3A_339 = arith.constant 32 : i32
      %mul3A_340 = arith.muli %rem3A_28, %mul3A_339 : i32
      %add3A_341 = arith.constant 21 : i32
      %add3A_342 = arith.addi %mul3A_340, %add3A_341 : i32
      %mul3A_343 = arith.constant 4096 : i32
      %mul3A_344 = arith.muli %rem3A_28, %mul3A_343 : i32
      %add3A_345 = arith.constant 2688 : i32
      %add3A_346 = arith.addi %mul3A_344, %add3A_345 : i32
      %dma_start3A_347 = tpu.memref_slice %arg18[%add3A_346] : memref<8192xi32, #tpu.memory_space<vmem>> -> memref<128xi32, #tpu.memory_space<vmem>>
      %dma_start3A_348 = arith.constant 0 : i32
      %dma_start3A_349 = tpu.memref_slice %arg17[%add3A_342, %dma_start3A_348] : memref<64x128xi32, #tpu.memory_space<vmem>> -> memref<1x128xi32, #tpu.memory_space<vmem>>
      %dma_start3A_350 = tpu.memref_squeeze %dma_start3A_349 : memref<1x128xi32, #tpu.memory_space<vmem>> -> memref<128xi32, #tpu.memory_space<vmem>>
      %dma_start3A_351 = arith.constant 0 : i32
      %dma_start3A_352 = tpu.memref_slice %arg6[%dma_start3A_351] : memref<1002001xi32, #tpu.memory_space<hbm>> -> memref<1002001xi32, #tpu.memory_space<hbm>>
      tpu.enqueue_indirect_dma source(%dma_start3A_352 : memref<1002001xi32, #tpu.memory_space<hbm>>) target(%dma_start3A_347 : memref<128xi32, #tpu.memory_space<vmem>>) offsets(%dma_start3A_350 : memref<128xi32, #tpu.memory_space<vmem>>) semaphore(%arg20 : memref<!tpu.dma_semaphore, #tpu.memory_space<semaphore_mem>>)
      %mul3A_353 = arith.constant 32 : i32
      %mul3A_354 = arith.muli %rem3A_28, %mul3A_353 : i32
      %add3A_355 = arith.constant 22 : i32
      %add3A_356 = arith.addi %mul3A_354, %add3A_355 : i32
      %mul3A_357 = arith.constant 4096 : i32
      %mul3A_358 = arith.muli %rem3A_28, %mul3A_357 : i32
      %add3A_359 = arith.constant 2816 : i32
      %add3A_360 = arith.addi %mul3A_358, %add3A_359 : i32
      %dma_start3A_361 = tpu.memref_slice %arg18[%add3A_360] : memref<8192xi32, #tpu.memory_space<vmem>> -> memref<128xi32, #tpu.memory_space<vmem>>
      %dma_start3A_362 = arith.constant 0 : i32
      %dma_start3A_363 = tpu.memref_slice %arg17[%add3A_356, %dma_start3A_362] : memref<64x128xi32, #tpu.memory_space<vmem>> -> memref<1x128xi32, #tpu.memory_space<vmem>>
      %dma_start3A_364 = tpu.memref_squeeze %dma_start3A_363 : memref<1x128xi32, #tpu.memory_space<vmem>> -> memref<128xi32, #tpu.memory_space<vmem>>
      %dma_start3A_365 = arith.constant 0 : i32
      %dma_start3A_366 = tpu.memref_slice %arg6[%dma_start3A_365] : memref<1002001xi32, #tpu.memory_space<hbm>> -> memref<1002001xi32, #tpu.memory_space<hbm>>
      tpu.enqueue_indirect_dma source(%dma_start3A_366 : memref<1002001xi32, #tpu.memory_space<hbm>>) target(%dma_start3A_361 : memref<128xi32, #tpu.memory_space<vmem>>) offsets(%dma_start3A_364 : memref<128xi32, #tpu.memory_space<vmem>>) semaphore(%arg20 : memref<!tpu.dma_semaphore, #tpu.memory_space<semaphore_mem>>)
      %mul3A_367 = arith.constant 32 : i32
      %mul3A_368 = arith.muli %rem3A_28, %mul3A_367 : i32
      %add3A_369 = arith.constant 23 : i32
      %add3A_370 = arith.addi %mul3A_368, %add3A_369 : i32
      %mul3A_371 = arith.constant 4096 : i32
      %mul3A_372 = arith.muli %rem3A_28, %mul3A_371 : i32
      %add3A_373 = arith.constant 2944 : i32
      %add3A_374 = arith.addi %mul3A_372, %add3A_373 : i32
      %dma_start3A_375 = tpu.memref_slice %arg18[%add3A_374] : memref<8192xi32, #tpu.memory_space<vmem>> -> memref<128xi32, #tpu.memory_space<vmem>>
      %dma_start3A_376 = arith.constant 0 : i32
      %dma_start3A_377 = tpu.memref_slice %arg17[%add3A_370, %dma_start3A_376] : memref<64x128xi32, #tpu.memory_space<vmem>> -> memref<1x128xi32, #tpu.memory_space<vmem>>
      %dma_start3A_378 = tpu.memref_squeeze %dma_start3A_377 : memref<1x128xi32, #tpu.memory_space<vmem>> -> memref<128xi32, #tpu.memory_space<vmem>>
      %dma_start3A_379 = arith.constant 0 : i32
      %dma_start3A_380 = tpu.memref_slice %arg6[%dma_start3A_379] : memref<1002001xi32, #tpu.memory_space<hbm>> -> memref<1002001xi32, #tpu.memory_space<hbm>>
      tpu.enqueue_indirect_dma source(%dma_start3A_380 : memref<1002001xi32, #tpu.memory_space<hbm>>) target(%dma_start3A_375 : memref<128xi32, #tpu.memory_space<vmem>>) offsets(%dma_start3A_378 : memref<128xi32, #tpu.memory_space<vmem>>) semaphore(%arg20 : memref<!tpu.dma_semaphore, #tpu.memory_space<semaphore_mem>>)
      %mul3A_381 = arith.constant 32 : i32
      %mul3A_382 = arith.muli %rem3A_28, %mul3A_381 : i32
      %add3A_383 = arith.constant 24 : i32
      %add3A_384 = arith.addi %mul3A_382, %add3A_383 : i32
      %mul3A_385 = arith.constant 4096 : i32
      %mul3A_386 = arith.muli %rem3A_28, %mul3A_385 : i32
      %add3A_387 = arith.constant 3072 : i32
      %add3A_388 = arith.addi %mul3A_386, %add3A_387 : i32
      %dma_start3A_389 = tpu.memref_slice %arg18[%add3A_388] : memref<8192xi32, #tpu.memory_space<vmem>> -> memref<128xi32, #tpu.memory_space<vmem>>
      %dma_start3A_390 = arith.constant 0 : i32
      %dma_start3A_391 = tpu.memref_slice %arg17[%add3A_384, %dma_start3A_390] : memref<64x128xi32, #tpu.memory_space<vmem>> -> memref<1x128xi32, #tpu.memory_space<vmem>>
      %dma_start3A_392 = tpu.memref_squeeze %dma_start3A_391 : memref<1x128xi32, #tpu.memory_space<vmem>> -> memref<128xi32, #tpu.memory_space<vmem>>
      %dma_start3A_393 = arith.constant 0 : i32
      %dma_start3A_394 = tpu.memref_slice %arg6[%dma_start3A_393] : memref<1002001xi32, #tpu.memory_space<hbm>> -> memref<1002001xi32, #tpu.memory_space<hbm>>
      tpu.enqueue_indirect_dma source(%dma_start3A_394 : memref<1002001xi32, #tpu.memory_space<hbm>>) target(%dma_start3A_389 : memref<128xi32, #tpu.memory_space<vmem>>) offsets(%dma_start3A_392 : memref<128xi32, #tpu.memory_space<vmem>>) semaphore(%arg20 : memref<!tpu.dma_semaphore, #tpu.memory_space<semaphore_mem>>)
      %mul3A_395 = arith.constant 32 : i32
      %mul3A_396 = arith.muli %rem3A_28, %mul3A_395 : i32
      %add3A_397 = arith.constant 25 : i32
      %add3A_398 = arith.addi %mul3A_396, %add3A_397 : i32
      %mul3A_399 = arith.constant 4096 : i32
      %mul3A_400 = arith.muli %rem3A_28, %mul3A_399 : i32
      %add3A_401 = arith.constant 3200 : i32
      %add3A_402 = arith.addi %mul3A_400, %add3A_401 : i32
      %dma_start3A_403 = tpu.memref_slice %arg18[%add3A_402] : memref<8192xi32, #tpu.memory_space<vmem>> -> memref<128xi32, #tpu.memory_space<vmem>>
      %dma_start3A_404 = arith.constant 0 : i32
      %dma_start3A_405 = tpu.memref_slice %arg17[%add3A_398, %dma_start3A_404] : memref<64x128xi32, #tpu.memory_space<vmem>> -> memref<1x128xi32, #tpu.memory_space<vmem>>
      %dma_start3A_406 = tpu.memref_squeeze %dma_start3A_405 : memref<1x128xi32, #tpu.memory_space<vmem>> -> memref<128xi32, #tpu.memory_space<vmem>>
      %dma_start3A_407 = arith.constant 0 : i32
      %dma_start3A_408 = tpu.memref_slice %arg6[%dma_start3A_407] : memref<1002001xi32, #tpu.memory_space<hbm>> -> memref<1002001xi32, #tpu.memory_space<hbm>>
      tpu.enqueue_indirect_dma source(%dma_start3A_408 : memref<1002001xi32, #tpu.memory_space<hbm>>) target(%dma_start3A_403 : memref<128xi32, #tpu.memory_space<vmem>>) offsets(%dma_start3A_406 : memref<128xi32, #tpu.memory_space<vmem>>) semaphore(%arg20 : memref<!tpu.dma_semaphore, #tpu.memory_space<semaphore_mem>>)
      %mul3A_409 = arith.constant 32 : i32
      %mul3A_410 = arith.muli %rem3A_28, %mul3A_409 : i32
      %add3A_411 = arith.constant 26 : i32
      %add3A_412 = arith.addi %mul3A_410, %add3A_411 : i32
      %mul3A_413 = arith.constant 4096 : i32
      %mul3A_414 = arith.muli %rem3A_28, %mul3A_413 : i32
      %add3A_415 = arith.constant 3328 : i32
      %add3A_416 = arith.addi %mul3A_414, %add3A_415 : i32
      %dma_start3A_417 = tpu.memref_slice %arg18[%add3A_416] : memref<8192xi32, #tpu.memory_space<vmem>> -> memref<128xi32, #tpu.memory_space<vmem>>
      %dma_start3A_418 = arith.constant 0 : i32
      %dma_start3A_419 = tpu.memref_slice %arg17[%add3A_412, %dma_start3A_418] : memref<64x128xi32, #tpu.memory_space<vmem>> -> memref<1x128xi32, #tpu.memory_space<vmem>>
      %dma_start3A_420 = tpu.memref_squeeze %dma_start3A_419 : memref<1x128xi32, #tpu.memory_space<vmem>> -> memref<128xi32, #tpu.memory_space<vmem>>
      %dma_start3A_421 = arith.constant 0 : i32
      %dma_start3A_422 = tpu.memref_slice %arg6[%dma_start3A_421] : memref<1002001xi32, #tpu.memory_space<hbm>> -> memref<1002001xi32, #tpu.memory_space<hbm>>
      tpu.enqueue_indirect_dma source(%dma_start3A_422 : memref<1002001xi32, #tpu.memory_space<hbm>>) target(%dma_start3A_417 : memref<128xi32, #tpu.memory_space<vmem>>) offsets(%dma_start3A_420 : memref<128xi32, #tpu.memory_space<vmem>>) semaphore(%arg20 : memref<!tpu.dma_semaphore, #tpu.memory_space<semaphore_mem>>)
      %mul3A_423 = arith.constant 32 : i32
      %mul3A_424 = arith.muli %rem3A_28, %mul3A_423 : i32
      %add3A_425 = arith.constant 27 : i32
      %add3A_426 = arith.addi %mul3A_424, %add3A_425 : i32
      %mul3A_427 = arith.constant 4096 : i32
      %mul3A_428 = arith.muli %rem3A_28, %mul3A_427 : i32
      %add3A_429 = arith.constant 3456 : i32
      %add3A_430 = arith.addi %mul3A_428, %add3A_429 : i32
      %dma_start3A_431 = tpu.memref_slice %arg18[%add3A_430] : memref<8192xi32, #tpu.memory_space<vmem>> -> memref<128xi32, #tpu.memory_space<vmem>>
      %dma_start3A_432 = arith.constant 0 : i32
      %dma_start3A_433 = tpu.memref_slice %arg17[%add3A_426, %dma_start3A_432] : memref<64x128xi32, #tpu.memory_space<vmem>> -> memref<1x128xi32, #tpu.memory_space<vmem>>
      %dma_start3A_434 = tpu.memref_squeeze %dma_start3A_433 : memref<1x128xi32, #tpu.memory_space<vmem>> -> memref<128xi32, #tpu.memory_space<vmem>>
      %dma_start3A_435 = arith.constant 0 : i32
      %dma_start3A_436 = tpu.memref_slice %arg6[%dma_start3A_435] : memref<1002001xi32, #tpu.memory_space<hbm>> -> memref<1002001xi32, #tpu.memory_space<hbm>>
      tpu.enqueue_indirect_dma source(%dma_start3A_436 : memref<1002001xi32, #tpu.memory_space<hbm>>) target(%dma_start3A_431 : memref<128xi32, #tpu.memory_space<vmem>>) offsets(%dma_start3A_434 : memref<128xi32, #tpu.memory_space<vmem>>) semaphore(%arg20 : memref<!tpu.dma_semaphore, #tpu.memory_space<semaphore_mem>>)
      %mul3A_437 = arith.constant 32 : i32
      %mul3A_438 = arith.muli %rem3A_28, %mul3A_437 : i32
      %add3A_439 = arith.constant 28 : i32
      %add3A_440 = arith.addi %mul3A_438, %add3A_439 : i32
      %mul3A_441 = arith.constant 4096 : i32
      %mul3A_442 = arith.muli %rem3A_28, %mul3A_441 : i32
      %add3A_443 = arith.constant 3584 : i32
      %add3A_444 = arith.addi %mul3A_442, %add3A_443 : i32
      %dma_start3A_445 = tpu.memref_slice %arg18[%add3A_444] : memref<8192xi32, #tpu.memory_space<vmem>> -> memref<128xi32, #tpu.memory_space<vmem>>
      %dma_start3A_446 = arith.constant 0 : i32
      %dma_start3A_447 = tpu.memref_slice %arg17[%add3A_440, %dma_start3A_446] : memref<64x128xi32, #tpu.memory_space<vmem>> -> memref<1x128xi32, #tpu.memory_space<vmem>>
      %dma_start3A_448 = tpu.memref_squeeze %dma_start3A_447 : memref<1x128xi32, #tpu.memory_space<vmem>> -> memref<128xi32, #tpu.memory_space<vmem>>
      %dma_start3A_449 = arith.constant 0 : i32
      %dma_start3A_450 = tpu.memref_slice %arg6[%dma_start3A_449] : memref<1002001xi32, #tpu.memory_space<hbm>> -> memref<1002001xi32, #tpu.memory_space<hbm>>
      tpu.enqueue_indirect_dma source(%dma_start3A_450 : memref<1002001xi32, #tpu.memory_space<hbm>>) target(%dma_start3A_445 : memref<128xi32, #tpu.memory_space<vmem>>) offsets(%dma_start3A_448 : memref<128xi32, #tpu.memory_space<vmem>>) semaphore(%arg20 : memref<!tpu.dma_semaphore, #tpu.memory_space<semaphore_mem>>)
      %mul3A_451 = arith.constant 32 : i32
      %mul3A_452 = arith.muli %rem3A_28, %mul3A_451 : i32
      %add3A_453 = arith.constant 29 : i32
      %add3A_454 = arith.addi %mul3A_452, %add3A_453 : i32
      %mul3A_455 = arith.constant 4096 : i32
      %mul3A_456 = arith.muli %rem3A_28, %mul3A_455 : i32
      %add3A_457 = arith.constant 3712 : i32
      %add3A_458 = arith.addi %mul3A_456, %add3A_457 : i32
      %dma_start3A_459 = tpu.memref_slice %arg18[%add3A_458] : memref<8192xi32, #tpu.memory_space<vmem>> -> memref<128xi32, #tpu.memory_space<vmem>>
      %dma_start3A_460 = arith.constant 0 : i32
      %dma_start3A_461 = tpu.memref_slice %arg17[%add3A_454, %dma_start3A_460] : memref<64x128xi32, #tpu.memory_space<vmem>> -> memref<1x128xi32, #tpu.memory_space<vmem>>
      %dma_start3A_462 = tpu.memref_squeeze %dma_start3A_461 : memref<1x128xi32, #tpu.memory_space<vmem>> -> memref<128xi32, #tpu.memory_space<vmem>>
      %dma_start3A_463 = arith.constant 0 : i32
      %dma_start3A_464 = tpu.memref_slice %arg6[%dma_start3A_463] : memref<1002001xi32, #tpu.memory_space<hbm>> -> memref<1002001xi32, #tpu.memory_space<hbm>>
      tpu.enqueue_indirect_dma source(%dma_start3A_464 : memref<1002001xi32, #tpu.memory_space<hbm>>) target(%dma_start3A_459 : memref<128xi32, #tpu.memory_space<vmem>>) offsets(%dma_start3A_462 : memref<128xi32, #tpu.memory_space<vmem>>) semaphore(%arg20 : memref<!tpu.dma_semaphore, #tpu.memory_space<semaphore_mem>>)
      %mul3A_465 = arith.constant 32 : i32
      %mul3A_466 = arith.muli %rem3A_28, %mul3A_465 : i32
      %add3A_467 = arith.constant 30 : i32
      %add3A_468 = arith.addi %mul3A_466, %add3A_467 : i32
      %mul3A_469 = arith.constant 4096 : i32
      %mul3A_470 = arith.muli %rem3A_28, %mul3A_469 : i32
      %add3A_471 = arith.constant 3840 : i32
      %add3A_472 = arith.addi %mul3A_470, %add3A_471 : i32
      %dma_start3A_473 = tpu.memref_slice %arg18[%add3A_472] : memref<8192xi32, #tpu.memory_space<vmem>> -> memref<128xi32, #tpu.memory_space<vmem>>
      %dma_start3A_474 = arith.constant 0 : i32
      %dma_start3A_475 = tpu.memref_slice %arg17[%add3A_468, %dma_start3A_474] : memref<64x128xi32, #tpu.memory_space<vmem>> -> memref<1x128xi32, #tpu.memory_space<vmem>>
      %dma_start3A_476 = tpu.memref_squeeze %dma_start3A_475 : memref<1x128xi32, #tpu.memory_space<vmem>> -> memref<128xi32, #tpu.memory_space<vmem>>
      %dma_start3A_477 = arith.constant 0 : i32
      %dma_start3A_478 = tpu.memref_slice %arg6[%dma_start3A_477] : memref<1002001xi32, #tpu.memory_space<hbm>> -> memref<1002001xi32, #tpu.memory_space<hbm>>
      tpu.enqueue_indirect_dma source(%dma_start3A_478 : memref<1002001xi32, #tpu.memory_space<hbm>>) target(%dma_start3A_473 : memref<128xi32, #tpu.memory_space<vmem>>) offsets(%dma_start3A_476 : memref<128xi32, #tpu.memory_space<vmem>>) semaphore(%arg20 : memref<!tpu.dma_semaphore, #tpu.memory_space<semaphore_mem>>)
      %mul3A_479 = arith.constant 32 : i32
      %mul3A_480 = arith.muli %rem3A_28, %mul3A_479 : i32
      %add3A_481 = arith.constant 31 : i32
      %add3A_482 = arith.addi %mul3A_480, %add3A_481 : i32
      %mul3A_483 = arith.constant 4096 : i32
      %mul3A_484 = arith.muli %rem3A_28, %mul3A_483 : i32
      %add3A_485 = arith.constant 3968 : i32
      %add3A_486 = arith.addi %mul3A_484, %add3A_485 : i32
      %dma_start3A_487 = tpu.memref_slice %arg18[%add3A_486] : memref<8192xi32, #tpu.memory_space<vmem>> -> memref<128xi32, #tpu.memory_space<vmem>>
      %dma_start3A_488 = arith.constant 0 : i32
      %dma_start3A_489 = tpu.memref_slice %arg17[%add3A_482, %dma_start3A_488] : memref<64x128xi32, #tpu.memory_space<vmem>> -> memref<1x128xi32, #tpu.memory_space<vmem>>
      %dma_start3A_490 = tpu.memref_squeeze %dma_start3A_489 : memref<1x128xi32, #tpu.memory_space<vmem>> -> memref<128xi32, #tpu.memory_space<vmem>>
      %dma_start3A_491 = arith.constant 0 : i32
      %dma_start3A_492 = tpu.memref_slice %arg6[%dma_start3A_491] : memref<1002001xi32, #tpu.memory_space<hbm>> -> memref<1002001xi32, #tpu.memory_space<hbm>>
      tpu.enqueue_indirect_dma source(%dma_start3A_492 : memref<1002001xi32, #tpu.memory_space<hbm>>) target(%dma_start3A_487 : memref<128xi32, #tpu.memory_space<vmem>>) offsets(%dma_start3A_490 : memref<128xi32, #tpu.memory_space<vmem>>) semaphore(%arg20 : memref<!tpu.dma_semaphore, #tpu.memory_space<semaphore_mem>>)
      %gt3A = arith.constant 0 : i32
      %gt3A_493 = arith.cmpi sgt, %scan3A_27, %gt3A : i32
      %convert_element_type3A = arith.extui %gt3A_493 : i1 to i32
      %cond3A = arith.constant 0 : i32
      %cond3A_494 = arith.cmpi ne, %convert_element_type3A, %cond3A : i32
      scf.if %cond3A_494 {
        %sub3A = arith.constant 1 : i32
        %sub3A_495 = arith.subi %sub3A, %rem3A_28 : i32
        %sub3A_496 = arith.constant 4096 : i32
        %sub3A_497 = arith.subi %add3A_33, %sub3A_496 : i32
        %mul3A_498 = arith.constant 4096 : i32
        %mul3A_499 = arith.muli %sub3A_495, %mul3A_498 : i32
        %dma_wait3A_500 = tpu.memref_slice %arg18[%mul3A_499] : memref<8192xi32, #tpu.memory_space<vmem>> -> memref<4096xi32, #tpu.memory_space<vmem>>
        %dma_wait3A_501 = arith.constant 0 : i32
        %dma_wait3A_502 = tpu.memref_slice %arg6[%dma_wait3A_501] : memref<1002001xi32, #tpu.memory_space<hbm>> -> memref<4096xi32, #tpu.memory_space<hbm>>
        %dma_wait3A_503 = tpu.memref_slice %arg18[%mul3A_499] : memref<8192xi32, #tpu.memory_space<vmem>> -> memref<4096xi32, #tpu.memory_space<vmem>>
        %dma_wait3A_504 = arith.constant 0 : i32
        %dma_wait3A_505 = tpu.memref_slice %arg6[%dma_wait3A_504] : memref<1002001xi32, #tpu.memory_space<hbm>> -> memref<4096xi32, #tpu.memory_space<hbm>>
        tpu.wait_dma2 semaphore(%arg20 : memref<!tpu.dma_semaphore, #tpu.memory_space<semaphore_mem>>) src(%dma_wait3A_505 : memref<4096xi32, #tpu.memory_space<hbm>>) dst(%dma_wait3A_503 : memref<4096xi32, #tpu.memory_space<vmem>>)
        %mul3A_506 = arith.constant 4096 : i32
        %mul3A_507 = arith.muli %sub3A_495, %mul3A_506 : i32
        %parallel_loop3A_508 = arith.constant 0 : i32
        %parallel_loop3A_509 = arith.constant 256 : i32
        %parallel_loop3A_510 = arith.constant 1 : i32
        scf.for %parallel_loop3A_518 = %parallel_loop3A_508 to %parallel_loop3A_509 step %parallel_loop3A_510  : i32 {
          %parallel_loop3A_519 = arith.constant 16 : i32
          %parallel_loop3A_520 = arith.muli %parallel_loop3A_518, %parallel_loop3A_519 : i32
          %parallel_loop3A_521 = arith.addi %mul3A_507, %parallel_loop3A_520 : i32
          %parallel_loop3A_522 = arith.index_cast %parallel_loop3A_521 : i32 to index
          %parallel_loop3A_523 = tpu.vector_load %arg18[%parallel_loop3A_522] {strides = array<i32>} : memref<8192xi32, #tpu.memory_space<vmem>>, vector<16xi32>,
          %parallel_loop3A_524 = arith.index_cast %parallel_loop3A_521 : i32 to index
          %parallel_loop3A_525 = tpu.vector_load %arg14[%parallel_loop3A_524] {strides = array<i32>} : memref<8192xf32, #tpu.memory_space<vmem>>, vector<16xf32>,
          %parallel_loop3A_526 = arith.index_cast %parallel_loop3A_521 : i32 to index
          %parallel_loop3A_527 = tpu.vector_load %arg15[%parallel_loop3A_526] {strides = array<i32>} : memref<8192xf32, #tpu.memory_space<vmem>>, vector<16xf32>,
          %parallel_loop3A_528 = arith.index_cast %parallel_loop3A_521 : i32 to index
          %parallel_loop3A_529 = tpu.vector_load %arg16[%parallel_loop3A_528] {strides = array<i32>} : memref<8192xf32, #tpu.memory_space<vmem>>, vector<16xf32>,
          %parallel_loop3A_530 = arith.constant 0 : i32
          %parallel_loop3A_531 = vector.broadcast %parallel_loop3A_530 : i32 to vector<16xi32>
          %parallel_loop3A_532 = arith.addi %parallel_loop3A_523, %parallel_loop3A_531 : vector<16xi32>
          %parallel_loop3A_533 = tpu.vector_load_idx %arg11[%parallel_loop3A_532] : memref<24320xf32, #tpu.memory_space<vmem>>[vector<16xi32>], vector<16xf32>,
          %parallel_loop3A_534 = arith.constant 1280 : i32
          %parallel_loop3A_535 = vector.broadcast %parallel_loop3A_534 : i32 to vector<16xi32>
          %parallel_loop3A_536 = arith.addi %parallel_loop3A_523, %parallel_loop3A_535 : vector<16xi32>
          %parallel_loop3A_537 = tpu.vector_load_idx %arg11[%parallel_loop3A_536] : memref<24320xf32, #tpu.memory_space<vmem>>[vector<16xi32>], vector<16xf32>,
          %parallel_loop3A_538 = arith.constant 2560 : i32
          %parallel_loop3A_539 = vector.broadcast %parallel_loop3A_538 : i32 to vector<16xi32>
          %parallel_loop3A_540 = arith.addi %parallel_loop3A_523, %parallel_loop3A_539 : vector<16xi32>
          %parallel_loop3A_541 = tpu.vector_load_idx %arg11[%parallel_loop3A_540] : memref<24320xf32, #tpu.memory_space<vmem>>[vector<16xi32>], vector<16xf32>,
          %parallel_loop3A_542 = arith.constant 3840 : i32
          %parallel_loop3A_543 = vector.broadcast %parallel_loop3A_542 : i32 to vector<16xi32>
          %parallel_loop3A_544 = arith.addi %parallel_loop3A_523, %parallel_loop3A_543 : vector<16xi32>
          %parallel_loop3A_545 = tpu.vector_load_idx %arg11[%parallel_loop3A_544] : memref<24320xf32, #tpu.memory_space<vmem>>[vector<16xi32>], vector<16xf32>,
          %parallel_loop3A_546 = arith.constant 5120 : i32
          %parallel_loop3A_547 = vector.broadcast %parallel_loop3A_546 : i32 to vector<16xi32>
          %parallel_loop3A_548 = arith.addi %parallel_loop3A_523, %parallel_loop3A_547 : vector<16xi32>
          %parallel_loop3A_549 = tpu.vector_load_idx %arg11[%parallel_loop3A_548] : memref<24320xf32, #tpu.memory_space<vmem>>[vector<16xi32>], vector<16xf32>,
          %parallel_loop3A_550 = arith.constant 6400 : i32
          %parallel_loop3A_551 = vector.broadcast %parallel_loop3A_550 : i32 to vector<16xi32>
          %parallel_loop3A_552 = arith.addi %parallel_loop3A_523, %parallel_loop3A_551 : vector<16xi32>
          %parallel_loop3A_553 = tpu.vector_load_idx %arg11[%parallel_loop3A_552] : memref<24320xf32, #tpu.memory_space<vmem>>[vector<16xi32>], vector<16xf32>,
          %parallel_loop3A_554 = arith.constant 7680 : i32
          %parallel_loop3A_555 = vector.broadcast %parallel_loop3A_554 : i32 to vector<16xi32>
          %parallel_loop3A_556 = arith.addi %parallel_loop3A_523, %parallel_loop3A_555 : vector<16xi32>
          %parallel_loop3A_557 = tpu.vector_load_idx %arg11[%parallel_loop3A_556] : memref<24320xf32, #tpu.memory_space<vmem>>[vector<16xi32>], vector<16xf32>,
          %parallel_loop3A_558 = arith.constant 8960 : i32
          %parallel_loop3A_559 = vector.broadcast %parallel_loop3A_558 : i32 to vector<16xi32>
          %parallel_loop3A_560 = arith.addi %parallel_loop3A_523, %parallel_loop3A_559 : vector<16xi32>
          %parallel_loop3A_561 = tpu.vector_load_idx %arg11[%parallel_loop3A_560] : memref<24320xf32, #tpu.memory_space<vmem>>[vector<16xi32>], vector<16xf32>,
          %parallel_loop3A_562 = arith.constant 10240 : i32
          %parallel_loop3A_563 = vector.broadcast %parallel_loop3A_562 : i32 to vector<16xi32>
          %parallel_loop3A_564 = arith.addi %parallel_loop3A_523, %parallel_loop3A_563 : vector<16xi32>
          %parallel_loop3A_565 = tpu.vector_load_idx %arg11[%parallel_loop3A_564] : memref<24320xf32, #tpu.memory_space<vmem>>[vector<16xi32>], vector<16xf32>,
          %parallel_loop3A_566 = arith.subf %parallel_loop3A_557, %parallel_loop3A_545 : vector<16xf32>
          %parallel_loop3A_567 = arith.subf %parallel_loop3A_561, %parallel_loop3A_549 : vector<16xf32>
          %parallel_loop3A_568 = arith.subf %parallel_loop3A_565, %parallel_loop3A_553 : vector<16xf32>
          %parallel_loop3A_569 = arith.subf %parallel_loop3A_525, %parallel_loop3A_533 : vector<16xf32>
          %parallel_loop3A_570 = arith.subf %parallel_loop3A_527, %parallel_loop3A_537 : vector<16xf32>
          %parallel_loop3A_571 = arith.subf %parallel_loop3A_529, %parallel_loop3A_541 : vector<16xf32>
          %parallel_loop3A_572 = arith.subf %parallel_loop3A_569, %parallel_loop3A_545 : vector<16xf32>
          %parallel_loop3A_573 = arith.subf %parallel_loop3A_570, %parallel_loop3A_549 : vector<16xf32>
          %parallel_loop3A_574 = arith.subf %parallel_loop3A_571, %parallel_loop3A_553 : vector<16xf32>
          %parallel_loop3A_575 = arith.mulf %parallel_loop3A_549, %parallel_loop3A_571 : vector<16xf32>
          %parallel_loop3A_576 = arith.mulf %parallel_loop3A_553, %parallel_loop3A_570 : vector<16xf32>
          %parallel_loop3A_577 = arith.subf %parallel_loop3A_575, %parallel_loop3A_576 : vector<16xf32>
          %parallel_loop3A_578 = arith.mulf %parallel_loop3A_553, %parallel_loop3A_569 : vector<16xf32>
          %parallel_loop3A_579 = arith.mulf %parallel_loop3A_545, %parallel_loop3A_571 : vector<16xf32>
          %parallel_loop3A_580 = arith.subf %parallel_loop3A_578, %parallel_loop3A_579 : vector<16xf32>
          %parallel_loop3A_581 = arith.mulf %parallel_loop3A_545, %parallel_loop3A_570 : vector<16xf32>
          %parallel_loop3A_582 = arith.mulf %parallel_loop3A_549, %parallel_loop3A_569 : vector<16xf32>
          %parallel_loop3A_583 = arith.subf %parallel_loop3A_581, %parallel_loop3A_582 : vector<16xf32>
          %parallel_loop3A_584 = arith.mulf %parallel_loop3A_561, %parallel_loop3A_571 : vector<16xf32>
          %parallel_loop3A_585 = arith.mulf %parallel_loop3A_565, %parallel_loop3A_570 : vector<16xf32>
          %parallel_loop3A_586 = arith.subf %parallel_loop3A_584, %parallel_loop3A_585 : vector<16xf32>
          %parallel_loop3A_587 = arith.mulf %parallel_loop3A_565, %parallel_loop3A_569 : vector<16xf32>
          %parallel_loop3A_588 = arith.mulf %parallel_loop3A_557, %parallel_loop3A_571 : vector<16xf32>
          %parallel_loop3A_589 = arith.subf %parallel_loop3A_587, %parallel_loop3A_588 : vector<16xf32>
          %parallel_loop3A_590 = arith.mulf %parallel_loop3A_557, %parallel_loop3A_570 : vector<16xf32>
          %parallel_loop3A_591 = arith.mulf %parallel_loop3A_561, %parallel_loop3A_569 : vector<16xf32>
          %parallel_loop3A_592 = arith.subf %parallel_loop3A_590, %parallel_loop3A_591 : vector<16xf32>
          %parallel_loop3A_593 = arith.mulf %parallel_loop3A_567, %parallel_loop3A_574 : vector<16xf32>
          %parallel_loop3A_594 = arith.mulf %parallel_loop3A_568, %parallel_loop3A_573 : vector<16xf32>
          %parallel_loop3A_595 = arith.subf %parallel_loop3A_593, %parallel_loop3A_594 : vector<16xf32>
          %parallel_loop3A_596 = arith.mulf %parallel_loop3A_568, %parallel_loop3A_572 : vector<16xf32>
          %parallel_loop3A_597 = arith.mulf %parallel_loop3A_566, %parallel_loop3A_574 : vector<16xf32>
          %parallel_loop3A_598 = arith.subf %parallel_loop3A_596, %parallel_loop3A_597 : vector<16xf32>
          %parallel_loop3A_599 = arith.mulf %parallel_loop3A_566, %parallel_loop3A_573 : vector<16xf32>
          %parallel_loop3A_600 = arith.mulf %parallel_loop3A_567, %parallel_loop3A_572 : vector<16xf32>
          %parallel_loop3A_601 = arith.subf %parallel_loop3A_599, %parallel_loop3A_600 : vector<16xf32>
          %parallel_loop3A_602 = arith.mulf %parallel_loop3A_577, %parallel_loop3A_577 : vector<16xf32>
          %parallel_loop3A_603 = arith.mulf %parallel_loop3A_580, %parallel_loop3A_580 : vector<16xf32>
          %parallel_loop3A_604 = arith.addf %parallel_loop3A_602, %parallel_loop3A_603 : vector<16xf32>
          %parallel_loop3A_605 = arith.mulf %parallel_loop3A_583, %parallel_loop3A_583 : vector<16xf32>
          %parallel_loop3A_606 = arith.addf %parallel_loop3A_604, %parallel_loop3A_605 : vector<16xf32>
          %parallel_loop3A_607 = arith.mulf %parallel_loop3A_586, %parallel_loop3A_586 : vector<16xf32>
          %parallel_loop3A_608 = arith.mulf %parallel_loop3A_589, %parallel_loop3A_589 : vector<16xf32>
          %parallel_loop3A_609 = arith.addf %parallel_loop3A_607, %parallel_loop3A_608 : vector<16xf32>
          %parallel_loop3A_610 = arith.mulf %parallel_loop3A_592, %parallel_loop3A_592 : vector<16xf32>
          %parallel_loop3A_611 = arith.addf %parallel_loop3A_609, %parallel_loop3A_610 : vector<16xf32>
          %parallel_loop3A_612 = arith.mulf %parallel_loop3A_595, %parallel_loop3A_595 : vector<16xf32>
          %parallel_loop3A_613 = arith.mulf %parallel_loop3A_598, %parallel_loop3A_598 : vector<16xf32>
          %parallel_loop3A_614 = arith.addf %parallel_loop3A_612, %parallel_loop3A_613 : vector<16xf32>
          %parallel_loop3A_615 = arith.mulf %parallel_loop3A_601, %parallel_loop3A_601 : vector<16xf32>
          %parallel_loop3A_616 = arith.addf %parallel_loop3A_614, %parallel_loop3A_615 : vector<16xf32>
          %parallel_loop3A_617 = arith.constant 23040 : i32
          %parallel_loop3A_618 = vector.broadcast %parallel_loop3A_617 : i32 to vector<16xi32>
          %parallel_loop3A_619 = arith.addi %parallel_loop3A_523, %parallel_loop3A_618 : vector<16xi32>
          %parallel_loop3A_620 = tpu.vector_load_idx %arg11[%parallel_loop3A_619] : memref<24320xf32, #tpu.memory_space<vmem>>[vector<16xi32>], vector<16xf32>,
          %parallel_loop3A_621 = vector.bitcast %parallel_loop3A_606 : vector<16xf32> to vector<16xi32>
          %parallel_loop3A_622 = arith.constant 1 : i32
          %parallel_loop3A_623 = vector.broadcast %parallel_loop3A_622 : i32 to vector<16xi32>
          %parallel_loop3A_624 = arith.shrui %parallel_loop3A_621, %parallel_loop3A_623 : vector<16xi32>
          %parallel_loop3A_625 = arith.constant 1597463007 : i32
          %parallel_loop3A_626 = vector.broadcast %parallel_loop3A_625 : i32 to vector<16xi32>
          %parallel_loop3A_627 = arith.subi %parallel_loop3A_626, %parallel_loop3A_624 : vector<16xi32>
          %parallel_loop3A_628 = vector.bitcast %parallel_loop3A_627 : vector<16xi32> to vector<16xf32>
          %parallel_loop3A_629 = arith.constant 5.000000e-01 : f32
          %parallel_loop3A_630 = vector.broadcast %parallel_loop3A_629 : f32 to vector<16xf32>
          %parallel_loop3A_631 = arith.mulf %parallel_loop3A_630, %parallel_loop3A_606 : vector<16xf32>
          %parallel_loop3A_632 = arith.mulf %parallel_loop3A_631, %parallel_loop3A_628 : vector<16xf32>
          %parallel_loop3A_633 = arith.mulf %parallel_loop3A_632, %parallel_loop3A_628 : vector<16xf32>
          %parallel_loop3A_634 = arith.constant 1.500000e+00 : f32
          %parallel_loop3A_635 = vector.broadcast %parallel_loop3A_634 : f32 to vector<16xf32>
          %parallel_loop3A_636 = arith.subf %parallel_loop3A_635, %parallel_loop3A_633 : vector<16xf32>
          %parallel_loop3A_637 = arith.mulf %parallel_loop3A_628, %parallel_loop3A_636 : vector<16xf32>
          %parallel_loop3A_638 = arith.mulf %parallel_loop3A_606, %parallel_loop3A_637 : vector<16xf32>
          %parallel_loop3A_639 = arith.mulf %parallel_loop3A_638, %parallel_loop3A_620 : vector<16xf32>
          %parallel_loop3A_640 = vector.bitcast %parallel_loop3A_611 : vector<16xf32> to vector<16xi32>
          %parallel_loop3A_641 = arith.constant 1 : i32
          %parallel_loop3A_642 = vector.broadcast %parallel_loop3A_641 : i32 to vector<16xi32>
          %parallel_loop3A_643 = arith.shrui %parallel_loop3A_640, %parallel_loop3A_642 : vector<16xi32>
          %parallel_loop3A_644 = arith.constant 1597463007 : i32
          %parallel_loop3A_645 = vector.broadcast %parallel_loop3A_644 : i32 to vector<16xi32>
          %parallel_loop3A_646 = arith.subi %parallel_loop3A_645, %parallel_loop3A_643 : vector<16xi32>
          %parallel_loop3A_647 = vector.bitcast %parallel_loop3A_646 : vector<16xi32> to vector<16xf32>
          %parallel_loop3A_648 = arith.constant 5.000000e-01 : f32
          %parallel_loop3A_649 = vector.broadcast %parallel_loop3A_648 : f32 to vector<16xf32>
          %parallel_loop3A_650 = arith.mulf %parallel_loop3A_649, %parallel_loop3A_611 : vector<16xf32>
          %parallel_loop3A_651 = arith.mulf %parallel_loop3A_650, %parallel_loop3A_647 : vector<16xf32>
          %parallel_loop3A_652 = arith.mulf %parallel_loop3A_651, %parallel_loop3A_647 : vector<16xf32>
          %parallel_loop3A_653 = arith.constant 1.500000e+00 : f32
          %parallel_loop3A_654 = vector.broadcast %parallel_loop3A_653 : f32 to vector<16xf32>
          %parallel_loop3A_655 = arith.subf %parallel_loop3A_654, %parallel_loop3A_652 : vector<16xf32>
          %parallel_loop3A_656 = arith.mulf %parallel_loop3A_647, %parallel_loop3A_655 : vector<16xf32>
          %parallel_loop3A_657 = arith.mulf %parallel_loop3A_611, %parallel_loop3A_656 : vector<16xf32>
          %parallel_loop3A_658 = arith.mulf %parallel_loop3A_657, %parallel_loop3A_620 : vector<16xf32>
          %parallel_loop3A_659 = vector.bitcast %parallel_loop3A_616 : vector<16xf32> to vector<16xi32>
          %parallel_loop3A_660 = arith.constant 1 : i32
          %parallel_loop3A_661 = vector.broadcast %parallel_loop3A_660 : i32 to vector<16xi32>
          %parallel_loop3A_662 = arith.shrui %parallel_loop3A_659, %parallel_loop3A_661 : vector<16xi32>
          %parallel_loop3A_663 = arith.constant 1597463007 : i32
          %parallel_loop3A_664 = vector.broadcast %parallel_loop3A_663 : i32 to vector<16xi32>
          %parallel_loop3A_665 = arith.subi %parallel_loop3A_664, %parallel_loop3A_662 : vector<16xi32>
          %parallel_loop3A_666 = vector.bitcast %parallel_loop3A_665 : vector<16xi32> to vector<16xf32>
          %parallel_loop3A_667 = arith.constant 5.000000e-01 : f32
          %parallel_loop3A_668 = vector.broadcast %parallel_loop3A_667 : f32 to vector<16xf32>
          %parallel_loop3A_669 = arith.mulf %parallel_loop3A_668, %parallel_loop3A_616 : vector<16xf32>
          %parallel_loop3A_670 = arith.mulf %parallel_loop3A_669, %parallel_loop3A_666 : vector<16xf32>
          %parallel_loop3A_671 = arith.mulf %parallel_loop3A_670, %parallel_loop3A_666 : vector<16xf32>
          %parallel_loop3A_672 = arith.constant 1.500000e+00 : f32
          %parallel_loop3A_673 = vector.broadcast %parallel_loop3A_672 : f32 to vector<16xf32>
          %parallel_loop3A_674 = arith.subf %parallel_loop3A_673, %parallel_loop3A_671 : vector<16xf32>
          %parallel_loop3A_675 = arith.mulf %parallel_loop3A_666, %parallel_loop3A_674 : vector<16xf32>
          %parallel_loop3A_676 = arith.mulf %parallel_loop3A_616, %parallel_loop3A_675 : vector<16xf32>
          %parallel_loop3A_677 = arith.mulf %parallel_loop3A_676, %parallel_loop3A_620 : vector<16xf32>
          %parallel_loop3A_678 = arith.addf %parallel_loop3A_677, %parallel_loop3A_658 : vector<16xf32>
          %parallel_loop3A_679 = arith.addf %parallel_loop3A_678, %parallel_loop3A_639 : vector<16xf32>
          %parallel_loop3A_680 = arith.constant 9.99999996E-13 : f32
          %parallel_loop3A_681 = vector.broadcast %parallel_loop3A_680 : f32 to vector<16xf32>
          %parallel_loop3A_682 = arith.maximumf %parallel_loop3A_679, %parallel_loop3A_681 : vector<16xf32>
          %parallel_loop3A_683 = arith.constant 1.000000e+00 : f32
          %parallel_loop3A_684 = vector.broadcast %parallel_loop3A_683 : f32 to vector<16xf32>
          %parallel_loop3A_685 = arith.divf %parallel_loop3A_684, %parallel_loop3A_682 : vector<16xf32>
          %parallel_loop3A_686 = arith.mulf %parallel_loop3A_677, %parallel_loop3A_685 : vector<16xf32>
          %parallel_loop3A_687 = arith.mulf %parallel_loop3A_658, %parallel_loop3A_685 : vector<16xf32>
          %parallel_loop3A_688 = arith.mulf %parallel_loop3A_639, %parallel_loop3A_685 : vector<16xf32>
          %parallel_loop3A_689 = arith.constant 11520 : i32
          %parallel_loop3A_690 = vector.broadcast %parallel_loop3A_689 : i32 to vector<16xi32>
          %parallel_loop3A_691 = arith.addi %parallel_loop3A_523, %parallel_loop3A_690 : vector<16xi32>
          %parallel_loop3A_692 = tpu.vector_load_idx %arg11[%parallel_loop3A_691] : memref<24320xf32, #tpu.memory_space<vmem>>[vector<16xi32>], vector<16xf32>,
          %parallel_loop3A_693 = arith.mulf %parallel_loop3A_692, %parallel_loop3A_686 : vector<16xf32>
          %parallel_loop3A_694 = arith.constant 15360 : i32
          %parallel_loop3A_695 = vector.broadcast %parallel_loop3A_694 : i32 to vector<16xi32>
          %parallel_loop3A_696 = arith.addi %parallel_loop3A_523, %parallel_loop3A_695 : vector<16xi32>
          %parallel_loop3A_697 = tpu.vector_load_idx %arg11[%parallel_loop3A_696] : memref<24320xf32, #tpu.memory_space<vmem>>[vector<16xi32>], vector<16xf32>,
          %parallel_loop3A_698 = arith.mulf %parallel_loop3A_697, %parallel_loop3A_687 : vector<16xf32>
          %parallel_loop3A_699 = arith.addf %parallel_loop3A_693, %parallel_loop3A_698 : vector<16xf32>
          %parallel_loop3A_700 = arith.constant 19200 : i32
          %parallel_loop3A_701 = vector.broadcast %parallel_loop3A_700 : i32 to vector<16xi32>
          %parallel_loop3A_702 = arith.addi %parallel_loop3A_523, %parallel_loop3A_701 : vector<16xi32>
          %parallel_loop3A_703 = tpu.vector_load_idx %arg11[%parallel_loop3A_702] : memref<24320xf32, #tpu.memory_space<vmem>>[vector<16xi32>], vector<16xf32>,
          %parallel_loop3A_704 = arith.mulf %parallel_loop3A_703, %parallel_loop3A_688 : vector<16xf32>
          %parallel_loop3A_705 = arith.addf %parallel_loop3A_699, %parallel_loop3A_704 : vector<16xf32>
          %parallel_loop3A_706 = arith.constant 16 : i32
          %parallel_loop3A_707 = arith.muli %parallel_loop3A_518, %parallel_loop3A_706 : i32
          %parallel_loop3A_708 = arith.constant 0 : i32
          %parallel_loop3A_709 = arith.addi %parallel_loop3A_708, %parallel_loop3A_707 : i32
          %parallel_loop3A_710 = arith.index_cast %parallel_loop3A_709 : i32 to index
          %parallel_loop3A_711 = tpu.vector_load %arg19[%parallel_loop3A_710] {strides = array<i32>} : memref<12288xf32, #tpu.memory_space<vmem>>, vector<16xf32>,
          tpu.vector_store %arg19[%parallel_loop3A_710], %parallel_loop3A_705 {strides = array<i32>} : memref<12288xf32, #tpu.memory_space<vmem>>, vector<16xf32>,
          %parallel_loop3A_712 = arith.constant 12800 : i32
          %parallel_loop3A_713 = vector.broadcast %parallel_loop3A_712 : i32 to vector<16xi32>
          %parallel_loop3A_714 = arith.addi %parallel_loop3A_523, %parallel_loop3A_713 : vector<16xi32>
          %parallel_loop3A_715 = tpu.vector_load_idx %arg11[%parallel_loop3A_714] : memref<24320xf32, #tpu.memory_space<vmem>>[vector<16xi32>], vector<16xf32>,
          %parallel_loop3A_716 = arith.mulf %parallel_loop3A_715, %parallel_loop3A_686 : vector<16xf32>
          %parallel_loop3A_717 = arith.constant 16640 : i32
          %parallel_loop3A_718 = vector.broadcast %parallel_loop3A_717 : i32 to vector<16xi32>
          %parallel_loop3A_719 = arith.addi %parallel_loop3A_523, %parallel_loop3A_718 : vector<16xi32>
          %parallel_loop3A_720 = tpu.vector_load_idx %arg11[%parallel_loop3A_719] : memref<24320xf32, #tpu.memory_space<vmem>>[vector<16xi32>], vector<16xf32>,
          %parallel_loop3A_721 = arith.mulf %parallel_loop3A_720, %parallel_loop3A_687 : vector<16xf32>
          %parallel_loop3A_722 = arith.addf %parallel_loop3A_716, %parallel_loop3A_721 : vector<16xf32>
          %parallel_loop3A_723 = arith.constant 20480 : i32
          %parallel_loop3A_724 = vector.broadcast %parallel_loop3A_723 : i32 to vector<16xi32>
          %parallel_loop3A_725 = arith.addi %parallel_loop3A_523, %parallel_loop3A_724 : vector<16xi32>
          %parallel_loop3A_726 = tpu.vector_load_idx %arg11[%parallel_loop3A_725] : memref<24320xf32, #tpu.memory_space<vmem>>[vector<16xi32>], vector<16xf32>,
          %parallel_loop3A_727 = arith.mulf %parallel_loop3A_726, %parallel_loop3A_688 : vector<16xf32>
          %parallel_loop3A_728 = arith.addf %parallel_loop3A_722, %parallel_loop3A_727 : vector<16xf32>
          %parallel_loop3A_729 = arith.constant 16 : i32
          %parallel_loop3A_730 = arith.muli %parallel_loop3A_518, %parallel_loop3A_729 : i32
          %parallel_loop3A_731 = arith.constant 4096 : i32
          %parallel_loop3A_732 = arith.addi %parallel_loop3A_731, %parallel_loop3A_730 : i32
          %parallel_loop3A_733 = arith.index_cast %parallel_loop3A_732 : i32 to index
          %parallel_loop3A_734 = tpu.vector_load %arg19[%parallel_loop3A_733] {strides = array<i32>} : memref<12288xf32, #tpu.memory_space<vmem>>, vector<16xf32>,
          tpu.vector_store %arg19[%parallel_loop3A_733], %parallel_loop3A_728 {strides = array<i32>} : memref<12288xf32, #tpu.memory_space<vmem>>, vector<16xf32>,
          %parallel_loop3A_735 = arith.constant 14080 : i32
          %parallel_loop3A_736 = vector.broadcast %parallel_loop3A_735 : i32 to vector<16xi32>
          %parallel_loop3A_737 = arith.addi %parallel_loop3A_523, %parallel_loop3A_736 : vector<16xi32>
          %parallel_loop3A_738 = tpu.vector_load_idx %arg11[%parallel_loop3A_737] : memref<24320xf32, #tpu.memory_space<vmem>>[vector<16xi32>], vector<16xf32>,
          %parallel_loop3A_739 = arith.mulf %parallel_loop3A_738, %parallel_loop3A_686 : vector<16xf32>
          %parallel_loop3A_740 = arith.constant 17920 : i32
          %parallel_loop3A_741 = vector.broadcast %parallel_loop3A_740 : i32 to vector<16xi32>
          %parallel_loop3A_742 = arith.addi %parallel_loop3A_523, %parallel_loop3A_741 : vector<16xi32>
          %parallel_loop3A_743 = tpu.vector_load_idx %arg11[%parallel_loop3A_742] : memref<24320xf32, #tpu.memory_space<vmem>>[vector<16xi32>], vector<16xf32>,
          %parallel_loop3A_744 = arith.mulf %parallel_loop3A_743, %parallel_loop3A_687 : vector<16xf32>
          %parallel_loop3A_745 = arith.addf %parallel_loop3A_739, %parallel_loop3A_744 : vector<16xf32>
          %parallel_loop3A_746 = arith.constant 21760 : i32
          %parallel_loop3A_747 = vector.broadcast %parallel_loop3A_746 : i32 to vector<16xi32>
          %parallel_loop3A_748 = arith.addi %parallel_loop3A_523, %parallel_loop3A_747 : vector<16xi32>
          %parallel_loop3A_749 = tpu.vector_load_idx %arg11[%parallel_loop3A_748] : memref<24320xf32, #tpu.memory_space<vmem>>[vector<16xi32>], vector<16xf32>,
          %parallel_loop3A_750 = arith.mulf %parallel_loop3A_749, %parallel_loop3A_688 : vector<16xf32>
          %parallel_loop3A_751 = arith.addf %parallel_loop3A_745, %parallel_loop3A_750 : vector<16xf32>
          %parallel_loop3A_752 = arith.constant 16 : i32
          %parallel_loop3A_753 = arith.muli %parallel_loop3A_518, %parallel_loop3A_752 : i32
          %parallel_loop3A_754 = arith.constant 8192 : i32
          %parallel_loop3A_755 = arith.addi %parallel_loop3A_754, %parallel_loop3A_753 : i32
          %parallel_loop3A_756 = arith.index_cast %parallel_loop3A_755 : i32 to index
          %parallel_loop3A_757 = tpu.vector_load %arg19[%parallel_loop3A_756] {strides = array<i32>} : memref<12288xf32, #tpu.memory_space<vmem>>, vector<16xf32>,
          tpu.vector_store %arg19[%parallel_loop3A_756], %parallel_loop3A_751 {strides = array<i32>} : memref<12288xf32, #tpu.memory_space<vmem>>, vector<16xf32>,
        } {sc.loop_unroll_factor = 8 : i64, sc.parallel_access}
        %multiple_of3A_511 = tpu.assume_multiple %sub3A_497, 2048 : i32
        %add3A_512 = arith.constant 0 : i32
        %add3A_513 = arith.addi %add3A_512, %multiple_of3A_511 : i32
        "tpu.region"() ({
          %run_scoped3A = tpu.sem_alloc : memref<!tpu.dma_semaphore, #tpu.memory_space<semaphore_mem>>
          %dma_start3A_518 = arith.constant 0 : i32
          %dma_start3A_519 = tpu.memref_slice %arg19[%dma_start3A_518] : memref<12288xf32, #tpu.memory_space<vmem>> -> memref<4096xf32, #tpu.memory_space<vmem>>
          %dma_start3A_520 = tpu.memref_slice %arg7[%add3A_513] : memref<3145728xf32, #tpu.memory_space<hbm>> -> memref<4096xf32, #tpu.memory_space<hbm>>
          %dma_start3A_521 = tpu.memref_slice %arg7[%add3A_513] : memref<3145728xf32, #tpu.memory_space<hbm>> -> memref<4096xf32, #tpu.memory_space<hbm>>
          %dma_start3A_522 = arith.constant 0 : i32
          %dma_start3A_523 = tpu.memref_slice %arg19[%dma_start3A_522] : memref<12288xf32, #tpu.memory_space<vmem>> -> memref<4096xf32, #tpu.memory_space<vmem>>
          tpu.enqueue_dma source(%dma_start3A_523 : memref<4096xf32, #tpu.memory_space<vmem>>) target(%dma_start3A_521 : memref<4096xf32, #tpu.memory_space<hbm>>) target_semaphore(%run_scoped3A : memref<!tpu.dma_semaphore, #tpu.memory_space<semaphore_mem>>)
          %dma_wait3A_524 = arith.constant 0 : i32
          %dma_wait3A_525 = tpu.memref_slice %arg19[%dma_wait3A_524] : memref<12288xf32, #tpu.memory_space<vmem>> -> memref<4096xf32, #tpu.memory_space<vmem>>
          %dma_wait3A_526 = tpu.memref_slice %arg7[%add3A_513] : memref<3145728xf32, #tpu.memory_space<hbm>> -> memref<4096xf32, #tpu.memory_space<hbm>>
          %dma_wait3A_527 = tpu.memref_slice %arg7[%add3A_513] : memref<3145728xf32, #tpu.memory_space<hbm>> -> memref<4096xf32, #tpu.memory_space<hbm>>
          %dma_wait3A_528 = arith.constant 0 : i32
          %dma_wait3A_529 = tpu.memref_slice %arg19[%dma_wait3A_528] : memref<12288xf32, #tpu.memory_space<vmem>> -> memref<4096xf32, #tpu.memory_space<vmem>>
          tpu.wait_dma2 semaphore(%run_scoped3A : memref<!tpu.dma_semaphore, #tpu.memory_space<semaphore_mem>>) src(%dma_wait3A_529 : memref<4096xf32, #tpu.memory_space<vmem>>) dst(%dma_wait3A_527 : memref<4096xf32, #tpu.memory_space<hbm>>)
          tpu.yield
        }) : () -> ()
        %add3A_514 = arith.constant 1048576 : i32
        %add3A_515 = arith.addi %add3A_514, %multiple_of3A_511 : i32
        "tpu.region"() ({
          %run_scoped3A = tpu.sem_alloc : memref<!tpu.dma_semaphore, #tpu.memory_space<semaphore_mem>>
          %dma_start3A_518 = arith.constant 4096 : i32
          %dma_start3A_519 = tpu.memref_slice %arg19[%dma_start3A_518] : memref<12288xf32, #tpu.memory_space<vmem>> -> memref<4096xf32, #tpu.memory_space<vmem>>
          %dma_start3A_520 = tpu.memref_slice %arg7[%add3A_515] : memref<3145728xf32, #tpu.memory_space<hbm>> -> memref<4096xf32, #tpu.memory_space<hbm>>
          %dma_start3A_521 = tpu.memref_slice %arg7[%add3A_515] : memref<3145728xf32, #tpu.memory_space<hbm>> -> memref<4096xf32, #tpu.memory_space<hbm>>
          %dma_start3A_522 = arith.constant 4096 : i32
          %dma_start3A_523 = tpu.memref_slice %arg19[%dma_start3A_522] : memref<12288xf32, #tpu.memory_space<vmem>> -> memref<4096xf32, #tpu.memory_space<vmem>>
          tpu.enqueue_dma source(%dma_start3A_523 : memref<4096xf32, #tpu.memory_space<vmem>>) target(%dma_start3A_521 : memref<4096xf32, #tpu.memory_space<hbm>>) target_semaphore(%run_scoped3A : memref<!tpu.dma_semaphore, #tpu.memory_space<semaphore_mem>>)
          %dma_wait3A_524 = arith.constant 4096 : i32
          %dma_wait3A_525 = tpu.memref_slice %arg19[%dma_wait3A_524] : memref<12288xf32, #tpu.memory_space<vmem>> -> memref<4096xf32, #tpu.memory_space<vmem>>
          %dma_wait3A_526 = tpu.memref_slice %arg7[%add3A_515] : memref<3145728xf32, #tpu.memory_space<hbm>> -> memref<4096xf32, #tpu.memory_space<hbm>>
          %dma_wait3A_527 = tpu.memref_slice %arg7[%add3A_515] : memref<3145728xf32, #tpu.memory_space<hbm>> -> memref<4096xf32, #tpu.memory_space<hbm>>
          %dma_wait3A_528 = arith.constant 4096 : i32
          %dma_wait3A_529 = tpu.memref_slice %arg19[%dma_wait3A_528] : memref<12288xf32, #tpu.memory_space<vmem>> -> memref<4096xf32, #tpu.memory_space<vmem>>
          tpu.wait_dma2 semaphore(%run_scoped3A : memref<!tpu.dma_semaphore, #tpu.memory_space<semaphore_mem>>) src(%dma_wait3A_529 : memref<4096xf32, #tpu.memory_space<vmem>>) dst(%dma_wait3A_527 : memref<4096xf32, #tpu.memory_space<hbm>>)
          tpu.yield
        }) : () -> ()
        %add3A_516 = arith.constant 2097152 : i32
        %add3A_517 = arith.addi %add3A_516, %multiple_of3A_511 : i32
        "tpu.region"() ({
          %run_scoped3A = tpu.sem_alloc : memref<!tpu.dma_semaphore, #tpu.memory_space<semaphore_mem>>
          %dma_start3A_518 = arith.constant 8192 : i32
          %dma_start3A_519 = tpu.memref_slice %arg19[%dma_start3A_518] : memref<12288xf32, #tpu.memory_space<vmem>> -> memref<4096xf32, #tpu.memory_space<vmem>>
          %dma_start3A_520 = tpu.memref_slice %arg7[%add3A_517] : memref<3145728xf32, #tpu.memory_space<hbm>> -> memref<4096xf32, #tpu.memory_space<hbm>>
          %dma_start3A_521 = tpu.memref_slice %arg7[%add3A_517] : memref<3145728xf32, #tpu.memory_space<hbm>> -> memref<4096xf32, #tpu.memory_space<hbm>>
          %dma_start3A_522 = arith.constant 8192 : i32
          %dma_start3A_523 = tpu.memref_slice %arg19[%dma_start3A_522] : memref<12288xf32, #tpu.memory_space<vmem>> -> memref<4096xf32, #tpu.memory_space<vmem>>
          tpu.enqueue_dma source(%dma_start3A_523 : memref<4096xf32, #tpu.memory_space<vmem>>) target(%dma_start3A_521 : memref<4096xf32, #tpu.memory_space<hbm>>) target_semaphore(%run_scoped3A : memref<!tpu.dma_semaphore, #tpu.memory_space<semaphore_mem>>)
          %dma_wait3A_524 = arith.constant 8192 : i32
          %dma_wait3A_525 = tpu.memref_slice %arg19[%dma_wait3A_524] : memref<12288xf32, #tpu.memory_space<vmem>> -> memref<4096xf32, #tpu.memory_space<vmem>>
          %dma_wait3A_526 = tpu.memref_slice %arg7[%add3A_517] : memref<3145728xf32, #tpu.memory_space<hbm>> -> memref<4096xf32, #tpu.memory_space<hbm>>
          %dma_wait3A_527 = tpu.memref_slice %arg7[%add3A_517] : memref<3145728xf32, #tpu.memory_space<hbm>> -> memref<4096xf32, #tpu.memory_space<hbm>>
          %dma_wait3A_528 = arith.constant 8192 : i32
          %dma_wait3A_529 = tpu.memref_slice %arg19[%dma_wait3A_528] : memref<12288xf32, #tpu.memory_space<vmem>> -> memref<4096xf32, #tpu.memory_space<vmem>>
          tpu.wait_dma2 semaphore(%run_scoped3A : memref<!tpu.dma_semaphore, #tpu.memory_space<semaphore_mem>>) src(%dma_wait3A_529 : memref<4096xf32, #tpu.memory_space<vmem>>) dst(%dma_wait3A_527 : memref<4096xf32, #tpu.memory_space<hbm>>)
          tpu.yield
        }) : () -> ()
      } else {
      }
    }
    %scan3A_6 = arith.constant 8 : i32
    %mul3A_7 = arith.constant 32768 : i32
    %mul3A_8 = arith.muli %add3A, %mul3A_7 : i32
    %add3A_9 = arith.constant 28672 : i32
    %add3A_10 = arith.addi %mul3A_8, %add3A_9 : i32
    %dma_wait3A = arith.constant 4096 : i32
    %dma_wait3A_11 = tpu.memref_slice %arg18[%dma_wait3A] : memref<8192xi32, #tpu.memory_space<vmem>> -> memref<4096xi32, #tpu.memory_space<vmem>>
    %dma_wait3A_12 = arith.constant 0 : i32
    %dma_wait3A_13 = tpu.memref_slice %arg6[%dma_wait3A_12] : memref<1002001xi32, #tpu.memory_space<hbm>> -> memref<4096xi32, #tpu.memory_space<hbm>>
    %dma_wait3A_14 = arith.constant 4096 : i32
    %dma_wait3A_15 = tpu.memref_slice %arg18[%dma_wait3A_14] : memref<8192xi32, #tpu.memory_space<vmem>> -> memref<4096xi32, #tpu.memory_space<vmem>>
    %dma_wait3A_16 = arith.constant 0 : i32
    %dma_wait3A_17 = tpu.memref_slice %arg6[%dma_wait3A_16] : memref<1002001xi32, #tpu.memory_space<hbm>> -> memref<4096xi32, #tpu.memory_space<hbm>>
    tpu.wait_dma2 semaphore(%arg20 : memref<!tpu.dma_semaphore, #tpu.memory_space<semaphore_mem>>) src(%dma_wait3A_17 : memref<4096xi32, #tpu.memory_space<hbm>>) dst(%dma_wait3A_15 : memref<4096xi32, #tpu.memory_space<vmem>>)
    %parallel_loop3A_18 = arith.constant 0 : i32
    %parallel_loop3A_19 = arith.constant 256 : i32
    %parallel_loop3A_20 = arith.constant 1 : i32
    scf.for %parallel_loop3A_27 = %parallel_loop3A_18 to %parallel_loop3A_19 step %parallel_loop3A_20  : i32 {
      %parallel_loop3A_28 = arith.constant 16 : i32
      %parallel_loop3A_29 = arith.muli %parallel_loop3A_27, %parallel_loop3A_28 : i32
      %parallel_loop3A_30 = arith.constant 4096 : i32
      %parallel_loop3A_31 = arith.addi %parallel_loop3A_30, %parallel_loop3A_29 : i32
      %parallel_loop3A_32 = arith.index_cast %parallel_loop3A_31 : i32 to index
      %parallel_loop3A_33 = tpu.vector_load %arg18[%parallel_loop3A_32] {strides = array<i32>} : memref<8192xi32, #tpu.memory_space<vmem>>, vector<16xi32>,
      %parallel_loop3A_34 = arith.index_cast %parallel_loop3A_31 : i32 to index
      %parallel_loop3A_35 = tpu.vector_load %arg14[%parallel_loop3A_34] {strides = array<i32>} : memref<8192xf32, #tpu.memory_space<vmem>>, vector<16xf32>,
      %parallel_loop3A_36 = arith.index_cast %parallel_loop3A_31 : i32 to index
      %parallel_loop3A_37 = tpu.vector_load %arg15[%parallel_loop3A_36] {strides = array<i32>} : memref<8192xf32, #tpu.memory_space<vmem>>, vector<16xf32>,
      %parallel_loop3A_38 = arith.index_cast %parallel_loop3A_31 : i32 to index
      %parallel_loop3A_39 = tpu.vector_load %arg16[%parallel_loop3A_38] {strides = array<i32>} : memref<8192xf32, #tpu.memory_space<vmem>>, vector<16xf32>,
      %parallel_loop3A_40 = arith.constant 0 : i32
      %parallel_loop3A_41 = vector.broadcast %parallel_loop3A_40 : i32 to vector<16xi32>
      %parallel_loop3A_42 = arith.addi %parallel_loop3A_33, %parallel_loop3A_41 : vector<16xi32>
      %parallel_loop3A_43 = tpu.vector_load_idx %arg11[%parallel_loop3A_42] : memref<24320xf32, #tpu.memory_space<vmem>>[vector<16xi32>], vector<16xf32>,
      %parallel_loop3A_44 = arith.constant 1280 : i32
      %parallel_loop3A_45 = vector.broadcast %parallel_loop3A_44 : i32 to vector<16xi32>
      %parallel_loop3A_46 = arith.addi %parallel_loop3A_33, %parallel_loop3A_45 : vector<16xi32>
      %parallel_loop3A_47 = tpu.vector_load_idx %arg11[%parallel_loop3A_46] : memref<24320xf32, #tpu.memory_space<vmem>>[vector<16xi32>], vector<16xf32>,
      %parallel_loop3A_48 = arith.constant 2560 : i32
      %parallel_loop3A_49 = vector.broadcast %parallel_loop3A_48 : i32 to vector<16xi32>
      %parallel_loop3A_50 = arith.addi %parallel_loop3A_33, %parallel_loop3A_49 : vector<16xi32>
      %parallel_loop3A_51 = tpu.vector_load_idx %arg11[%parallel_loop3A_50] : memref<24320xf32, #tpu.memory_space<vmem>>[vector<16xi32>], vector<16xf32>,
      %parallel_loop3A_52 = arith.constant 3840 : i32
      %parallel_loop3A_53 = vector.broadcast %parallel_loop3A_52 : i32 to vector<16xi32>
      %parallel_loop3A_54 = arith.addi %parallel_loop3A_33, %parallel_loop3A_53 : vector<16xi32>
      %parallel_loop3A_55 = tpu.vector_load_idx %arg11[%parallel_loop3A_54] : memref<24320xf32, #tpu.memory_space<vmem>>[vector<16xi32>], vector<16xf32>,
      %parallel_loop3A_56 = arith.constant 5120 : i32
      %parallel_loop3A_57 = vector.broadcast %parallel_loop3A_56 : i32 to vector<16xi32>
      %parallel_loop3A_58 = arith.addi %parallel_loop3A_33, %parallel_loop3A_57 : vector<16xi32>
      %parallel_loop3A_59 = tpu.vector_load_idx %arg11[%parallel_loop3A_58] : memref<24320xf32, #tpu.memory_space<vmem>>[vector<16xi32>], vector<16xf32>,
      %parallel_loop3A_60 = arith.constant 6400 : i32
      %parallel_loop3A_61 = vector.broadcast %parallel_loop3A_60 : i32 to vector<16xi32>
      %parallel_loop3A_62 = arith.addi %parallel_loop3A_33, %parallel_loop3A_61 : vector<16xi32>
      %parallel_loop3A_63 = tpu.vector_load_idx %arg11[%parallel_loop3A_62] : memref<24320xf32, #tpu.memory_space<vmem>>[vector<16xi32>], vector<16xf32>,
      %parallel_loop3A_64 = arith.constant 7680 : i32
      %parallel_loop3A_65 = vector.broadcast %parallel_loop3A_64 : i32 to vector<16xi32>
      %parallel_loop3A_66 = arith.addi %parallel_loop3A_33, %parallel_loop3A_65 : vector<16xi32>
      %parallel_loop3A_67 = tpu.vector_load_idx %arg11[%parallel_loop3A_66] : memref<24320xf32, #tpu.memory_space<vmem>>[vector<16xi32>], vector<16xf32>,
      %parallel_loop3A_68 = arith.constant 8960 : i32
      %parallel_loop3A_69 = vector.broadcast %parallel_loop3A_68 : i32 to vector<16xi32>
      %parallel_loop3A_70 = arith.addi %parallel_loop3A_33, %parallel_loop3A_69 : vector<16xi32>
      %parallel_loop3A_71 = tpu.vector_load_idx %arg11[%parallel_loop3A_70] : memref<24320xf32, #tpu.memory_space<vmem>>[vector<16xi32>], vector<16xf32>,
      %parallel_loop3A_72 = arith.constant 10240 : i32
      %parallel_loop3A_73 = vector.broadcast %parallel_loop3A_72 : i32 to vector<16xi32>
      %parallel_loop3A_74 = arith.addi %parallel_loop3A_33, %parallel_loop3A_73 : vector<16xi32>
      %parallel_loop3A_75 = tpu.vector_load_idx %arg11[%parallel_loop3A_74] : memref<24320xf32, #tpu.memory_space<vmem>>[vector<16xi32>], vector<16xf32>,
      %parallel_loop3A_76 = arith.subf %parallel_loop3A_67, %parallel_loop3A_55 : vector<16xf32>
      %parallel_loop3A_77 = arith.subf %parallel_loop3A_71, %parallel_loop3A_59 : vector<16xf32>
      %parallel_loop3A_78 = arith.subf %parallel_loop3A_75, %parallel_loop3A_63 : vector<16xf32>
      %parallel_loop3A_79 = arith.subf %parallel_loop3A_35, %parallel_loop3A_43 : vector<16xf32>
      %parallel_loop3A_80 = arith.subf %parallel_loop3A_37, %parallel_loop3A_47 : vector<16xf32>
      %parallel_loop3A_81 = arith.subf %parallel_loop3A_39, %parallel_loop3A_51 : vector<16xf32>
      %parallel_loop3A_82 = arith.subf %parallel_loop3A_79, %parallel_loop3A_55 : vector<16xf32>
      %parallel_loop3A_83 = arith.subf %parallel_loop3A_80, %parallel_loop3A_59 : vector<16xf32>
      %parallel_loop3A_84 = arith.subf %parallel_loop3A_81, %parallel_loop3A_63 : vector<16xf32>
      %parallel_loop3A_85 = arith.mulf %parallel_loop3A_59, %parallel_loop3A_81 : vector<16xf32>
      %parallel_loop3A_86 = arith.mulf %parallel_loop3A_63, %parallel_loop3A_80 : vector<16xf32>
      %parallel_loop3A_87 = arith.subf %parallel_loop3A_85, %parallel_loop3A_86 : vector<16xf32>
      %parallel_loop3A_88 = arith.mulf %parallel_loop3A_63, %parallel_loop3A_79 : vector<16xf32>
      %parallel_loop3A_89 = arith.mulf %parallel_loop3A_55, %parallel_loop3A_81 : vector<16xf32>
      %parallel_loop3A_90 = arith.subf %parallel_loop3A_88, %parallel_loop3A_89 : vector<16xf32>
      %parallel_loop3A_91 = arith.mulf %parallel_loop3A_55, %parallel_loop3A_80 : vector<16xf32>
      %parallel_loop3A_92 = arith.mulf %parallel_loop3A_59, %parallel_loop3A_79 : vector<16xf32>
      %parallel_loop3A_93 = arith.subf %parallel_loop3A_91, %parallel_loop3A_92 : vector<16xf32>
      %parallel_loop3A_94 = arith.mulf %parallel_loop3A_71, %parallel_loop3A_81 : vector<16xf32>
      %parallel_loop3A_95 = arith.mulf %parallel_loop3A_75, %parallel_loop3A_80 : vector<16xf32>
      %parallel_loop3A_96 = arith.subf %parallel_loop3A_94, %parallel_loop3A_95 : vector<16xf32>
      %parallel_loop3A_97 = arith.mulf %parallel_loop3A_75, %parallel_loop3A_79 : vector<16xf32>
      %parallel_loop3A_98 = arith.mulf %parallel_loop3A_67, %parallel_loop3A_81 : vector<16xf32>
      %parallel_loop3A_99 = arith.subf %parallel_loop3A_97, %parallel_loop3A_98 : vector<16xf32>
      %parallel_loop3A_100 = arith.mulf %parallel_loop3A_67, %parallel_loop3A_80 : vector<16xf32>
      %parallel_loop3A_101 = arith.mulf %parallel_loop3A_71, %parallel_loop3A_79 : vector<16xf32>
      %parallel_loop3A_102 = arith.subf %parallel_loop3A_100, %parallel_loop3A_101 : vector<16xf32>
      %parallel_loop3A_103 = arith.mulf %parallel_loop3A_77, %parallel_loop3A_84 : vector<16xf32>
      %parallel_loop3A_104 = arith.mulf %parallel_loop3A_78, %parallel_loop3A_83 : vector<16xf32>
      %parallel_loop3A_105 = arith.subf %parallel_loop3A_103, %parallel_loop3A_104 : vector<16xf32>
      %parallel_loop3A_106 = arith.mulf %parallel_loop3A_78, %parallel_loop3A_82 : vector<16xf32>
      %parallel_loop3A_107 = arith.mulf %parallel_loop3A_76, %parallel_loop3A_84 : vector<16xf32>
      %parallel_loop3A_108 = arith.subf %parallel_loop3A_106, %parallel_loop3A_107 : vector<16xf32>
      %parallel_loop3A_109 = arith.mulf %parallel_loop3A_76, %parallel_loop3A_83 : vector<16xf32>
      %parallel_loop3A_110 = arith.mulf %parallel_loop3A_77, %parallel_loop3A_82 : vector<16xf32>
      %parallel_loop3A_111 = arith.subf %parallel_loop3A_109, %parallel_loop3A_110 : vector<16xf32>
      %parallel_loop3A_112 = arith.mulf %parallel_loop3A_87, %parallel_loop3A_87 : vector<16xf32>
      %parallel_loop3A_113 = arith.mulf %parallel_loop3A_90, %parallel_loop3A_90 : vector<16xf32>
      %parallel_loop3A_114 = arith.addf %parallel_loop3A_112, %parallel_loop3A_113 : vector<16xf32>
      %parallel_loop3A_115 = arith.mulf %parallel_loop3A_93, %parallel_loop3A_93 : vector<16xf32>
      %parallel_loop3A_116 = arith.addf %parallel_loop3A_114, %parallel_loop3A_115 : vector<16xf32>
      %parallel_loop3A_117 = arith.mulf %parallel_loop3A_96, %parallel_loop3A_96 : vector<16xf32>
      %parallel_loop3A_118 = arith.mulf %parallel_loop3A_99, %parallel_loop3A_99 : vector<16xf32>
      %parallel_loop3A_119 = arith.addf %parallel_loop3A_117, %parallel_loop3A_118 : vector<16xf32>
      %parallel_loop3A_120 = arith.mulf %parallel_loop3A_102, %parallel_loop3A_102 : vector<16xf32>
      %parallel_loop3A_121 = arith.addf %parallel_loop3A_119, %parallel_loop3A_120 : vector<16xf32>
      %parallel_loop3A_122 = arith.mulf %parallel_loop3A_105, %parallel_loop3A_105 : vector<16xf32>
      %parallel_loop3A_123 = arith.mulf %parallel_loop3A_108, %parallel_loop3A_108 : vector<16xf32>
      %parallel_loop3A_124 = arith.addf %parallel_loop3A_122, %parallel_loop3A_123 : vector<16xf32>
      %parallel_loop3A_125 = arith.mulf %parallel_loop3A_111, %parallel_loop3A_111 : vector<16xf32>
      %parallel_loop3A_126 = arith.addf %parallel_loop3A_124, %parallel_loop3A_125 : vector<16xf32>
      %parallel_loop3A_127 = arith.constant 23040 : i32
      %parallel_loop3A_128 = vector.broadcast %parallel_loop3A_127 : i32 to vector<16xi32>
      %parallel_loop3A_129 = arith.addi %parallel_loop3A_33, %parallel_loop3A_128 : vector<16xi32>
      %parallel_loop3A_130 = tpu.vector_load_idx %arg11[%parallel_loop3A_129] : memref<24320xf32, #tpu.memory_space<vmem>>[vector<16xi32>], vector<16xf32>,
      %parallel_loop3A_131 = vector.bitcast %parallel_loop3A_116 : vector<16xf32> to vector<16xi32>
      %parallel_loop3A_132 = arith.constant 1 : i32
      %parallel_loop3A_133 = vector.broadcast %parallel_loop3A_132 : i32 to vector<16xi32>
      %parallel_loop3A_134 = arith.shrui %parallel_loop3A_131, %parallel_loop3A_133 : vector<16xi32>
      %parallel_loop3A_135 = arith.constant 1597463007 : i32
      %parallel_loop3A_136 = vector.broadcast %parallel_loop3A_135 : i32 to vector<16xi32>
      %parallel_loop3A_137 = arith.subi %parallel_loop3A_136, %parallel_loop3A_134 : vector<16xi32>
      %parallel_loop3A_138 = vector.bitcast %parallel_loop3A_137 : vector<16xi32> to vector<16xf32>
      %parallel_loop3A_139 = arith.constant 5.000000e-01 : f32
      %parallel_loop3A_140 = vector.broadcast %parallel_loop3A_139 : f32 to vector<16xf32>
      %parallel_loop3A_141 = arith.mulf %parallel_loop3A_140, %parallel_loop3A_116 : vector<16xf32>
      %parallel_loop3A_142 = arith.mulf %parallel_loop3A_141, %parallel_loop3A_138 : vector<16xf32>
      %parallel_loop3A_143 = arith.mulf %parallel_loop3A_142, %parallel_loop3A_138 : vector<16xf32>
      %parallel_loop3A_144 = arith.constant 1.500000e+00 : f32
      %parallel_loop3A_145 = vector.broadcast %parallel_loop3A_144 : f32 to vector<16xf32>
      %parallel_loop3A_146 = arith.subf %parallel_loop3A_145, %parallel_loop3A_143 : vector<16xf32>
      %parallel_loop3A_147 = arith.mulf %parallel_loop3A_138, %parallel_loop3A_146 : vector<16xf32>
      %parallel_loop3A_148 = arith.mulf %parallel_loop3A_116, %parallel_loop3A_147 : vector<16xf32>
      %parallel_loop3A_149 = arith.mulf %parallel_loop3A_148, %parallel_loop3A_130 : vector<16xf32>
      %parallel_loop3A_150 = vector.bitcast %parallel_loop3A_121 : vector<16xf32> to vector<16xi32>
      %parallel_loop3A_151 = arith.constant 1 : i32
      %parallel_loop3A_152 = vector.broadcast %parallel_loop3A_151 : i32 to vector<16xi32>
      %parallel_loop3A_153 = arith.shrui %parallel_loop3A_150, %parallel_loop3A_152 : vector<16xi32>
      %parallel_loop3A_154 = arith.constant 1597463007 : i32
      %parallel_loop3A_155 = vector.broadcast %parallel_loop3A_154 : i32 to vector<16xi32>
      %parallel_loop3A_156 = arith.subi %parallel_loop3A_155, %parallel_loop3A_153 : vector<16xi32>
      %parallel_loop3A_157 = vector.bitcast %parallel_loop3A_156 : vector<16xi32> to vector<16xf32>
      %parallel_loop3A_158 = arith.constant 5.000000e-01 : f32
      %parallel_loop3A_159 = vector.broadcast %parallel_loop3A_158 : f32 to vector<16xf32>
      %parallel_loop3A_160 = arith.mulf %parallel_loop3A_159, %parallel_loop3A_121 : vector<16xf32>
      %parallel_loop3A_161 = arith.mulf %parallel_loop3A_160, %parallel_loop3A_157 : vector<16xf32>
      %parallel_loop3A_162 = arith.mulf %parallel_loop3A_161, %parallel_loop3A_157 : vector<16xf32>
      %parallel_loop3A_163 = arith.constant 1.500000e+00 : f32
      %parallel_loop3A_164 = vector.broadcast %parallel_loop3A_163 : f32 to vector<16xf32>
      %parallel_loop3A_165 = arith.subf %parallel_loop3A_164, %parallel_loop3A_162 : vector<16xf32>
      %parallel_loop3A_166 = arith.mulf %parallel_loop3A_157, %parallel_loop3A_165 : vector<16xf32>
      %parallel_loop3A_167 = arith.mulf %parallel_loop3A_121, %parallel_loop3A_166 : vector<16xf32>
      %parallel_loop3A_168 = arith.mulf %parallel_loop3A_167, %parallel_loop3A_130 : vector<16xf32>
      %parallel_loop3A_169 = vector.bitcast %parallel_loop3A_126 : vector<16xf32> to vector<16xi32>
      %parallel_loop3A_170 = arith.constant 1 : i32
      %parallel_loop3A_171 = vector.broadcast %parallel_loop3A_170 : i32 to vector<16xi32>
      %parallel_loop3A_172 = arith.shrui %parallel_loop3A_169, %parallel_loop3A_171 : vector<16xi32>
      %parallel_loop3A_173 = arith.constant 1597463007 : i32
      %parallel_loop3A_174 = vector.broadcast %parallel_loop3A_173 : i32 to vector<16xi32>
      %parallel_loop3A_175 = arith.subi %parallel_loop3A_174, %parallel_loop3A_172 : vector<16xi32>
      %parallel_loop3A_176 = vector.bitcast %parallel_loop3A_175 : vector<16xi32> to vector<16xf32>
      %parallel_loop3A_177 = arith.constant 5.000000e-01 : f32
      %parallel_loop3A_178 = vector.broadcast %parallel_loop3A_177 : f32 to vector<16xf32>
      %parallel_loop3A_179 = arith.mulf %parallel_loop3A_178, %parallel_loop3A_126 : vector<16xf32>
      %parallel_loop3A_180 = arith.mulf %parallel_loop3A_179, %parallel_loop3A_176 : vector<16xf32>
      %parallel_loop3A_181 = arith.mulf %parallel_loop3A_180, %parallel_loop3A_176 : vector<16xf32>
      %parallel_loop3A_182 = arith.constant 1.500000e+00 : f32
      %parallel_loop3A_183 = vector.broadcast %parallel_loop3A_182 : f32 to vector<16xf32>
      %parallel_loop3A_184 = arith.subf %parallel_loop3A_183, %parallel_loop3A_181 : vector<16xf32>
      %parallel_loop3A_185 = arith.mulf %parallel_loop3A_176, %parallel_loop3A_184 : vector<16xf32>
      %parallel_loop3A_186 = arith.mulf %parallel_loop3A_126, %parallel_loop3A_185 : vector<16xf32>
      %parallel_loop3A_187 = arith.mulf %parallel_loop3A_186, %parallel_loop3A_130 : vector<16xf32>
      %parallel_loop3A_188 = arith.addf %parallel_loop3A_187, %parallel_loop3A_168 : vector<16xf32>
      %parallel_loop3A_189 = arith.addf %parallel_loop3A_188, %parallel_loop3A_149 : vector<16xf32>
      %parallel_loop3A_190 = arith.constant 9.99999996E-13 : f32
      %parallel_loop3A_191 = vector.broadcast %parallel_loop3A_190 : f32 to vector<16xf32>
      %parallel_loop3A_192 = arith.maximumf %parallel_loop3A_189, %parallel_loop3A_191 : vector<16xf32>
      %parallel_loop3A_193 = arith.constant 1.000000e+00 : f32
      %parallel_loop3A_194 = vector.broadcast %parallel_loop3A_193 : f32 to vector<16xf32>
      %parallel_loop3A_195 = arith.divf %parallel_loop3A_194, %parallel_loop3A_192 : vector<16xf32>
      %parallel_loop3A_196 = arith.mulf %parallel_loop3A_187, %parallel_loop3A_195 : vector<16xf32>
      %parallel_loop3A_197 = arith.mulf %parallel_loop3A_168, %parallel_loop3A_195 : vector<16xf32>
      %parallel_loop3A_198 = arith.mulf %parallel_loop3A_149, %parallel_loop3A_195 : vector<16xf32>
      %parallel_loop3A_199 = arith.constant 11520 : i32
      %parallel_loop3A_200 = vector.broadcast %parallel_loop3A_199 : i32 to vector<16xi32>
      %parallel_loop3A_201 = arith.addi %parallel_loop3A_33, %parallel_loop3A_200 : vector<16xi32>
      %parallel_loop3A_202 = tpu.vector_load_idx %arg11[%parallel_loop3A_201] : memref<24320xf32, #tpu.memory_space<vmem>>[vector<16xi32>], vector<16xf32>,
      %parallel_loop3A_203 = arith.mulf %parallel_loop3A_202, %parallel_loop3A_196 : vector<16xf32>
      %parallel_loop3A_204 = arith.constant 15360 : i32
      %parallel_loop3A_205 = vector.broadcast %parallel_loop3A_204 : i32 to vector<16xi32>
      %parallel_loop3A_206 = arith.addi %parallel_loop3A_33, %parallel_loop3A_205 : vector<16xi32>
      %parallel_loop3A_207 = tpu.vector_load_idx %arg11[%parallel_loop3A_206] : memref<24320xf32, #tpu.memory_space<vmem>>[vector<16xi32>], vector<16xf32>,
      %parallel_loop3A_208 = arith.mulf %parallel_loop3A_207, %parallel_loop3A_197 : vector<16xf32>
      %parallel_loop3A_209 = arith.addf %parallel_loop3A_203, %parallel_loop3A_208 : vector<16xf32>
      %parallel_loop3A_210 = arith.constant 19200 : i32
      %parallel_loop3A_211 = vector.broadcast %parallel_loop3A_210 : i32 to vector<16xi32>
      %parallel_loop3A_212 = arith.addi %parallel_loop3A_33, %parallel_loop3A_211 : vector<16xi32>
      %parallel_loop3A_213 = tpu.vector_load_idx %arg11[%parallel_loop3A_212] : memref<24320xf32, #tpu.memory_space<vmem>>[vector<16xi32>], vector<16xf32>,
      %parallel_loop3A_214 = arith.mulf %parallel_loop3A_213, %parallel_loop3A_198 : vector<16xf32>
      %parallel_loop3A_215 = arith.addf %parallel_loop3A_209, %parallel_loop3A_214 : vector<16xf32>
      %parallel_loop3A_216 = arith.constant 16 : i32
      %parallel_loop3A_217 = arith.muli %parallel_loop3A_27, %parallel_loop3A_216 : i32
      %parallel_loop3A_218 = arith.constant 0 : i32
      %parallel_loop3A_219 = arith.addi %parallel_loop3A_218, %parallel_loop3A_217 : i32
      %parallel_loop3A_220 = arith.index_cast %parallel_loop3A_219 : i32 to index
      %parallel_loop3A_221 = tpu.vector_load %arg19[%parallel_loop3A_220] {strides = array<i32>} : memref<12288xf32, #tpu.memory_space<vmem>>, vector<16xf32>,
      tpu.vector_store %arg19[%parallel_loop3A_220], %parallel_loop3A_215 {strides = array<i32>} : memref<12288xf32, #tpu.memory_space<vmem>>, vector<16xf32>,
      %parallel_loop3A_222 = arith.constant 12800 : i32
      %parallel_loop3A_223 = vector.broadcast %parallel_loop3A_222 : i32 to vector<16xi32>
      %parallel_loop3A_224 = arith.addi %parallel_loop3A_33, %parallel_loop3A_223 : vector<16xi32>
      %parallel_loop3A_225 = tpu.vector_load_idx %arg11[%parallel_loop3A_224] : memref<24320xf32, #tpu.memory_space<vmem>>[vector<16xi32>], vector<16xf32>,
      %parallel_loop3A_226 = arith.mulf %parallel_loop3A_225, %parallel_loop3A_196 : vector<16xf32>
      %parallel_loop3A_227 = arith.constant 16640 : i32
      %parallel_loop3A_228 = vector.broadcast %parallel_loop3A_227 : i32 to vector<16xi32>
      %parallel_loop3A_229 = arith.addi %parallel_loop3A_33, %parallel_loop3A_228 : vector<16xi32>
      %parallel_loop3A_230 = tpu.vector_load_idx %arg11[%parallel_loop3A_229] : memref<24320xf32, #tpu.memory_space<vmem>>[vector<16xi32>], vector<16xf32>,
      %parallel_loop3A_231 = arith.mulf %parallel_loop3A_230, %parallel_loop3A_197 : vector<16xf32>
      %parallel_loop3A_232 = arith.addf %parallel_loop3A_226, %parallel_loop3A_231 : vector<16xf32>
      %parallel_loop3A_233 = arith.constant 20480 : i32
      %parallel_loop3A_234 = vector.broadcast %parallel_loop3A_233 : i32 to vector<16xi32>
      %parallel_loop3A_235 = arith.addi %parallel_loop3A_33, %parallel_loop3A_234 : vector<16xi32>
      %parallel_loop3A_236 = tpu.vector_load_idx %arg11[%parallel_loop3A_235] : memref<24320xf32, #tpu.memory_space<vmem>>[vector<16xi32>], vector<16xf32>,
      %parallel_loop3A_237 = arith.mulf %parallel_loop3A_236, %parallel_loop3A_198 : vector<16xf32>
      %parallel_loop3A_238 = arith.addf %parallel_loop3A_232, %parallel_loop3A_237 : vector<16xf32>
      %parallel_loop3A_239 = arith.constant 16 : i32
      %parallel_loop3A_240 = arith.muli %parallel_loop3A_27, %parallel_loop3A_239 : i32
      %parallel_loop3A_241 = arith.constant 4096 : i32
      %parallel_loop3A_242 = arith.addi %parallel_loop3A_241, %parallel_loop3A_240 : i32
      %parallel_loop3A_243 = arith.index_cast %parallel_loop3A_242 : i32 to index
      %parallel_loop3A_244 = tpu.vector_load %arg19[%parallel_loop3A_243] {strides = array<i32>} : memref<12288xf32, #tpu.memory_space<vmem>>, vector<16xf32>,
      tpu.vector_store %arg19[%parallel_loop3A_243], %parallel_loop3A_238 {strides = array<i32>} : memref<12288xf32, #tpu.memory_space<vmem>>, vector<16xf32>,
      %parallel_loop3A_245 = arith.constant 14080 : i32
      %parallel_loop3A_246 = vector.broadcast %parallel_loop3A_245 : i32 to vector<16xi32>
      %parallel_loop3A_247 = arith.addi %parallel_loop3A_33, %parallel_loop3A_246 : vector<16xi32>
      %parallel_loop3A_248 = tpu.vector_load_idx %arg11[%parallel_loop3A_247] : memref<24320xf32, #tpu.memory_space<vmem>>[vector<16xi32>], vector<16xf32>,
      %parallel_loop3A_249 = arith.mulf %parallel_loop3A_248, %parallel_loop3A_196 : vector<16xf32>
      %parallel_loop3A_250 = arith.constant 17920 : i32
      %parallel_loop3A_251 = vector.broadcast %parallel_loop3A_250 : i32 to vector<16xi32>
      %parallel_loop3A_252 = arith.addi %parallel_loop3A_33, %parallel_loop3A_251 : vector<16xi32>
      %parallel_loop3A_253 = tpu.vector_load_idx %arg11[%parallel_loop3A_252] : memref<24320xf32, #tpu.memory_space<vmem>>[vector<16xi32>], vector<16xf32>,
      %parallel_loop3A_254 = arith.mulf %parallel_loop3A_253, %parallel_loop3A_197 : vector<16xf32>
      %parallel_loop3A_255 = arith.addf %parallel_loop3A_249, %parallel_loop3A_254 : vector<16xf32>
      %parallel_loop3A_256 = arith.constant 21760 : i32
      %parallel_loop3A_257 = vector.broadcast %parallel_loop3A_256 : i32 to vector<16xi32>
      %parallel_loop3A_258 = arith.addi %parallel_loop3A_33, %parallel_loop3A_257 : vector<16xi32>
      %parallel_loop3A_259 = tpu.vector_load_idx %arg11[%parallel_loop3A_258] : memref<24320xf32, #tpu.memory_space<vmem>>[vector<16xi32>], vector<16xf32>,
      %parallel_loop3A_260 = arith.mulf %parallel_loop3A_259, %parallel_loop3A_198 : vector<16xf32>
      %parallel_loop3A_261 = arith.addf %parallel_loop3A_255, %parallel_loop3A_260 : vector<16xf32>
      %parallel_loop3A_262 = arith.constant 16 : i32
      %parallel_loop3A_263 = arith.muli %parallel_loop3A_27, %parallel_loop3A_262 : i32
      %parallel_loop3A_264 = arith.constant 8192 : i32
      %parallel_loop3A_265 = arith.addi %parallel_loop3A_264, %parallel_loop3A_263 : i32
      %parallel_loop3A_266 = arith.index_cast %parallel_loop3A_265 : i32 to index
      %parallel_loop3A_267 = tpu.vector_load %arg19[%parallel_loop3A_266] {strides = array<i32>} : memref<12288xf32, #tpu.memory_space<vmem>>, vector<16xf32>,
      tpu.vector_store %arg19[%parallel_loop3A_266], %parallel_loop3A_261 {strides = array<i32>} : memref<12288xf32, #tpu.memory_space<vmem>>, vector<16xf32>,
    } {sc.loop_unroll_factor = 8 : i64, sc.parallel_access}
    %multiple_of3A = tpu.assume_multiple %add3A_10, 2048 : i32
    %add3A_21 = arith.constant 0 : i32
    %add3A_22 = arith.addi %add3A_21, %multiple_of3A : i32
    "tpu.region"() ({
      %run_scoped3A = tpu.sem_alloc : memref<!tpu.dma_semaphore, #tpu.memory_space<semaphore_mem>>
      %dma_start3A = arith.constant 0 : i32
      %dma_start3A_27 = tpu.memref_slice %arg19[%dma_start3A] : memref<12288xf32, #tpu.memory_space<vmem>> -> memref<4096xf32, #tpu.memory_space<vmem>>
      %dma_start3A_28 = tpu.memref_slice %arg7[%add3A_22] : memref<3145728xf32, #tpu.memory_space<hbm>> -> memref<4096xf32, #tpu.memory_space<hbm>>
      %dma_start3A_29 = tpu.memref_slice %arg7[%add3A_22] : memref<3145728xf32, #tpu.memory_space<hbm>> -> memref<4096xf32, #tpu.memory_space<hbm>>
      %dma_start3A_30 = arith.constant 0 : i32
      %dma_start3A_31 = tpu.memref_slice %arg19[%dma_start3A_30] : memref<12288xf32, #tpu.memory_space<vmem>> -> memref<4096xf32, #tpu.memory_space<vmem>>
      tpu.enqueue_dma source(%dma_start3A_31 : memref<4096xf32, #tpu.memory_space<vmem>>) target(%dma_start3A_29 : memref<4096xf32, #tpu.memory_space<hbm>>) target_semaphore(%run_scoped3A : memref<!tpu.dma_semaphore, #tpu.memory_space<semaphore_mem>>)
      %dma_wait3A_32 = arith.constant 0 : i32
      %dma_wait3A_33 = tpu.memref_slice %arg19[%dma_wait3A_32] : memref<12288xf32, #tpu.memory_space<vmem>> -> memref<4096xf32, #tpu.memory_space<vmem>>
      %dma_wait3A_34 = tpu.memref_slice %arg7[%add3A_22] : memref<3145728xf32, #tpu.memory_space<hbm>> -> memref<4096xf32, #tpu.memory_space<hbm>>
      %dma_wait3A_35 = tpu.memref_slice %arg7[%add3A_22] : memref<3145728xf32, #tpu.memory_space<hbm>> -> memref<4096xf32, #tpu.memory_space<hbm>>
      %dma_wait3A_36 = arith.constant 0 : i32
      %dma_wait3A_37 = tpu.memref_slice %arg19[%dma_wait3A_36] : memref<12288xf32, #tpu.memory_space<vmem>> -> memref<4096xf32, #tpu.memory_space<vmem>>
      tpu.wait_dma2 semaphore(%run_scoped3A : memref<!tpu.dma_semaphore, #tpu.memory_space<semaphore_mem>>) src(%dma_wait3A_37 : memref<4096xf32, #tpu.memory_space<vmem>>) dst(%dma_wait3A_35 : memref<4096xf32, #tpu.memory_space<hbm>>)
      tpu.yield
    }) : () -> ()
    %add3A_23 = arith.constant 1048576 : i32
    %add3A_24 = arith.addi %add3A_23, %multiple_of3A : i32
    "tpu.region"() ({
      %run_scoped3A = tpu.sem_alloc : memref<!tpu.dma_semaphore, #tpu.memory_space<semaphore_mem>>
      %dma_start3A = arith.constant 4096 : i32
      %dma_start3A_27 = tpu.memref_slice %arg19[%dma_start3A] : memref<12288xf32, #tpu.memory_space<vmem>> -> memref<4096xf32, #tpu.memory_space<vmem>>
      %dma_start3A_28 = tpu.memref_slice %arg7[%add3A_24] : memref<3145728xf32, #tpu.memory_space<hbm>> -> memref<4096xf32, #tpu.memory_space<hbm>>
      %dma_start3A_29 = tpu.memref_slice %arg7[%add3A_24] : memref<3145728xf32, #tpu.memory_space<hbm>> -> memref<4096xf32, #tpu.memory_space<hbm>>
      %dma_start3A_30 = arith.constant 4096 : i32
      %dma_start3A_31 = tpu.memref_slice %arg19[%dma_start3A_30] : memref<12288xf32, #tpu.memory_space<vmem>> -> memref<4096xf32, #tpu.memory_space<vmem>>
      tpu.enqueue_dma source(%dma_start3A_31 : memref<4096xf32, #tpu.memory_space<vmem>>) target(%dma_start3A_29 : memref<4096xf32, #tpu.memory_space<hbm>>) target_semaphore(%run_scoped3A : memref<!tpu.dma_semaphore, #tpu.memory_space<semaphore_mem>>)
      %dma_wait3A_32 = arith.constant 4096 : i32
      %dma_wait3A_33 = tpu.memref_slice %arg19[%dma_wait3A_32] : memref<12288xf32, #tpu.memory_space<vmem>> -> memref<4096xf32, #tpu.memory_space<vmem>>
      %dma_wait3A_34 = tpu.memref_slice %arg7[%add3A_24] : memref<3145728xf32, #tpu.memory_space<hbm>> -> memref<4096xf32, #tpu.memory_space<hbm>>
      %dma_wait3A_35 = tpu.memref_slice %arg7[%add3A_24] : memref<3145728xf32, #tpu.memory_space<hbm>> -> memref<4096xf32, #tpu.memory_space<hbm>>
      %dma_wait3A_36 = arith.constant 4096 : i32
      %dma_wait3A_37 = tpu.memref_slice %arg19[%dma_wait3A_36] : memref<12288xf32, #tpu.memory_space<vmem>> -> memref<4096xf32, #tpu.memory_space<vmem>>
      tpu.wait_dma2 semaphore(%run_scoped3A : memref<!tpu.dma_semaphore, #tpu.memory_space<semaphore_mem>>) src(%dma_wait3A_37 : memref<4096xf32, #tpu.memory_space<vmem>>) dst(%dma_wait3A_35 : memref<4096xf32, #tpu.memory_space<hbm>>)
      tpu.yield
    }) : () -> ()
    %add3A_25 = arith.constant 2097152 : i32
    %add3A_26 = arith.addi %add3A_25, %multiple_of3A : i32
    "tpu.region"() ({
      %run_scoped3A = tpu.sem_alloc : memref<!tpu.dma_semaphore, #tpu.memory_space<semaphore_mem>>
      %dma_start3A = arith.constant 8192 : i32
      %dma_start3A_27 = tpu.memref_slice %arg19[%dma_start3A] : memref<12288xf32, #tpu.memory_space<vmem>> -> memref<4096xf32, #tpu.memory_space<vmem>>
      %dma_start3A_28 = tpu.memref_slice %arg7[%add3A_26] : memref<3145728xf32, #tpu.memory_space<hbm>> -> memref<4096xf32, #tpu.memory_space<hbm>>
      %dma_start3A_29 = tpu.memref_slice %arg7[%add3A_26] : memref<3145728xf32, #tpu.memory_space<hbm>> -> memref<4096xf32, #tpu.memory_space<hbm>>
      %dma_start3A_30 = arith.constant 8192 : i32
      %dma_start3A_31 = tpu.memref_slice %arg19[%dma_start3A_30] : memref<12288xf32, #tpu.memory_space<vmem>> -> memref<4096xf32, #tpu.memory_space<vmem>>
      tpu.enqueue_dma source(%dma_start3A_31 : memref<4096xf32, #tpu.memory_space<vmem>>) target(%dma_start3A_29 : memref<4096xf32, #tpu.memory_space<hbm>>) target_semaphore(%run_scoped3A : memref<!tpu.dma_semaphore, #tpu.memory_space<semaphore_mem>>)
      %dma_wait3A_32 = arith.constant 8192 : i32
      %dma_wait3A_33 = tpu.memref_slice %arg19[%dma_wait3A_32] : memref<12288xf32, #tpu.memory_space<vmem>> -> memref<4096xf32, #tpu.memory_space<vmem>>
      %dma_wait3A_34 = tpu.memref_slice %arg7[%add3A_26] : memref<3145728xf32, #tpu.memory_space<hbm>> -> memref<4096xf32, #tpu.memory_space<hbm>>
      %dma_wait3A_35 = tpu.memref_slice %arg7[%add3A_26] : memref<3145728xf32, #tpu.memory_space<hbm>> -> memref<4096xf32, #tpu.memory_space<hbm>>
      %dma_wait3A_36 = arith.constant 8192 : i32
      %dma_wait3A_37 = tpu.memref_slice %arg19[%dma_wait3A_36] : memref<12288xf32, #tpu.memory_space<vmem>> -> memref<4096xf32, #tpu.memory_space<vmem>>
      tpu.wait_dma2 semaphore(%run_scoped3A : memref<!tpu.dma_semaphore, #tpu.memory_space<semaphore_mem>>) src(%dma_wait3A_37 : memref<4096xf32, #tpu.memory_space<vmem>>) dst(%dma_wait3A_35 : memref<4096xf32, #tpu.memory_space<hbm>>)
      tpu.yield
    }) : () -> ()
    return
  }
}

</mosaic_0001>

<sc_bundles>
// kernel: kernel.3.cloned.1.call-start
scs
__scs_entry_jumppad:
0x0: {  	(pc) =	sbr.rel $0x88, $3  }
0x1: {  	(tag) =	ssettag $0x0;
	lr =	simm.s32 $0x1  }
0x2: {  	[smem:$0x3F9C] =	sst lr;
	_ =	strace $0xD0000000  }
0x3: {  	_ = 	snop  }
0x4: {  	_ = 	snop  }
0x5: {  	_ = 	snop  }
0x6: {  	_ = 	snop  }
0x7: {  	_ = 	snop  }
__scs_overlays_trampoline_lowered:
0x8: {  	[smem:$0x3FAB] =	sst s0  }
0x9: {  	[smem:$0x3FAC] =	sst s1  }
0xa: {  	[smem:$0x3FAD] =	sst s2  }
0xb: {  	[smem:$0x3FAE] =	sst s3  }
0xc: {  	[smem:$0x3FAF] =	sst s4  }
0xd: {  	[smem:$0x3FB0] =	sst s5  }
0xe: {  	[smem:$0x3FB1] =	sst s6  }
0xf: {  	[smem:$0x3FB2] =	sst s7  }
0x10: {  	[smem:$0x3FB3] =	sst s8  }
0x11: {  	[smem:$0x3FB4] =	sst s9;
	s0 =	simm.s32 @!p0 $0x0  }
0x12: {  	s1 =	sld [smem:$0x3F9A];
	s0 =	simm.s32 @p0 $0x1  }
0x13: {  	[smem:$0x3FB5] =	sst s0;
	s0 =	simm.s32 @!p1 $0x0  }
0x14: {  	s2 =	sld [smem:$0x3F99];
	s0 =	simm.s32 @p1 $0x1  }
0x15: {  	[smem:$0x3FB6] =	sst s0;
	s0 =	simm.s32 @!p2 $0x0  }
0x16: {  	s3 =	sld [smem:$0x3FDB];
	s0 =	simm.s32 @p2 $0x1  }
0x17: {  	s4 =	simm.s32 $0x1BF5;
	[smem:$0x3FB8] =	sst s0  }
0x18: {  	s0 =	sld [smem:$0x3F9B];
	_ =	swait.ge [sflag:s4], $0x0  }
0x19: {  	s7 =	sld [smem:$0x3F9C]  }
0x1a: {  	s8 =	sadd.s32 $0xFFFFE003, lr  }
0x1b: {  	s9 =	sadd.s32 $0xFFFFFEF7, lr;
	s5 =	simm.s32 $0xFFFFFFFF;
	p2 =	slt.u32 s8, $0xFFFFF086  }
0x1c: {  	p1 =	slt.u32 s9, $0xF7A;
	s5 =	simm.s32 @!p2 $0x0  }
0x1d: {  	s5 =	simm.s32 @p1 $0x1;
	p0 =	seq.s32 s7, s2  }
0x1e: {  	s7 =	smul.u32 @!p0 $0xF7A, s2;
	p2 =	seq.s32 @!p0 s5, $0x0  }
0x1f: {  	s9 =	smul.u32 $0xF7A, s1;
	s8 =	simm.s32 @!p0 $0x1BF5;
	p2 =	por !p2, p0  }
0x20: {  	[sflag:s8] =	ssyncset.s32 @!p0 $0xFFFFF086;
	s6 =	sadd.s32 @!p0 s3, s7;
	s7 =	simm.s32 @!p0 $0x108  }
0x21: {  	s3 =	sadd.s32 s3, s9;
	s6 =	sadd.s32 @!p0 $0x88, s6;
	s7 =	simm.s32 @p2 $0x1082  }
0x22: {  	[simem:s7], [sflag:s8] =	dma.local @!p0 [hbm:s6], $0xF7A  }
0x23: {  	s9 =	sor.u32 $0xD0000000, s2;
	s6 =	simm.s32 $0x108;
	_ =	swait.ge @!p0 [sflag:s8], $0x0  }
0x24: {  	s3 =	sadd.s32 $0x88, s3;
	s6 =	simm.s32 @!p1 $0x1082;
	[sflag:s4] =	ssyncset.s32 $0xFFFFF086  }
0x25: {  	[simem:s6], [sflag:s4] =	dma.local [hbm:s3], $0xF7A  }
0x26: {  	[smem:$0x3F9C] =	sst s1;
	(tag) =	ssettag s2;
	_ =	strace s9  }
0x27: {  	s1 =	sld [smem:$0x3FAC]  }
0x28: {  	s2 =	sld [smem:$0x3FAD]  }
0x29: {  	s4 =	sld [smem:$0x3FAF]  }
0x2a: {  	p0 =	seq.s32 s5, $0x0;
	s5 =	sld [smem:$0x3FB0]  }
0x2b: {  	s6 =	sld [smem:$0x3FB1]  }
0x2c: {  	s7 =	sld [smem:$0x3FB2]  }
0x2d: {  	s3 =	simm.s32 $0x108;
	s8 =	sld [smem:$0x3FB3]  }
0x2e: {  	s3 =	simm.s32 @!p0 $0x1082;
	s9 =	sld [smem:$0x3FB4]  }
0x2f: {  	lr =	sadd.s32 s0, s3;
	s0 =	sld [smem:$0x3FAB]  }
0x30: {  	s3 =	sld [smem:$0x3FAE]  }
0x31: {  	[smem:$0x3FB7] =	sst s10  }
0x32: {  	s10 =	sld [smem:$0x3FB5];
	_ =	sdelay $0x3  }
0x33: {  	p0 =	seq.s32 s10, $0x1;
	s10 =	sld [smem:$0x3FB7];
	_ =	sdelay $0x3  }
0x34: {  	[smem:$0x3FB7] =	sst s10  }
0x35: {  	s10 =	sld [smem:$0x3FB6];
	_ =	sdelay $0x3  }
0x36: {  	p1 =	seq.s32 s10, $0x1;
	s10 =	sld [smem:$0x3FB7];
	_ =	sdelay $0x3  }
0x37: {  	[smem:$0x3FB7] =	sst s10  }
0x38: {  	s10 =	sld [smem:$0x3FB8]  }
0x39: {  	_ = 	snop;
	(pc) =	sbr.ind lr, $3  }
0x3a: {  	_ = 	snop  }
0x3b: {  	_ = 	snop  }
0x3c: {  	p2 =	seq.s32 s10, $0x1;
	s10 =	sld [smem:$0x3FB7]  }
0x3d: {  	_ =	shalt  }
0x3e: {  	_ =	shalt  }
0x3f: {  	_ =	shalt  }
0x40: {  	_ =	shalt  }
0x41: {  	_ =	shalt  }
0x42: {  	_ =	shalt  }
0x43: {  	_ =	shalt  }
0x44: {  	_ =	shalt  }
0x45: {  	_ =	shalt  }
0x46: {  	_ =	shalt  }
0x47: {  	_ =	shalt  }
0x48: {  	_ =	shalt  }
0x49: {  	_ =	shalt  }
0x4a: {  	_ =	shalt  }
0x4b: {  	_ =	shalt  }
0x4c: {  	_ =	shalt  }
0x4d: {  	_ =	shalt  }
0x4e: {  	_ =	shalt  }
0x4f: {  	_ =	shalt  }
0x50: {  	_ =	shalt  }
0x51: {  	_ =	shalt  }
0x52: {  	_ =	shalt  }
0x53: {  	_ =	shalt  }
0x54: {  	_ =	shalt  }
0x55: {  	_ =	shalt  }
0x56: {  	_ =	shalt  }
0x57: {  	_ =	shalt  }
0x58: {  	_ =	shalt  }
0x59: {  	_ =	shalt  }
0x5a: {  	_ =	shalt  }
0x5b: {  	_ =	shalt  }
0x5c: {  	_ =	shalt  }
0x5d: {  	_ =	shalt  }
0x5e: {  	_ =	shalt  }
0x5f: {  	_ =	shalt  }
0x60: {  	_ =	shalt  }
0x61: {  	_ =	shalt  }
0x62: {  	_ =	shalt  }
0x63: {  	_ =	shalt  }
0x64: {  	_ =	shalt  }
0x65: {  	_ =	shalt  }
0x66: {  	_ =	shalt  }
0x67: {  	_ =	shalt  }
0x68: {  	_ =	shalt  }
0x69: {  	_ =	shalt  }
0x6a: {  	_ =	shalt  }
0x6b: {  	_ =	shalt  }
0x6c: {  	_ =	shalt  }
0x6d: {  	_ =	shalt  }
0x6e: {  	_ =	shalt  }
0x6f: {  	_ =	shalt  }
0x70: {  	_ =	shalt  }
0x71: {  	_ =	shalt  }
0x72: {  	_ =	shalt  }
0x73: {  	_ =	shalt  }
0x74: {  	_ =	shalt  }
0x75: {  	_ =	shalt  }
0x76: {  	_ =	shalt  }
0x77: {  	_ =	shalt  }
0x78: {  	_ =	shalt  }
0x79: {  	_ =	shalt  }
0x7a: {  	_ =	shalt  }
0x7b: {  	_ =	shalt  }
0x7c: {  	_ =	shalt  }
0x7d: {  	_ =	shalt  }
0x7e: {  	_ =	shalt  }
0x7f: {  	_ =	shalt  }
0x80: {  	_ =	shalt  }
0x81: {  	_ =	shalt  }
0x82: {  	_ =	shalt  }
0x83: {  	_ =	shalt  }
0x84: {  	_ =	shalt  }
0x85: {  	_ =	shalt  }
0x86: {  	_ =	shalt  }
0x87: {  	_ =	shalt  }
.Lfunc_end0:
.L_simem_size_0:
called_computation_lowered:
.L_overlay_start_0:
0x88: {  	s2 =	sld [smem:$0x3FD9]  }
0x89: {  	s3 =	sld [smem:$0x3FFE];
	_ =	sdelay $0x1  }
0x8a: {  	s1 =	srdreg.scid  }
0x8b: {  	s0 =	sand.u32 $0x1, s1  }
0x8c: {  	s17 =	sshll.u32 s0, $0xA;
	s2 =	sadd.s32 s3, s2  }
0x8d: {  	s2 =	sadd.s32 s2, s17  }
0x8e: {  	[smem:$0x3FC3] =	sst s2  }
0x8f: {  	_ = 	snop  }
0x90: {  	s2 =	sld [smem:$0x3FD0];
	(tm) =	ssettm $0x1  }
0x91: {  	s18 =	sld [smem:$0x3FFB];
	_ =	sdelay $0x3  }
0x92: {  	_ =	strace s18  }
0x93: {  	s3 =	sld [smem:$0x3FFC];
	_ =	sdelay $0x3  }
0x94: {  	_ =	strace s3  }
0x95: {  	s3 =	sld [smem:$0x3FFD];
	_ =	sdelay $0x3  }
0x96: {  	_ =	strace s3  }
0x97: {  	_ =	strace $0x8FFFFFFF  }
0x98: {  	s19 =	sld [smem:$0x3FDB];
	_ =	sdelay $0x1  }
0x99: {  	s4 =	simm.s32 $_scs_section_size  }
0x9a: {  	s5 =	simm.s32 $_size__tile_overlayer_lowered;
	s6 =	simm.s32 $_tile_overlayer_lowered  }
0x9b: {  	s22 =	simm.s32 $0x1BFF;
	s21 =	sshll.u32 s6, $0x1;
	s3 =	sadd.s32 s4, s19  }
0x9c: {  	s7 =	simm.s32 $0x0;
	s20 =	sshll.u32 s5, $0x1;
	s5 =	sadd.s32 s21, s3  }
0x9d: {  	[timem:s7], [sflag:s22] =	dma.local [hbm:s5], s20  }
0x9e: {  	_ =	swait.ge [sflag:s22], s20  }
0x9f: {  	s4 =	ssub.s32 $0x0, s20;
	[sflag:s22] =	ssyncset.done $0x0  }
0xa0: {  	[sflag:s22] =	ssyncadd.s32 s4;
	_ =	sdelay $0x1  }
0xa1: {  	s23 =	simm.s32 $0x1B8B  }
0xa2: {  	_ =	swait.ge [sflag:s23], $0x1  }
0xa3: {  	[sflag:s23] =	ssyncset.done $0x0  }
0xa4: {  	s25 =	simm.s32 $0x1B8E;
	s24 =	sld [smem:$0x3FFE];
	[sflag:s23] =	ssyncadd.s32 $0xFFFFFFFF  }
0xa5: {  	s26 =	simm.s32 $execute0_lowered;
	[smem:$0x3FD2] =	sst s25  }
0xa6: {  	s5 =	sshll.u32 s26, $0x1;
	_ =	strace $0x80000046;
	[dreg:$0x1] =	wrdreg $0xFFFFFFFF  }
0xa7: {  	s28 =	simm.s32 $_size_execute0_lowered;
	s3 =	sadd.s32 s3, s5;
	[dreg:$0x0] =	wrdreg $0x0  }
0xa8: {  	s5 =	sshll.u32 s28, $0x1;
	[dreg:$0x2] =	wrdreg s3  }
0xa9: {  	[dreg:$0x3] =	wrdreg s5  }
0xaa: {  	[dreg:$0x4] =	wrdreg $0xC0  }
0xab: {  	_ =	task [dreg:s7], $0x5FFFF  }
0xac: {  	[dreg:$0x1] =	wrdreg $0xFFFFFFFF  }
0xad: {  	[dreg:$0x0] =	wrdreg $0x60  }
0xae: {  	[dreg:$0x2] =	wrdreg s24  }
0xaf: {  	[dreg:$0x3] =	wrdreg s2  }
0xb0: {  	[dreg:$0x4] =	wrdreg $0x9  }
0xb1: {  	_ =	task.clear_ibuf [dreg:s7], $0x5FFFF;
	_ =	strace $0x90000046  }
0xb2: {  	s29 =	simm.s32 $0x9;
	_ =	strace $0x80000048  }
0xb3: {  	_ =	swait.ge [sflag:s29], $0x1  }
0xb4: {  	[sflag:s29] =	ssyncadd.s32 $0xFFFFFFFF  }
0xb5: {  	_ =	strace $0x90000048  }
0xb6: {  	_ =	sfence  }
0xb7: {  	s30 =	sld [smem:$0x0];
	_ =	sdelay $0x2  }
0xb8: {  	s31 =	sshll.u32 s1, $0xD;
	s1 =	sshrl.u32 s1, $0x2  }
0xb9: {  	s3 =	sand.u32 $0x4000, s31;
	s1 =	sadd.s32 s1, s30  }
0xba: {  	s0 =	sor.u32 s3, s0;
	s1 =	sshll.u32 s1, $0x11  }
0xbb: {  	s0 =	sor.u32 s1, s0  }
0xbc: {  	s0 =	sadd.s32 $0x8F2B, s0  }
0xbd: {  	[sflag:s0] =	ssyncadd.remote.s32 $0x1  }
0xbe: {  	_ =	sfence.sel $0xFFFF  }
0xbf: {  	[dreg:$0x0] =	wrdreg $0xFFFFFFFF;
	(pc) =	sbr.abs _section_cstart, $3  }
0xc0: {  	[dreg:$0x1] =	wrdreg $0xFFFFFFFF  }
0xc1: {  	_ =	task.clear_ibuf [dreg:s7], $0x2FFFF;
	_ =	strace $0x9FFFFFFF  }
0xc2: {  	(tm) =	ssettm $0x7FFFFFFF  }
0xc3: {  	_ =	shalt  }
tec
execute0_lowered:
.L_overlay_start_1:
0x0: {  	(tag) =	ssettag $0x1  }
0x1: {  	s0 =	rddreg [dreg:$0x0]  }
0x2: {  	s6 =	rddreg [dreg:$0x1];
	s2 =	simm.s32 $0x0  }
0x3: {  	s25 =	srdreg.scid;
	s3 =	stileid.u32;
	s14 =	simm.s32 $0x2  }
0x4: {  	s15 =	simm.s32 $0xF00;
	s16 =	simm.s32 $0x1480;
	s18 =	simm.s32 $0x3  }
0x5: {  	[smem:$0x7FF] =	sst s2;
	s1 =	sadd.s32 $0xE00, s0;
	s3 =	sshll.u32 s3, $0x1  }
0x6: {  	_ =	strace $0x80000047;
	[dreg:$0x3] =	wrdreg s1;
	s1 =	sand.u32 $0x1, s25  }
0x7: {  	s4 =	sadd.s32 $0x1FE00, s0;
	s28 =	ssub.s32 $0x2, s1;
	s1 =	sor.u32 s1, s3  }
0x8: {  	s5 =	sadd.s32 $0x1000, s0;
	s26 =	sadd.s32 $0x1200, s0;
	s3 =	sshll.u32 s1, $0xC  }
0x9: {  	s8 =	sadd.s32 $0x1400, s0;
	[dreg:$0x4] =	wrdreg s5;
	s30 =	sadd.s32 s3, s6  }
0xa: {  	[dreg:$0x5] =	wrdreg s26;
	s29 =	sshrl.u32 s28, $0x1;
	s3 =	sadd.s32 $0xE00, s30  }
0xb: {  	v0 =	vlaneseq.u32;
	s9 =	sshll.u32 s1, $0xF;
	s31 =	sadd.s32 $0x20E00, s30;
	[dreg:$0x6] =	wrdreg s3  }
0xc: {  	v0 =	vmul.u32 $0x3, v0;
	s0 =	ssub.s32 s28, s29;
	s1 =	sadd.s32 $0x40E00, s30;
	[dreg:$0x7] =	wrdreg s31  }
0xd: {  	s19 =	simm.s32 $0x80;
	s0 =	smax.u32 s0, $0x1;
	[dreg:$0x8] =	wrdreg s1  }
0xe: {  	s20 =	simm.s32 $0x1C80;
	v1 =	vadd.s32 $0x1, v0;
	v2 =	vadd.s32 $0x2, v0;
	[dreg:$0x9] =	wrdreg s0;
	s1 =	simm.s32 $0x0  }
.LBB2_1:
0xf: {  	[dreg:$0xa] =	wrdreg s1  }
0x10: {  	s0 =	rddreg [dreg:$0x5]  }
0x11: {  	[tilespmem:s2], [sflag:$0x2] =	stream.linear.gather [hbm4b:s0+s2], $0xF00, $0x38;
	[tilespmem:$0x18B80] =	vst v63  }
0x12: {  	s24 =	simm.s32 $0x10;
	_ =	swait.ge [sflag:s14], $0xF00  }
0x13: {  	v3 =	vmov s24;
	[sflag:s14] =	ssyncset.done $0x0  }
0x14: {  	v3 =	vmul.u32 $0x3, v3;
	s22 =	rddreg [dreg:$0x4];
	[sflag:s14] =	ssyncadd.s32 $0xFFFFF100  }
0x15: {  	[tilespmem:s15], [sflag:$0x2] =	stream.linear.gather [hbm4b:s22+s2], $0x580, $0x38;
	[tilespmem:$0x18B80] =	vst v63  }
0x16: {  	v3 =	vbroadcast v3, $0x0;
	_ =	swait.ge [sflag:s14], $0x580  }
0x17: {  	[sflag:s14] =	ssyncset.done $0x0  }
0x18: {  	s25 =	simm.s32 $0x0;
	v5 =	vadd.s32 v0, v3;
	s23 =	rddreg [dreg:$0x3];
	[sflag:s14] =	ssyncadd.s32 $0xFFFFFA80  }
0x19: {  	v4 =	vmov s25;
	[tilespmem:s16], [sflag:$0x2] =	stream.linear.gather [hbm4b:s23+s2], $0x800, $0x38;
	[tilespmem:$0x18B80] =	vst v63  }
0x1a: {  	v4 =	vmul.u32 $0x3, v4;
	_ =	swait.ge [sflag:s14], $0x800  }
0x1b: {  	[sflag:s14] =	ssyncset.done $0x0  }
0x1c: {  	v4 =	vbroadcast v4, $0x0;
	[sflag:s14] =	ssyncadd.s32 $0xFFFFF800  }
0x1d: {  	v9 =	vld.idx.msk [tilespmem:v5+s2+$0x0], $0xffff  }
0x1e: {  	v6 =	vadd.s32 v0, v4;
	_ =	sdelay $0x3  }
0x1f: {  	[tilespmem:$0x1FEE0] =	vst v9  }
0x20: {  	v6 =	vld.idx.msk [tilespmem:v6+s2+$0x0], $0xffff  }
0x21: {  	v7 =	vadd.s32 v1, v4;
	_ =	sdelay $0x3  }
0x22: {  	[tilespmem:$0x1FED0] =	vst v6  }
0x23: {  	v7 =	vld.idx.msk [tilespmem:v7+s2+$0x0], $0xffff  }
0x24: {  	v4 =	vadd.s32 v2, v4;
	_ =	sdelay $0x3  }
0x25: {  	[tilespmem:$0x1FF10] =	vst v7  }
0x26: {  	v8 =	vld.idx.msk [tilespmem:v4+s2+$0x0], $0xffff  }
0x27: {  	v5 =	vadd.s32 v1, v3;
	_ =	sdelay $0x3  }
0x28: {  	[tilespmem:$0x1FF20] =	vst v8  }
0x29: {  	v11 =	vld.idx.msk [tilespmem:v5+s2+$0x0], $0xffff  }
0x2a: {  	v3 =	vadd.s32 v2, v3;
	_ =	sdelay $0x3  }
0x2b: {  	[tilespmem:$0x1FEF0] =	vst v11  }
0x2c: {  	v10 =	vld.idx.msk [tilespmem:v3+s2+$0x0], $0xffff  }
0x2d: {  	v4 =	vshll.u32 v9, $0x1  }
0x2e: {  	v6 =	vshll.u32 v6, $0x1  }
0x2f: {  	v7 =	vshll.u32 v7, $0x1  }
0x30: {  	v5 =	vshll.u32 v8, $0x1  }
0x31: {  	v8 =	vor.u32 $0x1, v7;
	[tilespmem:$0x1FF00] =	vst v10  }
0x32: {  	v3 =	vor.u32 $0x1, v6;
	v9 =	vld.idx.msk [tilespmem:v4+s15+$0x0], $0xffff  }
0x33: {  	v15 =	vor.u32 $0x1, v5;
	v6 =	vld.idx.msk [tilespmem:v6+s15+$0x0], $0xffff  }
0x34: {  	v7 =	vld.idx.msk [tilespmem:v7+s15+$0x0], $0xffff  }
0x35: {  	v5 =	vld.idx.msk [tilespmem:v5+s15+$0x0], $0xffff  }
0x36: {  	v16 =	vshll.u32 v11, $0x1;
	v8 =	vld.idx.msk [tilespmem:v8+s15+$0x0], $0xffff  }
0x37: {  	v18 =	vshll.u32 v10, $0x1;
	v17 =	vld.idx.msk [tilespmem:v3+s15+$0x0], $0xffff  }
0x38: {  	v19 =	vor.u32 $0x1, v16;
	v15 =	vld.idx.msk [tilespmem:v15+s15+$0x0], $0xffff  }
0x39: {  	v22 =	vor.u32 $0x1, v18;
	v3 =	vadd.f32 $-5.000000000e-01, v9;
	v6 =	vadd.f32 $-5.000000000e-01, v6  }
0x3a: {  	v9 =	vor.u32 $0x1, v4;
	v7 =	vadd.f32 $-5.000000000e-01, v7;
	v5 =	vadd.f32 $-5.000000000e-01, v5  }
0x3b: {  	v23 =	vld.idx.msk [tilespmem:v16+s15+$0x0], $0xffff;
	v8 =	vadd.f32 $-5.000000000e-01, v8;
	v4 =	vmul.f32 $3.141592740e+00, v3;
	v16 =	vmul.f32 $3.141592740e+00, v6  }
0x3c: {  	v24 =	vld.idx.msk [tilespmem:v18+s15+$0x0], $0xffff;
	v6 =	vadd.f32 $-5.000000000e-01, v17;
	v20 =	vmul.f32 $3.141592740e+00, v7;
	v21 =	vmul.f32 $3.141592740e+00, v5  }
0x3d: {  	v25 =	vld.idx.msk [tilespmem:v19+s15+$0x0], $0xffff;
	v5 =	vadd.f32 $-5.000000000e-01, v15;
	v17 =	vmul.f32 $3.141592740e+00, v8;
	v3 =	vmul.f32 v4, v4  }
0x3e: {  	v15 =	vmul.f32 $3.141592740e+00, v6;
	v26 =	vmul.f32 v16, v16  }
0x3f: {  	v19 =	vmul.f32 $3.141592740e+00, v5;
	v27 =	vmul.f32 v20, v20  }
0x40: {  	v18 =	vadd.f32 $-5.000000000e-01, v23;
	v28 =	vmul.f32 v21, v21;
	v23 =	vmul.f32 v17, v17  }
0x41: {  	v8 =	vld.idx.msk [tilespmem:v22+s15+$0x0], $0xffff;
	v7 =	vadd.f32 $-5.000000000e-01, v24;
	v22 =	vmul.f32 v15, v15;
	v24 =	vmul.f32 $2.087675590e-09, v26  }
0x42: {  	v6 =	vadd.f32 $-5.000000000e-01, v25;
	v25 =	vmul.f32 $2.087675590e-09, v27;
	v29 =	vmul.f32 $2.087675590e-09, v28  }
0x43: {  	s3 =	simm.s32 $0x20;
	v9 =	vld.idx.msk [tilespmem:v9+s15+$0x0], $0xffff;
	v30 =	vmul.f32 $2.505210790e-08, v26;
	v31 =	vmul.f32 $2.505210790e-08, v27  }
0x44: {  	v55 =	vmov s3;
	v33 =	vmul.f32 $2.505210790e-08, v28;
	v34 =	vmul.f32 $2.505210790e-08, v23  }
0x45: {  	v37 =	vmul.f32 $2.087675590e-09, v23;
	v24 =	vadd.f32 $-2.755732000e-07, v24;
	v25 =	vadd.f32 $-2.755732000e-07, v25  }
0x46: {  	v32 =	vmul.f32 $2.505210790e-08, v22;
	v29 =	vadd.f32 $-2.755732000e-07, v29;
	v30 =	vsub.f32 $2.755731880e-06, v30  }
0x47: {  	v36 =	vmul.f32 $2.087675590e-09, v22;
	v31 =	vsub.f32 $2.755731880e-06, v31;
	v33 =	vsub.f32 $2.755731880e-06, v33  }
0x48: {  	v5 =	vadd.f32 $-5.000000000e-01, v9;
	v9 =	vmul.f32 v19, v19;
	v24 =	vmul.f32 v24, v26  }
0x49: {  	v34 =	vsub.f32 $2.755731880e-06, v34;
	v25 =	vmul.f32 v25, v27;
	v29 =	vmul.f32 v29, v28  }
0x4a: {  	v37 =	vadd.f32 $-2.755732000e-07, v37;
	v30 =	vmul.f32 v30, v26;
	v31 =	vmul.f32 v31, v27  }
0x4b: {  	v32 =	vsub.f32 $2.755731880e-06, v32;
	v33 =	vmul.f32 v33, v28;
	v34 =	vmul.f32 v34, v23  }
0x4c: {  	v36 =	vadd.f32 $-2.755732000e-07, v36;
	v37 =	vmul.f32 v37, v23;
	v35 =	vmul.f32 $2.505210790e-08, v9  }
0x4d: {  	v38 =	vmul.f32 $2.087675590e-09, v9;
	v24 =	vadd.f32 $2.480158760e-05, v24;
	v25 =	vadd.f32 $2.480158760e-05, v25  }
0x4e: {  	v32 =	vmul.f32 v32, v22;
	v29 =	vadd.f32 $2.480158760e-05, v29;
	v30 =	vadd.f32 $-1.984127010e-04, v30  }
0x4f: {  	v36 =	vmul.f32 v36, v22;
	v31 =	vadd.f32 $-1.984127010e-04, v31;
	v33 =	vadd.f32 $-1.984127010e-04, v33  }
0x50: {  	v34 =	vadd.f32 $-1.984127010e-04, v34;
	v37 =	vadd.f32 $2.480158760e-05, v37;
	v24 =	vmul.f32 v24, v26  }
0x51: {  	v35 =	vsub.f32 $2.755731880e-06, v35;
	v25 =	vmul.f32 v25, v27;
	v29 =	vmul.f32 v29, v28  }
0x52: {  	v38 =	vadd.f32 $-2.755732000e-07, v38;
	v30 =	vmul.f32 v30, v26;
	v31 =	vmul.f32 v31, v27  }
0x53: {  	v32 =	vadd.f32 $-1.984127010e-04, v32;
	v33 =	vmul.f32 v33, v28;
	v34 =	vmul.f32 v34, v23  }
0x54: {  	v36 =	vadd.f32 $2.480158760e-05, v36;
	v37 =	vmul.f32 v37, v23;
	v35 =	vmul.f32 v35, v9  }
0x55: {  	v38 =	vmul.f32 v38, v9;
	v24 =	vadd.f32 $-1.388888920e-03, v24;
	v25 =	vadd.f32 $-1.388888920e-03, v25  }
0x56: {  	v32 =	vmul.f32 v32, v22;
	v29 =	vadd.f32 $-1.388888920e-03, v29;
	v30 =	vadd.f32 $8.333333770e-03, v30  }
0x57: {  	v36 =	vmul.f32 v36, v22;
	v31 =	vadd.f32 $8.333333770e-03, v31;
	v33 =	vadd.f32 $8.333333770e-03, v33  }
0x58: {  	v34 =	vadd.f32 $8.333333770e-03, v34;
	v37 =	vadd.f32 $-1.388888920e-03, v37;
	v24 =	vmul.f32 v24, v26  }
0x59: {  	v35 =	vadd.f32 $-1.984127010e-04, v35;
	v25 =	vmul.f32 v25, v27;
	v29 =	vmul.f32 v29, v28  }
0x5a: {  	v38 =	vadd.f32 $2.480158760e-05, v38;
	v30 =	vmul.f32 v30, v26;
	v31 =	vmul.f32 v31, v27  }
0x5b: {  	v32 =	vadd.f32 $8.333333770e-03, v32;
	v33 =	vmul.f32 v33, v28;
	v34 =	vmul.f32 v34, v23  }
0x5c: {  	v36 =	vadd.f32 $-1.388888920e-03, v36;
	v37 =	vmul.f32 v37, v23;
	v35 =	vmul.f32 v35, v9  }
0x5d: {  	v38 =	vmul.f32 v38, v9;
	v24 =	vadd.f32 $4.166666790e-02, v24;
	v25 =	vadd.f32 $4.166666790e-02, v25  }
0x5e: {  	v32 =	vmul.f32 v32, v22;
	v29 =	vadd.f32 $4.166666790e-02, v29;
	v30 =	vadd.f32 $-1.666666720e-01, v30  }
0x5f: {  	v36 =	vmul.f32 v36, v22;
	v31 =	vadd.f32 $-1.666666720e-01, v31;
	v33 =	vadd.f32 $-1.666666720e-01, v33  }
0x60: {  	v34 =	vadd.f32 $-1.666666720e-01, v34;
	v37 =	vadd.f32 $4.166666790e-02, v37;
	v24 =	vmul.f32 v24, v26  }
0x61: {  	v35 =	vadd.f32 $8.333333770e-03, v35;
	v25 =	vmul.f32 v25, v27;
	v29 =	vmul.f32 v29, v28  }
0x62: {  	v38 =	vadd.f32 $-1.388888920e-03, v38;
	v30 =	vmul.f32 v30, v26;
	v31 =	vmul.f32 v31, v27  }
0x63: {  	v32 =	vadd.f32 $-1.666666720e-01, v32;
	v33 =	vmul.f32 v33, v28;
	v34 =	vmul.f32 v34, v23  }
0x64: {  	v36 =	vadd.f32 $4.166666790e-02, v36;
	v37 =	vmul.f32 v37, v23;
	v35 =	vmul.f32 v35, v9  }
0x65: {  	v38 =	vmul.f32 v38, v9;
	v24 =	vadd.f32 $-5.000000000e-01, v24;
	v25 =	vadd.f32 $-5.000000000e-01, v25  }
0x66: {  	v32 =	vmul.f32 v32, v22;
	v29 =	vadd.f32 $-5.000000000e-01, v29;
	v30 =	vadd.f32 $1.000000000e+00, v30  }
0x67: {  	v36 =	vmul.f32 v36, v22;
	v31 =	vadd.f32 $1.000000000e+00, v31;
	v33 =	vadd.f32 $1.000000000e+00, v33  }
0x68: {  	v35 =	vadd.f32 $-1.666666720e-01, v35;
	v38 =	vadd.f32 $4.166666790e-02, v38;
	v24 =	vmul.f32 v24, v26  }
0x69: {  	v32 =	vadd.f32 $1.000000000e+00, v32;
	v25 =	vmul.f32 v25, v27;
	v16 =	vmul.f32 v30, v16  }
0x6a: {  	v26 =	vadd.f32 $-5.000000000e-01, v36;
	v28 =	vmul.f32 v29, v28;
	v20 =	vmul.f32 v31, v20  }
0x6b: {  	v27 =	vadd.f32 $-5.000000000e-01, v37;
	v21 =	vmul.f32 v33, v21;
	v35 =	vmul.f32 v35, v9  }
0x6c: {  	v38 =	vmul.f32 v38, v9;
	v30 =	vadd.f32 v16, v16;
	v24 =	vadd.f32 $1.000000000e+00, v24  }
0x6d: {  	v22 =	vmul.f32 v26, v22;
	v25 =	vadd.f32 $1.000000000e+00, v25;
	v26 =	vadd.f32 v20, v20  }
0x6e: {  	v23 =	vmul.f32 v27, v23;
	v27 =	vadd.f32 $1.000000000e+00, v28;
	v28 =	vadd.f32 v21, v21  }
0x6f: {  	v10 =	vmul.f32 v32, v15;
	v32 =	vmul.u32 $0x3, v55;
	v29 =	vadd.f32 $-5.000000000e-01, v38  }
0x70: {  	v16 =	vmul.f32 v30, v16;
	v24 =	vmul.f32 v24, v30;
	v22 =	vadd.f32 $1.000000000e+00, v22  }
0x71: {  	v25 =	vmul.f32 v25, v26;
	v30 =	vadd.f32 $1.000000000e+00, v23;
	v23 =	vmul.f32 v27, v28  }
0x72: {  	v20 =	vmul.f32 v26, v20;
	v26 =	vadd.f32 $1.000000000e+00, v35;
	v27 =	vmul.f32 v28, v21  }
0x73: {  	v41 =	vbroadcast v32, $0x0;
	v9 =	vmul.f32 v29, v9;
	v29 =	vsub.f32 $1.000000000e+00, v16  }
0x74: {  	v11 =	vmul.f32 v22, v24;
	v24 =	vadd.f32 $1.000000000e+00, v34;
	v25 =	vmul.f32 v30, v25  }
0x75: {  	v20 =	vsub.f32 $1.000000000e+00, v20;
	v19 =	vmul.f32 v26, v19;
	v26 =	vmul.f32 $2.505210790e-08, v3  }
0x76: {  	v9 =	vadd.f32 $1.000000000e+00, v9;
	v16 =	vmul.f32 v22, v29;
	v14 =	vsub.f32 v25, v11  }
0x77: {  	v17 =	vmul.f32 v24, v17;
	v24 =	vsub.f32 $1.000000000e+00, v27;
	v25 =	vmul.f32 $3.141592740e+00, v18  }
0x78: {  	v18 =	vmul.f32 v30, v20;
	v29 =	vmul.f32 $2.087675590e-09, v3  }
0x79: {  	v8 =	vadd.f32 $-5.000000000e-01, v8;
	v23 =	vmul.f32 v9, v23;
	v9 =	vmul.f32 v9, v24  }
0x7a: {  	v26 =	vsub.f32 $2.755731880e-06, v26;
	v24 =	vmul.f32 $3.141592740e+00, v7;
	v27 =	vmul.f32 v25, v25  }
0x7b: {  	v12 =	vsub.f32 v19, v10;
	v7 =	vmul.f32 $3.141592740e+00, v5;
	v5 =	vmul.f32 $3.141592740e+00, v6  }
0x7c: {  	v13 =	vsub.f32 v17, v10;
	v6 =	vmul.f32 $3.141592740e+00, v8;
	v26 =	vmul.f32 v26, v3  }
0x7d: {  	[tilespmem:$0x1FE80] =	vst v10;
	v28 =	vmul.f32 v24, v24;
	v10 =	vsub.f32 v9, v16;
	v9 =	vmul.f32 $2.505210790e-08, v27  }
0x7e: {  	v29 =	vadd.f32 $-2.755732000e-07, v29;
	v30 =	vmul.f32 $2.087675590e-09, v27;
	v62 =	vmul.f32 v7, v7  }
0x7f: {  	v63 =	vmul.f32 v5, v5;
	v44 =	vmul.f32 v6, v6  }
0x80: {  	v21 =	vsub.f32 v23, v11;
	v29 =	vmul.f32 v29, v3;
	v8 =	vmul.f32 $2.505210790e-08, v28  }
0x81: {  	v26 =	vadd.f32 $-1.984127010e-04, v26;
	v31 =	vmul.f32 $2.087675590e-09, v28;
	v45 =	vmul.f32 $2.087675590e-09, v62  }
0x82: {  	v9 =	vsub.f32 $2.755731880e-06, v9;
	v46 =	vmul.f32 $2.087675590e-09, v63;
	v47 =	vmul.f32 $2.087675590e-09, v44  }
0x83: {  	v30 =	vadd.f32 $-2.755732000e-07, v30;
	v26 =	vmul.f32 v26, v3;
	v48 =	vmul.f32 $2.505210790e-08, v62  }
0x84: {  	v29 =	vadd.f32 $2.480158760e-05, v29;
	v39 =	vmul.f32 $2.505210790e-08, v63;
	v40 =	vmul.f32 $2.505210790e-08, v44  }
0x85: {  	v8 =	vsub.f32 $2.755731880e-06, v8;
	v9 =	vmul.f32 v9, v27;
	v31 =	vadd.f32 $-2.755732000e-07, v31  }
0x86: {  	v30 =	vmul.f32 v30, v27;
	v35 =	vadd.f32 $-2.755732000e-07, v45;
	v36 =	vadd.f32 $-2.755732000e-07, v46  }
0x87: {  	v37 =	vadd.f32 $-2.755732000e-07, v47;
	v26 =	vadd.f32 $8.333333770e-03, v26;
	v29 =	vmul.f32 v29, v3  }
0x88: {  	v38 =	vsub.f32 $2.755731880e-06, v48;
	v39 =	vsub.f32 $2.755731880e-06, v39;
	v8 =	vmul.f32 v8, v28  }
0x89: {  	v40 =	vsub.f32 $2.755731880e-06, v40;
	v31 =	vmul.f32 v31, v28;
	v35 =	vmul.f32 v35, v62  }
0x8a: {  	v9 =	vadd.f32 $-1.984127010e-04, v9;
	v36 =	vmul.f32 v36, v63;
	v37 =	vmul.f32 v37, v44  }
0x8b: {  	v30 =	vadd.f32 $2.480158760e-05, v30;
	v26 =	vmul.f32 v26, v3;
	v38 =	vmul.f32 v38, v62  }
0x8c: {  	v29 =	vadd.f32 $-1.388888920e-03, v29;
	v39 =	vmul.f32 v39, v63;
	v40 =	vmul.f32 v40, v44  }
0x8d: {  	v8 =	vadd.f32 $-1.984127010e-04, v8;
	v9 =	vmul.f32 v9, v27;
	v31 =	vadd.f32 $2.480158760e-05, v31  }
0x8e: {  	v30 =	vmul.f32 v30, v27;
	v35 =	vadd.f32 $2.480158760e-05, v35;
	v36 =	vadd.f32 $2.480158760e-05, v36  }
0x8f: {  	v37 =	vadd.f32 $2.480158760e-05, v37;
	v26 =	vadd.f32 $-1.666666720e-01, v26;
	v29 =	vmul.f32 v29, v3  }
0x90: {  	v38 =	vadd.f32 $-1.984127010e-04, v38;
	v39 =	vadd.f32 $-1.984127010e-04, v39;
	v8 =	vmul.f32 v8, v28  }
0x91: {  	v40 =	vadd.f32 $-1.984127010e-04, v40;
	v31 =	vmul.f32 v31, v28;
	v35 =	vmul.f32 v35, v62  }
0x92: {  	v9 =	vadd.f32 $8.333333770e-03, v9;
	v36 =	vmul.f32 v36, v63;
	v37 =	vmul.f32 v37, v44  }
0x93: {  	v30 =	vadd.f32 $-1.388888920e-03, v30;
	v26 =	vmul.f32 v26, v3;
	v38 =	vmul.f32 v38, v62  }
0x94: {  	v29 =	vadd.f32 $4.166666790e-02, v29;
	v39 =	vmul.f32 v39, v63;
	v40 =	vmul.f32 v40, v44  }
0x95: {  	v8 =	vadd.f32 $8.333333770e-03, v8;
	v9 =	vmul.f32 v9, v27;
	v31 =	vadd.f32 $-1.388888920e-03, v31  }
0x96: {  	v30 =	vmul.f32 v30, v27;
	v35 =	vadd.f32 $-1.388888920e-03, v35;
	v36 =	vadd.f32 $-1.388888920e-03, v36  }
0x97: {  	v37 =	vadd.f32 $-1.388888920e-03, v37;
	v26 =	vadd.f32 $1.000000000e+00, v26;
	v29 =	vmul.f32 v29, v3  }
0x98: {  	v50 =	vadd.f32 $8.333333770e-03, v38;
	v8 =	vmul.f32 v8, v28;
	v31 =	vmul.f32 v31, v28  }
0x99: {  	v9 =	vadd.f32 $-1.666666720e-01, v9;
	v35 =	vmul.f32 v35, v62;
	v36 =	vmul.f32 v36, v63  }
0x9a: {  	v30 =	vadd.f32 $4.166666790e-02, v30;
	v37 =	vmul.f32 v37, v44;
	v4 =	vmul.f32 v26, v4  }
0x9b: {  	v29 =	vadd.f32 $-5.000000000e-01, v29;
	v8 =	vadd.f32 $-1.666666720e-01, v8;
	v9 =	vmul.f32 v9, v27  }
0x9c: {  	v31 =	vadd.f32 $4.166666790e-02, v31;
	v35 =	vadd.f32 $4.166666790e-02, v35;
	v30 =	vmul.f32 v30, v27  }
0x9d: {  	v26 =	vadd.f32 $4.166666790e-02, v36;
	v49 =	vadd.f32 $4.166666790e-02, v37;
	v37 =	vmul.f32 v50, v62  }
0x9e: {  	v51 =	vadd.f32 v4, v4;
	v3 =	vmul.f32 v29, v3;
	v8 =	vmul.f32 v8, v28  }
0x9f: {  	v9 =	vadd.f32 $1.000000000e+00, v9;
	v31 =	vmul.f32 v31, v28;
	v35 =	vmul.f32 v35, v62  }
0xa0: {  	v30 =	vadd.f32 $-5.000000000e-01, v30;
	v26 =	vmul.f32 v26, v63;
	v36 =	vmul.f32 v49, v44  }
0xa1: {  	v4 =	vmul.f32 v51, v4;
	v3 =	vadd.f32 $1.000000000e+00, v3;
	v8 =	vadd.f32 $1.000000000e+00, v8  }
0xa2: {  	v9 =	vmul.f32 v9, v25;
	v25 =	vadd.f32 $8.333333770e-03, v39;
	v31 =	vadd.f32 $-5.000000000e-01, v31  }
0xa3: {  	v29 =	vadd.f32 $-5.000000000e-01, v35;
	v27 =	vmul.f32 v30, v27;
	v26 =	vadd.f32 $-5.000000000e-01, v26  }
0xa4: {  	v30 =	vadd.f32 $-5.000000000e-01, v36;
	v4 =	vsub.f32 $1.000000000e+00, v4;
	v3 =	vmul.f32 v3, v51  }
0xa5: {  	v8 =	vmul.f32 v8, v24;
	v24 =	vadd.f32 $8.333333770e-03, v40;
	v52 =	vadd.f32 v9, v9  }
0xa6: {  	v25 =	vmul.f32 v25, v63;
	v28 =	vmul.f32 v31, v28;
	v31 =	vadd.f32 $-1.666666720e-01, v37  }
0xa7: {  	v27 =	vadd.f32 $1.000000000e+00, v27;
	v29 =	vmul.f32 v29, v62;
	v26 =	vmul.f32 v26, v63  }
0xa8: {  	v30 =	vmul.f32 v30, v44;
	v53 =	vadd.f32 v8, v8;
	v24 =	vmul.f32 v24, v44  }
0xa9: {  	v25 =	vadd.f32 $-1.666666720e-01, v25;
	v9 =	vmul.f32 v52, v9;
	v28 =	vadd.f32 $1.000000000e+00, v28  }
0xaa: {  	v31 =	vmul.f32 v31, v62;
	v27 =	vmul.f32 v27, v52;
	v29 =	vadd.f32 $1.000000000e+00, v29  }
0xab: {  	v26 =	vadd.f32 $1.000000000e+00, v26;
	v30 =	vadd.f32 $1.000000000e+00, v30;
	v8 =	vmul.f32 v53, v8  }
0xac: {  	v24 =	vadd.f32 $-1.666666720e-01, v24;
	v9 =	vsub.f32 $1.000000000e+00, v9;
	v25 =	vmul.f32 v25, v63  }
0xad: {  	v28 =	vmul.f32 v28, v53;
	v36 =	vmul.f32 v29, v4;
	v8 =	vsub.f32 $1.000000000e+00, v8  }
0xae: {  	s26 =	simm.s32 $0x30;
	[tilespmem:$0x1FE60] =	vst v11;
	v11 =	vsub.f32 v18, v16;
	v32 =	vmul.f32 v29, v3;
	v24 =	vmul.f32 v24, v44  }
0xaf: {  	[tilespmem:$0x1FE50] =	vst v16;
	v4 =	vmul.f32 v26, v9;
	v9 =	vmov s26;
	v3 =	vmul.f32 v30, v8  }
0xb0: {  	[tilespmem:$0x1FEA0] =	vst v12;
	v8 =	vmul.u32 $0x3, v9;
	v9 =	vmul.f32 v26, v27;
	v27 =	vadd.s32 v0, v41  }
0xb1: {  	[tilespmem:$0x1FE90] =	vst v13;
	v31 =	vadd.f32 $1.000000000e+00, v31;
	v25 =	vadd.f32 $1.000000000e+00, v25  }
0xb2: {  	[tilespmem:$0x1FEC0] =	vst v10;
	v24 =	vadd.f32 $1.000000000e+00, v24;
	v26 =	vmul.f32 v30, v28  }
0xb3: {  	[tilespmem:$0x1FEB0] =	vst v11;
	v28 =	vmul.f32 v31, v7;
	v40 =	vsub.f32 v4, v36;
	v4 =	vmul.f32 v25, v5  }
0xb4: {  	[tilespmem:$0x1FE70] =	vst v21;
	v5 =	vmul.f32 v24, v6  }
0xb5: {  	v6 =	vmul.f32 v14, v12;
	v35 =	vsub.f32 v4, v28;
	v4 =	vmul.f32 v11, v12;
	v12 =	vld.idx.msk [tilespmem:v27+s2+$0x0], $0xffff  }
0xb6: {  	v7 =	vbroadcast v8, $0x0;
	v8 =	vadd.s32 v1, v41;
	_ =	sdelay $0x3  }
0xb7: {  	[tilespmem:$0x1FF40] =	vst v12  }
0xb8: {  	v54 =	vmul.f32 v10, v13;
	v34 =	vsub.f32 v5, v28;
	v5 =	vmul.f32 v21, v13;
	v13 =	vld.idx.msk [tilespmem:v8+s2+$0x0], $0xffff  }
0xb9: {  	v39 =	vsub.f32 v3, v36;
	v3 =	vadd.s32 v0, v7;
	_ =	sdelay $0x3  }
0xba: {  	[tilespmem:$0x1FF50] =	vst v13  }
0xbb: {  	v15 =	vld.idx.msk [tilespmem:v3+s2+$0x0], $0xffff  }
0xbc: {  	v29 =	vadd.s32 v2, v41;
	_ =	sdelay $0x1  }
0xbd: {  	v31 =	vmul.f32 v10, v14;
	v38 =	vsub.f32 v26, v32  }
0xbe: {  	v37 =	vsub.f32 v9, v32;
	v9 =	vmul.f32 v39, v35;
	v4 =	vsub.f32 v54, v4  }
0xbf: {  	v30 =	vmul.f32 v38, v35;
	v24 =	vmul.f32 v40, v34;
	[tilespmem:$0x1FF30] =	vst v15  }
0xc0: {  	v57 =	vmul.f32 v39, v37;
	v5 =	vsub.f32 v6, v5;
	v4 =	vmul.f32 v4, v4;
	v10 =	vld.idx.msk [tilespmem:v29+s2+$0x0], $0xffff  }
0xc1: {  	v6 =	vsub.f32 v9, v24;
	v9 =	vadd.s32 v1, v7;
	v8 =	vmul.f32 v37, v34  }
0xc2: {  	v56 =	vshll.u32 v12, $0x1;
	v3 =	vadd.s32 v2, v7;
	v7 =	vmul.f32 v21, v11  }
0xc3: {  	v8 =	vsub.f32 v8, v30;
	v30 =	vmul.f32 v38, v40;
	v42 =	vshll.u32 v13, $0x1  }
0xc4: {  	v5 =	vmul.f32 v5, v5;
	v6 =	vmul.f32 v6, v6;
	v7 =	vsub.f32 v7, v31  }
0xc5: {  	v8 =	vmul.f32 v8, v8;
	v29 =	vsub.f32 v30, v57;
	v30 =	vshll.u32 v15, $0x1;
	[tilespmem:$0x1FF70] =	vst v10  }
0xc6: {  	v4 =	vadd.f32 v4, v5;
	v5 =	vmul.f32 v7, v7;
	v31 =	vld.idx.msk [tilespmem:v9+s2+$0x0], $0xffff  }
0xc7: {  	v6 =	vadd.f32 v6, v8;
	v7 =	vmul.f32 v29, v29;
	v8 =	vld.idx.msk [tilespmem:v56+s15+$0x0], $0xffff  }
0xc8: {  	v4 =	vadd.f32 v4, v5;
	v5 =	vshll.u32 v10, $0x1;
	v9 =	vld.idx.msk [tilespmem:v42+s15+$0x0], $0xffff  }
0xc9: {  	v6 =	vadd.f32 v6, v7;
	v7 =	vor.u32 $0x1, v56;
	v33 =	vld.idx.msk [tilespmem:v3+s2+$0x0], $0xffff  }
0xca: {  	v58 =	vor.u32 $0x1, v42;
	v46 =	vor.u32 $0x1, v30;
	v59 =	vld.idx.msk [tilespmem:v30+s15+$0x0], $0xffff  }
0xcb: {  	v13 =	vmul.f32 $5.000000000e-01, v4;
	v3 =	vshrl.u32 v4, $0x1;
	v44 =	vor.u32 $0x1, v5  }
0xcc: {  	v43 =	vshrl.u32 v6, $0x1;
	v30 =	vmul.f32 $5.000000000e-01, v6;
	v10 =	vsub.s32 $0x5F3759DF, v3  }
0xcd: {  	v11 =	vsub.s32 $0x5F3759DF, v43;
	v48 =	vld.idx.msk [tilespmem:v5+s15+$0x0], $0xffff;
	[tilespmem:$0x1FF60] =	vst v13;
	v6 =	vadd.f32 $-5.000000000e-01, v8;
	v47 =	vshll.u32 v31, $0x1  }
0xce: {  	v5 =	vadd.f32 $-5.000000000e-01, v9;
	v49 =	vshll.u32 v33, $0x1;
	v8 =	vmul.f32 v10, v13;
	v9 =	vld.idx.msk [tilespmem:v7+s15+$0x0], $0xffff  }
0xcf: {  	v7 =	vmul.f32 v11, v30;
	v41 =	vld.idx.msk [tilespmem:v58+s15+$0x0], $0xffff;
	v42 =	vadd.f32 $-5.000000000e-01, v59;
	v51 =	vmul.f32 $3.141592740e+00, v6  }
0xd0: {  	v44 =	vld.idx.msk [tilespmem:v44+s15+$0x0], $0xffff;
	v50 =	vor.u32 $0x1, v47;
	v45 =	vmul.f32 $3.141592740e+00, v5;
	v6 =	vmul.f32 v10, v8  }
0xd1: {  	v43 =	vor.u32 $0x1, v49;
	v8 =	vmul.f32 $3.141592740e+00, v42;
	v52 =	vmul.f32 v51, v51  }
0xd2: {  	v12 =	vmul.f32 v11, v7;
	v53 =	vmul.f32 v45, v45;
	v60 =	vadd.f32 $-5.000000000e-01, v48  }
0xd3: {  	v7 =	vmul.f32 v8, v8;
	v54 =	vadd.f32 $-5.000000000e-01, v9;
	v61 =	vmul.f32 $2.087675590e-09, v52  }
0xd4: {  	v47 =	vld.idx.msk [tilespmem:v47+s15+$0x0], $0xffff;
	v41 =	vadd.f32 $-5.000000000e-01, v41;
	v55 =	vmul.f32 $2.087675590e-09, v53;
	v9 =	vmul.f32 $3.141592740e+00, v60  }
0xd5: {  	v49 =	vld.idx.msk [tilespmem:v49+s15+$0x0], $0xffff;
	v44 =	vadd.f32 $-5.000000000e-01, v44;
	v62 =	vmul.f32 $2.505210790e-08, v52;
	v56 =	vmul.f32 $2.505210790e-08, v53  }
0xd6: {  	v50 =	vld.idx.msk [tilespmem:v50+s15+$0x0], $0xffff;
	v42 =	vmul.f32 $3.141592740e+00, v54;
	v41 =	vmul.f32 $3.141592740e+00, v41;
	v48 =	vadd.f32 $-2.755732000e-07, v61  }
0xd7: {  	v44 =	vmul.f32 $3.141592740e+00, v44;
	v55 =	vadd.f32 $-2.755732000e-07, v55;
	v54 =	vsub.f32 $2.755731880e-06, v62  }
0xd8: {  	v56 =	vsub.f32 $2.755731880e-06, v56;
	v58 =	vmul.f32 v42, v42;
	v59 =	vmul.f32 v41, v41  }
0xd9: {  	v48 =	vmul.f32 v48, v52;
	v55 =	vmul.f32 v55, v53;
	v47 =	vadd.f32 $-5.000000000e-01, v47  }
0xda: {  	v57 =	vld.idx.msk [tilespmem:v46+s15+$0x0], $0xffff;
	v54 =	vmul.f32 v54, v52;
	v46 =	vadd.f32 $-5.000000000e-01, v49;
	v49 =	vmul.f32 v9, v9  }
0xdb: {  	v56 =	vmul.f32 v56, v53;
	v62 =	vmul.f32 $2.505210790e-08, v58;
	v50 =	vadd.f32 $-5.000000000e-01, v50  }
0xdc: {  	v3 =	vmul.f32 $2.505210790e-08, v59;
	v48 =	vadd.f32 $2.480158760e-05, v48;
	v55 =	vadd.f32 $2.480158760e-05, v55  }
0xdd: {  	v54 =	vadd.f32 $-1.984127010e-04, v54;
	v56 =	vadd.f32 $-1.984127010e-04, v56;
	v61 =	vmul.f32 $2.087675590e-09, v49  }
0xde: {  	v63 =	vmul.f32 $2.505210790e-08, v49;
	v62 =	vsub.f32 $2.755731880e-06, v62;
	v50 =	vmul.f32 $3.141592740e+00, v50  }
0xdf: {  	v3 =	vsub.f32 $2.755731880e-06, v3;
	v48 =	vmul.f32 v48, v52;
	v55 =	vmul.f32 v55, v53  }
0xe0: {  	v54 =	vmul.f32 v54, v52;
	v56 =	vmul.f32 v56, v53;
	v61 =	vadd.f32 $-2.755732000e-07, v61  }
0xe1: {  	v63 =	vsub.f32 $2.755731880e-06, v63;
	v62 =	vmul.f32 v62, v58;
	v60 =	vadd.f32 $-1.388888920e-03, v48  }
0xe2: {  	v3 =	vmul.f32 v3, v59;
	v55 =	vadd.f32 $-1.388888920e-03, v55;
	v48 =	vadd.f32 $-5.000000000e-01, v57  }
0xe3: {  	v57 =	vmul.f32 v44, v44;
	v54 =	vadd.f32 $8.333333770e-03, v54;
	v61 =	vmul.f32 v61, v49  }
0xe4: {  	v56 =	vadd.f32 $8.333333770e-03, v56;
	v63 =	vmul.f32 v63, v49;
	v60 =	vmul.f32 v60, v52  }
0xe5: {  	v62 =	vadd.f32 $-1.984127010e-04, v62;
	v55 =	vmul.f32 v55, v53;
	v54 =	vmul.f32 v54, v52  }
0xe6: {  	v3 =	vadd.f32 $-1.984127010e-04, v3;
	v56 =	vmul.f32 v56, v53;
	v4 =	vmul.f32 $2.505210790e-08, v57  }
0xe7: {  	v61 =	vadd.f32 $2.480158760e-05, v61;
	v63 =	vadd.f32 $-1.984127010e-04, v63;
	v62 =	vmul.f32 v62, v58  }
0xe8: {  	v3 =	vmul.f32 v3, v59;
	v60 =	vadd.f32 $4.166666790e-02, v60;
	v55 =	vadd.f32 $4.166666790e-02, v55  }
0xe9: {  	v54 =	vadd.f32 $-1.666666720e-01, v54;
	v56 =	vadd.f32 $-1.666666720e-01, v56;
	v61 =	vmul.f32 v61, v49  }
0xea: {  	v4 =	vsub.f32 $2.755731880e-06, v4;
	v63 =	vmul.f32 v63, v49;
	v60 =	vmul.f32 v60, v52  }
0xeb: {  	v62 =	vadd.f32 $8.333333770e-03, v62;
	v55 =	vmul.f32 v55, v53;
	v54 =	vmul.f32 v54, v52  }
0xec: {  	v3 =	vadd.f32 $8.333333770e-03, v3;
	v56 =	vmul.f32 v56, v53;
	v4 =	vmul.f32 v4, v57  }
0xed: {  	v61 =	vadd.f32 $-1.388888920e-03, v61;
	v63 =	vadd.f32 $8.333333770e-03, v63;
	v62 =	vmul.f32 v62, v58  }
0xee: {  	v3 =	vmul.f32 v3, v59;
	v60 =	vadd.f32 $-5.000000000e-01, v60;
	v55 =	vadd.f32 $-5.000000000e-01, v55  }
0xef: {  	v54 =	vadd.f32 $1.000000000e+00, v54;
	v4 =	vadd.f32 $-1.984127010e-04, v4;
	v61 =	vmul.f32 v61, v49  }
0xf0: {  	v56 =	vadd.f32 $1.000000000e+00, v56;
	v52 =	vmul.f32 v60, v52;
	v60 =	vmul.f32 $2.087675590e-09, v58  }
0xf1: {  	v62 =	vadd.f32 $-1.666666720e-01, v62;
	v51 =	vmul.f32 v54, v51;
	v54 =	vmul.f32 $2.087675590e-09, v57  }
0xf2: {  	v53 =	vmul.f32 v55, v53;
	v55 =	vmul.f32 $2.087675590e-09, v59;
	v60 =	vadd.f32 $-2.755732000e-07, v60  }
0xf3: {  	v63 =	vmul.f32 v63, v49;
	v3 =	vadd.f32 $-1.666666720e-01, v3;
	v54 =	vadd.f32 $-2.755732000e-07, v54  }
0xf4: {  	v4 =	vmul.f32 v4, v57;
	v55 =	vadd.f32 $-2.755732000e-07, v55;
	v60 =	vmul.f32 v60, v58  }
0xf5: {  	v61 =	vadd.f32 $4.166666790e-02, v61;
	v63 =	vadd.f32 $-1.666666720e-01, v63;
	v54 =	vmul.f32 v54, v57  }
0xf6: {  	v56 =	vmul.f32 v56, v45;
	v55 =	vmul.f32 v55, v59;
	v60 =	vadd.f32 $2.480158760e-05, v60  }
0xf7: {  	v62 =	vmul.f32 v62, v58;
	v3 =	vmul.f32 v3, v59;
	v54 =	vadd.f32 $2.480158760e-05, v54  }
0xf8: {  	v4 =	vadd.f32 $8.333333770e-03, v4;
	v55 =	vadd.f32 $2.480158760e-05, v55;
	v60 =	vmul.f32 v60, v58  }
0xf9: {  	v61 =	vmul.f32 v61, v49;
	v52 =	vadd.f32 $1.000000000e+00, v52;
	v54 =	vmul.f32 v54, v57  }
0xfa: {  	v53 =	vadd.f32 $1.000000000e+00, v53;
	v55 =	vmul.f32 v55, v59;
	v60 =	vadd.f32 $-1.388888920e-03, v60  }
0xfb: {  	v63 =	vmul.f32 v63, v49;
	v3 =	vadd.f32 $1.000000000e+00, v3;
	v54 =	vadd.f32 $-1.388888920e-03, v54  }
0xfc: {  	v4 =	vmul.f32 v4, v57;
	v55 =	vadd.f32 $-1.388888920e-03, v55;
	v60 =	vmul.f32 v60, v58  }
0xfd: {  	v61 =	vadd.f32 $-5.000000000e-01, v61;
	v63 =	vadd.f32 $1.000000000e+00, v63;
	v54 =	vmul.f32 v54, v57  }
0xfe: {  	v4 =	vadd.f32 $-1.666666720e-01, v4;
	v55 =	vmul.f32 v55, v59;
	v60 =	vadd.f32 $4.166666790e-02, v60  }
0xff: {  	v3 =	vmul.f32 v3, v41;
	v41 =	vmul.f32 $3.141592740e+00, v48;
	v54 =	vadd.f32 $4.166666790e-02, v54  }
0x100: {  	v4 =	vmul.f32 v4, v57;
	v55 =	vadd.f32 $4.166666790e-02, v55;
	v60 =	vmul.f32 v60, v58  }
0x101: {  	v49 =	vmul.f32 v61, v49;
	v61 =	vadd.f32 v51, v51;
	v54 =	vmul.f32 v54, v57  }
0x102: {  	v4 =	vadd.f32 $1.000000000e+00, v4;
	v55 =	vmul.f32 v55, v59;
	v60 =	vadd.f32 $-5.000000000e-01, v60  }
0x103: {  	v9 =	vmul.f32 v63, v9;
	v52 =	vmul.f32 v52, v61;
	v63 =	vadd.f32 $-5.000000000e-01, v54  }
0x104: {  	v4 =	vmul.f32 v4, v44;
	v55 =	vadd.f32 $-5.000000000e-01, v55;
	v58 =	vmul.f32 v60, v58  }
0x105: {  	v45 =	vmul.f32 v63, v57;
	v63 =	vmul.f32 v61, v51;
	v51 =	vadd.f32 v56, v56  }
0x106: {  	v49 =	vadd.f32 $1.000000000e+00, v49;
	v55 =	vmul.f32 v55, v59;
	v61 =	vmul.f32 $2.505210790e-08, v7  }
0x107: {  	v57 =	vld.idx.msk [tilespmem:v43+s15+$0x0], $0xffff;
	v54 =	vadd.f32 $1.000000000e+00, v58;
	v58 =	vadd.f32 v9, v9;
	v53 =	vmul.f32 v53, v51  }
0x108: {  	v59 =	vsub.f32 $1.000000000e+00, v63;
	v51 =	vmul.f32 v51, v56;
	v56 =	vmul.f32 $3.141592740e+00, v47  }
0x109: {  	v55 =	vadd.f32 $1.000000000e+00, v55;
	v43 =	vmul.f32 v54, v52;
	v49 =	vmul.f32 v49, v58  }
0x10a: {  	v52 =	vadd.f32 $1.000000000e+00, v45;
	v45 =	vadd.f32 $1.000000000e+00, v62;
	v27 =	vmul.f32 v54, v59  }
0x10b: {  	v53 =	vmul.f32 v55, v53;
	v9 =	vmul.f32 v58, v9;
	v51 =	vsub.f32 $1.000000000e+00, v51  }
0x10c: {  	v62 =	vsub.f32 $2.755731880e-06, v61;
	v54 =	vadd.f32 $-5.000000000e-01, v57;
	v57 =	vmul.f32 $3.141592740e+00, v46  }
0x10d: {  	v49 =	vmul.f32 v52, v49;
	v42 =	vmul.f32 v45, v42;
	v47 =	vsub.f32 v53, v43  }
0x10e: {  	v53 =	vmul.f32 v56, v56;
	v9 =	vsub.f32 $1.000000000e+00, v9;
	v51 =	vmul.f32 v55, v51  }
0x10f: {  	v60 =	vmul.f32 v62, v7;
	v55 =	vmul.f32 v57, v57  }
0x110: {  	v63 =	vmul.f32 $2.505210790e-08, v53;
	v29 =	vsub.f32 v3, v42;
	v5 =	vmul.f32 v52, v9  }
0x111: {  	v61 =	vadd.f32 $-1.984127010e-04, v60;
	v48 =	vsub.f32 v4, v42;
	v52 =	vmul.f32 $3.141592740e+00, v54  }
0x112: {  	v46 =	vsub.f32 v51, v27;
	v44 =	vmul.f32 $2.087675590e-09, v53;
	v60 =	vmul.f32 v41, v41  }
0x113: {  	v45 =	vmul.f32 $2.087675590e-09, v55;
	v9 =	vsub.f32 $2.755731880e-06, v63;
	v62 =	vmul.f32 v61, v7  }
0x114: {  	v63 =	vmul.f32 $2.087675590e-09, v7;
	v58 =	vadd.f32 $-2.755732000e-07, v44;
	v61 =	vmul.f32 v50, v50  }
0x115: {  	v4 =	vmul.f32 v9, v53;
	v9 =	vmul.f32 $2.505210790e-08, v55;
	v51 =	vadd.f32 $8.333333770e-03, v62  }
0x116: {  	v54 =	vadd.f32 $-2.755732000e-07, v63;
	v58 =	vmul.f32 v58, v53;
	v62 =	vmul.f32 v52, v52  }
0x117: {  	v59 =	vadd.f32 $-2.755732000e-07, v45;
	v63 =	vmul.f32 $2.087675590e-09, v60;
	v44 =	vmul.f32 $2.087675590e-09, v61  }
0x118: {  	v4 =	vadd.f32 $-1.984127010e-04, v4;
	v9 =	vsub.f32 $2.755731880e-06, v9;
	v54 =	vmul.f32 v54, v7  }
0x119: {  	v59 =	vmul.f32 v59, v55;
	v51 =	vmul.f32 v51, v7;
	v58 =	vadd.f32 $2.480158760e-05, v58  }
0x11a: {  	v4 =	vmul.f32 v4, v53;
	v9 =	vmul.f32 v9, v55;
	v54 =	vadd.f32 $2.480158760e-05, v54  }
0x11b: {  	v45 =	vmul.f32 $2.087675590e-09, v62;
	v51 =	vadd.f32 $-1.666666720e-01, v51;
	v58 =	vmul.f32 v58, v53  }
0x11c: {  	v4 =	vadd.f32 $8.333333770e-03, v4;
	v9 =	vadd.f32 $-1.984127010e-04, v9;
	v54 =	vmul.f32 v54, v7  }
0x11d: {  	v63 =	vadd.f32 $-2.755732000e-07, v63;
	v51 =	vmul.f32 v51, v7;
	v58 =	vadd.f32 $-1.388888920e-03, v58  }
0x11e: {  	v4 =	vmul.f32 v4, v53;
	v9 =	vmul.f32 v9, v55;
	v54 =	vadd.f32 $-1.388888920e-03, v54  }
0x11f: {  	v63 =	vmul.f32 v63, v60;
	v51 =	vadd.f32 $1.000000000e+00, v51;
	v58 =	vmul.f32 v58, v53  }
0x120: {  	v4 =	vadd.f32 $-1.666666720e-01, v4;
	v9 =	vadd.f32 $8.333333770e-03, v9;
	v54 =	vmul.f32 v54, v7  }
0x121: {  	v8 =	vmul.f32 v51, v8;
	v58 =	vadd.f32 $4.166666790e-02, v58;
	v51 =	vadd.f32 $-2.755732000e-07, v44  }
0x122: {  	v4 =	vmul.f32 v4, v53;
	v9 =	vmul.f32 v9, v55;
	v54 =	vadd.f32 $4.166666790e-02, v54  }
0x123: {  	v58 =	vmul.f32 v58, v53;
	v3 =	vmul.f32 v51, v61;
	v51 =	vsub.f32 v5, v27  }
0x124: {  	v5 =	vmul.f32 $2.505210790e-08, v60;
	v4 =	vadd.f32 $1.000000000e+00, v4;
	v9 =	vadd.f32 $-1.666666720e-01, v9  }
0x125: {  	v54 =	vmul.f32 v54, v7;
	v44 =	vadd.f32 $-5.000000000e-01, v58;
	v58 =	vmul.f32 $2.505210790e-08, v61  }
0x126: {  	v3 =	vadd.f32 $2.480158760e-05, v3;
	v5 =	vsub.f32 $2.755731880e-06, v5;
	v4 =	vmul.f32 v4, v56  }
0x127: {  	v9 =	vmul.f32 v9, v55;
	v56 =	vadd.f32 $-2.755732000e-07, v45;
	v54 =	vadd.f32 $-5.000000000e-01, v54  }
0x128: {  	v53 =	vmul.f32 v44, v53;
	v45 =	vmul.f32 $2.505210790e-08, v62;
	v44 =	vadd.f32 $2.480158760e-05, v63  }
0x129: {  	s5 =	simm.s32 $0x40;
	v58 =	vsub.f32 $2.755731880e-06, v58;
	v3 =	vmul.f32 v3, v61;
	v5 =	vmul.f32 v5, v60  }
0x12a: {  	v63 =	vmov s5;
	v9 =	vadd.f32 $1.000000000e+00, v9;
	v56 =	vmul.f32 v56, v62  }
0x12b: {  	v7 =	vmul.f32 v54, v7;
	v54 =	vadd.f32 $2.480158760e-05, v59;
	v59 =	vmul.f32 v44, v60  }
0x12c: {  	v58 =	vmul.f32 v58, v61;
	v3 =	vadd.f32 $-1.388888920e-03, v3;
	v5 =	vadd.f32 $-1.984127010e-04, v5  }
0x12d: {  	v44 =	vadd.f32 v4, v4;
	v53 =	vadd.f32 $1.000000000e+00, v53;
	v9 =	vmul.f32 v9, v57  }
0x12e: {  	v54 =	vmul.f32 v54, v55;
	v56 =	vadd.f32 $2.480158760e-05, v56;
	v57 =	vsub.f32 $2.755731880e-06, v45  }
0x12f: {  	v59 =	vadd.f32 $-1.388888920e-03, v59;
	v58 =	vadd.f32 $-1.984127010e-04, v58;
	v3 =	vmul.f32 v3, v61  }
0x130: {  	v5 =	vmul.f32 v5, v60;
	v4 =	vmul.f32 v44, v4;
	v7 =	vadd.f32 $1.000000000e+00, v7  }
0x131: {  	v53 =	vmul.f32 v53, v44;
	v54 =	vadd.f32 $-1.388888920e-03, v54;
	v56 =	vmul.f32 v56, v62  }
0x132: {  	v57 =	vmul.f32 v57, v62;
	v59 =	vmul.f32 v59, v60;
	v3 =	vadd.f32 $4.166666790e-02, v3  }
0x133: {  	v58 =	vmul.f32 v58, v61;
	v5 =	vadd.f32 $8.333333770e-03, v5;
	v56 =	vadd.f32 $-1.388888920e-03, v56  }
0x134: {  	v54 =	vmul.f32 v54, v55;
	v57 =	vadd.f32 $-1.984127010e-04, v57;
	v59 =	vadd.f32 $4.166666790e-02, v59  }
0x135: {  	v58 =	vadd.f32 $8.333333770e-03, v58;
	v5 =	vmul.f32 v5, v60;
	v56 =	vmul.f32 v56, v62  }
0x136: {  	v54 =	vadd.f32 $4.166666790e-02, v54;
	v57 =	vmul.f32 v57, v62;
	v59 =	vmul.f32 v59, v60  }
0x137: {  	v58 =	vmul.f32 v58, v61;
	v5 =	vadd.f32 $-1.666666720e-01, v5;
	v56 =	vadd.f32 $4.166666790e-02, v56  }
0x138: {  	v54 =	vmul.f32 v54, v55;
	v57 =	vadd.f32 $8.333333770e-03, v57;
	v59 =	vadd.f32 $-5.000000000e-01, v59  }
0x139: {  	v3 =	vmul.f32 v3, v61;
	v45 =	vadd.f32 $-1.666666720e-01, v58;
	v58 =	vadd.f32 v8, v8  }
0x13a: {  	v5 =	vmul.f32 v5, v60;
	v54 =	vadd.f32 $-5.000000000e-01, v54;
	v56 =	vmul.f32 v56, v62  }
0x13b: {  	v44 =	vmul.u32 $0x3, v63;
	v57 =	vmul.f32 v57, v62;
	v59 =	vmul.f32 v59, v60  }
0x13c: {  	v3 =	vadd.f32 $-5.000000000e-01, v3;
	v8 =	vmul.f32 v58, v8;
	v54 =	vmul.f32 v54, v55  }
0x13d: {  	v55 =	vmul.f32 v45, v61;
	v45 =	vadd.f32 v9, v9;
	v56 =	vadd.f32 $-5.000000000e-01, v56  }
0x13e: {  	v7 =	vmul.f32 v7, v58;
	v57 =	vadd.f32 $-1.666666720e-01, v57;
	v8 =	vsub.f32 $1.000000000e+00, v8  }
0x13f: {  	v58 =	vadd.f32 $1.000000000e+00, v59;
	v9 =	vmul.f32 v45, v9;
	v56 =	vmul.f32 v56, v62  }
0x140: {  	v3 =	vmul.f32 v3, v61;
	v54 =	vadd.f32 $1.000000000e+00, v54;
	v62 =	vmul.f32 v57, v62  }
0x141: {  	v57 =	vmul.f32 v58, v8;
	v9 =	vsub.f32 $1.000000000e+00, v9;
	v56 =	vadd.f32 $1.000000000e+00, v56  }
0x142: {  	v6 =	vsub.f32 $1.500000000e+00, v6;
	v8 =	vbroadcast v44, $0x0;
	v59 =	vmul.f32 v54, v45  }
0x143: {  	v54 =	vmul.f32 v58, v7;
	v7 =	vmul.f32 v56, v9  }
0x144: {  	v6 =	vmul.f32 v10, v6;
	v4 =	vsub.f32 $1.000000000e+00, v4;
	v3 =	vadd.f32 $1.000000000e+00, v3  }
0x145: {  	v5 =	vadd.f32 $1.000000000e+00, v5;
	v60 =	vsub.f32 v7, v57;
	v7 =	vadd.s32 v1, v8  }
0x146: {  	v4 =	vmul.f32 v3, v4;
	v3 =	vmul.f32 v3, v53;
	v55 =	vadd.f32 $1.000000000e+00, v55  }
0x147: {  	v53 =	vmul.f32 v5, v41;
	v62 =	vadd.f32 $1.000000000e+00, v62;
	v9 =	vadd.s32 v0, v8  }
0x148: {  	v45 =	vmul.f32 v51, v29;
	v61 =	vsub.f32 v4, v57;
	v4 =	vmul.f32 v55, v50  }
0x149: {  	v49 =	vsub.f32 v49, v43;
	v59 =	vmul.f32 v56, v59;
	v5 =	vmul.f32 v62, v52  }
0x14a: {  	v58 =	vsub.f32 v3, v54;
	v56 =	vsub.f32 v4, v53;
	v4 =	vadd.s32 v2, v8;
	v16 =	vld.idx.msk [tilespmem:v7+s2+$0x0], $0xffff  }
0x14b: {  	v55 =	vsub.f32 v5, v53;
	v59 =	vsub.f32 v59, v54;
	v5 =	vmul.f32 v46, v48  }
0x14c: {  	v3 =	vmul.f32 v47, v48;
	v8 =	vmul.f32 v49, v29;
	v52 =	vld.idx.msk [tilespmem:v9+s2+$0x0], $0xffff  }
0x14d: {  	v44 =	vmul.f32 v58, v55;
	v5 =	vsub.f32 v45, v5;
	v45 =	vmul.f32 v59, v56  }
0x14e: {  	v50 =	vmul.f32 v61, v55;
	v9 =	vmul.f32 v60, v56  }
0x14f: {  	v3 =	vsub.f32 v3, v8;
	v10 =	vsub.f32 v44, v45;
	v5 =	vmul.f32 v5, v5;
	[tilespmem:$0x1FF90] =	vst v16  }
0x150: {  	v8 =	vsub.f32 v9, v50;
	v7 =	vmul.f32 v49, v46;
	v9 =	vmul.f32 v51, v47;
	v15 =	vld.idx.msk [tilespmem:v4+s2+$0x0], $0xffff  }
0x151: {  	v3 =	vmul.f32 v3, v3;
	v50 =	vmul.f32 v60, v58;
	v41 =	vshll.u32 v52, $0x1  }
0x152: {  	v7 =	vsub.f32 v7, v9;
	v9 =	vmul.f32 v6, v13;
	v4 =	vmul.f32 v59, v61  }
0x153: {  	v10 =	vmul.f32 v10, v10;
	v3 =	vadd.f32 v5, v3;
	v8 =	vmul.f32 v8, v8  }
0x154: {  	v9 =	vmul.f32 v9, v6;
	v7 =	vmul.f32 v7, v7;
	v4 =	vsub.f32 v4, v50  }
0x155: {  	v5 =	vsub.f32 $1.500000000e+00, v12;
	v8 =	vadd.f32 v8, v10;
	[tilespmem:$0x1FFB0] =	vst v15;
	v17 =	vshll.u32 v15, $0x1  }
0x156: {  	v9 =	vsub.f32 $1.500000000e+00, v9;
	v3 =	vadd.f32 v3, v7;
	v4 =	vmul.f32 v4, v4;
	v10 =	vld.idx.msk [tilespmem:v41+s15+$0x0], $0xffff  }
0x157: {  	v5 =	vmul.f32 v11, v5  }
0x158: {  	v7 =	vmul.f32 v9, v6;
	v6 =	vshrl.u32 v3, $0x1;
	v4 =	vadd.f32 v8, v4  }
0x159: {  	v44 =	vshll.u32 v16, $0x1;
	v3 =	vmul.f32 $5.000000000e-01, v3;
	v6 =	vsub.s32 $0x5F3759DF, v6  }
0x15a: {  	v8 =	vmul.f32 v5, v30;
	v9 =	vshrl.u32 v4, $0x1;
	v4 =	vmul.f32 $5.000000000e-01, v4;
	v13 =	vld.idx.msk [tilespmem:v17+s15+$0x0], $0xffff  }
0x15b: {  	v11 =	vmul.f32 v6, v3;
	v16 =	vadd.f32 $-5.000000000e-01, v10;
	v10 =	vsub.s32 $0x5F3759DF, v9  }
0x15c: {  	v12 =	vmul.f32 v8, v5;
	v8 =	vmul.f32 v10, v4;
	_ =	sdelay $0x1  }
0x15d: {  	v11 =	vmul.f32 v6, v11;
	v12 =	vsub.f32 $1.500000000e+00, v12;
	v15 =	vmul.f32 v10, v8  }
0x15e: {  	v19 =	vmul.f32 $3.141592740e+00, v16;
	v13 =	vadd.f32 $-5.000000000e-01, v13  }
0x15f: {  	v8 =	vmul.f32 v12, v5;
	v5 =	vsub.f32 $1.500000000e+00, v11;
	v12 =	vsub.f32 $1.500000000e+00, v15  }
0x160: {  	v9 =	vmul.f32 v19, v19;
	v21 =	vmul.f32 $3.141592740e+00, v13  }
0x161: {  	v5 =	vmul.f32 v6, v5;
	v6 =	vmul.f32 v10, v12  }
0x162: {  	v10 =	vmul.f32 $2.505210790e-08, v9;
	v12 =	vmul.f32 v21, v21;
	_ =	sdelay $0x1  }
0x163: {  	v15 =	vsub.f32 $2.755731880e-06, v10;
	v10 =	vmul.f32 $2.087675590e-09, v12;
	_ =	sdelay $0x1  }
0x164: {  	v16 =	vadd.f32 $-2.755732000e-07, v10;
	_ =	sdelay $0x1  }
0x165: {  	v16 =	vmul.f32 v16, v12;
	_ =	sdelay $0x1  }
0x166: {  	v16 =	vadd.f32 $2.480158760e-05, v16;
	_ =	sdelay $0x1  }
0x167: {  	v16 =	vmul.f32 v16, v12;
	_ =	sdelay $0x1  }
0x168: {  	v16 =	vadd.f32 $-1.388888920e-03, v16;
	_ =	sdelay $0x1  }
0x169: {  	v16 =	vmul.f32 v16, v12;
	_ =	sdelay $0x1  }
0x16a: {  	v16 =	vadd.f32 $4.166666790e-02, v16;
	_ =	sdelay $0x1  }
0x16b: {  	v26 =	vmov v14;
	v14 =	vld.idx.msk [tilespmem:v44+s15+$0x0], $0xffff;
	v16 =	vmul.f32 v16, v12;
	_ =	sdelay $0x1  }
0x16c: {  	v16 =	vadd.f32 $-5.000000000e-01, v16  }
0x16d: {  	v63 =	vor.u32 $0x1, v41  }
0x16e: {  	v25 =	vmul.f32 v16, v12;
	v16 =	vld [tilespmem:$0x1FE50]  }
0x16f: {  	v14 =	vadd.f32 $-5.000000000e-01, v14;
	_ =	sdelay $0x1  }
0x170: {  	v20 =	vmul.f32 $3.141592740e+00, v14;
	v14 =	vmul.f32 $2.087675590e-09, v9  }
0x171: {  	v13 =	vld.idx.msk [tilespmem:v63+s15+$0x0], $0xffff  }
0x172: {  	v11 =	vadd.f32 $-2.755732000e-07, v14;
	[tilespmem:s20+$0x0] =	vst v16  }
0x173: {  	v45 =	vmul.f32 v20, v20;
	v16 =	vld [tilespmem:$0x1FE60]  }
0x174: {  	v11 =	vmul.f32 v11, v9  }
0x175: {  	v18 =	vor.u32 $0x1, v17;
	v14 =	vmul.f32 $2.087675590e-09, v45  }
0x176: {  	s0 =	sand.u32 $0x7E0, s25;
	v17 =	vadd.f32 $-5.000000000e-01, v13;
	v15 =	vmul.f32 v15, v9;
	v13 =	vadd.f32 $2.480158760e-05, v11  }
0x177: {  	v14 =	vadd.f32 $-2.755732000e-07, v14;
	v11 =	vmul.f32 $2.505210790e-08, v45;
	[tilespmem:s0+$0x3080] =	vst v26  }
0x178: {  	v10 =	vmul.f32 $2.505210790e-08, v12;
	v15 =	vadd.f32 $-1.984127010e-04, v15;
	v13 =	vmul.f32 v13, v9;
	[tilespmem:s0+$0x2180] =	vst v16  }
0x179: {  	v14 =	vmul.f32 v14, v45;
	v11 =	vsub.f32 $2.755731880e-06, v11;
	v16 =	vld [tilespmem:$0x1FE70]  }
0x17a: {  	v10 =	vsub.f32 $2.755731880e-06, v10;
	v15 =	vmul.f32 v15, v9;
	v13 =	vadd.f32 $-1.388888920e-03, v13  }
0x17b: {  	v62 =	vor.u32 $0x1, v44;
	v14 =	vadd.f32 $2.480158760e-05, v14;
	v11 =	vmul.f32 v11, v45  }
0x17c: {  	v10 =	vmul.f32 v10, v12;
	v15 =	vadd.f32 $8.333333770e-03, v15;
	v13 =	vmul.f32 v13, v9  }
0x17d: {  	v14 =	vmul.f32 v14, v45;
	v11 =	vadd.f32 $-1.984127010e-04, v11  }
0x17e: {  	v10 =	vadd.f32 $-1.984127010e-04, v10;
	v15 =	vmul.f32 v15, v9;
	v13 =	vadd.f32 $4.166666790e-02, v13;
	[tilespmem:s0+$0x3F80] =	vst v16  }
0x17f: {  	v14 =	vadd.f32 $-1.388888920e-03, v14;
	v11 =	vmul.f32 v11, v45;
	v16 =	vld [tilespmem:$0x1FE80]  }
0x180: {  	v62 =	vld.idx.msk [tilespmem:v62+s15+$0x0], $0xffff;
	v10 =	vmul.f32 v10, v12;
	v15 =	vadd.f32 $-1.666666720e-01, v15;
	v13 =	vmul.f32 v13, v9  }
0x181: {  	v14 =	vmul.f32 v14, v45;
	v11 =	vadd.f32 $8.333333770e-03, v11  }
0x182: {  	v10 =	vadd.f32 $8.333333770e-03, v10;
	v15 =	vmul.f32 v15, v9;
	v13 =	vadd.f32 $-5.000000000e-01, v13  }
0x183: {  	v17 =	vmul.f32 $3.141592740e+00, v17;
	v14 =	vadd.f32 $4.166666790e-02, v14;
	v11 =	vmul.f32 v11, v45  }
0x184: {  	v10 =	vmul.f32 v10, v12;
	v15 =	vadd.f32 $1.000000000e+00, v15;
	v22 =	vmul.f32 v13, v9;
	v9 =	vld.idx.msk [tilespmem:v18+s15+$0x0], $0xffff;
	[tilespmem:s0+$0x2680] =	vst v16  }
0x185: {  	v14 =	vmul.f32 v14, v45;
	v18 =	vadd.f32 $-5.000000000e-01, v62;
	v62 =	vmul.f32 v17, v17;
	v16 =	vld [tilespmem:$0x1FE90]  }
0x186: {  	v11 =	vadd.f32 $-1.666666720e-01, v11;
	v50 =	vadd.f32 $-1.666666720e-01, v10;
	v15 =	vmul.f32 v15, v19  }
0x187: {  	v24 =	vmul.f32 $3.141592740e+00, v18;
	v18 =	vmul.f32 $2.087675590e-09, v62  }
0x188: {  	v11 =	vmul.f32 v11, v45;
	v19 =	vmul.f32 v50, v12  }
0x189: {  	v12 =	vadd.f32 $-2.755732000e-07, v18;
	v18 =	vmul.f32 v24, v24;
	v9 =	vadd.f32 $-5.000000000e-01, v9  }
0x18a: {  	v14 =	vadd.f32 $-5.000000000e-01, v14;
	[tilespmem:s0+$0x3580] =	vst v16  }
0x18b: {  	v11 =	vadd.f32 $1.000000000e+00, v11;
	v44 =	vmul.f32 $3.141592740e+00, v9;
	v9 =	vmul.f32 $2.087675590e-09, v18;
	v16 =	vld [tilespmem:$0x1FEA0];
	_ =	sdelay $0x1  }
0x18c: {  	v23 =	vmul.f32 v14, v45;
	v14 =	vmul.f32 v11, v20;
	v11 =	vadd.f32 $-2.755732000e-07, v9;
	_ =	sdelay $0x1  }
0x18d: {  	v11 =	vmul.f32 v11, v18  }
0x18e: {  	[tilespmem:s0+$0x4480] =	vst v16  }
0x18f: {  	v11 =	vadd.f32 $2.480158760e-05, v11;
	v16 =	vld [tilespmem:$0x1FEB0];
	_ =	sdelay $0x1  }
0x190: {  	v63 =	vmul.f32 v44, v44;
	v11 =	vmul.f32 v11, v18  }
0x191: {  	v9 =	vmul.f32 $2.505210790e-08, v18  }
0x192: {  	v19 =	vadd.f32 $1.000000000e+00, v19;
	v10 =	vmul.f32 $2.087675590e-09, v63;
	v11 =	vadd.f32 $-1.388888920e-03, v11  }
0x193: {  	v41 =	vmul.f32 $2.505210790e-08, v62;
	v12 =	vmul.f32 v12, v62;
	v13 =	vsub.f32 $2.755731880e-06, v9;
	[tilespmem:s0+$0x2B80] =	vst v16  }
0x194: {  	v19 =	vmul.f32 v19, v21;
	v10 =	vadd.f32 $-2.755732000e-07, v10;
	v11 =	vmul.f32 v11, v18;
	v16 =	vld [tilespmem:$0x1FEC0]  }
0x195: {  	v20 =	vsub.f32 $2.755731880e-06, v41;
	v9 =	vmul.f32 $2.505210790e-08, v63;
	v13 =	vmul.f32 v13, v18  }
0x196: {  	v12 =	vadd.f32 $2.480158760e-05, v12;
	v10 =	vmul.f32 v10, v63;
	v11 =	vadd.f32 $4.166666790e-02, v11  }
0x197: {  	v20 =	vmul.f32 v20, v62;
	v9 =	vsub.f32 $2.755731880e-06, v9;
	v13 =	vadd.f32 $-1.984127010e-04, v13  }
0x198: {  	v12 =	vmul.f32 v12, v62;
	v10 =	vadd.f32 $2.480158760e-05, v10;
	v11 =	vmul.f32 v11, v18;
	[tilespmem:s20+$0x10] =	vst v36  }
0x199: {  	v20 =	vadd.f32 $-1.984127010e-04, v20;
	v9 =	vmul.f32 v9, v63;
	v13 =	vmul.f32 v13, v18;
	[tilespmem:s0+$0x3A80] =	vst v16  }
0x19a: {  	s31 =	simm.s32 $0x50;
	v12 =	vadd.f32 $-1.388888920e-03, v12;
	v10 =	vmul.f32 v10, v63;
	v11 =	vadd.f32 $-5.000000000e-01, v11;
	v16 =	vld [tilespmem:$0x1FED0];
	[tilespmem:s20+$0xF10] =	vst v40  }
0x19b: {  	v21 =	vmov s31;
	v9 =	vadd.f32 $-1.984127010e-04, v9;
	v13 =	vadd.f32 $8.333333770e-03, v13;
	[tilespmem:s20+$0x1E10] =	vst v39  }
0x19c: {  	v20 =	vmul.f32 v20, v62;
	v10 =	vadd.f32 $-1.388888920e-03, v10;
	v26 =	vmul.f32 v11, v18;
	v11 =	vld [tilespmem:$0x1FEE0]  }
0x19d: {  	v21 =	vmul.u32 $0x3, v21;
	v9 =	vmul.f32 v9, v63;
	v13 =	vmul.f32 v13, v18  }
0x19e: {  	v12 =	vmul.f32 v12, v62;
	v20 =	vadd.f32 $8.333333770e-03, v20;
	v10 =	vmul.f32 v10, v63;
	[tilespmem:s20+$0x1410] =	vst v37  }
0x19f: {  	v9 =	vadd.f32 $8.333333770e-03, v9;
	v13 =	vadd.f32 $-1.666666720e-01, v13;
	[tilespmem:s20+$0x2310] =	vst v38  }
0x1a0: {  	v21 =	vbroadcast v21, $0x0;
	v12 =	vadd.f32 $4.166666790e-02, v12;
	v10 =	vadd.f32 $4.166666790e-02, v10;
	[tilespmem:s20+$0x510] =	vst v32  }
0x1a1: {  	v9 =	vmul.f32 v9, v63;
	v40 =	vmul.f32 v13, v18;
	v18 =	vmul.u32 $0x3, v11;
	v11 =	vld [tilespmem:$0x1FEF0]  }
0x1a2: {  	v45 =	vadd.s32 v0, v21;
	v20 =	vmul.f32 v20, v62;
	v10 =	vmul.f32 v10, v63  }
0x1a3: {  	v12 =	vmul.f32 v12, v62;
	v9 =	vadd.f32 $-1.666666720e-01, v9;
	v36 =	vmul.u32 $0x3, v16  }
0x1a4: {  	v20 =	vadd.f32 $-1.666666720e-01, v20;
	v10 =	vadd.f32 $-5.000000000e-01, v10  }
0x1a5: {  	v12 =	vadd.f32 $-5.000000000e-01, v12;
	v9 =	vmul.f32 v9, v63;
	v39 =	vadd.s32 v1, v21  }
0x1a6: {  	v21 =	vadd.s32 v2, v21;
	v38 =	vmul.f32 v10, v63;
	v63 =	vmul.u32 $0x3, v11  }
0x1a7: {  	v50 =	vadd.f32 v15, v15;
	v20 =	vmul.f32 v20, v62;
	[tilespmem:s20+$0x1910] =	vst v35  }
0x1a8: {  	v12 =	vmul.f32 v12, v62;
	v62 =	vld.idx.msk [tilespmem:v45+s2+$0x0], $0xffff;
	v10 =	vadd.f32 $1.000000000e+00, v22;
	[tilespmem:s20+$0x2810] =	vst v34;
	v11 =	vadd.s32 $0x1, v63  }
0x1a9: {  	v32 =	vld.idx.msk [tilespmem:v36+s16+$0x0], $0xffff;
	[tilespmem:$0x1FF80] =	vst v11  }
0x1aa: {  	v22 =	vmul.f32 v50, v15;
	v10 =	vmul.f32 v10, v50;
	v35 =	vadd.f32 $1.000000000e+00, v12;
	v39 =	vld.idx.msk [tilespmem:v39+s2+$0x0], $0xffff  }
0x1ab: {  	[tilespmem:s20+$0xA10] =	vst v28;
	v21 =	vld.idx.msk [tilespmem:v21+s2+$0x0], $0xffff  }
0x1ac: {  	v34 =	vsub.f32 $1.000000000e+00, v22;
	v22 =	vmul.f32 v35, v10;
	v12 =	vadd.s32 $0x2, v63;
	v10 =	vld.idx.msk [tilespmem:v18+s16+$0x0], $0xffff  }
0x1ad: {  	[tilespmem:$0x1FFA0] =	vst v12;
	v12 =	vld [tilespmem:$0x1FF00];
	_ =	sdelay $0x3  }
0x1ae: {  	v41 =	vadd.s32 $0x1, v18  }
0x1af: {  	v45 =	vadd.s32 $0x2, v18;
	v18 =	vmul.f32 v35, v34;
	v35 =	vmul.u32 $0x3, v12;
	_ =	sdelay $0x1  }
0x1b0: {  	[tilespmem:s0+$0x4980] =	vst v32;
	v12 =	vadd.s32 $0x1, v35  }
0x1b1: {  	[tilespmem:$0x1FFD0] =	vst v12  }
0x1b2: {  	[tilespmem:s20+$0x2D10] =	vst v10;
	v10 =	vadd.s32 $0x2, v35  }
0x1b3: {  	[tilespmem:$0x1FFF0] =	vst v10;
	v10 =	vld [tilespmem:$0x1FF10];
	_ =	sdelay $0x1  }
0x1b4: {  	s25 =	simm.s32 $0x1CA0  }
0x1b5: {  	s26 =	sand.u32 $0x7E0, s3;
	v28 =	vadd.f32 v19, v19;
	[tilespmem:s25+$0x0] =	vst v27  }
0x1b6: {  	[tilespmem:s26+$0x2180] =	vst v43  }
0x1b7: {  	v34 =	vmul.f32 v28, v19;
	v19 =	vmul.u32 $0x3, v10;
	v10 =	vld [tilespmem:$0x1FF20];
	_ =	sdelay $0x1  }
0x1b8: {  	v50 =	vadd.f32 v14, v14;
	_ =	sdelay $0x1  }
0x1b9: {  	v15 =	vmul.f32 v50, v14;
	v14 =	vadd.f32 $1.000000000e+00, v40;
	[tilespmem:s26+$0x3080] =	vst v47  }
0x1ba: {  	v37 =	vmul.u32 $0x3, v10;
	v10 =	vld [tilespmem:$0x1FF30];
	[tilespmem:s26+$0x3F80] =	vst v49  }
0x1bb: {  	v24 =	vmul.f32 v14, v24;
	v14 =	vld [tilespmem:$0x1FF40];
	_ =	sdelay $0x2  }
0x1bc: {  	v23 =	vadd.f32 $1.000000000e+00, v23  }
0x1bd: {  	v25 =	vadd.f32 $1.000000000e+00, v25;
	v20 =	vadd.f32 $1.000000000e+00, v20;
	v13 =	vshll.u32 v62, $0x1  }
0x1be: {  	v11 =	vmul.f32 v23, v50;
	v32 =	vshll.u32 v21, $0x1;
	v49 =	vmul.u32 $0x3, v14;
	v14 =	vld [tilespmem:$0x1FF50]  }
0x1bf: {  	v23 =	vmul.f32 v20, v17;
	v20 =	vmul.f32 v25, v28;
	v28 =	vshll.u32 v39, $0x1  }
0x1c0: {  	v9 =	vadd.f32 $1.000000000e+00, v9;
	_ =	sdelay $0x1  }
0x1c1: {  	v27 =	vmul.f32 v9, v44;
	v9 =	vld.idx.msk [tilespmem:v13+s15+$0x0], $0xffff  }
0x1c2: {  	v43 =	vmul.u32 $0x3, v33;
	v33 =	vld.idx.msk [tilespmem:v32+s15+$0x0], $0xffff;
	[tilespmem:s26+$0x2680] =	vst v42;
	v25 =	vmul.u32 $0x3, v14;
	v14 =	vadd.s32 $0x1, v37  }
0x1c3: {  	v12 =	vmul.u32 $0x3, v10;
	v10 =	vld.idx.msk [tilespmem:v28+s15+$0x0], $0xffff;
	[tilespmem:$0x1FFC0] =	vst v14  }
0x1c4: {  	[tilespmem:s26+$0x3580] =	vst v29  }
0x1c5: {  	v14 =	vld [tilespmem:$0x1FF60];
	_ =	sdelay $0x4  }
0x1c6: {  	v29 =	vmul.f32 v7, v14;
	v14 =	vadd.s32 $0x2, v37  }
0x1c7: {  	[tilespmem:$0x1FFE0] =	vst v14  }
0x1c8: {  	[tilespmem:s26+$0x4480] =	vst v48  }
0x1c9: {  	v40 =	vadd.s32 $0x2, v36;
	v9 =	vadd.f32 $-5.000000000e-01, v9;
	[tilespmem:s26+$0x2B80] =	vst v46  }
0x1ca: {  	v17 =	vadd.s32 $0x1, v36;
	v36 =	vmul.u32 $0x3, v31;
	v31 =	vor.u32 $0x1, v13;
	[tilespmem:s26+$0x3A80] =	vst v51  }
0x1cb: {  	v46 =	vmul.f32 $3.141592740e+00, v9;
	v9 =	vadd.f32 $-5.000000000e-01, v10;
	[tilespmem:s25+$0x10] =	vst v57  }
0x1cc: {  	v48 =	vmul.f32 v8, v30;
	v30 =	vadd.f32 $1.000000000e+00, v26;
	[tilespmem:s25+$0xF10] =	vst v61  }
0x1cd: {  	v10 =	vadd.f32 $-5.000000000e-01, v33;
	v14 =	vmul.f32 $3.141592740e+00, v9;
	v9 =	vld [tilespmem:$0x1FF70]  }
0x1ce: {  	v15 =	vsub.f32 $1.000000000e+00, v15;
	v51 =	vmul.f32 v30, v11  }
0x1cf: {  	v42 =	vor.u32 $0x1, v32;
	v57 =	vld.idx.msk [tilespmem:v31+s15+$0x0], $0xffff;
	v16 =	vmul.f32 $3.141592740e+00, v10;
	v31 =	vmul.f32 v46, v46  }
0x1d0: {  	v13 =	vor.u32 $0x1, v28;
	v15 =	vmul.f32 v30, v15;
	v30 =	vmul.f32 v14, v14  }
0x1d1: {  	[tilespmem:s25+$0x1E10] =	vst v60;
	v11 =	vmul.u32 $0x3, v62;
	v62 =	vmul.f32 $2.505210790e-08, v31;
	v33 =	vmul.f32 v16, v16  }
0x1d2: {  	[tilespmem:s25+$0x1410] =	vst v58;
	v61 =	vmul.u32 $0x3, v9;
	v9 =	vmul.u32 $0x3, v21;
	v21 =	vmul.f32 $2.505210790e-08, v30  }
0x1d3: {  	[tilespmem:s25+$0x2310] =	vst v59;
	v58 =	vmul.f32 v29, v7;
	v29 =	vsub.f32 $2.755731880e-06, v62  }
0x1d4: {  	v10 =	vmul.u32 $0x3, v39;
	v39 =	vld.idx.msk [tilespmem:v42+s15+$0x0], $0xffff;
	[tilespmem:s25+$0x510] =	vst v54;
	v60 =	vmul.f32 $2.505210790e-08, v33;
	v21 =	vsub.f32 $2.755731880e-06, v21  }
0x1d5: {  	v38 =	vadd.f32 $1.000000000e+00, v38;
	v17 =	vld.idx.msk [tilespmem:v17+s16+$0x0], $0xffff;
	[tilespmem:s25+$0x1910] =	vst v56;
	v29 =	vmul.f32 v29, v31  }
0x1d6: {  	v24 =	vsub.f32 v24, v23;
	[tilespmem:s25+$0x2810] =	vst v55;
	v42 =	vsub.f32 $2.755731880e-06, v60;
	v21 =	vmul.f32 v21, v30  }
0x1d7: {  	s3 =	simm.s32 $0x1CC0;
	v28 =	vadd.s32 $0x2, v12;
	v13 =	vld.idx.msk [tilespmem:v13+s15+$0x0], $0xffff;
	v59 =	vadd.s32 $0x1, v49;
	[tilespmem:s25+$0xA10] =	vst v53;
	v29 =	vadd.f32 $-1.984127010e-04, v29  }
0x1d8: {  	s28 =	sand.u32 $0x7E0, s5;
	v55 =	vadd.s32 $0x2, v49;
	v49 =	vld.idx.msk [tilespmem:v49+s16+$0x0], $0xffff;
	[tilespmem:s3+$0x0] =	vst v18;
	v62 =	vmul.f32 v42, v33;
	v60 =	vadd.f32 $-1.984127010e-04, v21  }
0x1d9: {  	v26 =	vadd.s32 $0x1, v12;
	v12 =	vld.idx.msk [tilespmem:v12+s16+$0x0], $0xffff;
	[tilespmem:s28+$0x2180] =	vst v22;
	v53 =	vadd.f32 $-5.000000000e-01, v39;
	v29 =	vmul.f32 v29, v31  }
0x1da: {  	v41 =	vld.idx.msk [tilespmem:v41+s16+$0x0], $0xffff;
	[tilespmem:s0+$0x4E80] =	vst v17;
	v39 =	vmul.f32 v38, v20;
	v17 =	vadd.f32 $-1.984127010e-04, v62;
	v62 =	vmul.f32 v60, v30  }
0x1db: {  	[tilespmem:s28+$0x2680] =	vst v23;
	v29 =	vadd.f32 $8.333333770e-03, v29  }
0x1dc: {  	[tilespmem:s28+$0x3580] =	vst v24;
	v21 =	vsub.f32 v39, v22;
	v39 =	vadd.f32 $8.333333770e-03, v62  }
0x1dd: {  	v13 =	vadd.f32 $-5.000000000e-01, v13;
	v20 =	vsub.f32 v51, v22;
	[tilespmem:s26+$0x4980] =	vst v49;
	v49 =	vmul.f32 v29, v31  }
0x1de: {  	[tilespmem:s25+$0x2D10] =	vst v12;
	v12 =	vmul.f32 v48, v8;
	v48 =	vsub.f32 $1.000000000e+00, v34;
	v39 =	vmul.f32 v39, v30  }
0x1df: {  	[tilespmem:s20+$0x3210] =	vst v41;
	v60 =	vmul.u32 $0x3, v52;
	v29 =	vsub.f32 v27, v23;
	v27 =	vadd.f32 $-1.666666720e-01, v49  }
0x1e0: {  	[tilespmem:s28+$0x3080] =	vst v20;
	v48 =	vmul.f32 v38, v48;
	v22 =	vsub.f32 v15, v18;
	v15 =	vadd.f32 $-1.666666720e-01, v39  }
0x1e1: {  	v26 =	vld.idx.msk [tilespmem:v26+s16+$0x0], $0xffff;
	[tilespmem:s28+$0x3F80] =	vst v21;
	v27 =	vmul.f32 v27, v31  }
0x1e2: {  	v45 =	vld.idx.msk [tilespmem:v45+s16+$0x0], $0xffff;
	[tilespmem:s28+$0x2B80] =	vst v22;
	v23 =	vsub.f32 v48, v18;
	v39 =	vmul.f32 $3.141592740e+00, v13;
	v13 =	vmul.f32 v15, v30  }
0x1e3: {  	v54 =	vadd.f32 $-5.000000000e-01, v57;
	v49 =	vld.idx.msk [tilespmem:v59+s16+$0x0], $0xffff;
	[tilespmem:s28+$0x4480] =	vst v29;
	v18 =	vadd.f32 $1.000000000e+00, v27  }
0x1e4: {  	[tilespmem:s28+$0x3A80] =	vst v23;
	v15 =	vld.idx.msk [tilespmem:v40+s16+$0x0], $0xffff;
	v13 =	vadd.f32 $1.000000000e+00, v13  }
0x1e5: {  	v38 =	vmul.f32 $3.141592740e+00, v54;
	v54 =	vmul.f32 v18, v46;
	v18 =	vld.idx.msk [tilespmem:v60+s16+$0x0], $0xffff  }
0x1e6: {  	[tilespmem:s25+$0x3210] =	vst v26;
	v62 =	vmul.f32 $2.087675590e-09, v33;
	v52 =	vmul.f32 v13, v14;
	v13 =	vadd.s32 $0x1, v60  }
0x1e7: {  	[tilespmem:s20+$0x3710] =	vst v45;
	v28 =	vld.idx.msk [tilespmem:v28+s16+$0x0], $0xffff  }
0x1e8: {  	v26 =	vadd.f32 $-2.755732000e-07, v62;
	v62 =	vld.idx.msk [tilespmem:v63+s16+$0x0], $0xffff;
	[tilespmem:s26+$0x4E80] =	vst v49  }
0x1e9: {  	[tilespmem:s0+$0x5380] =	vst v15;
	v15 =	vld.idx.msk [tilespmem:v55+s16+$0x0], $0xffff  }
0x1ea: {  	v44 =	vadd.s32 $0x1, v19;
	v50 =	vadd.s32 $0x2, v19;
	v19 =	vld.idx.msk [tilespmem:v19+s16+$0x0], $0xffff;
	[tilespmem:s28+$0x4980] =	vst v18  }
0x1eb: {  	v13 =	vld.idx.msk [tilespmem:v13+s16+$0x0], $0xffff  }
0x1ec: {  	v17 =	vmul.f32 v17, v33;
	[tilespmem:s25+$0x3710] =	vst v28  }
0x1ed: {  	[tilespmem:s20+$0x3C10] =	vst v62  }
0x1ee: {  	v51 =	vmul.f32 v38, v38;
	v17 =	vadd.f32 $8.333333770e-03, v17;
	[tilespmem:s26+$0x5380] =	vst v15  }
0x1ef: {  	v27 =	vmul.f32 $2.087675590e-09, v31;
	v48 =	vmul.f32 v39, v39;
	[tilespmem:s0+$0x5880] =	vst v19  }
0x1f0: {  	v17 =	vmul.f32 v17, v33;
	[tilespmem:s28+$0x4E80] =	vst v13  }
0x1f1: {  	v46 =	vmul.f32 $2.087675590e-09, v48;
	v14 =	vadd.f32 $-2.755732000e-07, v27;
	v27 =	vmul.f32 $2.087675590e-09, v51;
	v13 =	vld [tilespmem:$0x1FF80]  }
0x1f2: {  	v17 =	vadd.f32 $-1.666666720e-01, v17  }
0x1f3: {  	v18 =	vadd.f32 $-2.755732000e-07, v27;
	v27 =	vadd.f32 $-2.755732000e-07, v46;
	v46 =	vadd.s32 $0x2, v60;
	_ =	sdelay $0x1  }
0x1f4: {  	v56 =	vadd.s32 $0x2, v25;
	v41 =	vadd.s32 $0x1, v25;
	v17 =	vmul.f32 v17, v33;
	v25 =	vld.idx.msk [tilespmem:v25+s16+$0x0], $0xffff  }
0x1f5: {  	v28 =	vld.idx.msk [tilespmem:v44+s16+$0x0], $0xffff  }
0x1f6: {  	v17 =	vadd.f32 $1.000000000e+00, v17;
	v19 =	vsub.f32 $1.500000000e+00, v12;
	v12 =	vld.idx.msk [tilespmem:v36+s16+$0x0], $0xffff  }
0x1f7: {  	v46 =	vld.idx.msk [tilespmem:v46+s16+$0x0], $0xffff  }
0x1f8: {  	v40 =	vmul.f32 $3.141592740e+00, v53;
	v53 =	vmul.f32 v17, v16;
	v17 =	vsub.f32 $1.500000000e+00, v58;
	v58 =	vld.idx.msk [tilespmem:v13+s16+$0x0], $0xffff  }
0x1f9: {  	v13 =	vld [tilespmem:$0x1FF90];
	[tilespmem:s26+$0x5880] =	vst v25  }
0x1fa: {  	[tilespmem:s0+$0x5D80] =	vst v28  }
0x1fb: {  	[tilespmem:s25+$0x3C10] =	vst v12  }
0x1fc: {  	[tilespmem:s28+$0x5380] =	vst v46  }
0x1fd: {  	[tilespmem:s20+$0x4110] =	vst v58  }
0x1fe: {  	v59 =	vmul.f32 $2.087675590e-09, v30;
	v46 =	vld [tilespmem:$0x1FFA0];
	_ =	sdelay $0x1  }
0x1ff: {  	v47 =	vadd.s32 $0x1, v36;
	v26 =	vmul.f32 v26, v33;
	v16 =	vadd.f32 $-2.755732000e-07, v59;
	_ =	sdelay $0x1  }
0x200: {  	v26 =	vadd.f32 $2.480158760e-05, v26;
	v16 =	vmul.f32 v16, v30;
	v60 =	vmul.u32 $0x3, v13  }
0x201: {  	v49 =	vmul.f32 v40, v40;
	v59 =	vmul.f32 v18, v51;
	v28 =	vld.idx.msk [tilespmem:v41+s16+$0x0], $0xffff  }
0x202: {  	v26 =	vmul.f32 v26, v33;
	v16 =	vadd.f32 $2.480158760e-05, v16;
	v50 =	vld.idx.msk [tilespmem:v50+s16+$0x0], $0xffff  }
0x203: {  	v32 =	vadd.s32 $0x2, v36;
	v55 =	vmul.f32 $2.087675590e-09, v49;
	v47 =	vld.idx.msk [tilespmem:v47+s16+$0x0], $0xffff;
	v13 =	vadd.f32 $2.480158760e-05, v59  }
0x204: {  	v26 =	vadd.f32 $-1.388888920e-03, v26;
	v14 =	vmul.f32 v14, v31;
	v62 =	vmul.f32 v16, v30;
	v46 =	vld.idx.msk [tilespmem:v46+s16+$0x0], $0xffff  }
0x205: {  	v45 =	vadd.f32 $-2.755732000e-07, v55;
	v27 =	vmul.f32 v27, v48;
	v59 =	vmul.f32 v13, v51  }
0x206: {  	v14 =	vadd.f32 $2.480158760e-05, v14;
	v58 =	vadd.f32 $-1.388888920e-03, v62;
	[tilespmem:s26+$0x5D80] =	vst v28;
	v62 =	vld.idx.msk [tilespmem:v60+s16+$0x0], $0xffff  }
0x207: {  	v27 =	vadd.f32 $2.480158760e-05, v27;
	[tilespmem:s0+$0x6280] =	vst v50;
	v50 =	vld.idx.msk [tilespmem:v56+s16+$0x0], $0xffff;
	v28 =	vadd.f32 $-1.388888920e-03, v59;
	v59 =	vadd.s32 $0x1, v60  }
0x208: {  	v57 =	vadd.s32 $0x2, v43;
	v26 =	vmul.f32 v26, v33;
	v36 =	vmul.f32 v14, v31;
	[tilespmem:s25+$0x4110] =	vst v47;
	v37 =	vld.idx.msk [tilespmem:v37+s16+$0x0], $0xffff  }
0x209: {  	v34 =	vadd.s32 $0x1, v61;
	v44 =	vmul.f32 v45, v49;
	v27 =	vmul.f32 v27, v48;
	v32 =	vld.idx.msk [tilespmem:v32+s16+$0x0], $0xffff;
	[tilespmem:s20+$0x4610] =	vst v46  }
0x20a: {  	v63 =	vmul.f32 $2.505210790e-08, v49;
	v26 =	vadd.f32 $4.166666790e-02, v26;
	v36 =	vadd.f32 $-1.388888920e-03, v36;
	v35 =	vld.idx.msk [tilespmem:v35+s16+$0x0], $0xffff  }
0x20b: {  	v42 =	vadd.s32 $0x1, v43;
	v44 =	vadd.f32 $2.480158760e-05, v44;
	v27 =	vadd.f32 $-1.388888920e-03, v27;
	[tilespmem:s28+$0x5880] =	vst v62  }
0x20c: {  	v63 =	vsub.f32 $2.755731880e-06, v63;
	v26 =	vmul.f32 v26, v33;
	v36 =	vmul.f32 v36, v31;
	[tilespmem:s26+$0x6280] =	vst v50;
	v47 =	vld.idx.msk [tilespmem:v59+s16+$0x0], $0xffff  }
0x20d: {  	v44 =	vmul.f32 v44, v49;
	v27 =	vmul.f32 v27, v48;
	v56 =	vadd.s32 $0x2, v60;
	[tilespmem:s0+$0x6780] =	vst v37;
	v60 =	vld.idx.msk [tilespmem:v61+s16+$0x0], $0xffff  }
0x20e: {  	v45 =	vmul.f32 $2.505210790e-08, v51;
	v26 =	vadd.f32 $-5.000000000e-01, v26;
	v36 =	vadd.f32 $4.166666790e-02, v36;
	[tilespmem:s25+$0x4610] =	vst v32  }
0x20f: {  	v55 =	vadd.s32 $0x2, v61;
	v44 =	vadd.f32 $-1.388888920e-03, v44;
	v27 =	vadd.f32 $4.166666790e-02, v27;
	[tilespmem:s20+$0x4B10] =	vst v35  }
0x210: {  	v25 =	vsub.f32 $2.755731880e-06, v45;
	v45 =	vmul.f32 v63, v49;
	v63 =	vmul.f32 v58, v30;
	v58 =	vld [tilespmem:$0x1FFB0]  }
0x211: {  	v18 =	vadd.s32 $0x1, v11;
	v26 =	vmul.f32 v26, v33;
	v36 =	vmul.f32 v36, v31;
	v59 =	vld [tilespmem:$0x1FFC0];
	[tilespmem:s28+$0x5D80] =	vst v47  }
0x212: {  	v16 =	vadd.s32 $0x1, v10;
	v44 =	vmul.f32 v44, v49;
	v27 =	vmul.f32 v27, v48;
	[tilespmem:s26+$0x6780] =	vst v60  }
0x213: {  	v14 =	vmul.f32 $2.505210790e-08, v48;
	v26 =	vadd.f32 $1.000000000e+00, v26;
	v36 =	vadd.f32 $-5.000000000e-01, v36;
	v60 =	vld [tilespmem:$0x1FFD0]  }
0x214: {  	v15 =	vadd.s32 $0x2, v11;
	v44 =	vadd.f32 $4.166666790e-02, v44;
	v27 =	vadd.f32 $-5.000000000e-01, v27  }
0x215: {  	v12 =	vadd.s32 $0x2, v9;
	v41 =	vsub.f32 $2.755731880e-06, v14;
	v25 =	vmul.f32 v25, v51  }
0x216: {  	v31 =	vmul.f32 v36, v31;
	v36 =	vadd.f32 v53, v53;
	v45 =	vadd.f32 $-1.984127010e-04, v45  }
0x217: {  	v44 =	vmul.f32 v44, v49;
	v41 =	vmul.f32 v41, v48;
	v25 =	vadd.f32 $-1.984127010e-04, v25  }
0x218: {  	v45 =	vmul.f32 v45, v49;
	v63 =	vadd.f32 $4.166666790e-02, v63;
	v28 =	vmul.f32 v28, v51;
	v62 =	vld.idx.msk [tilespmem:v43+s16+$0x0], $0xffff  }
0x219: {  	v41 =	vadd.f32 $-1.984127010e-04, v41;
	v25 =	vmul.f32 v25, v51;
	v47 =	vld.idx.msk [tilespmem:v56+s16+$0x0], $0xffff;
	v43 =	vmul.u32 $0x3, v58  }
0x21a: {  	v28 =	vadd.f32 $4.166666790e-02, v28;
	v46 =	vmul.f32 v63, v30;
	v63 =	vadd.f32 $8.333333770e-03, v45;
	v45 =	vld.idx.msk [tilespmem:v59+s16+$0x0], $0xffff  }
0x21b: {  	v27 =	vmul.f32 v27, v48;
	v31 =	vadd.f32 $1.000000000e+00, v31;
	v33 =	vadd.f32 $-5.000000000e-01, v44;
	v56 =	vld.idx.msk [tilespmem:v60+s16+$0x0], $0xffff  }
0x21c: {  	v41 =	vmul.f32 v41, v48;
	v25 =	vadd.f32 $8.333333770e-03, v25;
	v28 =	vmul.f32 v28, v51  }
0x21d: {  	v14 =	vadd.s32 $0x2, v10;
	v27 =	vadd.f32 $1.000000000e+00, v27;
	v37 =	vadd.f32 v52, v52;
	v34 =	vld.idx.msk [tilespmem:v34+s16+$0x0], $0xffff;
	[tilespmem:s25+$0x4B10] =	vst v62  }
0x21e: {  	v25 =	vmul.f32 v25, v51;
	v61 =	vadd.f32 $8.333333770e-03, v41;
	v28 =	vadd.f32 $-5.000000000e-01, v28;
	v35 =	vld.idx.msk [tilespmem:v42+s16+$0x0], $0xffff;
	[tilespmem:s28+$0x6280] =	vst v47  }
0x21f: {  	v50 =	vadd.f32 v54, v54;
	v44 =	vmul.f32 v37, v52;
	v46 =	vadd.f32 $-5.000000000e-01, v46;
	[tilespmem:s0+$0x6C80] =	vst v45;
	v45 =	vld.idx.msk [tilespmem:v43+s16+$0x0], $0xffff  }
0x220: {  	v25 =	vadd.f32 $-1.666666720e-01, v25;
	v32 =	vmul.f32 v61, v48;
	v28 =	vmul.f32 v28, v51;
	v58 =	vld [tilespmem:$0x1FFE0];
	[tilespmem:s20+$0x5010] =	vst v56  }
0x221: {  	v61 =	vmul.f32 v50, v54;
	v44 =	vsub.f32 $1.000000000e+00, v44;
	v30 =	vmul.f32 v46, v30;
	v59 =	vld [tilespmem:$0x1FFF0]  }
0x222: {  	v41 =	vmul.f32 v63, v49;
	v28 =	vadd.f32 $1.000000000e+00, v28;
	v63 =	vadd.s32 $0x1, v43  }
0x223: {  	v33 =	vmul.f32 v33, v49;
	v30 =	vadd.f32 $1.000000000e+00, v30;
	v60 =	vsub.f32 $1.000000000e+00, v61  }
0x224: {  	v25 =	vmul.f32 v25, v51;
	v32 =	vadd.f32 $-1.666666720e-01, v32;
	v44 =	vmul.f32 v27, v44;
	[tilespmem:s26+$0x6C80] =	vst v34  }
0x225: {  	v33 =	vadd.f32 $1.000000000e+00, v33;
	v30 =	vmul.f32 v30, v37;
	[tilespmem:s25+$0x5010] =	vst v35;
	v35 =	vmul.f32 v28, v60;
	v34 =	vld.idx.msk [tilespmem:v55+s16+$0x0], $0xffff  }
0x226: {  	v32 =	vmul.f32 v32, v48;
	v41 =	vadd.f32 $-1.666666720e-01, v41;
	v62 =	vmul.f32 v36, v53;
	v61 =	vld.idx.msk [tilespmem:v57+s16+$0x0], $0xffff;
	[tilespmem:s28+$0x6780] =	vst v45  }
0x227: {  	v31 =	vmul.f32 v31, v50;
	v30 =	vmul.f32 v27, v30;
	v27 =	vsub.f32 v44, v35;
	v45 =	vld.idx.msk [tilespmem:v63+s16+$0x0], $0xffff  }
0x228: {  	v32 =	vadd.f32 $1.000000000e+00, v32;
	v41 =	vmul.f32 v41, v49;
	v62 =	vsub.f32 $1.000000000e+00, v62;
	[tilespmem:s3+$0x10] =	vst v35;
	v52 =	vld.idx.msk [tilespmem:v58+s16+$0x0], $0xffff  }
0x229: {  	v36 =	vmul.f32 v26, v36;
	v26 =	vmul.f32 v23, v24;
	v43 =	vadd.s32 $0x2, v43;
	[tilespmem:s3+$0xF10] =	vst v27;
	v53 =	vld.idx.msk [tilespmem:v59+s16+$0x0], $0xffff  }
0x22a: {  	v25 =	vadd.f32 $1.000000000e+00, v25;
	[tilespmem:s26+$0x7180] =	vst v34;
	v34 =	vmul.f32 v28, v31;
	v28 =	vmul.f32 v33, v62  }
0x22b: {  	v41 =	vadd.f32 $1.000000000e+00, v41;
	v63 =	vmul.f32 v32, v39;
	[tilespmem:s25+$0x5510] =	vst v61;
	v31 =	vmul.f32 v33, v36  }
0x22c: {  	v32 =	vmul.f32 v20, v29;
	v33 =	vmul.f32 v25, v38;
	v28 =	vsub.f32 v28, v35;
	[tilespmem:s28+$0x6C80] =	vst v45  }
0x22d: {  	v36 =	vmul.f32 v41, v40;
	v30 =	vsub.f32 v30, v34;
	v31 =	vsub.f32 v31, v34;
	[tilespmem:s0+$0x7180] =	vst v52  }
0x22e: {  	s29 =	simm.s32 $0x4;
	s30 =	simm.s32 $0x70;
	s5 =	simm.s32 $0x1C80;
	v13 =	vadd.s32 $0x1, v9;
	v35 =	vmul.f32 v22, v29;
	v29 =	vsub.f32 v63, v33;
	v25 =	vld.idx.msk [tilespmem:v43+s16+$0x0], $0xffff;
	[tilespmem:s20+$0x5510] =	vst v53  }
.LBB2_2:
0x22f: {  	s6 =	sadd.s32 $0xFFFFFFF0, s30;
	v37 =	vmov s30;
	v24 =	vmul.f32 v21, v24;
	v36 =	vsub.f32 v36, v33;
	[tilespmem:s3+$0x1E10] =	vst v28  }
0x230: {  	v38 =	vmov s6;
	v37 =	vmul.u32 $0x3, v37;
	v39 =	vmul.f32 v28, v29;
	[tilespmem:s3+$0x1410] =	vst v30  }
0x231: {  	v38 =	vmul.u32 $0x3, v38;
	v40 =	vmul.f32 v30, v36;
	v41 =	vmul.f32 v27, v36;
	[tilespmem:s3+$0x2310] =	vst v31  }
0x232: {  	v26 =	vsub.f32 v26, v35;
	v35 =	vmul.f32 v31, v29;
	v37 =	vbroadcast v37, $0x0;
	[tilespmem:s3+$0x510] =	vst v34  }
0x233: {  	v24 =	vsub.f32 v32, v24;
	v34 =	vbroadcast v38, $0x0;
	[tilespmem:s28+$0x7180] =	vst v25;
	v25 =	vsub.f32 v39, v41  }
0x234: {  	v32 =	vadd.s32 v0, v37;
	v38 =	vadd.s32 v1, v37;
	v37 =	vadd.s32 v2, v37;
	[tilespmem:s3+$0x1910] =	vst v29  }
0x235: {  	v21 =	vmul.f32 v21, v22;
	v20 =	vmul.f32 v23, v20;
	v29 =	vadd.s32 v0, v34;
	[tilespmem:s3+$0x2810] =	vst v36  }
0x236: {  	v27 =	vmul.f32 v31, v27;
	v22 =	vsub.f32 v40, v35;
	v23 =	vadd.s32 v1, v34;
	[tilespmem:s3+$0xA10] =	vst v33  }
0x237: {  	v28 =	vmul.f32 v28, v30;
	v26 =	vmul.f32 v26, v26;
	v31 =	vadd.s32 v2, v34;
	v11 =	vld.idx.msk [tilespmem:v11+s16+$0x0], $0xffff  }
0x238: {  	v20 =	vsub.f32 v21, v20;
	v21 =	vmul.f32 v24, v24;
	v24 =	vmul.f32 v25, v25  }
0x239: {  	v25 =	vsub.f32 v27, v28;
	v28 =	vmul.f32 v22, v22;
	v30 =	vld.idx.msk [tilespmem:v32+s2+$0x0], $0xffff;
	v32 =	vmul.f32 v5, v3  }
0x23a: {  	v20 =	vmul.f32 v20, v20;
	v21 =	vadd.f32 v26, v21;
	v26 =	vmul.f32 v6, v4;
	v22 =	vld.idx.msk [tilespmem:v29+s2+$0x0], $0xffff  }
0x23b: {  	v27 =	vld.idx.msk [tilespmem:v23+s2+$0x0], $0xffff;
	v23 =	vadd.f32 v24, v28;
	v24 =	vmul.f32 v25, v25;
	v28 =	vmul.f32 v32, v5  }
0x23c: {  	v7 =	vmul.f32 v17, v7;
	v20 =	vadd.f32 v21, v20;
	v21 =	vmul.f32 v26, v6;
	v25 =	vld.idx.msk [tilespmem:v31+s2+$0x0], $0xffff  }
0x23d: {  	v8 =	vmul.f32 v19, v8;
	v17 =	vld.idx.msk [tilespmem:v38+s2+$0x0], $0xffff;
	v23 =	vadd.f32 v23, v24;
	[tilespmem:s3+$0x2D10] =	vst v11;
	v24 =	vsub.f32 $1.500000000e+00, v28  }
0x23e: {  	v26 =	vshrl.u32 v20, $0x1;
	v20 =	vmul.f32 $5.000000000e-01, v20;
	v21 =	vsub.f32 $1.500000000e+00, v21;
	v19 =	vld.idx.msk [tilespmem:v37+s2+$0x0], $0xffff;
	[tilespmem:s0+$0x7680] =	vst v7;
	s0 =	smov.u32 s26;
	s26 =	smov.u32 s28  }
0x23f: {  	v7 =	vshll.u32 v30, $0x1;
	v11 =	vmul.u32 $0x3, v30;
	v28 =	vshrl.u32 v23, $0x1;
	v29 =	vld.idx.msk [tilespmem:v18+s16+$0x0], $0xffff;
	[tilespmem:s5+$0x5A10] =	vst v8;
	s5 =	smov.u32 s25;
	s25 =	smov.u32 s3  }
0x240: {  	v8 =	vshll.u32 v22, $0x1;
	v30 =	vor.u32 $0x1, v7;
	v23 =	vmul.f32 $5.000000000e-01, v23  }
0x241: {  	v31 =	vshll.u32 v27, $0x1;
	v18 =	vadd.s32 $0x1, v11;
	v32 =	vadd.s32 $0x2, v11  }
0x242: {  	v26 =	vsub.s32 $0x5F3759DF, v26;
	v34 =	vsub.s32 $0x5F3759DF, v28;
	v33 =	vshll.u32 v25, $0x1  }
0x243: {  	v28 =	vor.u32 $0x1, v8;
	v35 =	vshll.u32 v17, $0x1;
	v46 =	vmul.u32 $0x3, v17  }
0x244: {  	v17 =	vor.u32 $0x1, v31;
	v36 =	vshll.u32 v19, $0x1;
	v39 =	vor.u32 $0x1, v35;
	v37 =	vld.idx.msk [tilespmem:v7+s15+$0x0], $0xffff  }
0x245: {  	v41 =	vor.u32 $0x1, v33;
	v42 =	vor.u32 $0x1, v36;
	v47 =	vadd.s32 $0x1, v46;
	v40 =	vld.idx.msk [tilespmem:v8+s15+$0x0], $0xffff;
	[tilespmem:s3+$0x3210] =	vst v29  }
0x246: {  	v38 =	vmul.f32 v34, v23;
	v45 =	vadd.s32 $0x2, v46;
	v29 =	vld.idx.msk [tilespmem:v31+s15+$0x0], $0xffff;
	v31 =	vmul.f32 v26, v20  }
0x247: {  	v44 =	vmul.u32 $0x3, v19;
	v7 =	vmul.f32 v24, v5;
	v8 =	vmul.f32 v21, v6;
	v43 =	vld.idx.msk [tilespmem:v33+s15+$0x0], $0xffff  }
0x248: {  	v6 =	vmul.f32 v34, v38;
	v19 =	vld.idx.msk [tilespmem:v28+s15+$0x0], $0xffff;
	v5 =	vmul.f32 v26, v31  }
0x249: {  	v38 =	vadd.s32 $0x1, v44;
	v24 =	vmul.f32 v8, v4;
	v21 =	vld.idx.msk [tilespmem:v17+s15+$0x0], $0xffff;
	v17 =	vmul.f32 v7, v3;
	v3 =	vmovc v20  }
0x24a: {  	v33 =	vadd.s32 $0x2, v44;
	v4 =	vmovc v23;
	v28 =	vadd.f32 $-5.000000000e-01, v37;
	v20 =	vld.idx.msk [tilespmem:v41+s15+$0x0], $0xffff;
	v5 =	vsub.f32 $1.500000000e+00, v5  }
0x24b: {  	v6 =	vsub.f32 $1.500000000e+00, v6;
	v48 =	vmul.f32 v24, v8;
	v23 =	vld.idx.msk [tilespmem:v35+s15+$0x0], $0xffff;
	v17 =	vmul.f32 v17, v7  }
0x24c: {  	v28 =	vmul.f32 $3.141592740e+00, v28;
	v31 =	vld.idx.msk [tilespmem:v36+s15+$0x0], $0xffff;
	v5 =	vmul.f32 v26, v5  }
0x24d: {  	v6 =	vmul.f32 v34, v6;
	v24 =	vadd.f32 $-5.000000000e-01, v40;
	v30 =	vld.idx.msk [tilespmem:v30+s15+$0x0], $0xffff;
	v17 =	vsub.f32 $1.500000000e+00, v17  }
0x24e: {  	s29 =	sadd.s32 $0x2, s29;
	v29 =	vadd.f32 $-5.000000000e-01, v29;
	v36 =	vadd.f32 $-5.000000000e-01, v43;
	v26 =	vmul.f32 v28, v28;
	v37 =	vld.idx.msk [tilespmem:v39+s15+$0x0], $0xffff  }
0x24f: {  	p0 =	slt.u32 s29, $0x4E;
	v34 =	vmul.f32 $3.141592740e+00, v24;
	v19 =	vadd.f32 $-5.000000000e-01, v19;
	v21 =	vadd.f32 $-5.000000000e-01, v21;
	v49 =	vld.idx.msk [tilespmem:v42+s15+$0x0], $0xffff  }
0x250: {  	v35 =	vmul.f32 $3.141592740e+00, v29;
	v36 =	vmul.f32 $3.141592740e+00, v36;
	v29 =	vadd.f32 $-5.000000000e-01, v20;
	v50 =	vld.idx.msk [tilespmem:v15+s16+$0x0], $0xffff;
	v15 =	vmovc v32  }
0x251: {  	v20 =	vmul.f32 $3.141592740e+00, v19;
	v21 =	vmul.f32 $3.141592740e+00, v21;
	v24 =	vadd.f32 $-5.000000000e-01, v23  }
0x252: {  	v42 =	vmul.f32 v34, v34;
	v29 =	vmul.f32 $3.141592740e+00, v29;
	v23 =	vadd.f32 $-5.000000000e-01, v31  }
0x253: {  	v43 =	vmul.f32 v35, v35;
	v41 =	vmul.f32 v36, v36;
	v30 =	vadd.f32 $-5.000000000e-01, v30  }
0x254: {  	v39 =	vmul.f32 v20, v20;
	v40 =	vmul.f32 v21, v21;
	v31 =	vadd.f32 $-5.000000000e-01, v37  }
0x255: {  	v51 =	vmul.f32 $2.087675590e-09, v42;
	v37 =	vmul.f32 v29, v29;
	v32 =	vadd.f32 $-5.000000000e-01, v49  }
0x256: {  	v19 =	vsub.f32 $1.500000000e+00, v48;
	v52 =	vmul.f32 $2.087675590e-09, v41;
	v49 =	vmul.f32 $2.087675590e-09, v43;
	[tilespmem:s3+$0x3710] =	vst v50  }
0x257: {  	v48 =	vmul.f32 $2.505210790e-08, v42;
	v50 =	vmul.f32 $2.505210790e-08, v43;
	v53 =	vld.idx.msk [tilespmem:v10+s16+$0x0], $0xffff;
	v10 =	vmov v46  }
0x258: {  	v54 =	vmul.f32 $2.505210790e-08, v41;
	v46 =	vmul.f32 $2.505210790e-08, v39  }
0x259: {  	v51 =	vadd.f32 $-2.755732000e-07, v51;
	v55 =	vmul.f32 $2.505210790e-08, v40;
	v56 =	vmul.f32 $2.505210790e-08, v37  }
0x25a: {  	v57 =	vmul.f32 $2.087675590e-09, v39;
	v52 =	vadd.f32 $-2.755732000e-07, v52;
	v49 =	vadd.f32 $-2.755732000e-07, v49  }
0x25b: {  	v48 =	vsub.f32 $2.755731880e-06, v48;
	v58 =	vmul.f32 $2.087675590e-09, v40;
	v50 =	vsub.f32 $2.755731880e-06, v50  }
0x25c: {  	v54 =	vsub.f32 $2.755731880e-06, v54;
	v59 =	vmul.f32 $2.087675590e-09, v37;
	v46 =	vsub.f32 $2.755731880e-06, v46  }
0x25d: {  	v51 =	vmul.f32 v51, v42;
	v55 =	vsub.f32 $2.755731880e-06, v55;
	v56 =	vsub.f32 $2.755731880e-06, v56;
	[tilespmem:s3+$0x3C10] =	vst v53  }
0x25e: {  	v52 =	vmul.f32 v52, v41;
	v49 =	vmul.f32 v49, v43;
	v53 =	vadd.f32 $-2.755732000e-07, v57;
	v57 =	vld.idx.msk [tilespmem:v16+s16+$0x0], $0xffff;
	v16 =	vmovc v47  }
0x25f: {  	v47 =	vmul.f32 v48, v42;
	v48 =	vmul.f32 v50, v43;
	v50 =	vadd.f32 $-2.755732000e-07, v58  }
0x260: {  	v54 =	vmul.f32 v54, v41;
	v46 =	vmul.f32 v46, v39;
	v58 =	vadd.f32 $-2.755732000e-07, v59  }
0x261: {  	v51 =	vadd.f32 $2.480158760e-05, v51;
	v55 =	vmul.f32 v55, v40;
	v56 =	vmul.f32 v56, v37  }
0x262: {  	v52 =	vadd.f32 $2.480158760e-05, v52;
	v49 =	vadd.f32 $2.480158760e-05, v49;
	v53 =	vmul.f32 v53, v39  }
0x263: {  	v47 =	vadd.f32 $-1.984127010e-04, v47;
	v48 =	vadd.f32 $-1.984127010e-04, v48;
	v50 =	vmul.f32 v50, v40  }
0x264: {  	v54 =	vadd.f32 $-1.984127010e-04, v54;
	v46 =	vadd.f32 $-1.984127010e-04, v46;
	v58 =	vmul.f32 v58, v37;
	[tilespmem:s3+$0x4110] =	vst v57  }
0x265: {  	v51 =	vmul.f32 v51, v42;
	v55 =	vadd.f32 $-1.984127010e-04, v55;
	v56 =	vadd.f32 $-1.984127010e-04, v56;
	v57 =	vld.idx.msk [tilespmem:v14+s16+$0x0], $0xffff;
	v14 =	vmovc v45  }
0x266: {  	v52 =	vmul.f32 v52, v41;
	v49 =	vmul.f32 v49, v43;
	v45 =	vadd.f32 $2.480158760e-05, v53  }
0x267: {  	v47 =	vmul.f32 v47, v42;
	v48 =	vmul.f32 v48, v43;
	v50 =	vadd.f32 $2.480158760e-05, v50  }
0x268: {  	v46 =	vmul.f32 v46, v39;
	v53 =	vmul.f32 v54, v41;
	v54 =	vadd.f32 $2.480158760e-05, v58  }
0x269: {  	v51 =	vadd.f32 $-1.388888920e-03, v51;
	v55 =	vmul.f32 v55, v40;
	v56 =	vmul.f32 v56, v37  }
0x26a: {  	v52 =	vadd.f32 $-1.388888920e-03, v52;
	v49 =	vadd.f32 $-1.388888920e-03, v49;
	v45 =	vmul.f32 v45, v39  }
0x26b: {  	v47 =	vadd.f32 $8.333333770e-03, v47;
	v48 =	vadd.f32 $8.333333770e-03, v48;
	v50 =	vmul.f32 v50, v40;
	[tilespmem:s3+$0x4610] =	vst v57  }
0x26c: {  	v46 =	vadd.f32 $8.333333770e-03, v46;
	v53 =	vadd.f32 $8.333333770e-03, v53;
	v54 =	vmul.f32 v54, v37;
	v57 =	vld.idx.msk [tilespmem:v9+s16+$0x0], $0xffff;
	v9 =	vmovc v44  }
0x26d: {  	v44 =	vmul.f32 v51, v42;
	v51 =	vadd.f32 $8.333333770e-03, v55;
	v55 =	vadd.f32 $8.333333770e-03, v56  }
0x26e: {  	v52 =	vmul.f32 v52, v41;
	v49 =	vmul.f32 v49, v43;
	v45 =	vadd.f32 $-1.388888920e-03, v45  }
0x26f: {  	v47 =	vmul.f32 v47, v42;
	v48 =	vmul.f32 v48, v43;
	v50 =	vadd.f32 $-1.388888920e-03, v50  }
0x270: {  	v46 =	vmul.f32 v46, v39;
	v53 =	vmul.f32 v53, v41;
	v54 =	vadd.f32 $-1.388888920e-03, v54  }
0x271: {  	v44 =	vadd.f32 $4.166666790e-02, v44;
	v51 =	vmul.f32 v51, v40;
	v55 =	vmul.f32 v55, v37  }
0x272: {  	v52 =	vadd.f32 $4.166666790e-02, v52;
	v49 =	vadd.f32 $4.166666790e-02, v49;
	v45 =	vmul.f32 v45, v39;
	[tilespmem:s3+$0x4B10] =	vst v57  }
0x273: {  	v47 =	vadd.f32 $-1.666666720e-01, v47;
	v48 =	vadd.f32 $-1.666666720e-01, v48;
	v50 =	vmul.f32 v50, v40;
	v56 =	vld.idx.msk [tilespmem:v13+s16+$0x0], $0xffff;
	v13 =	vmovc v38  }
0x274: {  	v38 =	vadd.f32 $-1.666666720e-01, v46;
	v46 =	vadd.f32 $-1.666666720e-01, v53;
	v53 =	vmul.f32 v54, v37  }
0x275: {  	v44 =	vmul.f32 v44, v42;
	v51 =	vadd.f32 $-1.666666720e-01, v51;
	v54 =	vadd.f32 $-1.666666720e-01, v55  }
0x276: {  	v52 =	vmul.f32 v52, v41;
	v49 =	vmul.f32 v49, v43;
	v45 =	vadd.f32 $4.166666790e-02, v45  }
0x277: {  	v47 =	vmul.f32 v47, v42;
	v48 =	vmul.f32 v48, v43;
	v50 =	vadd.f32 $4.166666790e-02, v50  }
0x278: {  	v38 =	vmul.f32 v38, v39;
	v46 =	vmul.f32 v46, v41;
	v53 =	vadd.f32 $4.166666790e-02, v53  }
0x279: {  	v44 =	vadd.f32 $-5.000000000e-01, v44;
	v51 =	vmul.f32 v51, v40;
	v54 =	vmul.f32 v54, v37;
	[tilespmem:s3+$0x5010] =	vst v56  }
0x27a: {  	v52 =	vadd.f32 $-5.000000000e-01, v52;
	v49 =	vadd.f32 $-5.000000000e-01, v49;
	v45 =	vmul.f32 v45, v39;
	v55 =	vld.idx.msk [tilespmem:v12+s16+$0x0], $0xffff;
	v12 =	vmovc v33  }
0x27b: {  	v33 =	vadd.f32 $1.000000000e+00, v47;
	v47 =	vadd.f32 $1.000000000e+00, v48;
	v48 =	vmul.f32 v50, v40  }
0x27c: {  	v38 =	vadd.f32 $1.000000000e+00, v38;
	v46 =	vadd.f32 $1.000000000e+00, v46;
	v50 =	vmul.f32 v53, v37  }
0x27d: {  	v43 =	vmul.f32 v49, v43;
	v42 =	vmul.f32 v44, v42;
	v44 =	vadd.f32 $-5.000000000e-01, v45  }
0x27e: {  	v41 =	vmul.f32 v52, v41;
	v33 =	vmul.f32 v33, v34;
	v34 =	vadd.f32 $-5.000000000e-01, v48  }
0x27f: {  	v36 =	vmul.f32 v46, v36;
	v35 =	vmul.f32 v47, v35;
	v45 =	vadd.f32 $-5.000000000e-01, v50  }
0x280: {  	v39 =	vmul.f32 v44, v39;
	v46 =	vadd.f32 v33, v33;
	v34 =	vmul.f32 v34, v40;
	[tilespmem:s3+$0x5510] =	vst v55  }
0x281: {  	v40 =	vadd.f32 $1.000000000e+00, v42;
	v42 =	vadd.f32 $1.000000000e+00, v43;
	v37 =	vmul.f32 v45, v37  }
0x282: {  	v41 =	vadd.f32 $1.000000000e+00, v41;
	v43 =	vadd.f32 v35, v35;
	v33 =	vmul.f32 v46, v33  }
0x283: {  	v39 =	vadd.f32 $1.000000000e+00, v39;
	v44 =	vadd.f32 v36, v36;
	v40 =	vmul.f32 v40, v46  }
0x284: {  	v42 =	vmul.f32 v42, v43;
	v34 =	vadd.f32 $1.000000000e+00, v34;
	v33 =	vsub.f32 $1.000000000e+00, v33  }
0x285: {  	v41 =	vmul.f32 v41, v44;
	v37 =	vadd.f32 $1.000000000e+00, v37;
	v40 =	vmul.f32 v39, v40  }
0x286: {  	v42 =	vmul.f32 v34, v42;
	v33 =	vmul.f32 v39, v33;
	v39 =	vadd.f32 $1.000000000e+00, v51  }
0x287: {  	v35 =	vmul.f32 v43, v35;
	v43 =	vadd.f32 $1.000000000e+00, v54;
	s3 =	sadd.s32 $0x20, s3;
	v41 =	vmul.f32 v37, v41  }
0x288: {  	s28 =	sand.u32 $0x7E0, s6;
	v36 =	vmul.f32 v44, v36;
	v45 =	vmul.f32 v38, v20;
	v20 =	vsub.f32 v42, v40;
	[tilespmem:s3+$0x0] =	vst v33  }
0x289: {  	v35 =	vsub.f32 $1.000000000e+00, v35;
	v39 =	vmul.f32 v39, v21;
	v21 =	vsub.f32 v41, v40;
	[tilespmem:s28+$0x2180] =	vst v40  }
0x28a: {  	v38 =	vmul.f32 $3.141592740e+00, v24;
	v36 =	vsub.f32 $1.000000000e+00, v36;
	v29 =	vmul.f32 v43, v29;
	[tilespmem:s28+$0x3080] =	vst v20  }
0x28b: {  	v34 =	vmul.f32 v34, v35;
	v24 =	vsub.f32 v39, v45;
	v40 =	vmul.u32 $0x3, v22;
	[tilespmem:s28+$0x3F80] =	vst v21  }
0x28c: {  	v36 =	vmul.f32 v37, v36;
	v29 =	vsub.f32 v29, v45;
	v39 =	vmul.f32 $3.141592740e+00, v23;
	[tilespmem:s28+$0x2680] =	vst v45  }
0x28d: {  	v35 =	vmul.f32 v38, v38;
	v22 =	vsub.f32 v34, v33;
	v34 =	vmul.f32 $2.505210790e-08, v26;
	[tilespmem:s28+$0x3580] =	vst v24  }
0x28e: {  	v30 =	vmul.f32 $3.141592740e+00, v30;
	v23 =	vsub.f32 v36, v33;
	v37 =	vmul.f32 v39, v39;
	[tilespmem:s28+$0x4480] =	vst v29  }
0x28f: {  	v31 =	vmul.f32 $3.141592740e+00, v31;
	v33 =	vmul.f32 $2.505210790e-08, v35;
	[tilespmem:s28+$0x2B80] =	vst v22  }
0x290: {  	v32 =	vmul.f32 $3.141592740e+00, v32;
	v36 =	vmul.f32 $2.505210790e-08, v37;
	[tilespmem:s28+$0x3A80] =	vst v23  }
0x291: {  	v43 =	vmul.f32 $2.087675590e-09, v26;
	v42 =	vsub.f32 $2.755731880e-06, v34;
	v44 =	vsub.f32 $2.755731880e-06, v33;
	v41 =	vld.idx.msk [tilespmem:v40+s16+$0x0], $0xffff  }
0x292: {  	v45 =	vmul.f32 $2.087675590e-09, v35;
	v47 =	vmul.f32 $2.087675590e-09, v37;
	v46 =	vsub.f32 $2.755731880e-06, v36  }
0x293: {  	v48 =	vadd.s32 $0x1, v40;
	v34 =	vmul.f32 v30, v30;
	v33 =	vmul.f32 v31, v31  }
0x294: {  	v43 =	vadd.f32 $-2.755732000e-07, v43;
	v42 =	vmul.f32 v42, v26;
	v36 =	vmul.f32 v32, v32  }
0x295: {  	v44 =	vmul.f32 v44, v35;
	v45 =	vadd.f32 $-2.755732000e-07, v45;
	v46 =	vmul.f32 v46, v37  }
0x296: {  	v49 =	vmul.f32 $2.087675590e-09, v34;
	v50 =	vmul.f32 $2.087675590e-09, v33;
	v47 =	vadd.f32 $-2.755732000e-07, v47  }
0x297: {  	[tilespmem:s28+$0x4980] =	vst v41;
	v41 =	vadd.f32 $-1.984127010e-04, v42;
	v42 =	vadd.f32 $-1.984127010e-04, v44;
	v44 =	vmul.f32 $2.087675590e-09, v36  }
0x298: {  	v43 =	vmul.f32 v43, v26;
	v45 =	vmul.f32 v45, v35;
	v46 =	vadd.f32 $-1.984127010e-04, v46;
	v48 =	vld.idx.msk [tilespmem:v48+s16+$0x0], $0xffff  }
0x299: {  	v49 =	vadd.f32 $-2.755732000e-07, v49;
	v50 =	vadd.f32 $-2.755732000e-07, v50;
	v47 =	vmul.f32 v47, v37  }
0x29a: {  	v40 =	vadd.s32 $0x2, v40;
	v41 =	vmul.f32 v41, v26;
	v44 =	vadd.f32 $-2.755732000e-07, v44  }
0x29b: {  	v43 =	vadd.f32 $2.480158760e-05, v43;
	v46 =	vmul.f32 v46, v37;
	v42 =	vmul.f32 v42, v35  }
0x29c: {  	v49 =	vmul.f32 v49, v34;
	v45 =	vadd.f32 $2.480158760e-05, v45;
	v47 =	vadd.f32 $2.480158760e-05, v47  }
0x29d: {  	v50 =	vmul.f32 v50, v33;
	v41 =	vadd.f32 $8.333333770e-03, v41;
	v44 =	vmul.f32 v44, v36  }
0x29e: {  	v51 =	vmul.f32 $2.505210790e-08, v33;
	v42 =	vadd.f32 $8.333333770e-03, v42;
	[tilespmem:s28+$0x4E80] =	vst v48;
	v48 =	vmul.f32 $2.505210790e-08, v34  }
0x29f: {  	v43 =	vmul.f32 v43, v26;
	v52 =	vmul.f32 $2.505210790e-08, v36;
	v46 =	vadd.f32 $8.333333770e-03, v46;
	v40 =	vld.idx.msk [tilespmem:v40+s16+$0x0], $0xffff  }
0x2a0: {  	v27 =	vmul.u32 $0x3, v27;
	v45 =	vmul.f32 v45, v35;
	v47 =	vmul.f32 v47, v37  }
0x2a1: {  	v49 =	vadd.f32 $2.480158760e-05, v49;
	v50 =	vadd.f32 $2.480158760e-05, v50;
	v41 =	vmul.f32 v41, v26  }
0x2a2: {  	v42 =	vmul.f32 v42, v35;
	v44 =	vadd.f32 $2.480158760e-05, v44;
	v48 =	vsub.f32 $2.755731880e-06, v48  }
0x2a3: {  	v51 =	vsub.f32 $2.755731880e-06, v51;
	v52 =	vsub.f32 $2.755731880e-06, v52;
	v46 =	vmul.f32 v46, v37  }
0x2a4: {  	v43 =	vadd.f32 $-1.388888920e-03, v43;
	v49 =	vmul.f32 v49, v34;
	v45 =	vadd.f32 $-1.388888920e-03, v45  }
0x2a5: {  	v47 =	vadd.f32 $-1.388888920e-03, v47;
	v44 =	vmul.f32 v44, v36;
	[tilespmem:s28+$0x5380] =	vst v40;
	v40 =	vmul.f32 v50, v33  }
0x2a6: {  	v51 =	vmul.f32 v51, v33;
	v41 =	vadd.f32 $-1.666666720e-01, v41;
	v48 =	vmul.f32 v48, v34;
	v50 =	vld.idx.msk [tilespmem:v27+s16+$0x0], $0xffff  }
0x2a7: {  	v52 =	vmul.f32 v52, v36;
	v46 =	vadd.f32 $-1.666666720e-01, v46;
	v42 =	vadd.f32 $-1.666666720e-01, v42  }
0x2a8: {  	v53 =	vadd.s32 $0x1, v27;
	v43 =	vmul.f32 v43, v26;
	v45 =	vmul.f32 v45, v35  }
0x2a9: {  	v49 =	vadd.f32 $-1.388888920e-03, v49;
	v47 =	vmul.f32 v47, v37;
	v40 =	vadd.f32 $-1.388888920e-03, v40  }
0x2aa: {  	v41 =	vmul.f32 v41, v26;
	v44 =	vadd.f32 $-1.388888920e-03, v44;
	v48 =	vadd.f32 $-1.984127010e-04, v48  }
0x2ab: {  	v51 =	vadd.f32 $-1.984127010e-04, v51;
	v52 =	vadd.f32 $-1.984127010e-04, v52;
	v42 =	vmul.f32 v42, v35  }
0x2ac: {  	v43 =	vadd.f32 $4.166666790e-02, v43;
	v45 =	vadd.f32 $4.166666790e-02, v45;
	v46 =	vmul.f32 v46, v37;
	[tilespmem:s28+$0x5880] =	vst v50  }
0x2ad: {  	v49 =	vmul.f32 v49, v34;
	v47 =	vadd.f32 $4.166666790e-02, v47;
	v40 =	vmul.f32 v40, v33;
	v50 =	vld.idx.msk [tilespmem:v53+s16+$0x0], $0xffff  }
0x2ae: {  	v41 =	vadd.f32 $1.000000000e+00, v41;
	v44 =	vmul.f32 v44, v36;
	v48 =	vmul.f32 v48, v34  }
0x2af: {  	v51 =	vmul.f32 v51, v33;
	v52 =	vmul.f32 v52, v36;
	v27 =	vadd.s32 $0x2, v27  }
0x2b0: {  	v43 =	vmul.f32 v43, v26;
	v46 =	vadd.f32 $1.000000000e+00, v46;
	v42 =	vadd.f32 $1.000000000e+00, v42  }
0x2b1: {  	v49 =	vadd.f32 $4.166666790e-02, v49;
	v45 =	vmul.f32 v45, v35;
	v47 =	vmul.f32 v47, v37  }
0x2b2: {  	v28 =	vmul.f32 v41, v28;
	v41 =	vadd.f32 $4.166666790e-02, v44;
	v40 =	vadd.f32 $4.166666790e-02, v40  }
0x2b3: {  	v38 =	vmul.f32 v42, v38;
	v42 =	vadd.f32 $8.333333770e-03, v51;
	v44 =	vadd.f32 $8.333333770e-03, v48;
	[tilespmem:s28+$0x5D80] =	vst v50  }
0x2b4: {  	v43 =	vadd.f32 $-5.000000000e-01, v43;
	v39 =	vmul.f32 v46, v39;
	v46 =	vadd.f32 $8.333333770e-03, v52;
	v27 =	vld.idx.msk [tilespmem:v27+s16+$0x0], $0xffff  }
0x2b5: {  	v25 =	vmul.u32 $0x3, v25;
	v45 =	vadd.f32 $-5.000000000e-01, v45;
	v47 =	vadd.f32 $-5.000000000e-01, v47  }
0x2b6: {  	v49 =	vmul.f32 v49, v34;
	v48 =	vadd.f32 v28, v28;
	v40 =	vmul.f32 v40, v33  }
0x2b7: {  	v41 =	vmul.f32 v41, v36;
	v44 =	vmul.f32 v44, v34;
	v50 =	vadd.f32 v38, v38  }
0x2b8: {  	v46 =	vmul.f32 v46, v36;
	v51 =	vadd.f32 v39, v39;
	v42 =	vmul.f32 v42, v33  }
0x2b9: {  	v26 =	vmul.f32 v43, v26;
	v43 =	vadd.f32 $-5.000000000e-01, v49;
	v35 =	vmul.f32 v45, v35  }
0x2ba: {  	v37 =	vmul.f32 v47, v37;
	[tilespmem:s28+$0x6280] =	vst v27;
	v27 =	vadd.f32 $-5.000000000e-01, v40;
	v40 =	vadd.f32 $-5.000000000e-01, v41  }
0x2bb: {  	v42 =	vadd.f32 $-1.666666720e-01, v42;
	v28 =	vmul.f32 v48, v28;
	v44 =	vadd.f32 $-1.666666720e-01, v44;
	v41 =	vld.idx.msk [tilespmem:v25+s16+$0x0], $0xffff  }
0x2bc: {  	v45 =	vadd.f32 $-1.666666720e-01, v46;
	v39 =	vmul.f32 v51, v39;
	v38 =	vmul.f32 v50, v38  }
0x2bd: {  	v26 =	vadd.f32 $1.000000000e+00, v26;
	v35 =	vadd.f32 $1.000000000e+00, v35;
	v46 =	vadd.s32 $0x1, v25  }
0x2be: {  	v37 =	vadd.f32 $1.000000000e+00, v37;
	v43 =	vmul.f32 v43, v34;
	v27 =	vmul.f32 v27, v33  }
0x2bf: {  	v28 =	vsub.f32 $1.000000000e+00, v28;
	v34 =	vmul.f32 v44, v34;
	v40 =	vmul.f32 v40, v36  }
0x2c0: {  	v38 =	vsub.f32 $1.000000000e+00, v38;
	v33 =	vmul.f32 v42, v33;
	v36 =	vmul.f32 v45, v36  }
0x2c1: {  	v39 =	vsub.f32 $1.000000000e+00, v39;
	v35 =	vmul.f32 v35, v50;
	[tilespmem:s28+$0x6780] =	vst v41;
	v41 =	vmul.f32 v26, v48  }
0x2c2: {  	v43 =	vadd.f32 $1.000000000e+00, v43;
	v37 =	vmul.f32 v37, v51;
	v27 =	vadd.f32 $1.000000000e+00, v27;
	v42 =	vld.idx.msk [tilespmem:v46+s16+$0x0], $0xffff  }
0x2c3: {  	v44 =	vadd.f32 $1.000000000e+00, v34;
	v40 =	vadd.f32 $1.000000000e+00, v40;
	v26 =	vmul.f32 v23, v24  }
0x2c4: {  	v25 =	vadd.s32 $0x2, v25;
	v45 =	vadd.f32 $1.000000000e+00, v33;
	v36 =	vadd.f32 $1.000000000e+00, v36  }
0x2c5: {  	v28 =	vmul.f32 v43, v28;
	v33 =	vmul.f32 v27, v38  }
.Ltmp0:
0x2c6: {  	v38 =	vmul.f32 v40, v39;
	v34 =	vmul.f32 v43, v41;
	(pc) =	sbr.rel @p0 .LBB2_2-.Ltmp0, $4  }
0x2c7: {  	v35 =	vmul.f32 v27, v35;
	v37 =	vmul.f32 v40, v37;
	v27 =	vsub.f32 v33, v28;
	[tilespmem:s3+$0x10] =	vst v28  }
0x2c8: {  	v39 =	vmul.f32 v45, v31;
	v33 =	vmul.f32 v44, v30;
	v28 =	vsub.f32 v38, v28;
	[tilespmem:s28+$0x6C80] =	vst v42  }
0x2c9: {  	v36 =	vmul.f32 v36, v32;
	v30 =	vsub.f32 v35, v34;
	v31 =	vsub.f32 v37, v34;
	v25 =	vld.idx.msk [tilespmem:v25+s16+$0x0], $0xffff  }
0x2ca: {  	s30 =	sadd.s32 $0x20, s30;
	v32 =	vmul.f32 v20, v29;
	v35 =	vmul.f32 v22, v29;
	v29 =	vsub.f32 v39, v33;
	[tilespmem:s3+$0xF10] =	vst v27  }
0x2cb: {  	[tilespmem:s3+$0x1E10] =	vst v28  }
0x2cc: {  	[tilespmem:s3+$0x1410] =	vst v30  }
0x2cd: {  	[tilespmem:s3+$0x2310] =	vst v31  }
0x2ce: {  	[tilespmem:s3+$0x510] =	vst v34  }
0x2cf: {  	v36 =	vsub.f32 v36, v33;
	[tilespmem:s3+$0xA10] =	vst v33  }
0x2d0: {  	[tilespmem:s3+$0x1910] =	vst v29  }
0x2d1: {  	[tilespmem:s3+$0x2810] =	vst v36  }
0x2d2: {  	v11 =	vld.idx.msk [tilespmem:v11+s16+$0x0], $0xffff;
	_ =	sdelay $0x4  }
0x2d3: {  	[tilespmem:s3+$0x2D10] =	vst v11  }
0x2d4: {  	v11 =	vld.idx.msk [tilespmem:v18+s16+$0x0], $0xffff;
	_ =	sdelay $0x4  }
0x2d5: {  	[tilespmem:s3+$0x3210] =	vst v11  }
0x2d6: {  	v11 =	vld.idx.msk [tilespmem:v15+s16+$0x0], $0xffff;
	_ =	sdelay $0x3  }
0x2d7: {  	v62 =	vmul.f32 v21, v24  }
0x2d8: {  	v37 =	vmul.f32 v21, v22;
	v20 =	vmul.f32 v23, v20;
	[tilespmem:s3+$0x3710] =	vst v11  }
0x2d9: {  	v63 =	vmul.f32 v28, v29;
	v33 =	vmul.f32 v30, v36;
	v10 =	vld.idx.msk [tilespmem:v10+s16+$0x0], $0xffff  }
0x2da: {  	v34 =	vmul.f32 v27, v36;
	v36 =	vmul.f32 v31, v29  }
0x2db: {  	v38 =	vmul.f32 v31, v27;
	v26 =	vsub.f32 v26, v35;
	v11 =	vsub.f32 v32, v62  }
0x2dc: {  	v39 =	vmul.f32 v28, v30;
	v18 =	vsub.f32 v33, v36;
	v15 =	vsub.f32 v63, v34  }
0x2dd: {  	v20 =	vsub.f32 v37, v20;
	v40 =	vmul.f32 v26, v26;
	v11 =	vmul.f32 v11, v11  }
0x2de: {  	v41 =	vsub.f32 v38, v39;
	v18 =	vmul.f32 v18, v18;
	v15 =	vmul.f32 v15, v15;
	[tilespmem:s3+$0x3C10] =	vst v10  }
0x2df: {  	v42 =	vmul.f32 v20, v20;
	v10 =	vadd.f32 v40, v11;
	v16 =	vld.idx.msk [tilespmem:v16+s16+$0x0], $0xffff  }
0x2e0: {  	v43 =	vmul.f32 v41, v41;
	v15 =	vadd.f32 v15, v18  }
0x2e1: {  	v10 =	vadd.f32 v10, v42  }
0x2e2: {  	v44 =	vadd.f32 v15, v43  }
0x2e3: {  	v45 =	vshrl.u32 v10, $0x1;
	v10 =	vmul.f32 $5.000000000e-01, v10  }
0x2e4: {  	v46 =	vshrl.u32 v44, $0x1;
	v11 =	vmul.f32 $5.000000000e-01, v44;
	v15 =	vsub.s32 $0x5F3759DF, v45;
	[tilespmem:s3+$0x4110] =	vst v16  }
0x2e5: {  	v16 =	vsub.s32 $0x5F3759DF, v46;
	v47 =	vmul.f32 v15, v10;
	v14 =	vld.idx.msk [tilespmem:v14+s16+$0x0], $0xffff  }
0x2e6: {  	v48 =	vmul.f32 v16, v11  }
0x2e7: {  	v18 =	vmul.f32 v15, v47  }
0x2e8: {  	v20 =	vmul.f32 v16, v48  }
0x2e9: {  	v49 =	vsub.f32 $1.500000000e+00, v18  }
0x2ea: {  	v51 =	vmul.f32 v5, v3;
	v50 =	vsub.f32 $1.500000000e+00, v20;
	[tilespmem:s3+$0x4610] =	vst v14  }
0x2eb: {  	v52 =	vmul.f32 v6, v4;
	v14 =	vmul.f32 v15, v49;
	v9 =	vld.idx.msk [tilespmem:v9+s16+$0x0], $0xffff  }
0x2ec: {  	v53 =	vmul.f32 v51, v5;
	v16 =	vmul.f32 v16, v50  }
0x2ed: {  	v15 =	vmul.f32 v52, v6;
	v54 =	vmul.f32 v14, v10  }
0x2ee: {  	v18 =	vsub.f32 $1.500000000e+00, v53;
	v55 =	vmul.f32 v16, v11  }
0x2ef: {  	v15 =	vsub.f32 $1.500000000e+00, v15;
	v20 =	vmul.f32 v54, v14  }
0x2f0: {  	v56 =	vmul.f32 v18, v5;
	[tilespmem:s3+$0x4B10] =	vst v9;
	v9 =	vmul.f32 v55, v16  }
0x2f1: {  	v58 =	vmul.f32 v15, v6;
	v57 =	vsub.f32 $1.500000000e+00, v20;
	v13 =	vld.idx.msk [tilespmem:v13+s16+$0x0], $0xffff  }
0x2f2: {  	v7 =	vmul.f32 v17, v7;
	v3 =	vmul.f32 v56, v3;
	v9 =	vsub.f32 $1.500000000e+00, v9  }
0x2f3: {  	v59 =	vmul.f32 v58, v4;
	v14 =	vmul.f32 v57, v14  }
0x2f4: {  	v3 =	vmul.f32 v3, v56;
	v9 =	vmul.f32 v9, v16  }
0x2f5: {  	v4 =	vmul.f32 v59, v58;
	v10 =	vmul.f32 v14, v10  }
0x2f6: {  	v8 =	vmul.f32 v19, v8;
	v3 =	vsub.f32 $1.500000000e+00, v3;
	[tilespmem:s3+$0x5010] =	vst v13;
	v11 =	vmul.f32 v9, v11  }
0x2f7: {  	[tilespmem:s0+$0x7680] =	vst v7;
	v4 =	vsub.f32 $1.500000000e+00, v4;
	v10 =	vmul.f32 v10, v14;
	v12 =	vld.idx.msk [tilespmem:v12+s16+$0x0], $0xffff  }
0x2f8: {  	[tilespmem:s5+$0x5A10] =	vst v8;
	v3 =	vmul.f32 v3, v56;
	v60 =	vmul.f32 v11, v9  }
0x2f9: {  	[tilespmem:s28+$0x7180] =	vst v25;
	v4 =	vmul.f32 v4, v58;
	v61 =	vsub.f32 $1.500000000e+00, v10  }
.Ltmp1:
0x2fa: {  	[tilespmem:s26+$0x7680] =	vst v3;
	v62 =	vsub.f32 $1.500000000e+00, v60;
	(pc) =	sbr.rel .LBB2_4-.Ltmp1, $4  }
0x2fb: {  	[tilespmem:s25+$0x5A10] =	vst v4;
	v3 =	vmul.f32 v61, v14  }
0x2fc: {  	[tilespmem:s3+$0x5510] =	vst v12;
	v63 =	vmul.f32 v62, v9  }
0x2fd: {  	[tilespmem:s28+$0x7680] =	vst v3  }
0x2fe: {  	p0 =	por $0x0, $0x0;
	s25 =	simm.s32 $0x0;
	[tilespmem:s3+$0x5A10] =	vst v63  }
.LBB2_10:
0x2ff: {  	s25 =	sadd.s32 $0x1, s25  }
0x300: {  	p1 =	sne.s32 s25, $0x8  }
.Ltmp2:
0x301: {  	_ = 	snop;
	(pc) =	sbr.rel @!p1 .LBB2_11-.Ltmp2, $2  }
0x302: {  	_ =	sdelay $0x2  }
0x303: {  	p0 =	por !p0, !p0  }
.LBB2_4:
0x304: {  	s0 =	sshll.u32 s25, $0xC;
	s1 =	simm.s32 $0x1  }
0x305: {  	s7 =	simm.s32 $0xFFFFFFF8;
	s10 =	simm.s32 $0x11B80;
	s11 =	simm.s32 $0xDBC0  }
0x306: {  	s12 =	simm.s32 $0xBBF0;
	s13 =	simm.s32 $0x9BF0;
	s28 =	sadd.s32 s9, s0  }
0x307: {  	s21 =	simm.s32 $0xFBC0;
	s3 =	sand.u32 $0x1000, s0;
	s26 =	sshrl.u32 s28, $0x3  }
0x308: {  	s1 =	simm.s32 @!p0 $0x0;
	s0 =	sadd.s32 $0x7B80, s3;
	s22 =	sadd.s32 s4, s26  }
0x309: {  	[tilespmem:s0], [sflag:$0x3] =	stream.linear.gather [hbm4b:s22+s2], $0x1000, $0x38;
	[tilespmem:$0x18B80] =	vst v63  }
0x30a: {  	s5 =	sshll.u32 s1, $0xE;
	s6 =	sadd.s32 $0x9B80, s3;
	_ =	swait.ge [sflag:s18], $0x1000  }
0x30b: {  	s23 =	ssub.s32 $0x0, s5;
	s24 =	sor.u32 $0x20000, s26;
	[sflag:s18] =	ssyncset.done $0x0  }
0x30c: {  	s0 =	sshra.s32 s23, $0x2;
	s1 =	sadd.s32 s4, s24;
	[sflag:s18] =	ssyncadd.s32 $0xFFFFF000  }
0x30d: {  	[tilespmem:s6], [sflag:$0x3] =	stream.linear.gather [hbm4b:s1+s2], $0x1000, $0x38;
	[tilespmem:$0x18B80] =	vst v63  }
0x30e: {  	s24 =	simm.s32 $0x7BF0;
	s29 =	sadd.s32 $0xEBF0, s0;
	_ =	swait.ge [sflag:s18], $0x1000  }
0x30f: {  	s30 =	sadd.s32 $0xCBF0, s0;
	s31 =	sadd.s32 $0x14BF0, s0;
	[sflag:s18] =	ssyncset.done $0x0  }
0x310: {  	s0 =	sadd.s32 $0x10BF0, s0;
	s6 =	sadd.s32 $0x11B80, s3;
	[sflag:s18] =	ssyncadd.s32 $0xFFFFF000  }
.LBB2_5:
0x311: {  	s22 =	sshrl.u32 s5, $0x2  }
0x312: {  	s1 =	sadd.s32 s22, s24  }
0x313: {  	s23 =	sadd.s32 s22, s13;
	v3 =	vld [tilespmem:s1+$0xFFFFFF90]  }
0x314: {  	v5 =	vld [tilespmem:s23+$0xFFFFFF90]  }
0x315: {  	v13 =	vld [tilespmem:s1+$0xFFFFFFA0]  }
0x316: {  	v41 =	vld [tilespmem:s23+$0xFFFFFFA0]  }
0x317: {  	v58 =	vld [tilespmem:s1+$0xFFFFFFB0]  }
0x318: {  	v20 =	vld [tilespmem:s23+$0xFFFFFFB0];
	_ =	sdelay $0x1  }
0x319: {  	v4 =	vadd.f32 $-5.000000000e-01, v3  }
0x31a: {  	v9 =	vadd.f32 $-5.000000000e-01, v5;
	v5 =	vmul.f32 $1.000000000e+03, v5;
	v3 =	vmul.f32 $1.000000000e+03, v3  }
0x31b: {  	v42 =	vadd.f32 $-5.000000000e-01, v13;
	v46 =	vadd.f32 $-5.000000000e-01, v41;
	v55 =	vmul.f32 $1.000000000e+03, v13  }
0x31c: {  	v19 =	vadd.f32 $-5.000000000e-01, v58;
	v32 =	vmul.f32 $1.000000000e+03, v20;
	v4 =	vmul.f32 $3.141592740e+00, v4  }
0x31d: {  	v21 =	vadd.f32 $-5.000000000e-01, v20;
	v9 =	vmul.f32 $3.141592740e+00, v9;
	v15 =	vmul.f32 $3.141592740e+00, v42  }
0x31e: {  	v47 =	vmul.f32 $3.141592740e+00, v46;
	v19 =	vmul.f32 $3.141592740e+00, v19  }
0x31f: {  	v62 =	vmul.f32 $3.141592740e+00, v21;
	v6 =	vmul.f32 v4, v4  }
0x320: {  	v5 =	vadd.f32 $1.258291200e+07, v5;
	v11 =	vmul.f32 v9, v9;
	v45 =	vmul.f32 v15, v15  }
0x321: {  	v3 =	vadd.f32 $1.258291200e+07, v3;
	v18 =	vmul.f32 v47, v47;
	v60 =	vmul.f32 v19, v19  }
0x322: {  	v5 =	vadd.f32 $-1.258291200e+07, v5;
	v23 =	vmul.f32 v62, v62;
	v7 =	vmul.f32 $2.755732000e-07, v6  }
0x323: {  	v3 =	vadd.f32 $-1.258291200e+07, v3;
	v8 =	vmul.f32 $2.755731880e-06, v6;
	v10 =	vmul.f32 $2.755732000e-07, v11  }
0x324: {  	v12 =	vmul.f32 $2.755731880e-06, v11;
	v5 =	vtrunc.f32 v5  }
0x325: {  	v3 =	vtrunc.f32 v3;
	v16 =	vmul.f32 $2.755731880e-06, v45  }
0x326: {  	v49 =	vmul.f32 $2.755732000e-07, v45;
	v52 =	vmul.f32 $2.755732000e-07, v18  }
0x327: {  	v57 =	vmul.f32 $2.755731880e-06, v18;
	v22 =	vmul.f32 $2.755731880e-06, v60  }
0x328: {  	v26 =	vmul.f32 $2.755732000e-07, v60;
	v7 =	vsub.f32 $2.480158760e-05, v7;
	v8 =	vadd.f32 $-1.984127010e-04, v8  }
0x329: {  	v29 =	vmul.f32 $2.755732000e-07, v23;
	v10 =	vsub.f32 $2.480158760e-05, v10;
	v12 =	vadd.f32 $-1.984127010e-04, v12  }
0x32a: {  	v35 =	vmul.f32 $2.755731880e-06, v23;
	v48 =	vadd.f32 $-1.984127010e-04, v16;
	v51 =	vsub.f32 $2.480158760e-05, v49  }
0x32b: {  	v14 =	vcvt.f32.s32 v5;
	v56 =	vsub.f32 $2.480158760e-05, v52;
	v16 =	vadd.f32 $-1.984127010e-04, v57  }
0x32c: {  	v44 =	vcvt.f32.s32 v3;
	v63 =	vadd.f32 $-1.984127010e-04, v22;
	v27 =	vsub.f32 $2.480158760e-05, v26  }
0x32d: {  	v34 =	vsub.f32 $2.480158760e-05, v29;
	v7 =	vmul.f32 v7, v6;
	v8 =	vmul.f32 v8, v6  }
0x32e: {  	v20 =	vadd.f32 $-1.984127010e-04, v35;
	v10 =	vmul.f32 v10, v11;
	v38 =	vmul.f32 v12, v11  }
0x32f: {  	v14 =	vmul.u32 $0x3E9, v14;
	v50 =	vmul.f32 v48, v45;
	v54 =	vmul.f32 v51, v45  }
0x330: {  	v36 =	vld [tilespmem:s1+$0xFFFFFFC0];
	v13 =	vmul.f32 v56, v18;
	v16 =	vmul.f32 v16, v18;
	v7 =	vadd.f32 $-1.388888920e-03, v7  }
0x331: {  	v12 =	vadd.f32 $1.258291200e+07, v55;
	v21 =	vmul.f32 v63, v60;
	v31 =	vmul.f32 v27, v60  }
0x332: {  	v20 =	vmul.f32 v20, v23;
	v8 =	vadd.f32 $8.333333770e-03, v8;
	v7 =	vmul.f32 v7, v6  }
0x333: {  	v14 =	vadd.s32 v44, v14;
	v10 =	vadd.f32 $-1.388888920e-03, v10;
	v40 =	vadd.f32 $8.333333770e-03, v38  }
0x334: {  	v12 =	vadd.f32 $-1.258291200e+07, v12;
	v8 =	vmul.f32 v8, v6;
	v7 =	vadd.f32 $4.166666790e-02, v7  }
0x335: {  	v13 =	vadd.f32 $-1.388888920e-03, v13;
	v28 =	vadd.f32 $8.333333770e-03, v21;
	v21 =	vmul.f32 $1.000000000e+03, v36  }
0x336: {  	v39 =	vmul.f32 v10, v11;
	v8 =	vadd.f32 $-1.666666720e-01, v8;
	v7 =	vmul.f32 v7, v6  }
0x337: {  	v16 =	vadd.f32 $8.333333770e-03, v16;
	v5 =	vmul.f32 v40, v11;
	v12 =	vtrunc.f32 v12  }
0x338: {  	v38 =	vld [tilespmem:s23+$0xFFFFFFC0];
	v13 =	vmul.f32 v13, v18;
	v8 =	vmul.f32 v8, v6;
	v7 =	vadd.f32 $-5.000000000e-01, v7  }
0x339: {  	v53 =	vadd.f32 $8.333333770e-03, v50;
	v59 =	vmul.f32 v16, v18;
	v33 =	vmul.f32 v28, v60  }
0x33a: {  	v49 =	vld [tilespmem:s1+$0xFFFFFFD0];
	v37 =	vadd.f32 $1.000000000e+00, v8;
	v6 =	vmul.f32 v7, v6;
	v7 =	vadd.f32 $4.166666790e-02, v39  }
0x33b: {  	v21 =	vadd.f32 $1.258291200e+07, v21;
	v12 =	vcvt.f32.s32 v12;
	v5 =	vadd.f32 $-1.666666720e-01, v5  }
0x33c: {  	v13 =	vadd.f32 $4.166666790e-02, v13;
	v4 =	vmul.f32 v37, v4;
	v3 =	vmul.f32 v7, v11  }
0x33d: {  	v21 =	vadd.f32 $-1.258291200e+07, v21;
	v26 =	vadd.f32 $-5.000000000e-01, v38;
	v5 =	vmul.f32 v5, v11  }
0x33e: {  	v13 =	vmul.f32 v13, v18;
	v43 =	vadd.f32 v4, v4;
	v3 =	vadd.f32 $-5.000000000e-01, v3  }
0x33f: {  	v51 =	vadd.f32 $-5.000000000e-01, v49;
	v21 =	vtrunc.f32 v21;
	v26 =	vmul.f32 $3.141592740e+00, v26  }
0x340: {  	v5 =	vadd.f32 $1.000000000e+00, v5;
	v4 =	vmul.f32 v43, v4;
	v3 =	vmul.f32 v3, v11  }
0x341: {  	v8 =	vmul.f32 $1.000000000e+03, v41;
	v13 =	vadd.f32 $-5.000000000e-01, v13;
	v6 =	vadd.f32 $1.000000000e+00, v6  }
0x342: {  	v28 =	vcvt.f32.s32 v21;
	v4 =	vsub.f32 $1.000000000e+00, v4;
	v17 =	vadd.f32 $1.000000000e+00, v3  }
0x343: {  	v8 =	vadd.f32 $1.258291200e+07, v8;
	v39 =	vadd.f32 $-5.000000000e-01, v36;
	v6 =	vmul.f32 v6, v43  }
0x344: {  	v3 =	vmul.f32 v5, v9;
	v9 =	vadd.f32 $-1.388888920e-03, v54;
	v5 =	vmul.f32 v4, v17  }
0x345: {  	v8 =	vadd.f32 $-1.258291200e+07, v8;
	v4 =	vmul.f32 v6, v17;
	v6 =	vmul.f32 v53, v45  }
0x346: {  	v37 =	vadd.f32 $8.333333770e-03, v20;
	v20 =	vmul.f32 $3.141592740e+00, v39;
	v9 =	vmul.f32 v9, v45  }
0x347: {  	v13 =	vmul.f32 v13, v18;
	v8 =	vtrunc.f32 v8;
	v6 =	vadd.f32 $-1.666666720e-01, v6  }
0x348: {  	v40 =	vmul.f32 v20, v20;
	v43 =	vmul.f32 v26, v26;
	v9 =	vadd.f32 $4.166666790e-02, v9  }
0x349: {  	v13 =	vadd.f32 $1.000000000e+00, v13;
	v8 =	vcvt.f32.s32 v8;
	v6 =	vmul.f32 v6, v45  }
0x34a: {  	v11 =	vadd.f32 $1.258291200e+07, v32;
	v17 =	vmul.f32 $1.000000000e+03, v58;
	v9 =	vmul.f32 v9, v45  }
0x34b: {  	v41 =	vmul.f32 $2.755731880e-06, v40;
	v27 =	vmul.f32 $2.755732000e-07, v40;
	v6 =	vadd.f32 $1.000000000e+00, v6  }
0x34c: {  	v46 =	vmul.f32 $2.755732000e-07, v43;
	v17 =	vadd.f32 $1.258291200e+07, v17;
	v9 =	vadd.f32 $-5.000000000e-01, v9  }
0x34d: {  	v30 =	vmul.u32 $0x3E9, v8;
	v11 =	vadd.f32 $-1.258291200e+07, v11;
	v6 =	vmul.f32 v6, v15  }
0x34e: {  	v54 =	vld [tilespmem:s23+$0xFFFFFFD0];
	v17 =	vadd.f32 $-1.258291200e+07, v17;
	v7 =	vmul.f32 v9, v45;
	v15 =	vadd.f32 $-1.666666720e-01, v59  }
0x34f: {  	v11 =	vtrunc.f32 v11;
	v45 =	vmul.f32 $2.755731880e-06, v43;
	v61 =	vadd.f32 v6, v6  }
0x350: {  	v17 =	vtrunc.f32 v17;
	v7 =	vadd.f32 $1.000000000e+00, v7;
	v15 =	vmul.f32 v15, v18  }
0x351: {  	v17 =	vcvt.f32.s32 v17;
	v22 =	vadd.f32 $-1.984127010e-04, v45;
	v6 =	vmul.f32 v61, v6  }
0x352: {  	v25 =	vadd.f32 $1.000000000e+00, v15;
	v9 =	vmul.f32 v7, v61;
	v15 =	vmul.f32 v34, v23  }
0x353: {  	v21 =	vld [tilespmem:s1+$0xFFFFFFE0];
	v59 =	vmul.f32 $1.000000000e+03, v54;
	v22 =	vmul.f32 v22, v43;
	v24 =	vsub.f32 $1.000000000e+00, v6  }
0x354: {  	v8 =	vmul.f32 v9, v13;
	v9 =	vadd.f32 $-1.388888920e-03, v31;
	v15 =	vadd.f32 $-1.388888920e-03, v15  }
0x355: {  	v42 =	vsub.f32 $2.480158760e-05, v27;
	v6 =	vmul.f32 v25, v47;
	v7 =	vmul.f32 v24, v13  }
0x356: {  	v22 =	vadd.f32 $8.333333770e-03, v22;
	v9 =	vmul.f32 v9, v60;
	v15 =	vmul.f32 v15, v23  }
0x357: {  	v13 =	vadd.f32 $-1.666666720e-01, v33;
	v24 =	vcvt.f32.s32 v11;
	v11 =	vmul.f32 v37, v23  }
0x358: {  	v22 =	vmul.f32 v22, v43;
	v37 =	vadd.f32 $-5.000000000e-01, v21;
	v21 =	vmul.f32 $1.000000000e+03, v21  }
0x359: {  	v13 =	vmul.f32 v13, v60;
	v9 =	vadd.f32 $4.166666790e-02, v9;
	v15 =	vadd.f32 $4.166666790e-02, v15  }
0x35a: {  	v11 =	vadd.f32 $-1.666666720e-01, v11;
	v22 =	vadd.f32 $-1.666666720e-01, v22;
	v32 =	vmul.f32 $3.141592740e+00, v37  }
0x35b: {  	v13 =	vadd.f32 $1.000000000e+00, v13;
	v9 =	vmul.f32 v9, v60;
	v15 =	vmul.f32 v15, v23  }
0x35c: {  	v12 =	vadd.s32 v12, v30;
	v11 =	vmul.f32 v11, v23;
	v52 =	vmul.f32 v22, v43  }
0x35d: {  	v33 =	vmul.f32 v32, v32;
	v13 =	vmul.f32 v13, v19;
	v9 =	vadd.f32 $-5.000000000e-01, v9  }
0x35e: {  	v15 =	vadd.f32 $-5.000000000e-01, v15;
	v11 =	vadd.f32 $1.000000000e+00, v11;
	v19 =	vmul.f32 $1.000000000e+03, v38  }
0x35f: {  	v45 =	vmul.f32 $2.755731880e-06, v33;
	v25 =	vadd.f32 v13, v13;
	v9 =	vmul.f32 v9, v60  }
0x360: {  	v15 =	vmul.f32 v15, v23;
	v23 =	vadd.f32 $-1.984127010e-04, v41;
	v19 =	vadd.f32 $1.258291200e+07, v19  }
0x361: {  	v60 =	vadd.f32 $-5.000000000e-01, v54;
	v13 =	vmul.f32 v25, v13;
	v9 =	vadd.f32 $1.000000000e+00, v9  }
0x362: {  	v15 =	vadd.f32 $1.000000000e+00, v15;
	v44 =	vmul.f32 v23, v40;
	v23 =	vsub.f32 $2.480158760e-05, v46  }
0x363: {  	v19 =	vadd.f32 $-1.258291200e+07, v19;
	v25 =	vmul.f32 v9, v25;
	v9 =	vmul.f32 v11, v62  }
0x364: {  	v13 =	vsub.f32 $1.000000000e+00, v13;
	v11 =	vmul.f32 v42, v40;
	v23 =	vmul.f32 v23, v43  }
0x365: {  	v24 =	vmul.u32 $0x3E9, v24;
	v19 =	vtrunc.f32 v19;
	v62 =	vmul.f32 $3.141592740e+00, v60  }
0x366: {  	v10 =	vmul.f32 v13, v15;
	v13 =	vadd.f32 $8.333333770e-03, v44;
	v11 =	vadd.f32 $-1.388888920e-03, v11  }
0x367: {  	v19 =	vcvt.f32.s32 v19;
	v23 =	vadd.f32 $-1.388888920e-03, v23;
	v63 =	vmul.f32 v62, v62  }
0x368: {  	v17 =	vadd.s32 v17, v24;
	v13 =	vmul.f32 v13, v40;
	v47 =	vmul.f32 v11, v40  }
0x369: {  	v16 =	vadd.f32 $1.000000000e+00, v52;
	v11 =	vmul.f32 v25, v15;
	v23 =	vmul.f32 v23, v43  }
0x36a: {  	v25 =	vmul.f32 $1.000000000e+03, v49;
	v31 =	vmul.f32 $2.755731880e-06, v63;
	v13 =	vadd.f32 $-1.666666720e-01, v13  }
0x36b: {  	v48 =	vadd.f32 $4.166666790e-02, v47;
	v50 =	vadd.f32 $4.166666790e-02, v23;
	v23 =	vmul.f32 $3.141592740e+00, v51  }
0x36c: {  	v44 =	vmul.f32 $2.755732000e-07, v33;
	v25 =	vadd.f32 $1.258291200e+07, v25;
	v13 =	vmul.f32 v13, v40  }
0x36d: {  	v39 =	vadd.f32 $-1.984127010e-04, v31;
	v15 =	vmul.f32 v48, v40;
	v29 =	vmul.f32 v23, v23  }
0x36e: {  	v36 =	vmul.f32 $2.755732000e-07, v63;
	v35 =	vadd.f32 $-1.258291200e+07, v25;
	v13 =	vadd.f32 $1.000000000e+00, v13  }
0x36f: {  	v15 =	vadd.f32 $-5.000000000e-01, v15;
	v58 =	vmul.f32 $2.755732000e-07, v29;
	v61 =	vmul.f32 $2.755731880e-06, v29  }
0x370: {  	v25 =	vsub.f32 $2.480158760e-05, v36;
	v13 =	vmul.f32 v13, v20;
	v20 =	vmul.f32 v50, v43  }
0x371: {  	v15 =	vmul.f32 v15, v40;
	v18 =	vsub.f32 $2.480158760e-05, v58;
	v24 =	vadd.f32 $-1.984127010e-04, v61  }
0x372: {  	v42 =	vmul.f32 v39, v63;
	v53 =	vadd.f32 v13, v13;
	v20 =	vadd.f32 $-5.000000000e-01, v20  }
0x373: {  	v15 =	vadd.f32 $1.000000000e+00, v15;
	v18 =	vmul.f32 v18, v29;
	v24 =	vmul.f32 v24, v29  }
0x374: {  	v55 =	vmul.f32 v53, v13;
	v57 =	vmul.f32 v20, v43;
	v20 =	vadd.f32 $1.258291200e+07, v59  }
0x375: {  	v25 =	vmul.f32 v25, v63;
	v18 =	vadd.f32 $-1.388888920e-03, v18;
	v24 =	vadd.f32 $8.333333770e-03, v24  }
0x376: {  	v34 =	vld [tilespmem:s23+$0xFFFFFFE0];
	v13 =	vmul.f32 v16, v26;
	v56 =	vsub.f32 $1.000000000e+00, v55;
	v16 =	vadd.f32 $1.000000000e+00, v57  }
0x377: {  	v22 =	vmul.f32 v15, v53;
	v20 =	vadd.f32 $-1.258291200e+07, v20;
	v18 =	vmul.f32 v18, v29  }
0x378: {  	v47 =	vadd.f32 $-1.984127010e-04, v45;
	v24 =	vmul.f32 v24, v29;
	v15 =	vmul.f32 v56, v16  }
0x379: {  	v43 =	vadd.f32 $-1.388888920e-03, v25;
	v16 =	vmul.f32 v22, v16;
	v20 =	vtrunc.f32 v20  }
0x37a: {  	v22 =	vtrunc.f32 v35;
	v18 =	vadd.f32 $4.166666790e-02, v18;
	v38 =	vadd.f32 $-1.666666720e-01, v24  }
0x37b: {  	v24 =	vmul.f32 v43, v63;
	v35 =	vadd.f32 $-5.000000000e-01, v34;
	v34 =	vmul.f32 $1.000000000e+03, v34  }
0x37c: {  	v40 =	vmul.u32 $0x3E9, v19;
	v30 =	vcvt.f32.s32 v20;
	v25 =	vcvt.f32.s32 v22  }
0x37d: {  	v20 =	vadd.f32 $8.333333770e-03, v42;
	v22 =	vsub.f32 $2.480158760e-05, v44;
	v18 =	vmul.f32 v18, v29  }
0x37e: {  	v41 =	vmul.f32 v38, v29;
	v46 =	vadd.f32 $4.166666790e-02, v24;
	v24 =	vmul.f32 v47, v33  }
0x37f: {  	v51 =	vmul.f32 $3.141592740e+00, v35;
	v34 =	vadd.f32 $1.258291200e+07, v34;
	v20 =	vmul.f32 v20, v63  }
0x380: {  	v22 =	vmul.f32 v22, v33;
	v18 =	vadd.f32 $-5.000000000e-01, v18;
	v19 =	vadd.f32 $1.000000000e+00, v41  }
0x381: {  	v30 =	vmul.u32 $0x3E9, v30;
	v24 =	vadd.f32 $8.333333770e-03, v24;
	v54 =	vmul.f32 v51, v51  }
0x382: {  	v20 =	vadd.f32 $-1.666666720e-01, v20;
	v18 =	vmul.f32 v18, v29;
	v19 =	vmul.f32 v19, v23  }
0x383: {  	v22 =	vadd.f32 $-1.388888920e-03, v22;
	v23 =	vmul.f32 v46, v63;
	v24 =	vmul.f32 v24, v33  }
0x384: {  	v56 =	vmul.f32 $2.755731880e-06, v54;
	v57 =	vmul.f32 $2.755732000e-07, v54;
	v18 =	vadd.f32 $1.000000000e+00, v18  }
0x385: {  	v49 =	vmul.f32 v20, v63;
	v48 =	vadd.f32 v19, v19;
	v50 =	vadd.f32 $-5.000000000e-01, v23  }
0x386: {  	v52 =	vmul.f32 v22, v33;
	v22 =	vld [tilespmem:s1+$0xFFFFFFF0];
	v24 =	vadd.f32 $-1.666666720e-01, v24;
	v27 =	vadd.f32 $-1.984127010e-04, v56  }
0x387: {  	v35 =	vsub.f32 $2.480158760e-05, v57;
	v56 =	vadd.f32 $1.258291200e+07, v21;
	v36 =	vmul.f32 v18, v48  }
0x388: {  	v53 =	vadd.f32 $4.166666790e-02, v52;
	v19 =	vmul.f32 v48, v19;
	v20 =	vmul.f32 v50, v63  }
0x389: {  	v18 =	vadd.f32 $1.000000000e+00, v49;
	v24 =	vmul.f32 v24, v33;
	v27 =	vmul.f32 v27, v54  }
0x38a: {  	v60 =	vmul.f32 v35, v54;
	v55 =	vmul.f32 v53, v33;
	v19 =	vsub.f32 $1.000000000e+00, v19  }
0x38b: {  	v18 =	vmul.f32 v18, v62;
	v20 =	vadd.f32 $1.000000000e+00, v20;
	v37 =	vadd.f32 $-5.000000000e-01, v22  }
0x38c: {  	v59 =	vadd.f32 $1.000000000e+00, v24;
	v24 =	vadd.s32 v28, v40;
	v28 =	vadd.f32 $-1.388888920e-03, v60  }
0x38d: {  	v27 =	vadd.f32 $8.333333770e-03, v27;
	v26 =	vadd.f32 $-5.000000000e-01, v55;
	v19 =	vmul.f32 v19, v20  }
0x38e: {  	v55 =	vadd.f32 $-1.258291200e+07, v34;
	v58 =	vmul.f32 $3.141592740e+00, v37;
	v28 =	vmul.f32 v28, v54  }
0x38f: {  	v34 =	vadd.f32 $-1.258291200e+07, v56;
	v32 =	vmul.f32 v59, v32;
	v27 =	vmul.f32 v27, v54  }
0x390: {  	v26 =	vmul.f32 v26, v33;
	v33 =	vld [tilespmem:s23+$0xFFFFFFF0];
	v61 =	vmul.f32 v58, v58;
	v28 =	vadd.f32 $4.166666790e-02, v28  }
0x391: {  	v20 =	vmul.f32 v36, v20;
	v59 =	vtrunc.f32 v55;
	v27 =	vadd.f32 $-1.666666720e-01, v27  }
0x392: {  	v41 =	vld [tilespmem:s1+$0x0];
	v37 =	vadd.f32 v32, v32;
	v62 =	vmul.f32 $2.755732000e-07, v61;
	v28 =	vmul.f32 v28, v54  }
0x393: {  	v26 =	vadd.f32 $1.000000000e+00, v26;
	v38 =	vmul.f32 $2.755731880e-06, v61;
	v27 =	vmul.f32 v27, v54  }
0x394: {  	s1 =	sadd.s32 s22, s10;
	v32 =	vmul.f32 v37, v32;
	v35 =	vsub.f32 $2.480158760e-05, v62;
	v28 =	vadd.f32 $-5.000000000e-01, v28  }
0x395: {  	[tilespmem:s1+$0x0] =	vst v14;
	v26 =	vmul.f32 v26, v37;
	v39 =	vadd.f32 $-5.000000000e-01, v33;
	v38 =	vadd.f32 $-1.984127010e-04, v38  }
0x396: {  	[tilespmem:s1+$0x10] =	vst v12;
	v27 =	vadd.f32 $1.000000000e+00, v27;
	v35 =	vmul.f32 v35, v61;
	v28 =	vmul.f32 v28, v54;
	v54 =	vld [tilespmem:s23+$0x0];
	s23 =	sadd.s32 s22, s12  }
0x397: {  	v47 =	vadd.f32 $-5.000000000e-01, v41;
	v39 =	vmul.f32 $3.141592740e+00, v39;
	v38 =	vmul.f32 v38, v61;
	[tilespmem:s23+$0xFFFFFF90] =	vst v5  }
0x398: {  	s17 =	sadd.s32 s22, s11;
	v23 =	vmul.f32 v27, v51;
	[tilespmem:s23+$0xFFFFFFA0] =	vst v7;
	v7 =	vtrunc.f32 v34;
	v35 =	vadd.f32 $-1.388888920e-03, v35  }
0x399: {  	s22 =	sadd.s32 s22, s21;
	v40 =	vmul.f32 v39, v39;
	v63 =	vadd.f32 $8.333333770e-03, v38;
	v38 =	vmul.f32 $3.141592740e+00, v47;
	[tilespmem:s17+$0xFFFFFFC0] =	vst v4  }
0x39a: {  	v32 =	vsub.f32 $1.000000000e+00, v32;
	v7 =	vcvt.f32.s32 v7;
	[tilespmem:s22+$0xFFFFFFC0] =	vst v3;
	v3 =	vmul.f32 $1.000000000e+03, v33  }
0x39b: {  	v28 =	vadd.f32 $1.000000000e+00, v28;
	v35 =	vmul.f32 v35, v61;
	v42 =	vmul.f32 $2.755732000e-07, v40  }
0x39c: {  	v43 =	vmul.f32 v63, v61;
	v46 =	vmul.f32 $2.755731880e-06, v40;
	v60 =	vadd.f32 $-5.000000000e-01, v54  }
0x39d: {  	v32 =	vmul.f32 v32, v28;
	v3 =	vadd.f32 $1.258291200e+07, v3;
	v44 =	vadd.f32 $4.166666790e-02, v35  }
0x39e: {  	v26 =	vmul.f32 v26, v28;
	v45 =	vsub.f32 $2.480158760e-05, v42;
	v27 =	vadd.f32 $-1.666666720e-01, v43  }
0x39f: {  	v37 =	vadd.f32 $-1.984127010e-04, v46;
	v42 =	vmul.f32 v38, v38;
	v46 =	vmul.f32 $1.000000000e+03, v22  }
0x3a0: {  	v25 =	vadd.s32 v25, v30;
	v30 =	vmul.f32 $3.141592740e+00, v60;
	v29 =	vmul.f32 v44, v61  }
0x3a1: {  	[tilespmem:s1+$0x20] =	vst v17;
	v3 =	vadd.f32 $-1.258291200e+07, v3;
	v35 =	vmul.f32 v45, v40;
	v27 =	vmul.f32 v27, v61  }
0x3a2: {  	[tilespmem:s23+$0xFFFFFFB0] =	vst v10;
	v37 =	vmul.f32 v37, v40;
	v50 =	vmul.f32 $2.755731880e-06, v42;
	v10 =	vadd.f32 $1.258291200e+07, v46  }
0x3a3: {  	v3 =	vtrunc.f32 v3;
	v29 =	vadd.f32 $-5.000000000e-01, v29;
	v35 =	vadd.f32 $-1.388888920e-03, v35  }
0x3a4: {  	v27 =	vadd.f32 $1.000000000e+00, v27;
	v49 =	vadd.f32 $8.333333770e-03, v37;
	v37 =	vmul.f32 v30, v30  }
0x3a5: {  	v3 =	vcvt.f32.s32 v3;
	v29 =	vmul.f32 v29, v61  }
0x3a6: {  	v10 =	vadd.f32 $-1.258291200e+07, v10;
	v48 =	vmul.f32 v35, v40;
	v27 =	vmul.f32 v27, v58  }
0x3a7: {  	v31 =	vmul.f32 v49, v40;
	v61 =	vcvt.f32.s32 v59  }
0x3a8: {  	v35 =	vadd.f32 $-1.984127010e-04, v50;
	v44 =	vmul.f32 $2.755732000e-07, v37;
	v10 =	vtrunc.f32 v10  }
0x3a9: {  	v3 =	vmul.u32 $0x3E9, v3;
	v10 =	vcvt.f32.s32 v10;
	v51 =	vadd.f32 $1.000000000e+00, v29  }
0x3aa: {  	v52 =	vadd.f32 $4.166666790e-02, v48;
	v53 =	vadd.f32 v27, v27;
	v35 =	vmul.f32 v35, v42  }
0x3ab: {  	v31 =	vadd.f32 $-1.666666720e-01, v31;
	v4 =	vmul.u32 $0x3E9, v61;
	v14 =	vsub.f32 $2.480158760e-05, v44  }
0x3ac: {  	v48 =	vmul.f32 $2.755731880e-06, v37;
	v58 =	vadd.f32 $8.333333770e-03, v35;
	v35 =	vmul.f32 $2.755732000e-07, v42  }
0x3ad: {  	v3 =	vadd.s32 v10, v3;
	v29 =	vmul.f32 v52, v40;
	v28 =	vmul.f32 v51, v53  }
0x3ae: {  	[tilespmem:s1+$0x40] =	vst v25;
	v27 =	vmul.f32 v53, v27;
	v57 =	vmul.f32 v31, v40;
	v43 =	vsub.f32 $2.480158760e-05, v35  }
0x3af: {  	[tilespmem:s1+$0x30] =	vst v24;
	v50 =	vmul.f32 v14, v37;
	v51 =	vadd.f32 $-1.984127010e-04, v48;
	v4 =	vadd.s32 v7, v4  }
0x3b0: {  	[tilespmem:s23+$0xFFFFFFC0] =	vst v15;
	v52 =	vmul.f32 $1.000000000e+03, v54;
	v29 =	vadd.f32 $-5.000000000e-01, v29;
	v12 =	vmul.f32 v43, v42  }
0x3b1: {  	[tilespmem:s23+$0xFFFFFFD0] =	vst v19;
	v62 =	vadd.f32 $1.000000000e+00, v57;
	v63 =	vmul.f32 v58, v42;
	v27 =	vsub.f32 $1.000000000e+00, v27  }
0x3b2: {  	[tilespmem:s17+$0xFFFFFFD0] =	vst v8;
	v54 =	vmul.f32 $1.000000000e+03, v41;
	v7 =	vadd.f32 $1.258291200e+07, v52;
	v49 =	vadd.f32 $-1.388888920e-03, v12  }
0x3b3: {  	[tilespmem:s17+$0xFFFFFFE0] =	vst v11;
	v14 =	vmul.f32 v51, v37;
	v21 =	vadd.f32 $-1.666666720e-01, v63;
	v12 =	vadd.f32 $-1.388888920e-03, v50  }
0x3b4: {  	[tilespmem:s22+$0xFFFFFFE0] =	vst v9;
	v55 =	vadd.f32 $1.258291200e+07, v54;
	v29 =	vmul.f32 v29, v40;
	v9 =	vmul.f32 v49, v42  }
0x3b5: {  	[tilespmem:s17+$0xFFFFFFF0] =	vst v16;
	v53 =	vadd.f32 $8.333333770e-03, v14;
	v21 =	vmul.f32 v21, v42;
	v12 =	vmul.f32 v12, v37  }
0x3b6: {  	[tilespmem:s17+$0x0] =	vst v20;
	v5 =	vmul.f32 v62, v39;
	v7 =	vadd.f32 $-1.258291200e+07, v7;
	v9 =	vadd.f32 $4.166666790e-02, v9  }
0x3b7: {  	[tilespmem:s22+$0xFFFFFFF0] =	vst v13;
	v13 =	vmul.f32 v53, v37;
	v45 =	vadd.f32 $1.000000000e+00, v21;
	v12 =	vadd.f32 $4.166666790e-02, v12  }
0x3b8: {  	[tilespmem:s1+$0x50] =	vst v4;
	v4 =	vadd.f32 $-1.258291200e+07, v55;
	v7 =	vtrunc.f32 v7;
	v9 =	vmul.f32 v9, v42  }
0x3b9: {  	[tilespmem:s22+$0xFFFFFFD0] =	vst v6;
	v33 =	vadd.f32 $1.000000000e+00, v29;
	v47 =	vmul.f32 v45, v38;
	v12 =	vmul.f32 v12, v37  }
0x3ba: {  	[tilespmem:s22+$0x0] =	vst v18;
	v4 =	vtrunc.f32 v4;
	v7 =	vcvt.f32.s32 v7;
	v9 =	vadd.f32 $-5.000000000e-01, v9  }
0x3bb: {  	[tilespmem:s1+$0x60] =	vst v3;
	v4 =	vcvt.f32.s32 v4;
	v56 =	vadd.f32 v47, v47;
	v12 =	vadd.f32 $-5.000000000e-01, v12  }
0x3bc: {  	[tilespmem:s23+$0xFFFFFFE0] =	vst v32;
	v39 =	vmul.f32 v27, v33;
	v9 =	vmul.f32 v9, v42  }
0x3bd: {  	[tilespmem:s17+$0x10] =	vst v26;
	v13 =	vadd.f32 $-1.666666720e-01, v13;
	v11 =	vmul.f32 v56, v47;
	v57 =	vmul.f32 v12, v37  }
0x3be: {  	[tilespmem:s22+$0x10] =	vst v23;
	v40 =	vmul.f32 v28, v33;
	v3 =	vmul.u32 $0x3E9, v7;
	v58 =	vadd.f32 $1.000000000e+00, v9  }
0x3bf: {  	s7 =	sadd.s32 $0x8, s7;
	v13 =	vmul.f32 v13, v37;
	[tilespmem:s23+$0xFFFFFFF0] =	vst v39;
	v59 =	vsub.f32 $1.000000000e+00, v11;
	v60 =	vadd.f32 $1.000000000e+00, v57  }
0x3c0: {  	p1 =	slt.u32 s7, $0xF8;
	[tilespmem:s17+$0x20] =	vst v40;
	v61 =	vmul.f32 v58, v56  }
.Ltmp3:
0x3c1: {  	v3 =	vadd.s32 v4, v3;
	[tilespmem:s22+$0x20] =	vst v5;
	v62 =	vadd.f32 $1.000000000e+00, v13;
	v63 =	vmul.f32 v59, v60;
	(pc) =	sbr.rel @p1 .LBB2_5-.Ltmp3, $4  }
0x3c2: {  	[tilespmem:s1+$0x70] =	vst v3;
	v3 =	vmul.f32 v61, v60  }
0x3c3: {  	v4 =	vmul.f32 v62, v30;
	[tilespmem:s23+$0x0] =	vst v63  }
0x3c4: {  	s11 =	sadd.s32 $0x80, s11;
	s13 =	sadd.s32 $0x80, s13;
	s24 =	sadd.s32 $0x80, s24;
	[tilespmem:s17+$0x30] =	vst v3  }
0x3c5: {  	s10 =	sadd.s32 $0x80, s10;
	s12 =	sadd.s32 $0x80, s12;
	s21 =	sadd.s32 $0x80, s21;
	[tilespmem:s22+$0x30] =	vst v4  }
0x3c6: {  	s1 =	sadd.s32 $0x13B80, s3  }
0x3c7: {  	[tilespmem:s1], [sflag:$0x1] =	stream.indirect.gather [hbm4b:s8+s19], $0x1, s6, s19, $0xb8;
	[tilespmem:$0x18B80] =	vst v63  }
0x3c8: {  	s24 =	sadd.s32 $0x13C00, s3;
	s5 =	sadd.s32 $0x11C00, s3  }
0x3c9: {  	[tilespmem:s24], [sflag:$0x1] =	stream.indirect.gather [hbm4b:s8+s19], $0x1, s5, s19, $0xb8;
	[tilespmem:$0x18B80] =	vst v63  }
0x3ca: {  	s6 =	sadd.s32 $0x11C80, s3;
	s5 =	sadd.s32 $0x13C80, s3  }
0x3cb: {  	[tilespmem:s5], [sflag:$0x1] =	stream.indirect.gather [hbm4b:s8+s19], $0x1, s6, s19, $0xb8;
	[tilespmem:$0x18B80] =	vst v63  }
0x3cc: {  	s7 =	sadd.s32 $0x13D00, s3;
	s10 =	sadd.s32 $0x11D00, s3  }
0x3cd: {  	[tilespmem:s7], [sflag:$0x1] =	stream.indirect.gather [hbm4b:s8+s19], $0x1, s10, s19, $0xb8;
	[tilespmem:$0x18B80] =	vst v63  }
0x3ce: {  	s11 =	sadd.s32 $0x13D80, s3;
	s12 =	sadd.s32 $0x11D80, s3  }
0x3cf: {  	[tilespmem:s11], [sflag:$0x1] =	stream.indirect.gather [hbm4b:s8+s19], $0x1, s12, s19, $0xb8;
	[tilespmem:$0x18B80] =	vst v63  }
0x3d0: {  	s13 =	sadd.s32 $0x13E00, s3;
	s17 =	sadd.s32 $0x11E00, s3  }
0x3d1: {  	[tilespmem:s13], [sflag:$0x1] =	stream.indirect.gather [hbm4b:s8+s19], $0x1, s17, s19, $0xb8;
	[tilespmem:$0x18B80] =	vst v63  }
0x3d2: {  	s21 =	sadd.s32 $0x13E80, s3;
	s22 =	sadd.s32 $0x11E80, s3  }
0x3d3: {  	[tilespmem:s21], [sflag:$0x1] =	stream.indirect.gather [hbm4b:s8+s19], $0x1, s22, s19, $0xb8;
	[tilespmem:$0x18B80] =	vst v63  }
0x3d4: {  	s23 =	sadd.s32 $0x13F00, s3;
	s24 =	sadd.s32 $0x11F00, s3  }
0x3d5: {  	[tilespmem:s23], [sflag:$0x1] =	stream.indirect.gather [hbm4b:s8+s19], $0x1, s24, s19, $0xb8;
	[tilespmem:$0x18B80] =	vst v63  }
0x3d6: {  	s5 =	sadd.s32 $0x13F80, s3;
	s6 =	sadd.s32 $0x11F80, s3  }
0x3d7: {  	[tilespmem:s5], [sflag:$0x1] =	stream.indirect.gather [hbm4b:s8+s19], $0x1, s6, s19, $0xb8;
	[tilespmem:$0x18B80] =	vst v63  }
0x3d8: {  	s7 =	sor.u32 $0x14000, s3;
	s10 =	sor.u32 $0x12000, s3  }
0x3d9: {  	[tilespmem:s7], [sflag:$0x1] =	stream.indirect.gather [hbm4b:s8+s19], $0x1, s10, s19, $0xb8;
	[tilespmem:$0x18B80] =	vst v63  }
0x3da: {  	s11 =	sadd.s32 $0x14080, s3;
	s12 =	sadd.s32 $0x12080, s3  }
0x3db: {  	[tilespmem:s11], [sflag:$0x1] =	stream.indirect.gather [hbm4b:s8+s19], $0x1, s12, s19, $0xb8;
	[tilespmem:$0x18B80] =	vst v63  }
0x3dc: {  	s13 =	sadd.s32 $0x14100, s3;
	s17 =	sadd.s32 $0x12100, s3  }
0x3dd: {  	[tilespmem:s13], [sflag:$0x1] =	stream.indirect.gather [hbm4b:s8+s19], $0x1, s17, s19, $0xb8;
	[tilespmem:$0x18B80] =	vst v63  }
0x3de: {  	s21 =	sadd.s32 $0x14180, s3;
	s22 =	sadd.s32 $0x12180, s3  }
0x3df: {  	[tilespmem:s21], [sflag:$0x1] =	stream.indirect.gather [hbm4b:s8+s19], $0x1, s22, s19, $0xb8;
	[tilespmem:$0x18B80] =	vst v63  }
0x3e0: {  	s23 =	sadd.s32 $0x14200, s3;
	s24 =	sadd.s32 $0x12200, s3  }
0x3e1: {  	[tilespmem:s23], [sflag:$0x1] =	stream.indirect.gather [hbm4b:s8+s19], $0x1, s24, s19, $0xb8;
	[tilespmem:$0x18B80] =	vst v63  }
0x3e2: {  	s5 =	sadd.s32 $0x14280, s3;
	s6 =	sadd.s32 $0x12280, s3  }
0x3e3: {  	[tilespmem:s5], [sflag:$0x1] =	stream.indirect.gather [hbm4b:s8+s19], $0x1, s6, s19, $0xb8;
	[tilespmem:$0x18B80] =	vst v63  }
0x3e4: {  	s7 =	sadd.s32 $0x14300, s3;
	s10 =	sadd.s32 $0x12300, s3  }
0x3e5: {  	[tilespmem:s7], [sflag:$0x1] =	stream.indirect.gather [hbm4b:s8+s19], $0x1, s10, s19, $0xb8;
	[tilespmem:$0x18B80] =	vst v63  }
0x3e6: {  	s11 =	sadd.s32 $0x14380, s3;
	s12 =	sadd.s32 $0x12380, s3  }
0x3e7: {  	[tilespmem:s11], [sflag:$0x1] =	stream.indirect.gather [hbm4b:s8+s19], $0x1, s12, s19, $0xb8;
	[tilespmem:$0x18B80] =	vst v63  }
0x3e8: {  	s13 =	sadd.s32 $0x14400, s3;
	s17 =	sadd.s32 $0x12400, s3  }
0x3e9: {  	[tilespmem:s13], [sflag:$0x1] =	stream.indirect.gather [hbm4b:s8+s19], $0x1, s17, s19, $0xb8;
	[tilespmem:$0x18B80] =	vst v63  }
0x3ea: {  	s21 =	sadd.s32 $0x14480, s3;
	s22 =	sadd.s32 $0x12480, s3  }
0x3eb: {  	[tilespmem:s21], [sflag:$0x1] =	stream.indirect.gather [hbm4b:s8+s19], $0x1, s22, s19, $0xb8;
	[tilespmem:$0x18B80] =	vst v63  }
0x3ec: {  	s23 =	sadd.s32 $0x14500, s3;
	s24 =	sadd.s32 $0x12500, s3  }
0x3ed: {  	[tilespmem:s23], [sflag:$0x1] =	stream.indirect.gather [hbm4b:s8+s19], $0x1, s24, s19, $0xb8;
	[tilespmem:$0x18B80] =	vst v63  }
0x3ee: {  	s5 =	sadd.s32 $0x14580, s3;
	s6 =	sadd.s32 $0x12580, s3  }
0x3ef: {  	[tilespmem:s5], [sflag:$0x1] =	stream.indirect.gather [hbm4b:s8+s19], $0x1, s6, s19, $0xb8;
	[tilespmem:$0x18B80] =	vst v63  }
0x3f0: {  	s7 =	sadd.s32 $0x14600, s3;
	s10 =	sadd.s32 $0x12600, s3  }
0x3f1: {  	[tilespmem:s7], [sflag:$0x1] =	stream.indirect.gather [hbm4b:s8+s19], $0x1, s10, s19, $0xb8;
	[tilespmem:$0x18B80] =	vst v63  }
0x3f2: {  	s11 =	sadd.s32 $0x14680, s3;
	s12 =	sadd.s32 $0x12680, s3  }
0x3f3: {  	[tilespmem:s11], [sflag:$0x1] =	stream.indirect.gather [hbm4b:s8+s19], $0x1, s12, s19, $0xb8;
	[tilespmem:$0x18B80] =	vst v63  }
0x3f4: {  	s13 =	sadd.s32 $0x14700, s3;
	s17 =	sadd.s32 $0x12700, s3  }
0x3f5: {  	[tilespmem:s13], [sflag:$0x1] =	stream.indirect.gather [hbm4b:s8+s19], $0x1, s17, s19, $0xb8;
	[tilespmem:$0x18B80] =	vst v63  }
0x3f6: {  	s21 =	sadd.s32 $0x14780, s3;
	s22 =	sadd.s32 $0x12780, s3  }
0x3f7: {  	[tilespmem:s21], [sflag:$0x1] =	stream.indirect.gather [hbm4b:s8+s19], $0x1, s22, s19, $0xb8;
	[tilespmem:$0x18B80] =	vst v63  }
0x3f8: {  	s23 =	sadd.s32 $0x14800, s3;
	s24 =	sadd.s32 $0x12800, s3  }
0x3f9: {  	[tilespmem:s23], [sflag:$0x1] =	stream.indirect.gather [hbm4b:s8+s19], $0x1, s24, s19, $0xb8;
	[tilespmem:$0x18B80] =	vst v63  }
0x3fa: {  	s5 =	sadd.s32 $0x14880, s3;
	s6 =	sadd.s32 $0x12880, s3  }
0x3fb: {  	[tilespmem:s5], [sflag:$0x1] =	stream.indirect.gather [hbm4b:s8+s19], $0x1, s6, s19, $0xb8;
	[tilespmem:$0x18B80] =	vst v63  }
0x3fc: {  	s7 =	sadd.s32 $0x14900, s3;
	s10 =	sadd.s32 $0x12900, s3  }
0x3fd: {  	[tilespmem:s7], [sflag:$0x1] =	stream.indirect.gather [hbm4b:s8+s19], $0x1, s10, s19, $0xb8;
	[tilespmem:$0x18B80] =	vst v63  }
0x3fe: {  	s11 =	sadd.s32 $0x14980, s3;
	s12 =	sadd.s32 $0x12980, s3  }
0x3ff: {  	[tilespmem:s11], [sflag:$0x1] =	stream.indirect.gather [hbm4b:s8+s19], $0x1, s12, s19, $0xb8;
	[tilespmem:$0x18B80] =	vst v63  }
0x400: {  	p1 =	seq.s32 s25, $0x0;
	s13 =	sadd.s32 $0x14A00, s3;
	s17 =	sadd.s32 $0x12A00, s3  }
0x401: {  	[tilespmem:s13], [sflag:$0x1] =	stream.indirect.gather [hbm4b:s8+s19], $0x1, s17, s19, $0xb8;
	[tilespmem:$0x18B80] =	vst v63  }
.Ltmp4:
0x402: {  	_ = 	snop;
	(pc) =	sbr.rel @p1 .LBB2_10-.Ltmp4, $4  }
0x403: {  	s21 =	sadd.s32 $0x14A80, s3;
	s22 =	sadd.s32 $0x12A80, s3  }
0x404: {  	[tilespmem:s21], [sflag:$0x1] =	stream.indirect.gather [hbm4b:s8+s19], $0x1, s22, s19, $0xb8;
	[tilespmem:$0x18B80] =	vst v63  }
0x405: {  	s23 =	sadd.s32 $0x14B00, s3;
	s24 =	sadd.s32 $0x12B00, s3  }
0x406: {  	[tilespmem:s23], [sflag:$0x1] =	stream.indirect.gather [hbm4b:s8+s19], $0x1, s24, s19, $0xb8;
	[tilespmem:$0x18B80] =	vst v63  }
0x407: {  	s1 =	simm.s32 $0x1  }
0x408: {  	_ =	swait.ge [sflag:s1], $0x1000  }
0x409: {  	[sflag:s1] =	ssyncset.done $0x0  }
0x40a: {  	s3 =	simm.s32 $0xFFFFFFF8;
	s5 =	simm.s32 $0x16BC0;
	[sflag:s1] =	ssyncadd.s32 $0xFFFFF000  }
.LBB2_8:
0x40b: {  	v3 =	vld [tilespmem:s31+$0xFFFFFF90];
	_ =	sdelay $0x4  }
0x40c: {  	v4 =	vadd.s32 $0x500, v3  }
0x40d: {  	v5 =	vld [tilespmem:s30+$0xFFFFFF90];
	v6 =	vadd.s32 $0xA00, v3  }
0x40e: {  	v7 =	vld [tilespmem:s29+$0xFFFFFF90];
	v8 =	vadd.s32 $0xF00, v3  }
0x40f: {  	v9 =	vld [tilespmem:s0+$0xFFFFFF90];
	v10 =	vadd.s32 $0x1400, v3  }
0x410: {  	v12 =	vadd.s32 $0x1E00, v3;
	v11 =	vld.idx.msk [tilespmem:v3+s20+$0x0], $0xffff  }
0x411: {  	v13 =	vadd.s32 $0x1900, v3;
	v4 =	vld.idx.msk [tilespmem:v4+s20+$0x0], $0xffff  }
0x412: {  	v14 =	vadd.s32 $0x2300, v3;
	v6 =	vld.idx.msk [tilespmem:v6+s20+$0x0], $0xffff  }
0x413: {  	v8 =	vld.idx.msk [tilespmem:v8+s20+$0x0], $0xffff  }
0x414: {  	v10 =	vld.idx.msk [tilespmem:v10+s20+$0x0], $0xffff  }
0x415: {  	v15 =	vadd.s32 $0x2800, v3;
	v12 =	vld.idx.msk [tilespmem:v12+s20+$0x0], $0xffff  }
0x416: {  	v13 =	vld.idx.msk [tilespmem:v13+s20+$0x0], $0xffff  }
0x417: {  	v14 =	vld.idx.msk [tilespmem:v14+s20+$0x0], $0xffff;
	_ =	sdelay $0x1  }
0x418: {  	v5 =	vsub.f32 v5, v11  }
0x419: {  	v15 =	vld.idx.msk [tilespmem:v15+s20+$0x0], $0xffff;
	v6 =	vsub.f32 v9, v6;
	v4 =	vsub.f32 v7, v4  }
0x41a: {  	v16 =	vsub.f32 v12, v8;
	v20 =	vmul.f32 v13, v5  }
0x41b: {  	v44 =	vsub.f32 v14, v10;
	v17 =	vmul.f32 v10, v6;
	v19 =	vmul.f32 v13, v4  }
0x41c: {  	v11 =	vsub.f32 v5, v8;
	v21 =	vmul.f32 v6, v8;
	v8 =	vmul.f32 v8, v4  }
0x41d: {  	v18 =	vsub.f32 v4, v10;
	v10 =	vmul.f32 v10, v5;
	v46 =	vmul.f32 v14, v6  }
0x41e: {  	v45 =	vsub.f32 v15, v13;
	v47 =	vmul.f32 v15, v4;
	v15 =	vmul.f32 v15, v5  }
0x41f: {  	v13 =	vsub.f32 v6, v13;
	v6 =	vmul.f32 v12, v6;
	v4 =	vmul.f32 v12, v4  }
0x420: {  	v5 =	vmul.f32 v14, v5;
	v7 =	vmul.f32 v45, v11  }
0x421: {  	v9 =	vmul.f32 v44, v11;
	v17 =	vsub.f32 v17, v19;
	v6 =	vsub.f32 v15, v6  }
0x422: {  	v20 =	vsub.f32 v20, v21;
	v8 =	vsub.f32 v8, v10;
	v49 =	vmul.f32 v44, v13  }
0x423: {  	v48 =	vsub.f32 v46, v47;
	v50 =	vmul.f32 v45, v18;
	v55 =	vmul.f32 v6, v6;
	v6 =	vld [tilespmem:s31+$0xFFFFFFA0]  }
0x424: {  	v4 =	vsub.f32 v4, v5;
	v51 =	vmul.f32 v16, v13;
	v52 =	vmul.f32 v16, v18  }
0x425: {  	v12 =	vsub.f32 v49, v50;
	v53 =	vmul.f32 v17, v17;
	v54 =	vmul.f32 v20, v20  }
0x426: {  	v10 =	vmul.f32 v48, v48;
	v8 =	vmul.f32 v8, v8;
	v5 =	vsub.f32 v7, v51  }
0x427: {  	v4 =	vmul.f32 v4, v4;
	v9 =	vsub.f32 v52, v9;
	v57 =	vadd.f32 v54, v53  }
0x428: {  	v58 =	vadd.f32 v55, v10;
	v59 =	vmul.f32 v12, v12;
	v61 =	vadd.s32 $0x500, v6  }
0x429: {  	v63 =	vld [tilespmem:s30+$0xFFFFFFA0];
	v5 =	vmul.f32 v5, v5;
	v9 =	vmul.f32 v9, v9;
	v28 =	vadd.s32 $0xA00, v6  }
0x42a: {  	v29 =	vld [tilespmem:s29+$0xFFFFFFA0];
	v8 =	vadd.f32 v57, v8;
	v4 =	vadd.f32 v58, v4;
	v30 =	vadd.s32 $0xF00, v6  }
0x42b: {  	v33 =	vld [tilespmem:s0+$0xFFFFFFA0];
	v5 =	vadd.f32 v5, v59;
	v34 =	vadd.s32 $0x1400, v6;
	v37 =	vadd.s32 $0x1E00, v6  }
0x42c: {  	v22 =	vadd.s32 $0x1900, v6;
	v26 =	vadd.s32 $0x2800, v6;
	v11 =	vshrl.u32 v8, $0x1;
	v36 =	vld.idx.msk [tilespmem:v6+s20+$0x0], $0xffff  }
0x42d: {  	v60 =	vmul.f32 $5.000000000e-01, v8;
	v31 =	vshrl.u32 v4, $0x1;
	v32 =	vmul.f32 $5.000000000e-01, v4;
	v13 =	vld.idx.msk [tilespmem:v61+s20+$0x0], $0xffff  }
0x42e: {  	v5 =	vadd.f32 v5, v9;
	v62 =	vsub.s32 $0x5F3759DF, v11;
	v35 =	vsub.s32 $0x5F3759DF, v31;
	v14 =	vld.idx.msk [tilespmem:v28+s20+$0x0], $0xffff  }
0x42f: {  	v25 =	vadd.s32 $0x2300, v6;
	v12 =	vmul.f32 v62, v60;
	v18 =	vmul.f32 v35, v32;
	v16 =	vld.idx.msk [tilespmem:v30+s20+$0x0], $0xffff  }
0x430: {  	v23 =	vshrl.u32 v5, $0x1;
	v24 =	vmul.f32 $5.000000000e-01, v5;
	v20 =	vld.idx.msk [tilespmem:v34+s20+$0x0], $0xffff  }
0x431: {  	v23 =	vsub.s32 $0x5F3759DF, v23;
	v12 =	vmul.f32 v62, v12;
	v18 =	vmul.f32 v35, v18;
	v22 =	vld.idx.msk [tilespmem:v22+s20+$0x0], $0xffff  }
0x432: {  	v24 =	vmul.f32 v23, v24;
	v40 =	vld.idx.msk [tilespmem:v26+s20+$0x0], $0xffff  }
0x433: {  	v21 =	vld.idx.msk [tilespmem:v37+s20+$0x0], $0xffff;
	v12 =	vsub.f32 $1.500000000e+00, v12;
	v18 =	vsub.f32 $1.500000000e+00, v18  }
0x434: {  	v56 =	vadd.s32 $0x5A00, v3;
	v39 =	vld.idx.msk [tilespmem:v25+s20+$0x0], $0xffff;
	v38 =	vmul.f32 v23, v24;
	v11 =	vsub.f32 v63, v36  }
0x435: {  	v7 =	vmul.f32 v62, v12;
	v9 =	vmul.f32 v35, v18  }
0x436: {  	v12 =	vsub.f32 $1.500000000e+00, v38;
	v43 =	vsub.f32 v33, v14;
	v50 =	vmul.f32 v22, v11  }
0x437: {  	v13 =	vsub.f32 v29, v13;
	v24 =	vmul.f32 v40, v11;
	v7 =	vmul.f32 v7, v8  }
0x438: {  	v42 =	vsub.f32 v21, v16;
	v4 =	vmul.f32 v9, v4;
	v41 =	vmul.f32 v23, v12  }
0x439: {  	v10 =	vld.idx.msk [tilespmem:v56+s20+$0x0], $0xffff;
	v44 =	vsub.f32 v39, v20;
	v47 =	vmul.f32 v20, v43;
	v49 =	vmul.f32 v22, v13  }
0x43a: {  	v46 =	vsub.f32 v11, v16;
	v51 =	vmul.f32 v43, v16;
	v16 =	vmul.f32 v16, v13  }
0x43b: {  	v48 =	vsub.f32 v13, v20;
	v20 =	vmul.f32 v20, v11;
	v52 =	vmul.f32 v39, v43  }
0x43c: {  	v45 =	vsub.f32 v40, v22;
	v53 =	vmul.f32 v40, v13;
	v12 =	vmul.f32 v21, v43  }
0x43d: {  	v13 =	vmul.f32 v21, v13;
	v11 =	vmul.f32 v39, v11  }
0x43e: {  	v14 =	vmul.f32 v45, v46;
	v8 =	vmul.f32 v7, v10  }
0x43f: {  	v22 =	vsub.f32 v43, v22;
	v4 =	vmul.f32 v4, v10;
	v5 =	vmul.f32 v41, v5  }
0x440: {  	v7 =	vmul.f32 v44, v46;
	v17 =	vsub.f32 v47, v49;
	v25 =	vsub.f32 v50, v51  }
0x441: {  	v16 =	vsub.f32 v16, v20;
	v54 =	vsub.f32 v52, v53;
	v55 =	vmul.f32 v44, v22  }
0x442: {  	v12 =	vsub.f32 v24, v12;
	v56 =	vmul.f32 v45, v48;
	v57 =	vmul.f32 v42, v22  }
0x443: {  	v11 =	vsub.f32 v13, v11;
	v9 =	vmul.f32 v42, v48;
	v5 =	vmul.f32 v5, v10  }
0x444: {  	v18 =	vsub.f32 v55, v56;
	v58 =	vmul.f32 v17, v17;
	v59 =	vmul.f32 v25, v25  }
0x445: {  	v13 =	vsub.f32 v14, v57;
	v16 =	vmul.f32 v16, v16;
	v60 =	vmul.f32 v54, v54  }
0x446: {  	v7 =	vsub.f32 v9, v7;
	v12 =	vmul.f32 v12, v12;
	v62 =	vmul.f32 v11, v11  }
0x447: {  	v61 =	vmul.f32 v18, v18;
	v13 =	vmul.f32 v13, v13  }
0x448: {  	v14 =	vadd.f32 v59, v58;
	v9 =	vadd.f32 v12, v60;
	v30 =	vmul.f32 v7, v7;
	v7 =	vld [tilespmem:s31+$0xFFFFFFB0]  }
0x449: {  	v31 =	vadd.f32 v5, v4;
	v29 =	vadd.f32 v13, v61  }
0x44a: {  	v63 =	vadd.f32 v14, v16;
	v9 =	vadd.f32 v9, v62  }
0x44b: {  	v32 =	vadd.s32 $0x5A00, v6;
	v14 =	vadd.f32 v31, v8;
	v12 =	vadd.f32 v29, v30  }
0x44c: {  	v33 =	vshrl.u32 v63, $0x1;
	v34 =	vshrl.u32 v9, $0x1;
	v35 =	vmul.f32 $5.000000000e-01, v9  }
0x44d: {  	v40 =	vld [tilespmem:s30+$0xFFFFFFB0];
	v38 =	vmul.f32 $5.000000000e-01, v63;
	v14 =	vmax.f32 v14, $9.999999960e-13;
	v39 =	vadd.s32 $0x500, v7  }
0x44e: {  	v42 =	vld [tilespmem:s29+$0xFFFFFFB0];
	v13 =	vsub.s32 $0x5F3759DF, v33;
	v15 =	vsub.s32 $0x5F3759DF, v34;
	v41 =	vadd.s32 $0xA00, v7  }
0x44f: {  	v45 =	vld [tilespmem:s0+$0xFFFFFFB0];
	v43 =	vadd.s32 $0xF00, v7;
	(erf) = vrcp.f32 v14;
	v46 =	vadd.s32 $0x1400, v7  }
0x450: {  	v10 =	vld.idx.msk [tilespmem:v32+s20+$0x0], $0xffff;
	v27 =	vadd.s32 $0x1E00, v7;
	v36 =	vshrl.u32 v12, $0x1;
	v37 =	vmul.f32 $5.000000000e-01, v12  }
0x451: {  	v16 =	vmul.f32 v15, v35;
	v19 =	vmul.f32 v13, v38;
	v17 =	vsub.s32 $0x5F3759DF, v36;
	v47 =	vld.idx.msk [tilespmem:v7+s20+$0x0], $0xffff  }
0x452: {  	v28 =	vadd.s32 $0x2300, v7;
	v18 =	vmul.f32 v17, v37;
	v20 =	vld.idx.msk [tilespmem:v39+s20+$0x0], $0xffff  }
0x453: {  	v52 =	vadd.s32 $0x2800, v7;
	v16 =	vmul.f32 v15, v16;
	v44 =	vmul.f32 v13, v19;
	v49 =	vld.idx.msk [tilespmem:v41+s20+$0x0], $0xffff  }
0x454: {  	v18 =	vmul.f32 v17, v18;
	v51 =	vld.idx.msk [tilespmem:v43+s20+$0x0], $0xffff  }
0x455: {  	v59 =	vadd.s32 $0x2D00, v3;
	v16 =	vsub.f32 $1.500000000e+00, v16;
	v14 =	vsub.f32 $1.500000000e+00, v44;
	v54 =	vld.idx.msk [tilespmem:v27+s20+$0x0], $0xffff  }
0x456: {  	v60 =	vadd.s32 $0x3C00, v3;
	v61 =	vadd.s32 $0x4B00, v3;
	v53 =	vld.idx.msk [tilespmem:v46+s20+$0x0], $0xffff;
	v18 =	vsub.f32 $1.500000000e+00, v18  }
0x457: {  	v50 =	vadd.s32 $0x1900, v7;
	v55 =	vld.idx.msk [tilespmem:v28+s20+$0x0], $0xffff;
	v15 =	vmul.f32 v15, v16;
	v13 =	vmul.f32 v13, v14  }
0x458: {  	v57 =	vld.idx.msk [tilespmem:v52+s20+$0x0], $0xffff;
	v46 =	vadd.s32 $0x2D00, v6;
	v52 =	vadd.s32 $0x5A00, v7;
	v48 =	vmul.f32 v17, v18  }
0x459: {  	v21 =	vsub.f32 v40, v47;
	v9 =	vmul.f32 v15, v9;
	v11 =	vmul.f32 v13, v63;
	v25 =	vpop (erf)  }
0x45a: {  	v5 =	vmul.f32 v25, v5;
	v4 =	vmul.f32 v25, v4;
	v58 =	vsub.f32 v54, v51  }
0x45b: {  	v17 =	vsub.f32 v45, v49;
	v15 =	vmul.f32 v53, v21;
	v8 =	vmul.f32 v25, v8  }
0x45c: {  	v20 =	vsub.f32 v42, v20;
	v12 =	vmul.f32 v48, v12;
	v16 =	vmul.f32 v9, v10  }
0x45d: {  	v18 =	vld.idx.msk [tilespmem:v50+s20+$0x0], $0xffff;
	v28 =	vsub.f32 v55, v53;
	v9 =	vmul.f32 v55, v21;
	v31 =	vmul.f32 v53, v17  }
0x45e: {  	v29 =	vsub.f32 v21, v51;
	v34 =	vmul.f32 v17, v51;
	v14 =	vmul.f32 v51, v20  }
0x45f: {  	v49 =	vadd.s32 $0x3C00, v6;
	v63 =	vmul.f32 v55, v17;
	v36 =	vmul.f32 v57, v20  }
0x460: {  	v30 =	vsub.f32 v20, v53;
	v37 =	vmul.f32 v54, v17;
	v13 =	vmul.f32 v54, v20  }
0x461: {  	v44 =	vmul.f32 v28, v29;
	v51 =	vadd.s32 $0x4B00, v6;
	v24 =	vmul.f32 v12, v10  }
0x462: {  	v12 =	vmul.f32 v11, v10;
	v11 =	vmul.f32 v57, v21;
	v62 =	vsub.f32 v57, v18  }
0x463: {  	v32 =	vmul.f32 v18, v20;
	v33 =	vsub.f32 v17, v18;
	v14 =	vsub.f32 v14, v15  }
0x464: {  	v18 =	vmul.f32 v18, v21;
	v38 =	vsub.f32 v63, v36;
	v9 =	vsub.f32 v13, v9  }
0x465: {  	v43 =	vmul.f32 v58, v30;
	v56 =	vadd.f32 v24, v16;
	v11 =	vsub.f32 v11, v37  }
0x466: {  	v31 =	vsub.f32 v31, v32;
	v39 =	vmul.f32 v28, v33;
	v40 =	vmul.f32 v62, v30  }
0x467: {  	v18 =	vsub.f32 v18, v34;
	v17 =	vmul.f32 v38, v38;
	v11 =	vmul.f32 v11, v11  }
0x468: {  	v19 =	vld.idx.msk [tilespmem:v61+s20+$0x0], $0xffff;
	v41 =	vmul.f32 v62, v29;
	v42 =	vmul.f32 v58, v33;
	v20 =	vsub.f32 v43, v44  }
0x469: {  	v9 =	vmul.f32 v9, v9;
	v15 =	vsub.f32 v39, v40;
	v11 =	vadd.f32 v11, v17  }
0x46a: {  	v48 =	vld.idx.msk [tilespmem:v59+s20+$0x0], $0xffff;
	v13 =	vsub.f32 v41, v42;
	v45 =	vmul.f32 v31, v31;
	v18 =	vmul.f32 v18, v18  }
0x46b: {  	v14 =	vmul.f32 v14, v14;
	v10 =	vadd.f32 v56, v12;
	v11 =	vadd.f32 v11, v9;
	v9 =	vld [tilespmem:s31+$0xFFFFFFC0]  }
0x46c: {  	v61 =	vld [tilespmem:s30+$0xFFFFFFC0];
	v18 =	vadd.f32 v18, v45;
	v15 =	vmul.f32 v15, v15;
	v13 =	vmul.f32 v13, v13  }
0x46d: {  	v50 =	vld.idx.msk [tilespmem:v60+s20+$0x0], $0xffff;
	v19 =	vmul.f32 v8, v19;
	v47 =	vmul.f32 v20, v20;
	v10 =	vmax.f32 v10, $9.999999960e-13  }
0x46e: {  	v63 =	vld [tilespmem:s29+$0xFFFFFFC0];
	(erf) = vrcp.f32 v10;
	v13 =	vadd.f32 v13, v15;
	v14 =	vadd.f32 v18, v14  }
0x46f: {  	v21 =	vld.idx.msk [tilespmem:v49+s20+$0x0], $0xffff;
	v20 =	vmul.f32 v5, v48;
	v54 =	vshrl.u32 v11, $0x1;
	v55 =	vmul.f32 $5.000000000e-01, v11  }
0x470: {  	v22 =	vld.idx.msk [tilespmem:v51+s20+$0x0], $0xffff;
	v13 =	vadd.f32 v13, v47;
	v53 =	vshrl.u32 v14, $0x1;
	v60 =	vadd.s32 $0x500, v9  }
0x471: {  	v41 =	vld [tilespmem:s0+$0xFFFFFFC0];
	v58 =	vmul.f32 $5.000000000e-01, v14;
	v26 =	vsub.s32 $0x5F3759DF, v54;
	v62 =	vadd.s32 $0xA00, v9  }
0x472: {  	v17 =	vld.idx.msk [tilespmem:v46+s20+$0x0], $0xffff;
	v23 =	vsub.s32 $0x5F3759DF, v53;
	v27 =	vmul.f32 v26, v55;
	v40 =	vadd.s32 $0xF00, v9  }
0x473: {  	v15 =	vld.idx.msk [tilespmem:v52+s20+$0x0], $0xffff;
	v56 =	vshrl.u32 v13, $0x1;
	v57 =	vmul.f32 $5.000000000e-01, v13;
	v35 =	vadd.s32 $0x1400, v9  }
0x474: {  	v59 =	vmul.f32 v23, v58;
	v44 =	vadd.s32 $0x1E00, v9;
	v28 =	vsub.s32 $0x5F3759DF, v56;
	v43 =	vld.idx.msk [tilespmem:v9+s20+$0x0], $0xffff  }
0x475: {  	v46 =	vadd.s32 $0x2300, v9;
	v27 =	vmul.f32 v26, v27;
	v29 =	vmul.f32 v28, v57;
	v45 =	vld.idx.msk [tilespmem:v60+s20+$0x0], $0xffff  }
0x476: {  	v18 =	vmul.f32 v4, v50;
	v50 =	vadd.s32 $0x2800, v9;
	v10 =	vmul.f32 v23, v59;
	v47 =	vld.idx.msk [tilespmem:v62+s20+$0x0], $0xffff  }
0x477: {  	v48 =	vadd.s32 $0x1900, v9;
	v27 =	vsub.f32 $1.500000000e+00, v27;
	v36 =	vpop (erf);
	v29 =	vmul.f32 v28, v29;
	v49 =	vld.idx.msk [tilespmem:v40+s20+$0x0], $0xffff  }
0x478: {  	v18 =	vadd.f32 v18, v20;
	v10 =	vsub.f32 $1.500000000e+00, v10;
	v12 =	vmul.f32 v36, v12;
	v35 =	vld.idx.msk [tilespmem:v35+s20+$0x0], $0xffff  }
0x479: {  	v30 =	vadd.s32 $0x5000, v3;
	v26 =	vmul.f32 v26, v27;
	v51 =	vld.idx.msk [tilespmem:v44+s20+$0x0], $0xffff;
	v29 =	vsub.f32 $1.500000000e+00, v29  }
0x47a: {  	v18 =	vadd.f32 v18, v19;
	v53 =	vld.idx.msk [tilespmem:v46+s20+$0x0], $0xffff;
	v10 =	vmul.f32 v23, v10;
	v19 =	vmul.f32 v12, v22  }
0x47b: {  	v59 =	vadd.s32 $0x2D00, v7;
	v56 =	vld.idx.msk [tilespmem:v50+s20+$0x0], $0xffff;
	v11 =	vmul.f32 v26, v11;
	v42 =	vmul.f32 v28, v29  }
0x47c: {  	v55 =	vld.idx.msk [tilespmem:v48+s20+$0x0], $0xffff;
	v60 =	vadd.s32 $0x3C00, v7;
	v14 =	vmul.f32 v10, v14;
	v10 =	vmul.f32 v36, v24  }
0x47d: {  	v24 =	vadd.s32 $0x3200, v3;
	v29 =	vadd.s32 $0x4100, v3;
	v37 =	vmul.f32 v11, v15  }
0x47e: {  	v25 =	vsub.f32 v61, v43;
	v11 =	vmul.f32 v36, v16;
	v13 =	vmul.f32 v42, v13  }
0x47f: {  	v20 =	vmul.f32 v14, v15;
	v17 =	vmul.f32 v10, v17;
	v57 =	vsub.f32 v51, v49  }
0x480: {  	v58 =	vsub.f32 v53, v35;
	v26 =	vsub.f32 v41, v47;
	v27 =	vmul.f32 v56, v25  }
0x481: {  	v23 =	vsub.f32 v63, v45;
	v54 =	vmul.f32 v11, v21;
	v21 =	vmul.f32 v55, v25  }
0x482: {  	v33 =	vsub.f32 v56, v55;
	v13 =	vmul.f32 v13, v15;
	v38 =	vmul.f32 v35, v26  }
0x483: {  	v61 =	vsub.f32 v25, v49;
	v39 =	vmul.f32 v55, v23;
	v41 =	vmul.f32 v26, v49  }
0x484: {  	v62 =	vsub.f32 v23, v35;
	v31 =	vmul.f32 v49, v23;
	v35 =	vmul.f32 v35, v25  }
0x485: {  	v42 =	vadd.s32 $0x3200, v7;
	v63 =	vmul.f32 v53, v26;
	v44 =	vmul.f32 v56, v23  }
0x486: {  	v40 =	vsub.f32 v26, v55;
	v26 =	vmul.f32 v51, v26;
	v16 =	vmul.f32 v51, v23  }
0x487: {  	v15 =	vmul.f32 v53, v25;
	v17 =	vadd.f32 v54, v17;
	v52 =	vadd.f32 v13, v37  }
0x488: {  	v49 =	vmul.f32 v33, v61;
	v38 =	vsub.f32 v38, v39;
	v21 =	vsub.f32 v21, v41  }
0x489: {  	v55 =	vadd.s32 $0x4B00, v7;
	v31 =	vsub.f32 v31, v35;
	v45 =	vsub.f32 v63, v44  }
0x48a: {  	v46 =	vsub.f32 v27, v26;
	v47 =	vmul.f32 v58, v40;
	v48 =	vmul.f32 v33, v62  }
0x48b: {  	v15 =	vsub.f32 v16, v15;
	v50 =	vmul.f32 v57, v40;
	v22 =	vmul.f32 v57, v62  }
0x48c: {  	v57 =	vadd.s32 $0x5A00, v9;
	v39 =	vadd.s32 $0x3200, v6;
	v14 =	vadd.f32 v52, v20  }
0x48d: {  	v17 =	vadd.f32 v17, v19;
	v25 =	vsub.f32 v47, v48;
	v51 =	vmul.f32 v38, v38  }
0x48e: {  	[tilespmem:s5+$0xFFFFEFC0] =	vst v18;
	v18 =	vld [tilespmem:s31+$0xFFFFFFD0];
	v52 =	vmul.f32 v45, v45;
	v23 =	vmul.f32 v46, v46;
	v14 =	vmax.f32 v14, $9.999999960e-13  }
0x48f: {  	v16 =	vsub.f32 v49, v50;
	(erf) = vrcp.f32 v14;
	v14 =	vmul.f32 v58, v61  }
0x490: {  	v21 =	vmul.f32 v21, v21;
	v15 =	vmul.f32 v15, v15;
	v23 =	vadd.f32 v23, v52  }
0x491: {  	v60 =	vld.idx.msk [tilespmem:v60+s20+$0x0], $0xffff;
	v25 =	vmul.f32 v25, v25;
	v16 =	vmul.f32 v16, v16;
	v22 =	vsub.f32 v22, v14  }
0x492: {  	v56 =	vld.idx.msk [tilespmem:v59+s20+$0x0], $0xffff;
	v54 =	vmul.f32 v31, v31;
	v21 =	vadd.f32 v21, v51;
	v23 =	vadd.f32 v23, v15  }
0x493: {  	v24 =	vld.idx.msk [tilespmem:v24+s20+$0x0], $0xffff;
	v45 =	vadd.s32 $0xF00, v18;
	v16 =	vadd.f32 v16, v25;
	v22 =	vmul.f32 v22, v22  }
0x494: {  	v29 =	vld.idx.msk [tilespmem:v29+s20+$0x0], $0xffff;
	v21 =	vadd.f32 v21, v54;
	v59 =	vshrl.u32 v23, $0x1;
	v61 =	vmul.f32 $5.000000000e-01, v23  }
0x495: {  	v46 =	vld [tilespmem:s0+$0xFFFFFFD0];
	v49 =	vadd.s32 $0x1900, v18;
	v27 =	vsub.s32 $0x5F3759DF, v59;
	v16 =	vadd.f32 v16, v22  }
0x496: {  	v47 =	vadd.s32 $0x1400, v18;
	v48 =	vld.idx.msk [tilespmem:v18+s20+$0x0], $0xffff;
	[tilespmem:s5+$0xFFFFEFD0] =	vst v17;
	v58 =	vshrl.u32 v21, $0x1;
	v31 =	vmul.f32 v27, v61  }
0x497: {  	v44 =	vld.idx.msk [tilespmem:v39+s20+$0x0], $0xffff;
	v36 =	vmul.f32 $5.000000000e-01, v21;
	v62 =	vshrl.u32 v16, $0x1;
	v63 =	vmul.f32 $5.000000000e-01, v16  }
0x498: {  	v25 =	vld.idx.msk [tilespmem:v55+s20+$0x0], $0xffff;
	v26 =	vsub.s32 $0x5F3759DF, v58;
	v31 =	vmul.f32 v27, v31;
	v32 =	vsub.s32 $0x5F3759DF, v62  }
0x499: {  	v40 =	vadd.s32 $0x4100, v6;
	v34 =	vld.idx.msk [tilespmem:v45+s20+$0x0], $0xffff;
	v38 =	vmul.f32 v26, v36;
	v53 =	vpop (erf);
	v33 =	vmul.f32 v32, v63  }
0x49a: {  	v55 =	vld.idx.msk [tilespmem:v49+s20+$0x0], $0xffff;
	v31 =	vsub.f32 $1.500000000e+00, v31;
	v14 =	vmul.f32 v53, v13;
	v15 =	vmul.f32 v53, v37  }
0x49b: {  	v41 =	vadd.s32 $0x5000, v6;
	v61 =	vld [tilespmem:s30+$0xFFFFFFD0];
	v13 =	vmul.f32 v53, v20;
	v33 =	vmul.f32 v32, v33  }
0x49c: {  	v36 =	vld.idx.msk [tilespmem:v47+s20+$0x0], $0xffff;
	v62 =	vadd.s32 $0xA00, v18;
	v20 =	vmul.f32 v26, v38;
	v27 =	vmul.f32 v27, v31  }
0x49d: {  	v22 =	vld.idx.msk [tilespmem:v57+s20+$0x0], $0xffff;
	v37 =	vmul.f32 v14, v56;
	v28 =	vmul.f32 v15, v60;
	v33 =	vsub.f32 $1.500000000e+00, v33  }
0x49e: {  	v63 =	vld [tilespmem:s29+$0xFFFFFFD0];
	v25 =	vmul.f32 v13, v25;
	v20 =	vsub.f32 $1.500000000e+00, v20;
	v60 =	vadd.s32 $0x500, v18  }
0x49f: {  	v23 =	vmul.f32 v27, v23;
	v27 =	vld.idx.msk [tilespmem:v40+s20+$0x0], $0xffff;
	v19 =	vadd.f32 v28, v37;
	v43 =	vmul.f32 v32, v33  }
0x4a0: {  	v57 =	vadd.s32 $0x4100, v7;
	v28 =	vld.idx.msk [tilespmem:v30+s20+$0x0], $0xffff;
	v20 =	vmul.f32 v26, v20  }
0x4a1: {  	v58 =	vadd.s32 $0x5000, v7;
	v52 =	vld.idx.msk [tilespmem:v62+s20+$0x0], $0xffff;
	v19 =	vadd.f32 v19, v25;
	v16 =	vmul.f32 v43, v16  }
0x4a2: {  	v53 =	vadd.s32 $0x2300, v18;
	v20 =	vmul.f32 v20, v21;
	v21 =	vld.idx.msk [tilespmem:v41+s20+$0x0], $0xffff  }
0x4a3: {  	v50 =	vld.idx.msk [tilespmem:v60+s20+$0x0], $0xffff;
	[tilespmem:s5+$0xFFFFEFE0] =	vst v19;
	v19 =	vmul.f32 v23, v22;
	v16 =	vmul.f32 v16, v22  }
0x4a4: {  	v51 =	vadd.s32 $0x1E00, v18;
	v54 =	vadd.s32 $0x2800, v18;
	v31 =	vmul.f32 v10, v44;
	v17 =	vld.idx.msk [tilespmem:v42+s20+$0x0], $0xffff  }
0x4a5: {  	v56 =	vmul.f32 v5, v24;
	v20 =	vmul.f32 v20, v22;
	v23 =	vld.idx.msk [tilespmem:v57+s20+$0x0], $0xffff;
	v59 =	vadd.f32 v16, v19  }
0x4a6: {  	v60 =	vsub.f32 v61, v48;
	v61 =	vadd.s32 $0x2D00, v9;
	v24 =	vmul.f32 v11, v27;
	v30 =	vld.idx.msk [tilespmem:v58+s20+$0x0], $0xffff  }
0x4a7: {  	v57 =	vmul.f32 v4, v29;
	v28 =	vmul.f32 v8, v28;
	v42 =	vld.idx.msk [tilespmem:v53+s20+$0x0], $0xffff;
	v22 =	vadd.f32 v59, v20  }
0x4a8: {  	v39 =	vsub.f32 v60, v34;
	v31 =	vadd.f32 v24, v31;
	v27 =	vmul.f32 v12, v21  }
0x4a9: {  	v62 =	vsub.f32 v63, v50;
	v63 =	vsub.f32 v46, v52;
	v22 =	vmax.f32 v22, $9.999999960e-13  }
0x4aa: {  	v58 =	vld.idx.msk [tilespmem:v51+s20+$0x0], $0xffff;
	v52 =	vadd.s32 $0x3C00, v9;
	v46 =	vmul.f32 v55, v60;
	(erf) = vrcp.f32 v22  }
0x4ab: {  	v31 =	vadd.f32 v31, v27;
	v25 =	vmul.f32 v14, v17;
	v26 =	vmul.f32 v15, v23  }
0x4ac: {  	v23 =	vmul.f32 v13, v30;
	v37 =	vsub.f32 v42, v36;
	v43 =	vmul.f32 v36, v63  }
0x4ad: {  	v59 =	vld.idx.msk [tilespmem:v54+s20+$0x0], $0xffff;
	v44 =	vmul.f32 v55, v62;
	v45 =	vsub.f32 v62, v36;
	v47 =	vmul.f32 v63, v34  }
0x4ae: {  	v41 =	vsub.f32 v63, v55;
	v36 =	vmul.f32 v36, v60;
	v54 =	vmul.f32 v42, v63  }
0x4af: {  	v33 =	vmul.f32 v58, v63;
	v29 =	vmul.f32 v58, v62;
	v22 =	vadd.f32 v57, v56  }
0x4b0: {  	v43 =	vsub.f32 v43, v44;
	v57 =	vmul.f32 v37, v41;
	v37 =	vmul.f32 v37, v39  }
0x4b1: {  	v22 =	vadd.f32 v22, v28;
	v28 =	vsub.f32 v58, v34;
	v34 =	vmul.f32 v34, v62  }
0x4b2: {  	v46 =	vsub.f32 v46, v47;
	v48 =	vmul.f32 v59, v62;
	v21 =	vmul.f32 v59, v60  }
0x4b3: {  	v53 =	vsub.f32 v59, v55;
	v55 =	vmul.f32 v42, v60;
	v59 =	vmul.f32 v43, v43;
	v40 =	vpop (erf)  }
0x4b4: {  	v60 =	vmul.f32 v46, v46;
	v46 =	vadd.s32 $0x4B00, v9;
	v17 =	vmul.f32 v40, v19;
	v19 =	vld [tilespmem:s31+$0xFFFFFFE0]  }
0x4b5: {  	v34 =	vsub.f32 v34, v36;
	v56 =	vsub.f32 v54, v48;
	v58 =	vmul.f32 v53, v45  }
0x4b6: {  	v21 =	vsub.f32 v21, v33;
	v29 =	vsub.f32 v29, v55;
	v38 =	vmul.f32 v53, v39  }
0x4b7: {  	v41 =	vmul.f32 v28, v41;
	v33 =	vadd.f32 v60, v59;
	v28 =	vmul.f32 v28, v45  }
0x4b8: {  	v30 =	vld.idx.msk [tilespmem:v61+s20+$0x0], $0xffff;
	v32 =	vsub.f32 v57, v58;
	v34 =	vmul.f32 v34, v34;
	v36 =	vmul.f32 v56, v56  }
0x4b9: {  	v47 =	vld [tilespmem:s0+$0xFFFFFFE0];
	v21 =	vmul.f32 v21, v21;
	v38 =	vsub.f32 v38, v41;
	v61 =	vadd.s32 $0x500, v19  }
0x4ba: {  	v35 =	vld.idx.msk [tilespmem:v52+s20+$0x0], $0xffff;
	v29 =	vmul.f32 v29, v29;
	v28 =	vsub.f32 v28, v37;
	v62 =	vadd.s32 $0xA00, v19  }
0x4bb: {  	v33 =	vadd.f32 v33, v34;
	v34 =	vld [tilespmem:s30+$0xFFFFFFE0];
	v21 =	vadd.f32 v21, v36;
	v57 =	vadd.s32 $0x1400, v19  }
0x4bc: {  	v36 =	vld [tilespmem:s29+$0xFFFFFFE0];
	v32 =	vmul.f32 v32, v32;
	v54 =	vmul.f32 v38, v38;
	v60 =	vadd.s32 $0x2300, v19  }
0x4bd: {  	v28 =	vmul.f32 v28, v28;
	v55 =	vshrl.u32 v33, $0x1;
	v63 =	vadd.s32 $0xF00, v19;
	v44 =	vld.idx.msk [tilespmem:v19+s20+$0x0], $0xffff  }
0x4be: {  	v56 =	vmul.f32 $5.000000000e-01, v33;
	v29 =	vadd.f32 v21, v29;
	v52 =	vadd.s32 $0x1900, v19;
	v42 =	vld.idx.msk [tilespmem:v61+s20+$0x0], $0xffff  }
0x4bf: {  	v32 =	vadd.f32 v54, v32;
	v58 =	vsub.s32 $0x5F3759DF, v55;
	v49 =	vadd.s32 $0x1E00, v19;
	v41 =	vld.idx.msk [tilespmem:v62+s20+$0x0], $0xffff  }
0x4c0: {  	v59 =	vmul.f32 v58, v56;
	v50 =	vshrl.u32 v29, $0x1;
	v51 =	vmul.f32 $5.000000000e-01, v29;
	v48 =	vld.idx.msk [tilespmem:v57+s20+$0x0], $0xffff  }
0x4c1: {  	v16 =	vmul.f32 v40, v16;
	v20 =	vmul.f32 v40, v20;
	v61 =	vsub.s32 $0x5F3759DF, v50;
	v45 =	vld.idx.msk [tilespmem:v60+s20+$0x0], $0xffff  }
0x4c2: {  	v28 =	vadd.f32 v32, v28;
	v43 =	vld.idx.msk [tilespmem:v63+s20+$0x0], $0xffff;
	v63 =	vmul.f32 v58, v59;
	v53 =	vmul.f32 v61, v51  }
0x4c3: {  	v30 =	vmul.f32 v16, v30;
	v35 =	vmul.f32 v17, v35;
	v62 =	vadd.s32 $0x2800, v19;
	v56 =	vld.idx.msk [tilespmem:v52+s20+$0x0], $0xffff  }
0x4c4: {  	v38 =	vld.idx.msk [tilespmem:v49+s20+$0x0], $0xffff;
	v59 =	vshrl.u32 v28, $0x1;
	v24 =	vsub.f32 $1.500000000e+00, v63;
	v55 =	vmul.f32 v61, v53  }
0x4c5: {  	v32 =	vadd.s32 $0x5A00, v18;
	v39 =	vsub.s32 $0x5F3759DF, v59;
	v34 =	vsub.f32 v34, v44  }
0x4c6: {  	v21 =	vmul.f32 v58, v24;
	v57 =	vsub.f32 $1.500000000e+00, v55;
	v49 =	vsub.f32 v45, v48  }
0x4c7: {  	v36 =	vsub.f32 v36, v42;
	v41 =	vsub.f32 v47, v41;
	v42 =	vmul.f32 $5.000000000e-01, v28  }
0x4c8: {  	v47 =	vsub.f32 v34, v43;
	v37 =	vmul.f32 v56, v34;
	v33 =	vmul.f32 v21, v33  }
0x4c9: {  	v58 =	vld.idx.msk [tilespmem:v62+s20+$0x0], $0xffff;
	v21 =	vsub.f32 v38, v43;
	v24 =	vmul.f32 v61, v57;
	v61 =	vmul.f32 v48, v41  }
0x4ca: {  	v50 =	vsub.f32 v36, v48;
	v52 =	vmul.f32 v56, v36;
	v54 =	vmul.f32 v41, v43  }
0x4cb: {  	v53 =	vsub.f32 v41, v56;
	v43 =	vmul.f32 v43, v36;
	v48 =	vmul.f32 v48, v34  }
0x4cc: {  	v62 =	vmul.f32 v45, v41;
	v41 =	vmul.f32 v38, v41;
	v51 =	vsub.f32 v61, v52  }
0x4cd: {  	v37 =	vsub.f32 v37, v54;
	v61 =	vmul.f32 v21, v53;
	v21 =	vmul.f32 v21, v50  }
0x4ce: {  	v43 =	vsub.f32 v43, v48;
	v63 =	vmul.f32 v58, v36;
	v40 =	vmul.f32 v58, v34  }
0x4cf: {  	v60 =	vsub.f32 v58, v56;
	v36 =	vmul.f32 v38, v36;
	v34 =	vmul.f32 v45, v34  }
0x4d0: {  	v52 =	vadd.s32 $0x5A00, v19;
	v58 =	vmul.f32 v49, v53;
	v37 =	vmul.f32 v37, v37  }
0x4d1: {  	v43 =	vmul.f32 v43, v43;
	v56 =	vsub.f32 v62, v63;
	v59 =	vmul.f32 v60, v50  }
0x4d2: {  	v57 =	vsub.f32 v40, v41;
	v34 =	vsub.f32 v36, v34;
	v60 =	vmul.f32 v60, v47  }
0x4d3: {  	v62 =	vmul.f32 v49, v47;
	v63 =	vmul.f32 v51, v51;
	v40 =	vsub.f32 v58, v59  }
0x4d4: {  	v36 =	vsub.f32 v60, v61;
	v49 =	vmul.f32 v56, v56;
	v38 =	vmul.f32 v57, v57  }
0x4d5: {  	v21 =	vsub.f32 v21, v62;
	v37 =	vadd.f32 v37, v63;
	v34 =	vmul.f32 v34, v34  }
0x4d6: {  	v40 =	vmul.f32 v40, v40;
	v36 =	vmul.f32 v36, v36;
	v38 =	vadd.f32 v38, v49  }
0x4d7: {  	v50 =	vmul.f32 v39, v42;
	v51 =	vmul.f32 v21, v21;
	v37 =	vadd.f32 v37, v43;
	v21 =	vld [tilespmem:s31+$0xFFFFFFF0]  }
0x4d8: {  	v24 =	vmul.f32 v24, v29;
	v36 =	vadd.f32 v36, v40;
	v34 =	vadd.f32 v38, v34  }
0x4d9: {  	v53 =	vmul.f32 v39, v50;
	v54 =	vshrl.u32 v37, $0x1;
	v59 =	vmul.f32 $5.000000000e-01, v37  }
0x4da: {  	v40 =	vsub.s32 $0x5F3759DF, v54;
	v36 =	vadd.f32 v36, v51;
	v55 =	vshrl.u32 v34, $0x1  }
0x4db: {  	v43 =	vld.idx.msk [tilespmem:v46+s20+$0x0], $0xffff;
	v56 =	vmul.f32 $5.000000000e-01, v34;
	v46 =	vmul.f32 v40, v59;
	v41 =	vsub.s32 $0x5F3759DF, v55  }
0x4dc: {  	v32 =	vld.idx.msk [tilespmem:v32+s20+$0x0], $0xffff;
	v62 =	vadd.s32 $0xF00, v21;
	v57 =	vshrl.u32 v36, $0x1;
	v58 =	vmul.f32 $5.000000000e-01, v36  }
0x4dd: {  	v48 =	vld [tilespmem:s30+$0xFFFFFFF0];
	v42 =	vmul.f32 v41, v56;
	v46 =	vmul.f32 v40, v46;
	v44 =	vsub.s32 $0x5F3759DF, v57  }
0x4de: {  	v50 =	vld [tilespmem:s29+$0xFFFFFFF0];
	v29 =	vsub.f32 $1.500000000e+00, v53;
	v60 =	vadd.s32 $0x500, v21;
	v45 =	vmul.f32 v44, v58  }
0x4df: {  	v38 =	vld.idx.msk [tilespmem:v52+s20+$0x0], $0xffff;
	v61 =	vadd.s32 $0xA00, v21;
	v42 =	vmul.f32 v41, v42;
	v46 =	vsub.f32 $1.500000000e+00, v46  }
0x4e0: {  	v52 =	vld [tilespmem:s0+$0xFFFFFFF0];
	v29 =	vmul.f32 v39, v29;
	v53 =	vadd.s32 $0x1400, v21;
	v45 =	vmul.f32 v44, v45  }
0x4e1: {  	v54 =	vadd.s32 $0x1E00, v21;
	v42 =	vsub.f32 $1.500000000e+00, v42;
	v59 =	vmul.f32 v40, v46;
	v40 =	vld.idx.msk [tilespmem:v62+s20+$0x0], $0xffff  }
0x4e2: {  	v35 =	vadd.f32 v35, v30;
	v57 =	vadd.s32 $0x1900, v21;
	v63 =	vsub.f32 $1.500000000e+00, v45;
	v45 =	vld.idx.msk [tilespmem:v21+s20+$0x0], $0xffff  }
0x4e3: {  	v28 =	vmul.f32 v29, v28;
	v58 =	vadd.s32 $0x2300, v21;
	v41 =	vmul.f32 v41, v42;
	v42 =	vld.idx.msk [tilespmem:v60+s20+$0x0], $0xffff  }
0x4e4: {  	v30 =	vmul.f32 v33, v32;
	v51 =	vadd.f32 v26, v25;
	v39 =	vmul.f32 v44, v63;
	v44 =	vld.idx.msk [tilespmem:v61+s20+$0x0], $0xffff  }
0x4e5: {  	v33 =	vadd.s32 $0x3700, v3;
	v24 =	vmul.f32 v24, v32;
	v28 =	vmul.f32 v28, v32;
	v63 =	vld.idx.msk [tilespmem:v53+s20+$0x0], $0xffff  }
0x4e6: {  	v43 =	vmul.f32 v20, v43;
	v29 =	vadd.f32 v51, v23;
	v61 =	vmul.f32 v41, v34;
	v41 =	vld.idx.msk [tilespmem:v54+s20+$0x0], $0xffff  }
0x4e7: {  	v60 =	vadd.s32 $0x2800, v21;
	v37 =	vmul.f32 v59, v37;
	v34 =	vld.idx.msk [tilespmem:v57+s20+$0x0], $0xffff;
	v53 =	vadd.f32 v28, v24  }
0x4e8: {  	v32 =	vadd.s32 $0x4600, v3;
	v3 =	vadd.s32 $0x5500, v3;
	v35 =	vadd.f32 v35, v43;
	v47 =	vld.idx.msk [tilespmem:v58+s20+$0x0], $0xffff  }
0x4e9: {  	v27 =	vmul.f32 v37, v38;
	v62 =	vmul.f32 v39, v36;
	v55 =	vadd.f32 v53, v30  }
0x4ea: {  	v25 =	vmul.f32 v61, v38;
	v57 =	vsub.f32 v50, v42;
	v45 =	vsub.f32 v48, v45  }
0x4eb: {  	v26 =	vmul.f32 v62, v38;
	v56 =	vmax.f32 v55, $9.999999960e-13;
	v43 =	vsub.f32 v41, v40  }
0x4ec: {  	v37 =	vld.idx.msk [tilespmem:v60+s20+$0x0], $0xffff;
	v58 =	vsub.f32 v52, v44;
	(erf) = vrcp.f32 v56;
	v60 =	vmul.f32 v34, v57  }
0x4ed: {  	v23 =	vld [tilespmem:s31+$0x0];
	v44 =	vsub.f32 v47, v63;
	v61 =	vmul.f32 v34, v45;
	v36 =	vmul.f32 v63, v45  }
0x4ee: {  	v49 =	vsub.f32 v45, v40;
	v38 =	vmul.f32 v41, v57;
	v59 =	vmul.f32 v63, v58  }
0x4ef: {  	v54 =	vadd.f32 v26, v25;
	v51 =	vmul.f32 v58, v40;
	v40 =	vmul.f32 v40, v57  }
0x4f0: {  	v52 =	vsub.f32 v57, v63;
	v62 =	vmul.f32 v47, v58;
	v42 =	vmul.f32 v41, v58  }
0x4f1: {  	v39 =	vadd.f32 v54, v27;
	v46 =	vsub.f32 v37, v34;
	v63 =	vmul.f32 v37, v57  }
0x4f2: {  	v34 =	vsub.f32 v58, v34;
	v37 =	vmul.f32 v37, v45;
	v58 =	vadd.s32 $0x500, v23  }
0x4f3: {  	v48 =	vsub.f32 v59, v60;
	v50 =	vsub.f32 v61, v51;
	v51 =	vmul.f32 v47, v45  }
0x4f4: {  	v36 =	vsub.f32 v40, v36;
	v60 =	vadd.s32 $0xA00, v23;
	v39 =	vmax.f32 v39, $9.999999960e-13  }
0x4f5: {  	v55 =	vsub.f32 v62, v63;
	v56 =	vmul.f32 v44, v34;
	v57 =	vmul.f32 v46, v52  }
0x4f6: {  	v41 =	vld [tilespmem:s0+$0x0];
	v37 =	vsub.f32 v37, v42;
	v59 =	vmul.f32 v46, v49;
	v34 =	vmul.f32 v43, v34  }
0x4f7: {  	v46 =	vld [tilespmem:s30+$0x0];
	v62 =	vadd.s32 $0x1900, v23;
	v63 =	vadd.s32 $0xF00, v23;
	v43 =	vmul.f32 v43, v52  }
0x4f8: {  	v38 =	vsub.f32 v38, v51;
	v51 =	vld [tilespmem:s29+$0x0];
	v40 =	vmul.f32 v55, v55;
	v37 =	vmul.f32 v37, v37  }
0x4f9: {  	v61 =	vadd.s32 $0x1400, v23;
	v44 =	vmul.f32 v44, v49;
	(erf) = vrcp.f32 v39;
	v42 =	vld.idx.msk [tilespmem:v58+s20+$0x0], $0xffff  }
0x4fa: {  	v48 =	vmul.f32 v48, v48;
	v39 =	vsub.f32 v56, v57;
	v37 =	vadd.f32 v37, v40;
	v40 =	vld.idx.msk [tilespmem:v23+s20+$0x0], $0xffff  }
0x4fb: {  	v34 =	vsub.f32 v59, v34;
	v56 =	vadd.s32 $0x2300, v23;
	v38 =	vmul.f32 v38, v38;
	v57 =	vld.idx.msk [tilespmem:v60+s20+$0x0], $0xffff  }
0x4fc: {  	v43 =	vsub.f32 v43, v44;
	v59 =	vmul.f32 v50, v50;
	v58 =	vadd.s32 $0x2800, v23;
	v45 =	vld.idx.msk [tilespmem:v62+s20+$0x0], $0xffff  }
0x4fd: {  	v36 =	vmul.f32 v36, v36;
	v39 =	vmul.f32 v39, v39;
	v52 =	vld.idx.msk [tilespmem:v63+s20+$0x0], $0xffff;
	v37 =	vadd.f32 v37, v38  }
0x4fe: {  	v50 =	vld.idx.msk [tilespmem:v61+s20+$0x0], $0xffff;
	v34 =	vmul.f32 v34, v34;
	v44 =	vadd.f32 v59, v48;
	v43 =	vmul.f32 v43, v43  }
0x4ff: {  	v63 =	vadd.s32 $0x1E00, v23;
	v60 =	vshrl.u32 v37, $0x1;
	v61 =	vmul.f32 $5.000000000e-01, v37  }
0x500: {  	v34 =	vadd.f32 v34, v39;
	v49 =	vld.idx.msk [tilespmem:v56+s20+$0x0], $0xffff;
	v42 =	vsub.f32 v51, v42;
	v48 =	vsub.s32 $0x5F3759DF, v60  }
0x501: {  	v47 =	vld.idx.msk [tilespmem:v58+s20+$0x0], $0xffff;
	v38 =	vsub.f32 v41, v57;
	v40 =	vsub.f32 v46, v40;
	v62 =	vmul.f32 v48, v61  }
0x502: {  	v36 =	vadd.f32 v44, v36;
	v55 =	vmul.f32 v45, v42;
	v59 =	vmul.f32 v52, v42  }
0x503: {  	v41 =	vadd.f32 v34, v43;
	v54 =	vmul.f32 v50, v38;
	v56 =	vmul.f32 v45, v40  }
0x504: {  	v58 =	vld.idx.msk [tilespmem:v63+s20+$0x0], $0xffff;
	v63 =	vadd.s32 $0x3200, v9;
	v57 =	vmul.f32 v38, v52;
	v60 =	vmul.f32 v50, v40  }
0x505: {  	v39 =	vmul.f32 v48, v62;
	v61 =	vmul.f32 v49, v38;
	v34 =	vsub.f32 v54, v55  }
0x506: {  	v44 =	vsub.f32 v56, v57;
	v62 =	vmul.f32 v47, v42;
	v43 =	vsub.f32 v59, v60  }
0x507: {  	v57 =	vsub.f32 v47, v45;
	v47 =	vmul.f32 v47, v40;
	v45 =	vsub.f32 v38, v45  }
0x508: {  	v56 =	vshrl.u32 v41, $0x1;
	v55 =	vadd.s32 $0x3700, v7;
	v39 =	vsub.f32 $1.500000000e+00, v39  }
0x509: {  	[tilespmem:s5+$0xFFFFEFF0] =	vst v35;
	v46 =	vsub.f32 v61, v62;
	v38 =	vmul.f32 v58, v38;
	v51 =	vsub.f32 v58, v52  }
0x50a: {  	v52 =	vsub.f32 v40, v52;
	v40 =	vmul.f32 v49, v40;
	v61 =	vld.idx.msk [tilespmem:v63+s20+$0x0], $0xffff;
	v63 =	vmul.f32 $5.000000000e-01, v36  }
0x50b: {  	v62 =	vshrl.u32 v36, $0x1;
	v34 =	vmul.f32 v34, v34;
	v44 =	vmul.f32 v44, v44  }
0x50c: {  	v43 =	vmul.f32 v43, v43;
	v39 =	vmul.f32 v48, v39;
	v48 =	vsub.f32 v49, v50  }
0x50d: {  	v50 =	vsub.f32 v42, v50;
	v42 =	vmul.f32 v58, v42;
	v53 =	vsub.s32 $0x5F3759DF, v62  }
0x50e: {  	v58 =	vsub.f32 v47, v38;
	v54 =	vmul.f32 v57, v52;
	v46 =	vmul.f32 v46, v46  }
0x50f: {  	v47 =	vadd.s32 $0x3700, v6;
	v59 =	vmul.f32 v48, v45;
	v60 =	vmul.f32 v57, v50  }
0x510: {  	v45 =	vmul.f32 v51, v45;
	v40 =	vsub.f32 v42, v40;
	v42 =	vmul.f32 v53, v63  }
0x511: {  	v34 =	vadd.f32 v44, v34;
	v50 =	vmul.f32 v51, v50;
	v48 =	vmul.f32 v48, v52  }
0x512: {  	v57 =	vmul.f32 $5.000000000e-01, v41;
	v51 =	vsub.s32 $0x5F3759DF, v56;
	v37 =	vmul.f32 v39, v37  }
0x513: {  	v35 =	vmul.f32 v58, v58;
	v43 =	vadd.f32 v34, v43;
	v38 =	vsub.f32 v59, v60  }
0x514: {  	v45 =	vsub.f32 v54, v45;
	v42 =	vmul.f32 v53, v42;
	v52 =	vmul.f32 v51, v57  }
0x515: {  	v48 =	vsub.f32 v50, v48;
	v50 =	vadd.s32 $0x5A00, v21;
	v40 =	vmul.f32 v40, v40  }
0x516: {  	v35 =	vadd.f32 v35, v46;
	v38 =	vmul.f32 v38, v38;
	v58 =	vmul.f32 v45, v45  }
0x517: {  	v62 =	vshrl.u32 v43, $0x1;
	v42 =	vsub.f32 $1.500000000e+00, v42;
	v59 =	vmul.f32 v51, v52  }
0x518: {  	v60 =	vmul.f32 v48, v48;
	v35 =	vadd.f32 v35, v40;
	v38 =	vadd.f32 v58, v38  }
0x519: {  	v49 =	vmul.f32 v16, v61;
	v40 =	vsub.s32 $0x5F3759DF, v62;
	v42 =	vmul.f32 v53, v42  }
0x51a: {  	v61 =	vsub.f32 $1.500000000e+00, v59;
	v63 =	vshrl.u32 v35, $0x1;
	v38 =	vadd.f32 v38, v60  }
0x51b: {  	v59 =	vmul.f32 $5.000000000e-01, v43;
	v56 =	vmul.f32 $5.000000000e-01, v35;
	v44 =	vsub.s32 $0x5F3759DF, v63  }
0x51c: {  	v50 =	vld.idx.msk [tilespmem:v50+s20+$0x0], $0xffff;
	v60 =	vadd.s32 $0x4100, v9;
	v57 =	vshrl.u32 v38, $0x1;
	v58 =	vmul.f32 $5.000000000e-01, v38  }
0x51d: {  	v51 =	vmul.f32 v51, v61;
	v52 =	vmul.f32 v40, v59;
	v46 =	vsub.s32 $0x5F3759DF, v57  }
0x51e: {  	[tilespmem:s5+$0xFFFFFFD0] =	vst v31;
	v39 =	vadd.s32 $0x5A00, v23;
	v45 =	vmul.f32 v44, v56;
	v48 =	vmul.f32 v46, v58  }
0x51f: {  	[tilespmem:s5+$0xFFFFFFE0] =	vst v29;
	v54 =	vadd.s32 $0x4600, v6;
	v41 =	vmul.f32 v51, v41;
	v63 =	vmul.f32 v40, v52  }
0x520: {  	[tilespmem:s5+$0xFFFFFFC0] =	vst v22;
	v31 =	vld.idx.msk [tilespmem:v55+s20+$0x0], $0xffff;
	v6 =	vadd.s32 $0x5500, v6;
	v61 =	vmul.f32 v44, v45;
	v62 =	vmul.f32 v46, v48  }
0x521: {  	v34 =	vld.idx.msk [tilespmem:v33+s20+$0x0], $0xffff;
	v36 =	vmul.f32 v42, v36;
	v37 =	vmul.f32 v37, v50;
	v57 =	vsub.f32 $1.500000000e+00, v63  }
0x522: {  	v41 =	vmul.f32 v41, v50;
	v22 =	vsub.f32 $1.500000000e+00, v61;
	v58 =	vld.idx.msk [tilespmem:v60+s20+$0x0], $0xffff;
	v56 =	vsub.f32 $1.500000000e+00, v62  }
0x523: {  	v39 =	vld.idx.msk [tilespmem:v39+s20+$0x0], $0xffff;
	v59 =	vadd.s32 $0x2D00, v18;
	v36 =	vmul.f32 v36, v50;
	v40 =	vmul.f32 v40, v57  }
0x524: {  	v33 =	vld.idx.msk [tilespmem:v32+s20+$0x0], $0xffff;
	v48 =	vadd.s32 $0x5000, v9;
	v22 =	vmul.f32 v44, v22;
	v60 =	vmul.f32 v46, v56  }
0x525: {  	v32 =	vld.idx.msk [tilespmem:v3+s20+$0x0], $0xffff;
	v61 =	vadd.s32 $0x3C00, v18;
	v62 =	vadd.f32 v41, v37;
	v40 =	vmul.f32 v40, v43  }
0x526: {  	v3 =	vld.idx.msk [tilespmem:v47+s20+$0x0], $0xffff;
	v63 =	vadd.s32 $0x2D00, v19;
	v35 =	vmul.f32 v22, v35;
	v38 =	vmul.f32 v60, v38  }
0x527: {  	v6 =	vld.idx.msk [tilespmem:v6+s20+$0x0], $0xffff;
	v56 =	vadd.s32 $0x3C00, v19;
	v42 =	vadd.f32 v62, v36;
	v45 =	vmul.f32 v17, v58  }
0x528: {  	v59 =	vld.idx.msk [tilespmem:v59+s20+$0x0], $0xffff;
	v58 =	vadd.s32 $0x4B00, v18;
	v35 =	vmul.f32 v35, v39;
	v38 =	vmul.f32 v38, v39  }
0x529: {  	v51 =	vadd.s32 $0x4600, v7;
	v52 =	vadd.s32 $0x5500, v7;
	v57 =	vld.idx.msk [tilespmem:v48+s20+$0x0], $0xffff;
	v48 =	vadd.s32 $0x4B00, v19  }
0x52a: {  	v53 =	vld.idx.msk [tilespmem:v61+s20+$0x0], $0xffff;
	v61 =	vpop (erf);
	v42 =	vmax.f32 v42, $9.999999960e-13;
	v39 =	vmul.f32 v40, v39;
	v60 =	vadd.f32 v38, v35  }
0x52b: {  	v44 =	vld.idx.msk [tilespmem:v63+s20+$0x0], $0xffff;
	v63 =	vadd.s32 $0x2D00, v21;
	v7 =	vmul.f32 v61, v28;
	(erf) = vrcp.f32 v42  }
0x52c: {  	v28 =	vmul.f32 v61, v24;
	v24 =	vmul.f32 v61, v30;
	v46 =	vld.idx.msk [tilespmem:v56+s20+$0x0], $0xffff;
	v40 =	vadd.f32 v60, v39  }
0x52d: {  	v62 =	vadd.f32 v45, v49;
	v56 =	vadd.s32 $0x3C00, v21;
	v30 =	vld.idx.msk [tilespmem:v58+s20+$0x0], $0xffff;
	v58 =	vmul.f32 v7, v59;
	v59 =	vpop (erf)  }
0x52e: {  	v52 =	vld.idx.msk [tilespmem:v52+s20+$0x0], $0xffff;
	v43 =	vmul.f32 v20, v57;
	v26 =	vmul.f32 v59, v26;
	v57 =	vmax.f32 v40, $9.999999960e-13  }
0x52f: {  	v25 =	vmul.f32 v59, v25;
	v60 =	vld.idx.msk [tilespmem:v48+s20+$0x0], $0xffff;
	v48 =	vadd.s32 $0x4B00, v21;
	(erf) = vrcp.f32 v57  }
0x530: {  	v22 =	vld.idx.msk [tilespmem:v54+s20+$0x0], $0xffff;
	v61 =	vadd.s32 $0x2D00, v23;
	v45 =	vadd.s32 $0x3C00, v23;
	v53 =	vmul.f32 v28, v53  }
0x531: {  	v42 =	vadd.f32 v62, v43;
	v62 =	vmul.f32 v26, v44;
	v40 =	vld.idx.msk [tilespmem:v63+s20+$0x0], $0xffff;
	v63 =	vmul.f32 v25, v46  }
0x532: {  	v54 =	vadd.s32 $0x4B00, v23;
	v27 =	vmul.f32 v59, v27;
	v53 =	vadd.f32 v53, v58;
	v46 =	vld.idx.msk [tilespmem:v56+s20+$0x0], $0xffff  }
0x533: {  	v49 =	vld.idx.msk [tilespmem:v51+s20+$0x0], $0xffff;
	v56 =	vmul.f32 v24, v30;
	v43 =	vadd.f32 v63, v62;
	v62 =	vadd.s32 $0x4100, v18  }
0x534: {  	v55 =	vpop (erf);
	v63 =	vadd.s32 $0x5000, v18;
	v60 =	vmul.f32 v27, v60;
	v47 =	vld.idx.msk [tilespmem:v48+s20+$0x0], $0xffff;
	v48 =	vadd.s32 $0x3200, v18  }
0x535: {  	v29 =	vmul.f32 v55, v41;
	v30 =	vmul.f32 v55, v37;
	v37 =	vld.idx.msk [tilespmem:v61+s20+$0x0], $0xffff;
	v61 =	vadd.f32 v53, v56  }
0x536: {  	v51 =	vadd.s32 $0x3700, v9;
	v45 =	vld.idx.msk [tilespmem:v45+s20+$0x0], $0xffff;
	v58 =	vadd.s32 $0x3200, v19  }
0x537: {  	v54 =	vld.idx.msk [tilespmem:v54+s20+$0x0], $0xffff;
	v59 =	vadd.s32 $0x4100, v19;
	v40 =	vmul.f32 v29, v40;
	v57 =	vmul.f32 v30, v46;
	[tilespmem:s5+$0xFFFFF000] =	vst v61  }
0x538: {  	[tilespmem:s5+$0xFFFFFFF0] =	vst v42;
	v36 =	vmul.f32 v55, v36;
	v43 =	vadd.f32 v43, v60;
	v61 =	vadd.s32 $0x5000, v19;
	v42 =	vld.idx.msk [tilespmem:v62+s20+$0x0], $0xffff;
	v60 =	vpop (erf)  }
0x539: {  	v40 =	vadd.f32 v57, v40;
	v50 =	vld.idx.msk [tilespmem:v63+s20+$0x0], $0xffff;
	v38 =	vmul.f32 v60, v38;
	v35 =	vmul.f32 v60, v35  }
0x53a: {  	v62 =	vadd.s32 $0x3200, v21;
	[tilespmem:s5+$0xFFFFF010] =	vst v43;
	v44 =	vld.idx.msk [tilespmem:v48+s20+$0x0], $0xffff;
	v47 =	vmul.f32 v36, v47;
	v39 =	vmul.f32 v60, v39  }
0x53b: {  	v63 =	vadd.s32 $0x4100, v21;
	v41 =	vld.idx.msk [tilespmem:v58+s20+$0x0], $0xffff;
	v37 =	vmul.f32 v38, v37;
	v45 =	vmul.f32 v35, v45  }
0x53c: {  	v57 =	vadd.s32 $0x5000, v21;
	v46 =	vld.idx.msk [tilespmem:v59+s20+$0x0], $0xffff;
	v40 =	vadd.f32 v40, v47  }
0x53d: {  	v51 =	vld.idx.msk [tilespmem:v51+s20+$0x0], $0xffff;
	v59 =	vadd.s32 $0x3200, v23;
	v58 =	vmul.f32 v39, v54;
	v37 =	vadd.f32 v45, v37  }
0x53e: {  	v48 =	vld.idx.msk [tilespmem:v61+s20+$0x0], $0xffff;
	v60 =	vadd.s32 $0x4100, v23;
	[tilespmem:s5+$0xFFFFF020] =	vst v40  }
0x53f: {  	v5 =	vmul.f32 v5, v34;
	v61 =	vadd.s32 $0x4600, v9;
	v53 =	vld.idx.msk [tilespmem:v62+s20+$0x0], $0xffff;
	v37 =	vadd.f32 v37, v58  }
0x540: {  	v42 =	vmul.f32 v28, v42;
	v44 =	vmul.f32 v7, v44;
	v34 =	vld.idx.msk [tilespmem:v63+s20+$0x0], $0xffff;
	v62 =	vadd.s32 $0x5000, v23  }
0x541: {  	v9 =	vadd.s32 $0x5500, v9;
	v47 =	vld.idx.msk [tilespmem:v57+s20+$0x0], $0xffff;
	v41 =	vmul.f32 v26, v41;
	v46 =	vmul.f32 v25, v46;
	[tilespmem:s5+$0xFFFFF030] =	vst v37  }
0x542: {  	v55 =	vadd.s32 $0x3700, v18;
	v63 =	vmul.f32 v24, v50;
	v42 =	vadd.f32 v42, v44;
	v56 =	vld.idx.msk [tilespmem:v59+s20+$0x0], $0xffff  }
0x543: {  	v4 =	vmul.f32 v4, v33;
	v41 =	vadd.f32 v46, v41;
	v58 =	vadd.s32 $0x4600, v18;
	v40 =	vld.idx.msk [tilespmem:v60+s20+$0x0], $0xffff  }
0x544: {  	v44 =	vld.idx.msk [tilespmem:v61+s20+$0x0], $0xffff;
	v57 =	vadd.f32 v42, v63;
	v18 =	vadd.s32 $0x5500, v18;
	v61 =	vmul.f32 v29, v53  }
0x545: {  	v34 =	vmul.f32 v30, v34;
	v59 =	vmul.f32 v27, v48;
	v60 =	vadd.s32 $0x3700, v19;
	v43 =	vld.idx.msk [tilespmem:v62+s20+$0x0], $0xffff  }
0x546: {  	v4 =	vadd.f32 v4, v5;
	v5 =	vld.idx.msk [tilespmem:v9+s20+$0x0], $0xffff;
	v63 =	vadd.s32 $0x4600, v19;
	v53 =	vadd.s32 $0x3700, v21;
	[tilespmem:s5+$0x0] =	vst v57  }
0x547: {  	v37 =	vld.idx.msk [tilespmem:v55+s20+$0x0], $0xffff;
	v34 =	vadd.f32 v34, v61;
	v48 =	vmul.f32 v36, v47;
	v62 =	vadd.f32 v41, v59  }
0x548: {  	v57 =	vadd.s32 $0x4600, v21;
	v42 =	vld.idx.msk [tilespmem:v58+s20+$0x0], $0xffff;
	v54 =	vmul.f32 v38, v56;
	v40 =	vmul.f32 v35, v40  }
0x549: {  	v14 =	vmul.f32 v14, v31;
	v19 =	vadd.s32 $0x5500, v19;
	v55 =	vld.idx.msk [tilespmem:v18+s20+$0x0], $0xffff;
	[tilespmem:s5+$0x10] =	vst v62;
	v56 =	vadd.f32 v34, v48  }
0x54a: {  	v58 =	vld.idx.msk [tilespmem:v60+s20+$0x0], $0xffff;
	v59 =	vmul.f32 v39, v43;
	v60 =	vadd.s32 $0x3700, v23;
	v40 =	vadd.f32 v40, v54  }
0x54b: {  	v8 =	vmul.f32 v8, v32;
	v3 =	vmul.f32 v10, v3;
	v62 =	vld.idx.msk [tilespmem:v63+s20+$0x0], $0xffff;
	v63 =	vadd.s32 $0x4600, v23;
	[tilespmem:s5+$0x20] =	vst v56  }
0x54c: {  	v61 =	vmul.f32 v11, v22;
	v41 =	vadd.s32 $0x5500, v21;
	v45 =	vld.idx.msk [tilespmem:v53+s20+$0x0], $0xffff;
	v33 =	vadd.f32 v40, v59  }
0x54d: {  	v6 =	vmul.f32 v12, v6;
	v13 =	vmul.f32 v13, v52;
	v46 =	vadd.s32 $0x5500, v23;
	v47 =	vld.idx.msk [tilespmem:v57+s20+$0x0], $0xffff  }
0x54e: {  	v15 =	vmul.f32 v15, v49;
	v3 =	vadd.f32 v61, v3;
	v40 =	vld.idx.msk [tilespmem:v19+s20+$0x0], $0xffff;
	[tilespmem:s5+$0x30] =	vst v33  }
0x54f: {  	v4 =	vadd.f32 v4, v8;
	v49 =	vmul.f32 v17, v44;
	v48 =	vmul.f32 v16, v51;
	v50 =	vld.idx.msk [tilespmem:v60+s20+$0x0], $0xffff  }
0x550: {  	v14 =	vadd.f32 v15, v14;
	v5 =	vmul.f32 v20, v5;
	v3 =	vadd.f32 v3, v6;
	v51 =	vld.idx.msk [tilespmem:v63+s20+$0x0], $0xffff  }
0x551: {  	v7 =	vmul.f32 v7, v37;
	v6 =	vadd.f32 v49, v48;
	v52 =	vmul.f32 v28, v42;
	v19 =	vld.idx.msk [tilespmem:v41+s20+$0x0], $0xffff  }
0x552: {  	v13 =	vadd.f32 v14, v13;
	v9 =	vmul.f32 v24, v55;
	v53 =	vmul.f32 v26, v58;
	v12 =	vld.idx.msk [tilespmem:v46+s20+$0x0], $0xffff  }
0x553: {  	v5 =	vadd.f32 v6, v5;
	v54 =	vmul.f32 v25, v62;
	v57 =	vmul.f32 v29, v45  }
0x554: {  	[tilespmem:s5+$0xFC0] =	vst v4;
	v56 =	vadd.f32 v52, v7;
	v8 =	vmul.f32 v30, v47;
	v55 =	vmul.f32 v27, v40  }
0x555: {  	s3 =	sadd.s32 $0x8, s3;
	[tilespmem:s5+$0xFD0] =	vst v3;
	v3 =	vadd.f32 v54, v53;
	v58 =	vmul.f32 v38, v50;
	v59 =	vmul.f32 v35, v51  }
0x556: {  	p1 =	slt.u32 s3, $0xF8;
	[tilespmem:s5+$0xFE0] =	vst v13;
	v4 =	vadd.f32 v56, v9;
	v60 =	vmul.f32 v36, v19;
	v7 =	vadd.f32 v8, v57  }
.Ltmp5:
0x557: {  	[tilespmem:s5+$0xFF0] =	vst v5;
	v3 =	vadd.f32 v3, v55;
	v62 =	vmul.f32 v39, v12;
	v61 =	vadd.f32 v59, v58;
	(pc) =	sbr.rel @p1 .LBB2_8-.Ltmp5, $4  }
0x558: {  	[tilespmem:s5+$0x1000] =	vst v4;
	v63 =	vadd.f32 v7, v60  }
0x559: {  	[tilespmem:s5+$0x1010] =	vst v3;
	v3 =	vadd.f32 v61, v62  }
0x55a: {  	s31 =	sadd.s32 $0x80, s31;
	s0 =	sadd.s32 $0x80, s0;
	[tilespmem:s5+$0x1020] =	vst v63  }
0x55b: {  	s30 =	sadd.s32 $0x80, s30;
	s29 =	sadd.s32 $0x80, s29;
	[tilespmem:s5+$0x1030] =	vst v3;
	s5 =	sadd.s32 $0x80, s5  }
0x55c: {  	s0 =	sadd.s32 $0xFFFFF000, s28  }
0x55d: {  	s1 =	rddreg [dreg:$0x1];
	s0 =	sshrl.u32 s0, $0x3  }
0x55e: {  	s3 =	simm.s32 $0x15B80;
	s0 =	sadd.s32 s1, s0  }
0x55f: {  	[hbm4b:s0+s2] =	stream.linear.scatter [tilespmem:s3], [sflag:$0x3], $0x1000, $0x38;
	[tilespmem:$0x18B80] =	vst v63  }
0x560: {  	_ =	swait.ge [sflag:s18], $0x1000  }
0x561: {  	s29 =	sadd.s32 s1, s26;
	[sflag:s18] =	ssyncset.done $0x0  }
0x562: {  	s30 =	simm.s32 $0x16B80;
	s1 =	sadd.s32 $0x1FE00, s29;
	[sflag:s18] =	ssyncadd.s32 $0xFFFFF000  }
0x563: {  	[hbm4b:s1+s2] =	stream.linear.scatter [tilespmem:s30], [sflag:$0x3], $0x1000, $0x38;
	[tilespmem:$0x18B80] =	vst v63  }
0x564: {  	_ =	swait.ge [sflag:s18], $0x1000  }
0x565: {  	s31 =	simm.s32 $0x17B80;
	[sflag:s18] =	ssyncset.done $0x0  }
.Ltmp6:
0x566: {  	s0 =	sadd.s32 $0x3FE00, s29;
	[sflag:s18] =	ssyncadd.s32 $0xFFFFF000;
	(pc) =	sbr.rel .LBB2_10-.Ltmp6, $4  }
0x567: {  	[hbm4b:s0+s2] =	stream.linear.scatter [tilespmem:s31], [sflag:$0x2], $0x1000, $0x38;
	[tilespmem:$0x18B80] =	vst v63  }
0x568: {  	_ =	swait.ge [sflag:s14], $0x1000  }
0x569: {  	[sflag:s14] =	ssyncset.done $0x0  }
0x56a: {  	[sflag:s14] =	ssyncadd.s32 $0xFFFFF000  }
.LBB2_11:
0x56b: {  	s0 =	simm.s32 $0x1  }
0x56c: {  	s25 =	simm.s32 $0x14BF0;
	s26 =	simm.s32 $0xCBF0;
	_ =	swait.ge [sflag:s0], $0x1000  }
0x56d: {  	s28 =	simm.s32 $0xEBF0;
	s3 =	simm.s32 $0x10BF0;
	[sflag:s0] =	ssyncset.done $0x0  }
0x56e: {  	s5 =	simm.s32 $0x16BC0;
	[sflag:s0] =	ssyncadd.s32 $0xFFFFF000;
	s0 =	simm.s32 $0xFFFFFFF8  }
.LBB2_12:
0x56f: {  	v3 =	vld [tilespmem:s25+$0xFFFFFF90];
	_ =	sdelay $0x4  }
0x570: {  	v4 =	vadd.s32 $0x500, v3  }
0x571: {  	v5 =	vld [tilespmem:s26+$0xFFFFFF90];
	v6 =	vadd.s32 $0xA00, v3  }
0x572: {  	v7 =	vld [tilespmem:s28+$0xFFFFFF90];
	v8 =	vadd.s32 $0xF00, v3  }
0x573: {  	v9 =	vld [tilespmem:s3+$0xFFFFFF90];
	v10 =	vadd.s32 $0x1400, v3  }
0x574: {  	v12 =	vadd.s32 $0x1E00, v3;
	v11 =	vld.idx.msk [tilespmem:v3+s20+$0x0], $0xffff  }
0x575: {  	v13 =	vadd.s32 $0x1900, v3;
	v4 =	vld.idx.msk [tilespmem:v4+s20+$0x0], $0xffff  }
0x576: {  	v14 =	vadd.s32 $0x2300, v3;
	v6 =	vld.idx.msk [tilespmem:v6+s20+$0x0], $0xffff  }
0x577: {  	v8 =	vld.idx.msk [tilespmem:v8+s20+$0x0], $0xffff  }
0x578: {  	v10 =	vld.idx.msk [tilespmem:v10+s20+$0x0], $0xffff  }
0x579: {  	v15 =	vadd.s32 $0x2800, v3;
	v12 =	vld.idx.msk [tilespmem:v12+s20+$0x0], $0xffff  }
0x57a: {  	v13 =	vld.idx.msk [tilespmem:v13+s20+$0x0], $0xffff  }
0x57b: {  	v14 =	vld.idx.msk [tilespmem:v14+s20+$0x0], $0xffff;
	_ =	sdelay $0x1  }
0x57c: {  	v5 =	vsub.f32 v5, v11  }
0x57d: {  	v15 =	vld.idx.msk [tilespmem:v15+s20+$0x0], $0xffff;
	v6 =	vsub.f32 v9, v6;
	v4 =	vsub.f32 v7, v4  }
0x57e: {  	v16 =	vsub.f32 v12, v8;
	v20 =	vmul.f32 v13, v5  }
0x57f: {  	v44 =	vsub.f32 v14, v10;
	v17 =	vmul.f32 v10, v6;
	v19 =	vmul.f32 v13, v4  }
0x580: {  	v11 =	vsub.f32 v5, v8;
	v21 =	vmul.f32 v6, v8;
	v8 =	vmul.f32 v8, v4  }
0x581: {  	v18 =	vsub.f32 v4, v10;
	v10 =	vmul.f32 v10, v5;
	v46 =	vmul.f32 v14, v6  }
0x582: {  	v45 =	vsub.f32 v15, v13;
	v47 =	vmul.f32 v15, v4;
	v15 =	vmul.f32 v15, v5  }
0x583: {  	v13 =	vsub.f32 v6, v13;
	v6 =	vmul.f32 v12, v6;
	v4 =	vmul.f32 v12, v4  }
0x584: {  	v5 =	vmul.f32 v14, v5;
	v7 =	vmul.f32 v45, v11  }
0x585: {  	v9 =	vmul.f32 v44, v11;
	v17 =	vsub.f32 v17, v19;
	v6 =	vsub.f32 v15, v6  }
0x586: {  	v20 =	vsub.f32 v20, v21;
	v8 =	vsub.f32 v8, v10;
	v49 =	vmul.f32 v44, v13  }
0x587: {  	v48 =	vsub.f32 v46, v47;
	v50 =	vmul.f32 v45, v18;
	v55 =	vmul.f32 v6, v6;
	v6 =	vld [tilespmem:s25+$0xFFFFFFA0]  }
0x588: {  	v4 =	vsub.f32 v4, v5;
	v51 =	vmul.f32 v16, v13;
	v52 =	vmul.f32 v16, v18  }
0x589: {  	v12 =	vsub.f32 v49, v50;
	v53 =	vmul.f32 v17, v17;
	v54 =	vmul.f32 v20, v20  }
0x58a: {  	v10 =	vmul.f32 v48, v48;
	v8 =	vmul.f32 v8, v8;
	v5 =	vsub.f32 v7, v51  }
0x58b: {  	v4 =	vmul.f32 v4, v4;
	v9 =	vsub.f32 v52, v9;
	v57 =	vadd.f32 v54, v53  }
0x58c: {  	v58 =	vadd.f32 v55, v10;
	v59 =	vmul.f32 v12, v12;
	v61 =	vadd.s32 $0x500, v6  }
0x58d: {  	v63 =	vld [tilespmem:s26+$0xFFFFFFA0];
	v5 =	vmul.f32 v5, v5;
	v9 =	vmul.f32 v9, v9;
	v28 =	vadd.s32 $0xA00, v6  }
0x58e: {  	v29 =	vld [tilespmem:s28+$0xFFFFFFA0];
	v8 =	vadd.f32 v57, v8;
	v4 =	vadd.f32 v58, v4;
	v30 =	vadd.s32 $0xF00, v6  }
0x58f: {  	v33 =	vld [tilespmem:s3+$0xFFFFFFA0];
	v5 =	vadd.f32 v5, v59;
	v34 =	vadd.s32 $0x1400, v6;
	v37 =	vadd.s32 $0x1E00, v6  }
0x590: {  	v22 =	vadd.s32 $0x1900, v6;
	v26 =	vadd.s32 $0x2800, v6;
	v11 =	vshrl.u32 v8, $0x1;
	v36 =	vld.idx.msk [tilespmem:v6+s20+$0x0], $0xffff  }
0x591: {  	v60 =	vmul.f32 $5.000000000e-01, v8;
	v31 =	vshrl.u32 v4, $0x1;
	v32 =	vmul.f32 $5.000000000e-01, v4;
	v13 =	vld.idx.msk [tilespmem:v61+s20+$0x0], $0xffff  }
0x592: {  	v5 =	vadd.f32 v5, v9;
	v62 =	vsub.s32 $0x5F3759DF, v11;
	v35 =	vsub.s32 $0x5F3759DF, v31;
	v14 =	vld.idx.msk [tilespmem:v28+s20+$0x0], $0xffff  }
0x593: {  	v25 =	vadd.s32 $0x2300, v6;
	v12 =	vmul.f32 v62, v60;
	v18 =	vmul.f32 v35, v32;
	v16 =	vld.idx.msk [tilespmem:v30+s20+$0x0], $0xffff  }
0x594: {  	v23 =	vshrl.u32 v5, $0x1;
	v24 =	vmul.f32 $5.000000000e-01, v5;
	v20 =	vld.idx.msk [tilespmem:v34+s20+$0x0], $0xffff  }
0x595: {  	v23 =	vsub.s32 $0x5F3759DF, v23;
	v12 =	vmul.f32 v62, v12;
	v18 =	vmul.f32 v35, v18;
	v22 =	vld.idx.msk [tilespmem:v22+s20+$0x0], $0xffff  }
0x596: {  	v24 =	vmul.f32 v23, v24;
	v40 =	vld.idx.msk [tilespmem:v26+s20+$0x0], $0xffff  }
0x597: {  	v21 =	vld.idx.msk [tilespmem:v37+s20+$0x0], $0xffff;
	v12 =	vsub.f32 $1.500000000e+00, v12;
	v18 =	vsub.f32 $1.500000000e+00, v18  }
0x598: {  	v56 =	vadd.s32 $0x5A00, v3;
	v39 =	vld.idx.msk [tilespmem:v25+s20+$0x0], $0xffff;
	v38 =	vmul.f32 v23, v24;
	v11 =	vsub.f32 v63, v36  }
0x599: {  	v7 =	vmul.f32 v62, v12;
	v9 =	vmul.f32 v35, v18  }
0x59a: {  	v12 =	vsub.f32 $1.500000000e+00, v38;
	v43 =	vsub.f32 v33, v14;
	v50 =	vmul.f32 v22, v11  }
0x59b: {  	v13 =	vsub.f32 v29, v13;
	v24 =	vmul.f32 v40, v11;
	v7 =	vmul.f32 v7, v8  }
0x59c: {  	v42 =	vsub.f32 v21, v16;
	v4 =	vmul.f32 v9, v4;
	v41 =	vmul.f32 v23, v12  }
0x59d: {  	v10 =	vld.idx.msk [tilespmem:v56+s20+$0x0], $0xffff;
	v44 =	vsub.f32 v39, v20;
	v47 =	vmul.f32 v20, v43;
	v49 =	vmul.f32 v22, v13  }
0x59e: {  	v46 =	vsub.f32 v11, v16;
	v51 =	vmul.f32 v43, v16;
	v16 =	vmul.f32 v16, v13  }
0x59f: {  	v48 =	vsub.f32 v13, v20;
	v20 =	vmul.f32 v20, v11;
	v52 =	vmul.f32 v39, v43  }
0x5a0: {  	v45 =	vsub.f32 v40, v22;
	v53 =	vmul.f32 v40, v13;
	v12 =	vmul.f32 v21, v43  }
0x5a1: {  	v13 =	vmul.f32 v21, v13;
	v11 =	vmul.f32 v39, v11  }
0x5a2: {  	v14 =	vmul.f32 v45, v46;
	v8 =	vmul.f32 v7, v10  }
0x5a3: {  	v22 =	vsub.f32 v43, v22;
	v4 =	vmul.f32 v4, v10;
	v5 =	vmul.f32 v41, v5  }
0x5a4: {  	v7 =	vmul.f32 v44, v46;
	v17 =	vsub.f32 v47, v49;
	v25 =	vsub.f32 v50, v51  }
0x5a5: {  	v16 =	vsub.f32 v16, v20;
	v54 =	vsub.f32 v52, v53;
	v55 =	vmul.f32 v44, v22  }
0x5a6: {  	v12 =	vsub.f32 v24, v12;
	v56 =	vmul.f32 v45, v48;
	v57 =	vmul.f32 v42, v22  }
0x5a7: {  	v11 =	vsub.f32 v13, v11;
	v9 =	vmul.f32 v42, v48;
	v5 =	vmul.f32 v5, v10  }
0x5a8: {  	v18 =	vsub.f32 v55, v56;
	v58 =	vmul.f32 v17, v17;
	v59 =	vmul.f32 v25, v25  }
0x5a9: {  	v13 =	vsub.f32 v14, v57;
	v16 =	vmul.f32 v16, v16;
	v60 =	vmul.f32 v54, v54  }
0x5aa: {  	v7 =	vsub.f32 v9, v7;
	v12 =	vmul.f32 v12, v12;
	v62 =	vmul.f32 v11, v11  }
0x5ab: {  	v61 =	vmul.f32 v18, v18;
	v13 =	vmul.f32 v13, v13  }
0x5ac: {  	v14 =	vadd.f32 v59, v58;
	v9 =	vadd.f32 v12, v60;
	v30 =	vmul.f32 v7, v7;
	v7 =	vld [tilespmem:s25+$0xFFFFFFB0]  }
0x5ad: {  	v31 =	vadd.f32 v5, v4;
	v29 =	vadd.f32 v13, v61  }
0x5ae: {  	v63 =	vadd.f32 v14, v16;
	v9 =	vadd.f32 v9, v62  }
0x5af: {  	v32 =	vadd.s32 $0x5A00, v6;
	v14 =	vadd.f32 v31, v8;
	v12 =	vadd.f32 v29, v30  }
0x5b0: {  	v33 =	vshrl.u32 v63, $0x1;
	v34 =	vshrl.u32 v9, $0x1;
	v35 =	vmul.f32 $5.000000000e-01, v9  }
0x5b1: {  	v40 =	vld [tilespmem:s26+$0xFFFFFFB0];
	v38 =	vmul.f32 $5.000000000e-01, v63;
	v14 =	vmax.f32 v14, $9.999999960e-13;
	v39 =	vadd.s32 $0x500, v7  }
0x5b2: {  	v42 =	vld [tilespmem:s28+$0xFFFFFFB0];
	v13 =	vsub.s32 $0x5F3759DF, v33;
	v15 =	vsub.s32 $0x5F3759DF, v34;
	v41 =	vadd.s32 $0xA00, v7  }
0x5b3: {  	v45 =	vld [tilespmem:s3+$0xFFFFFFB0];
	v43 =	vadd.s32 $0xF00, v7;
	(erf) = vrcp.f32 v14;
	v46 =	vadd.s32 $0x1400, v7  }
0x5b4: {  	v10 =	vld.idx.msk [tilespmem:v32+s20+$0x0], $0xffff;
	v27 =	vadd.s32 $0x1E00, v7;
	v36 =	vshrl.u32 v12, $0x1;
	v37 =	vmul.f32 $5.000000000e-01, v12  }
0x5b5: {  	v16 =	vmul.f32 v15, v35;
	v19 =	vmul.f32 v13, v38;
	v17 =	vsub.s32 $0x5F3759DF, v36;
	v47 =	vld.idx.msk [tilespmem:v7+s20+$0x0], $0xffff  }
0x5b6: {  	v28 =	vadd.s32 $0x2300, v7;
	v18 =	vmul.f32 v17, v37;
	v20 =	vld.idx.msk [tilespmem:v39+s20+$0x0], $0xffff  }
0x5b7: {  	v52 =	vadd.s32 $0x2800, v7;
	v16 =	vmul.f32 v15, v16;
	v44 =	vmul.f32 v13, v19;
	v49 =	vld.idx.msk [tilespmem:v41+s20+$0x0], $0xffff  }
0x5b8: {  	v18 =	vmul.f32 v17, v18;
	v51 =	vld.idx.msk [tilespmem:v43+s20+$0x0], $0xffff  }
0x5b9: {  	v59 =	vadd.s32 $0x2D00, v3;
	v16 =	vsub.f32 $1.500000000e+00, v16;
	v14 =	vsub.f32 $1.500000000e+00, v44;
	v54 =	vld.idx.msk [tilespmem:v27+s20+$0x0], $0xffff  }
0x5ba: {  	v60 =	vadd.s32 $0x3C00, v3;
	v61 =	vadd.s32 $0x4B00, v3;
	v53 =	vld.idx.msk [tilespmem:v46+s20+$0x0], $0xffff;
	v18 =	vsub.f32 $1.500000000e+00, v18  }
0x5bb: {  	v50 =	vadd.s32 $0x1900, v7;
	v55 =	vld.idx.msk [tilespmem:v28+s20+$0x0], $0xffff;
	v15 =	vmul.f32 v15, v16;
	v13 =	vmul.f32 v13, v14  }
0x5bc: {  	v57 =	vld.idx.msk [tilespmem:v52+s20+$0x0], $0xffff;
	v46 =	vadd.s32 $0x2D00, v6;
	v52 =	vadd.s32 $0x5A00, v7;
	v48 =	vmul.f32 v17, v18  }
0x5bd: {  	v21 =	vsub.f32 v40, v47;
	v9 =	vmul.f32 v15, v9;
	v11 =	vmul.f32 v13, v63;
	v25 =	vpop (erf)  }
0x5be: {  	v5 =	vmul.f32 v25, v5;
	v4 =	vmul.f32 v25, v4;
	v58 =	vsub.f32 v54, v51  }
0x5bf: {  	v17 =	vsub.f32 v45, v49;
	v15 =	vmul.f32 v53, v21;
	v8 =	vmul.f32 v25, v8  }
0x5c0: {  	v20 =	vsub.f32 v42, v20;
	v12 =	vmul.f32 v48, v12;
	v16 =	vmul.f32 v9, v10  }
0x5c1: {  	v18 =	vld.idx.msk [tilespmem:v50+s20+$0x0], $0xffff;
	v28 =	vsub.f32 v55, v53;
	v9 =	vmul.f32 v55, v21;
	v31 =	vmul.f32 v53, v17  }
0x5c2: {  	v29 =	vsub.f32 v21, v51;
	v34 =	vmul.f32 v17, v51;
	v14 =	vmul.f32 v51, v20  }
0x5c3: {  	v49 =	vadd.s32 $0x3C00, v6;
	v63 =	vmul.f32 v55, v17;
	v36 =	vmul.f32 v57, v20  }
0x5c4: {  	v30 =	vsub.f32 v20, v53;
	v37 =	vmul.f32 v54, v17;
	v13 =	vmul.f32 v54, v20  }
0x5c5: {  	v44 =	vmul.f32 v28, v29;
	v51 =	vadd.s32 $0x4B00, v6;
	v24 =	vmul.f32 v12, v10  }
0x5c6: {  	v12 =	vmul.f32 v11, v10;
	v11 =	vmul.f32 v57, v21;
	v62 =	vsub.f32 v57, v18  }
0x5c7: {  	v32 =	vmul.f32 v18, v20;
	v33 =	vsub.f32 v17, v18;
	v14 =	vsub.f32 v14, v15  }
0x5c8: {  	v18 =	vmul.f32 v18, v21;
	v38 =	vsub.f32 v63, v36;
	v9 =	vsub.f32 v13, v9  }
0x5c9: {  	v43 =	vmul.f32 v58, v30;
	v56 =	vadd.f32 v24, v16;
	v11 =	vsub.f32 v11, v37  }
0x5ca: {  	v31 =	vsub.f32 v31, v32;
	v39 =	vmul.f32 v28, v33;
	v40 =	vmul.f32 v62, v30  }
0x5cb: {  	v18 =	vsub.f32 v18, v34;
	v17 =	vmul.f32 v38, v38;
	v11 =	vmul.f32 v11, v11  }
0x5cc: {  	v19 =	vld.idx.msk [tilespmem:v61+s20+$0x0], $0xffff;
	v41 =	vmul.f32 v62, v29;
	v42 =	vmul.f32 v58, v33;
	v20 =	vsub.f32 v43, v44  }
0x5cd: {  	v9 =	vmul.f32 v9, v9;
	v15 =	vsub.f32 v39, v40;
	v11 =	vadd.f32 v11, v17  }
0x5ce: {  	v48 =	vld.idx.msk [tilespmem:v59+s20+$0x0], $0xffff;
	v13 =	vsub.f32 v41, v42;
	v45 =	vmul.f32 v31, v31;
	v18 =	vmul.f32 v18, v18  }
0x5cf: {  	v14 =	vmul.f32 v14, v14;
	v10 =	vadd.f32 v56, v12;
	v11 =	vadd.f32 v11, v9;
	v9 =	vld [tilespmem:s25+$0xFFFFFFC0]  }
0x5d0: {  	v61 =	vld [tilespmem:s26+$0xFFFFFFC0];
	v18 =	vadd.f32 v18, v45;
	v15 =	vmul.f32 v15, v15;
	v13 =	vmul.f32 v13, v13  }
0x5d1: {  	v50 =	vld.idx.msk [tilespmem:v60+s20+$0x0], $0xffff;
	v19 =	vmul.f32 v8, v19;
	v47 =	vmul.f32 v20, v20;
	v10 =	vmax.f32 v10, $9.999999960e-13  }
0x5d2: {  	v63 =	vld [tilespmem:s28+$0xFFFFFFC0];
	(erf) = vrcp.f32 v10;
	v13 =	vadd.f32 v13, v15;
	v14 =	vadd.f32 v18, v14  }
0x5d3: {  	v21 =	vld.idx.msk [tilespmem:v49+s20+$0x0], $0xffff;
	v20 =	vmul.f32 v5, v48;
	v54 =	vshrl.u32 v11, $0x1;
	v55 =	vmul.f32 $5.000000000e-01, v11  }
0x5d4: {  	v22 =	vld.idx.msk [tilespmem:v51+s20+$0x0], $0xffff;
	v13 =	vadd.f32 v13, v47;
	v53 =	vshrl.u32 v14, $0x1;
	v60 =	vadd.s32 $0x500, v9  }
0x5d5: {  	v41 =	vld [tilespmem:s3+$0xFFFFFFC0];
	v58 =	vmul.f32 $5.000000000e-01, v14;
	v26 =	vsub.s32 $0x5F3759DF, v54;
	v62 =	vadd.s32 $0xA00, v9  }
0x5d6: {  	v17 =	vld.idx.msk [tilespmem:v46+s20+$0x0], $0xffff;
	v23 =	vsub.s32 $0x5F3759DF, v53;
	v27 =	vmul.f32 v26, v55;
	v40 =	vadd.s32 $0xF00, v9  }
0x5d7: {  	v15 =	vld.idx.msk [tilespmem:v52+s20+$0x0], $0xffff;
	v56 =	vshrl.u32 v13, $0x1;
	v57 =	vmul.f32 $5.000000000e-01, v13;
	v35 =	vadd.s32 $0x1400, v9  }
0x5d8: {  	v59 =	vmul.f32 v23, v58;
	v44 =	vadd.s32 $0x1E00, v9;
	v28 =	vsub.s32 $0x5F3759DF, v56;
	v43 =	vld.idx.msk [tilespmem:v9+s20+$0x0], $0xffff  }
0x5d9: {  	v46 =	vadd.s32 $0x2300, v9;
	v27 =	vmul.f32 v26, v27;
	v29 =	vmul.f32 v28, v57;
	v45 =	vld.idx.msk [tilespmem:v60+s20+$0x0], $0xffff  }
0x5da: {  	v18 =	vmul.f32 v4, v50;
	v50 =	vadd.s32 $0x2800, v9;
	v10 =	vmul.f32 v23, v59;
	v47 =	vld.idx.msk [tilespmem:v62+s20+$0x0], $0xffff  }
0x5db: {  	v48 =	vadd.s32 $0x1900, v9;
	v27 =	vsub.f32 $1.500000000e+00, v27;
	v36 =	vpop (erf);
	v29 =	vmul.f32 v28, v29;
	v49 =	vld.idx.msk [tilespmem:v40+s20+$0x0], $0xffff  }
0x5dc: {  	v18 =	vadd.f32 v18, v20;
	v10 =	vsub.f32 $1.500000000e+00, v10;
	v12 =	vmul.f32 v36, v12;
	v35 =	vld.idx.msk [tilespmem:v35+s20+$0x0], $0xffff  }
0x5dd: {  	v30 =	vadd.s32 $0x5000, v3;
	v26 =	vmul.f32 v26, v27;
	v51 =	vld.idx.msk [tilespmem:v44+s20+$0x0], $0xffff;
	v29 =	vsub.f32 $1.500000000e+00, v29  }
0x5de: {  	v18 =	vadd.f32 v18, v19;
	v53 =	vld.idx.msk [tilespmem:v46+s20+$0x0], $0xffff;
	v10 =	vmul.f32 v23, v10;
	v19 =	vmul.f32 v12, v22  }
0x5df: {  	v59 =	vadd.s32 $0x2D00, v7;
	v56 =	vld.idx.msk [tilespmem:v50+s20+$0x0], $0xffff;
	v11 =	vmul.f32 v26, v11;
	v42 =	vmul.f32 v28, v29  }
0x5e0: {  	v55 =	vld.idx.msk [tilespmem:v48+s20+$0x0], $0xffff;
	v60 =	vadd.s32 $0x3C00, v7;
	v14 =	vmul.f32 v10, v14;
	v10 =	vmul.f32 v36, v24  }
0x5e1: {  	v24 =	vadd.s32 $0x3200, v3;
	v29 =	vadd.s32 $0x4100, v3;
	v37 =	vmul.f32 v11, v15  }
0x5e2: {  	v25 =	vsub.f32 v61, v43;
	v11 =	vmul.f32 v36, v16;
	v13 =	vmul.f32 v42, v13  }
0x5e3: {  	v20 =	vmul.f32 v14, v15;
	v17 =	vmul.f32 v10, v17;
	v57 =	vsub.f32 v51, v49  }
0x5e4: {  	v58 =	vsub.f32 v53, v35;
	v26 =	vsub.f32 v41, v47;
	v27 =	vmul.f32 v56, v25  }
0x5e5: {  	v23 =	vsub.f32 v63, v45;
	v54 =	vmul.f32 v11, v21;
	v21 =	vmul.f32 v55, v25  }
0x5e6: {  	v33 =	vsub.f32 v56, v55;
	v13 =	vmul.f32 v13, v15;
	v38 =	vmul.f32 v35, v26  }
0x5e7: {  	v61 =	vsub.f32 v25, v49;
	v39 =	vmul.f32 v55, v23;
	v41 =	vmul.f32 v26, v49  }
0x5e8: {  	v62 =	vsub.f32 v23, v35;
	v31 =	vmul.f32 v49, v23;
	v35 =	vmul.f32 v35, v25  }
0x5e9: {  	v42 =	vadd.s32 $0x3200, v7;
	v63 =	vmul.f32 v53, v26;
	v44 =	vmul.f32 v56, v23  }
0x5ea: {  	v40 =	vsub.f32 v26, v55;
	v26 =	vmul.f32 v51, v26;
	v16 =	vmul.f32 v51, v23  }
0x5eb: {  	v15 =	vmul.f32 v53, v25;
	v17 =	vadd.f32 v54, v17;
	v52 =	vadd.f32 v13, v37  }
0x5ec: {  	v49 =	vmul.f32 v33, v61;
	v38 =	vsub.f32 v38, v39;
	v21 =	vsub.f32 v21, v41  }
0x5ed: {  	v55 =	vadd.s32 $0x4B00, v7;
	v31 =	vsub.f32 v31, v35;
	v45 =	vsub.f32 v63, v44  }
0x5ee: {  	v46 =	vsub.f32 v27, v26;
	v47 =	vmul.f32 v58, v40;
	v48 =	vmul.f32 v33, v62  }
0x5ef: {  	v15 =	vsub.f32 v16, v15;
	v50 =	vmul.f32 v57, v40;
	v22 =	vmul.f32 v57, v62  }
0x5f0: {  	v57 =	vadd.s32 $0x5A00, v9;
	v39 =	vadd.s32 $0x3200, v6;
	v14 =	vadd.f32 v52, v20  }
0x5f1: {  	v17 =	vadd.f32 v17, v19;
	v25 =	vsub.f32 v47, v48;
	v51 =	vmul.f32 v38, v38  }
0x5f2: {  	[tilespmem:s5+$0xFFFFEFC0] =	vst v18;
	v18 =	vld [tilespmem:s25+$0xFFFFFFD0];
	v52 =	vmul.f32 v45, v45;
	v23 =	vmul.f32 v46, v46;
	v14 =	vmax.f32 v14, $9.999999960e-13  }
0x5f3: {  	v16 =	vsub.f32 v49, v50;
	(erf) = vrcp.f32 v14;
	v14 =	vmul.f32 v58, v61  }
0x5f4: {  	v21 =	vmul.f32 v21, v21;
	v15 =	vmul.f32 v15, v15;
	v23 =	vadd.f32 v23, v52  }
0x5f5: {  	v60 =	vld.idx.msk [tilespmem:v60+s20+$0x0], $0xffff;
	v25 =	vmul.f32 v25, v25;
	v16 =	vmul.f32 v16, v16;
	v22 =	vsub.f32 v22, v14  }
0x5f6: {  	v56 =	vld.idx.msk [tilespmem:v59+s20+$0x0], $0xffff;
	v54 =	vmul.f32 v31, v31;
	v21 =	vadd.f32 v21, v51;
	v23 =	vadd.f32 v23, v15  }
0x5f7: {  	v24 =	vld.idx.msk [tilespmem:v24+s20+$0x0], $0xffff;
	v45 =	vadd.s32 $0xF00, v18;
	v16 =	vadd.f32 v16, v25;
	v22 =	vmul.f32 v22, v22  }
0x5f8: {  	v29 =	vld.idx.msk [tilespmem:v29+s20+$0x0], $0xffff;
	v21 =	vadd.f32 v21, v54;
	v59 =	vshrl.u32 v23, $0x1;
	v61 =	vmul.f32 $5.000000000e-01, v23  }
0x5f9: {  	v46 =	vld [tilespmem:s3+$0xFFFFFFD0];
	v49 =	vadd.s32 $0x1900, v18;
	v27 =	vsub.s32 $0x5F3759DF, v59;
	v16 =	vadd.f32 v16, v22  }
0x5fa: {  	v47 =	vadd.s32 $0x1400, v18;
	v48 =	vld.idx.msk [tilespmem:v18+s20+$0x0], $0xffff;
	[tilespmem:s5+$0xFFFFEFD0] =	vst v17;
	v58 =	vshrl.u32 v21, $0x1;
	v31 =	vmul.f32 v27, v61  }
0x5fb: {  	v44 =	vld.idx.msk [tilespmem:v39+s20+$0x0], $0xffff;
	v36 =	vmul.f32 $5.000000000e-01, v21;
	v62 =	vshrl.u32 v16, $0x1;
	v63 =	vmul.f32 $5.000000000e-01, v16  }
0x5fc: {  	v25 =	vld.idx.msk [tilespmem:v55+s20+$0x0], $0xffff;
	v26 =	vsub.s32 $0x5F3759DF, v58;
	v31 =	vmul.f32 v27, v31;
	v32 =	vsub.s32 $0x5F3759DF, v62  }
0x5fd: {  	v40 =	vadd.s32 $0x4100, v6;
	v34 =	vld.idx.msk [tilespmem:v45+s20+$0x0], $0xffff;
	v38 =	vmul.f32 v26, v36;
	v53 =	vpop (erf);
	v33 =	vmul.f32 v32, v63  }
0x5fe: {  	v55 =	vld.idx.msk [tilespmem:v49+s20+$0x0], $0xffff;
	v31 =	vsub.f32 $1.500000000e+00, v31;
	v14 =	vmul.f32 v53, v13;
	v15 =	vmul.f32 v53, v37  }
0x5ff: {  	v41 =	vadd.s32 $0x5000, v6;
	v61 =	vld [tilespmem:s26+$0xFFFFFFD0];
	v13 =	vmul.f32 v53, v20;
	v33 =	vmul.f32 v32, v33  }
0x600: {  	v36 =	vld.idx.msk [tilespmem:v47+s20+$0x0], $0xffff;
	v62 =	vadd.s32 $0xA00, v18;
	v20 =	vmul.f32 v26, v38;
	v27 =	vmul.f32 v27, v31  }
0x601: {  	v22 =	vld.idx.msk [tilespmem:v57+s20+$0x0], $0xffff;
	v37 =	vmul.f32 v14, v56;
	v28 =	vmul.f32 v15, v60;
	v33 =	vsub.f32 $1.500000000e+00, v33  }
0x602: {  	v63 =	vld [tilespmem:s28+$0xFFFFFFD0];
	v25 =	vmul.f32 v13, v25;
	v20 =	vsub.f32 $1.500000000e+00, v20;
	v60 =	vadd.s32 $0x500, v18  }
0x603: {  	v23 =	vmul.f32 v27, v23;
	v27 =	vld.idx.msk [tilespmem:v40+s20+$0x0], $0xffff;
	v19 =	vadd.f32 v28, v37;
	v43 =	vmul.f32 v32, v33  }
0x604: {  	v57 =	vadd.s32 $0x4100, v7;
	v28 =	vld.idx.msk [tilespmem:v30+s20+$0x0], $0xffff;
	v20 =	vmul.f32 v26, v20  }
0x605: {  	v58 =	vadd.s32 $0x5000, v7;
	v52 =	vld.idx.msk [tilespmem:v62+s20+$0x0], $0xffff;
	v19 =	vadd.f32 v19, v25;
	v16 =	vmul.f32 v43, v16  }
0x606: {  	v53 =	vadd.s32 $0x2300, v18;
	v20 =	vmul.f32 v20, v21;
	v21 =	vld.idx.msk [tilespmem:v41+s20+$0x0], $0xffff  }
0x607: {  	v50 =	vld.idx.msk [tilespmem:v60+s20+$0x0], $0xffff;
	[tilespmem:s5+$0xFFFFEFE0] =	vst v19;
	v19 =	vmul.f32 v23, v22;
	v16 =	vmul.f32 v16, v22  }
0x608: {  	v51 =	vadd.s32 $0x1E00, v18;
	v54 =	vadd.s32 $0x2800, v18;
	v31 =	vmul.f32 v10, v44;
	v17 =	vld.idx.msk [tilespmem:v42+s20+$0x0], $0xffff  }
0x609: {  	v56 =	vmul.f32 v5, v24;
	v20 =	vmul.f32 v20, v22;
	v23 =	vld.idx.msk [tilespmem:v57+s20+$0x0], $0xffff;
	v59 =	vadd.f32 v16, v19  }
0x60a: {  	v60 =	vsub.f32 v61, v48;
	v61 =	vadd.s32 $0x2D00, v9;
	v24 =	vmul.f32 v11, v27;
	v30 =	vld.idx.msk [tilespmem:v58+s20+$0x0], $0xffff  }
0x60b: {  	v57 =	vmul.f32 v4, v29;
	v28 =	vmul.f32 v8, v28;
	v42 =	vld.idx.msk [tilespmem:v53+s20+$0x0], $0xffff;
	v22 =	vadd.f32 v59, v20  }
0x60c: {  	v39 =	vsub.f32 v60, v34;
	v31 =	vadd.f32 v24, v31;
	v27 =	vmul.f32 v12, v21  }
0x60d: {  	v62 =	vsub.f32 v63, v50;
	v63 =	vsub.f32 v46, v52;
	v22 =	vmax.f32 v22, $9.999999960e-13  }
0x60e: {  	v58 =	vld.idx.msk [tilespmem:v51+s20+$0x0], $0xffff;
	v52 =	vadd.s32 $0x3C00, v9;
	v46 =	vmul.f32 v55, v60;
	(erf) = vrcp.f32 v22  }
0x60f: {  	v31 =	vadd.f32 v31, v27;
	v25 =	vmul.f32 v14, v17;
	v26 =	vmul.f32 v15, v23  }
0x610: {  	v23 =	vmul.f32 v13, v30;
	v37 =	vsub.f32 v42, v36;
	v43 =	vmul.f32 v36, v63  }
0x611: {  	v59 =	vld.idx.msk [tilespmem:v54+s20+$0x0], $0xffff;
	v44 =	vmul.f32 v55, v62;
	v45 =	vsub.f32 v62, v36;
	v47 =	vmul.f32 v63, v34  }
0x612: {  	v41 =	vsub.f32 v63, v55;
	v36 =	vmul.f32 v36, v60;
	v54 =	vmul.f32 v42, v63  }
0x613: {  	v33 =	vmul.f32 v58, v63;
	v29 =	vmul.f32 v58, v62;
	v22 =	vadd.f32 v57, v56  }
0x614: {  	v43 =	vsub.f32 v43, v44;
	v57 =	vmul.f32 v37, v41;
	v37 =	vmul.f32 v37, v39  }
0x615: {  	v22 =	vadd.f32 v22, v28;
	v28 =	vsub.f32 v58, v34;
	v34 =	vmul.f32 v34, v62  }
0x616: {  	v46 =	vsub.f32 v46, v47;
	v48 =	vmul.f32 v59, v62;
	v21 =	vmul.f32 v59, v60  }
0x617: {  	v53 =	vsub.f32 v59, v55;
	v55 =	vmul.f32 v42, v60;
	v59 =	vmul.f32 v43, v43;
	v40 =	vpop (erf)  }
0x618: {  	v60 =	vmul.f32 v46, v46;
	v46 =	vadd.s32 $0x4B00, v9;
	v17 =	vmul.f32 v40, v19;
	v19 =	vld [tilespmem:s25+$0xFFFFFFE0]  }
0x619: {  	v34 =	vsub.f32 v34, v36;
	v56 =	vsub.f32 v54, v48;
	v58 =	vmul.f32 v53, v45  }
0x61a: {  	v21 =	vsub.f32 v21, v33;
	v29 =	vsub.f32 v29, v55;
	v38 =	vmul.f32 v53, v39  }
0x61b: {  	v41 =	vmul.f32 v28, v41;
	v33 =	vadd.f32 v60, v59;
	v28 =	vmul.f32 v28, v45  }
0x61c: {  	v30 =	vld.idx.msk [tilespmem:v61+s20+$0x0], $0xffff;
	v32 =	vsub.f32 v57, v58;
	v34 =	vmul.f32 v34, v34;
	v36 =	vmul.f32 v56, v56  }
0x61d: {  	v47 =	vld [tilespmem:s3+$0xFFFFFFE0];
	v21 =	vmul.f32 v21, v21;
	v38 =	vsub.f32 v38, v41;
	v61 =	vadd.s32 $0x500, v19  }
0x61e: {  	v35 =	vld.idx.msk [tilespmem:v52+s20+$0x0], $0xffff;
	v29 =	vmul.f32 v29, v29;
	v28 =	vsub.f32 v28, v37;
	v62 =	vadd.s32 $0xA00, v19  }
0x61f: {  	v33 =	vadd.f32 v33, v34;
	v34 =	vld [tilespmem:s26+$0xFFFFFFE0];
	v21 =	vadd.f32 v21, v36;
	v57 =	vadd.s32 $0x1400, v19  }
0x620: {  	v36 =	vld [tilespmem:s28+$0xFFFFFFE0];
	v32 =	vmul.f32 v32, v32;
	v54 =	vmul.f32 v38, v38;
	v60 =	vadd.s32 $0x2300, v19  }
0x621: {  	v28 =	vmul.f32 v28, v28;
	v55 =	vshrl.u32 v33, $0x1;
	v63 =	vadd.s32 $0xF00, v19;
	v44 =	vld.idx.msk [tilespmem:v19+s20+$0x0], $0xffff  }
0x622: {  	v56 =	vmul.f32 $5.000000000e-01, v33;
	v29 =	vadd.f32 v21, v29;
	v52 =	vadd.s32 $0x1900, v19;
	v42 =	vld.idx.msk [tilespmem:v61+s20+$0x0], $0xffff  }
0x623: {  	v32 =	vadd.f32 v54, v32;
	v58 =	vsub.s32 $0x5F3759DF, v55;
	v49 =	vadd.s32 $0x1E00, v19;
	v41 =	vld.idx.msk [tilespmem:v62+s20+$0x0], $0xffff  }
0x624: {  	v59 =	vmul.f32 v58, v56;
	v50 =	vshrl.u32 v29, $0x1;
	v51 =	vmul.f32 $5.000000000e-01, v29;
	v48 =	vld.idx.msk [tilespmem:v57+s20+$0x0], $0xffff  }
0x625: {  	v16 =	vmul.f32 v40, v16;
	v20 =	vmul.f32 v40, v20;
	v61 =	vsub.s32 $0x5F3759DF, v50;
	v45 =	vld.idx.msk [tilespmem:v60+s20+$0x0], $0xffff  }
0x626: {  	v28 =	vadd.f32 v32, v28;
	v43 =	vld.idx.msk [tilespmem:v63+s20+$0x0], $0xffff;
	v63 =	vmul.f32 v58, v59;
	v53 =	vmul.f32 v61, v51  }
0x627: {  	v30 =	vmul.f32 v16, v30;
	v35 =	vmul.f32 v17, v35;
	v62 =	vadd.s32 $0x2800, v19;
	v56 =	vld.idx.msk [tilespmem:v52+s20+$0x0], $0xffff  }
0x628: {  	v38 =	vld.idx.msk [tilespmem:v49+s20+$0x0], $0xffff;
	v59 =	vshrl.u32 v28, $0x1;
	v24 =	vsub.f32 $1.500000000e+00, v63;
	v55 =	vmul.f32 v61, v53  }
0x629: {  	v32 =	vadd.s32 $0x5A00, v18;
	v39 =	vsub.s32 $0x5F3759DF, v59;
	v34 =	vsub.f32 v34, v44  }
0x62a: {  	v21 =	vmul.f32 v58, v24;
	v57 =	vsub.f32 $1.500000000e+00, v55;
	v49 =	vsub.f32 v45, v48  }
0x62b: {  	v36 =	vsub.f32 v36, v42;
	v41 =	vsub.f32 v47, v41;
	v42 =	vmul.f32 $5.000000000e-01, v28  }
0x62c: {  	v47 =	vsub.f32 v34, v43;
	v37 =	vmul.f32 v56, v34;
	v33 =	vmul.f32 v21, v33  }
0x62d: {  	v58 =	vld.idx.msk [tilespmem:v62+s20+$0x0], $0xffff;
	v21 =	vsub.f32 v38, v43;
	v24 =	vmul.f32 v61, v57;
	v61 =	vmul.f32 v48, v41  }
0x62e: {  	v50 =	vsub.f32 v36, v48;
	v52 =	vmul.f32 v56, v36;
	v54 =	vmul.f32 v41, v43  }
0x62f: {  	v53 =	vsub.f32 v41, v56;
	v43 =	vmul.f32 v43, v36;
	v48 =	vmul.f32 v48, v34  }
0x630: {  	v62 =	vmul.f32 v45, v41;
	v41 =	vmul.f32 v38, v41;
	v51 =	vsub.f32 v61, v52  }
0x631: {  	v37 =	vsub.f32 v37, v54;
	v61 =	vmul.f32 v21, v53;
	v21 =	vmul.f32 v21, v50  }
0x632: {  	v43 =	vsub.f32 v43, v48;
	v63 =	vmul.f32 v58, v36;
	v40 =	vmul.f32 v58, v34  }
0x633: {  	v60 =	vsub.f32 v58, v56;
	v36 =	vmul.f32 v38, v36;
	v34 =	vmul.f32 v45, v34  }
0x634: {  	v52 =	vadd.s32 $0x5A00, v19;
	v58 =	vmul.f32 v49, v53;
	v37 =	vmul.f32 v37, v37  }
0x635: {  	v43 =	vmul.f32 v43, v43;
	v56 =	vsub.f32 v62, v63;
	v59 =	vmul.f32 v60, v50  }
0x636: {  	v57 =	vsub.f32 v40, v41;
	v34 =	vsub.f32 v36, v34;
	v60 =	vmul.f32 v60, v47  }
0x637: {  	v62 =	vmul.f32 v49, v47;
	v63 =	vmul.f32 v51, v51;
	v40 =	vsub.f32 v58, v59  }
0x638: {  	v36 =	vsub.f32 v60, v61;
	v49 =	vmul.f32 v56, v56;
	v38 =	vmul.f32 v57, v57  }
0x639: {  	v21 =	vsub.f32 v21, v62;
	v37 =	vadd.f32 v37, v63;
	v34 =	vmul.f32 v34, v34  }
0x63a: {  	v40 =	vmul.f32 v40, v40;
	v36 =	vmul.f32 v36, v36;
	v38 =	vadd.f32 v38, v49  }
0x63b: {  	v50 =	vmul.f32 v39, v42;
	v51 =	vmul.f32 v21, v21;
	v37 =	vadd.f32 v37, v43;
	v21 =	vld [tilespmem:s25+$0xFFFFFFF0]  }
0x63c: {  	v24 =	vmul.f32 v24, v29;
	v36 =	vadd.f32 v36, v40;
	v34 =	vadd.f32 v38, v34  }
0x63d: {  	v53 =	vmul.f32 v39, v50;
	v54 =	vshrl.u32 v37, $0x1;
	v59 =	vmul.f32 $5.000000000e-01, v37  }
0x63e: {  	v40 =	vsub.s32 $0x5F3759DF, v54;
	v36 =	vadd.f32 v36, v51;
	v55 =	vshrl.u32 v34, $0x1  }
0x63f: {  	v43 =	vld.idx.msk [tilespmem:v46+s20+$0x0], $0xffff;
	v56 =	vmul.f32 $5.000000000e-01, v34;
	v46 =	vmul.f32 v40, v59;
	v41 =	vsub.s32 $0x5F3759DF, v55  }
0x640: {  	v32 =	vld.idx.msk [tilespmem:v32+s20+$0x0], $0xffff;
	v62 =	vadd.s32 $0xF00, v21;
	v57 =	vshrl.u32 v36, $0x1;
	v58 =	vmul.f32 $5.000000000e-01, v36  }
0x641: {  	v48 =	vld [tilespmem:s26+$0xFFFFFFF0];
	v42 =	vmul.f32 v41, v56;
	v46 =	vmul.f32 v40, v46;
	v44 =	vsub.s32 $0x5F3759DF, v57  }
0x642: {  	v50 =	vld [tilespmem:s28+$0xFFFFFFF0];
	v29 =	vsub.f32 $1.500000000e+00, v53;
	v60 =	vadd.s32 $0x500, v21;
	v45 =	vmul.f32 v44, v58  }
0x643: {  	v38 =	vld.idx.msk [tilespmem:v52+s20+$0x0], $0xffff;
	v61 =	vadd.s32 $0xA00, v21;
	v42 =	vmul.f32 v41, v42;
	v46 =	vsub.f32 $1.500000000e+00, v46  }
0x644: {  	v52 =	vld [tilespmem:s3+$0xFFFFFFF0];
	v29 =	vmul.f32 v39, v29;
	v53 =	vadd.s32 $0x1400, v21;
	v45 =	vmul.f32 v44, v45  }
0x645: {  	v54 =	vadd.s32 $0x1E00, v21;
	v42 =	vsub.f32 $1.500000000e+00, v42;
	v59 =	vmul.f32 v40, v46;
	v40 =	vld.idx.msk [tilespmem:v62+s20+$0x0], $0xffff  }
0x646: {  	v35 =	vadd.f32 v35, v30;
	v57 =	vadd.s32 $0x1900, v21;
	v63 =	vsub.f32 $1.500000000e+00, v45;
	v45 =	vld.idx.msk [tilespmem:v21+s20+$0x0], $0xffff  }
0x647: {  	v28 =	vmul.f32 v29, v28;
	v58 =	vadd.s32 $0x2300, v21;
	v41 =	vmul.f32 v41, v42;
	v42 =	vld.idx.msk [tilespmem:v60+s20+$0x0], $0xffff  }
0x648: {  	v30 =	vmul.f32 v33, v32;
	v51 =	vadd.f32 v26, v25;
	v39 =	vmul.f32 v44, v63;
	v44 =	vld.idx.msk [tilespmem:v61+s20+$0x0], $0xffff  }
0x649: {  	v33 =	vadd.s32 $0x3700, v3;
	v24 =	vmul.f32 v24, v32;
	v28 =	vmul.f32 v28, v32;
	v63 =	vld.idx.msk [tilespmem:v53+s20+$0x0], $0xffff  }
0x64a: {  	v43 =	vmul.f32 v20, v43;
	v29 =	vadd.f32 v51, v23;
	v61 =	vmul.f32 v41, v34;
	v41 =	vld.idx.msk [tilespmem:v54+s20+$0x0], $0xffff  }
0x64b: {  	v60 =	vadd.s32 $0x2800, v21;
	v37 =	vmul.f32 v59, v37;
	v34 =	vld.idx.msk [tilespmem:v57+s20+$0x0], $0xffff;
	v53 =	vadd.f32 v28, v24  }
0x64c: {  	v32 =	vadd.s32 $0x4600, v3;
	v3 =	vadd.s32 $0x5500, v3;
	v35 =	vadd.f32 v35, v43;
	v47 =	vld.idx.msk [tilespmem:v58+s20+$0x0], $0xffff  }
0x64d: {  	v27 =	vmul.f32 v37, v38;
	v62 =	vmul.f32 v39, v36;
	v55 =	vadd.f32 v53, v30  }
0x64e: {  	v25 =	vmul.f32 v61, v38;
	v57 =	vsub.f32 v50, v42;
	v45 =	vsub.f32 v48, v45  }
0x64f: {  	v26 =	vmul.f32 v62, v38;
	v56 =	vmax.f32 v55, $9.999999960e-13;
	v43 =	vsub.f32 v41, v40  }
0x650: {  	v37 =	vld.idx.msk [tilespmem:v60+s20+$0x0], $0xffff;
	v58 =	vsub.f32 v52, v44;
	(erf) = vrcp.f32 v56;
	v60 =	vmul.f32 v34, v57  }
0x651: {  	v23 =	vld [tilespmem:s25+$0x0];
	v44 =	vsub.f32 v47, v63;
	v61 =	vmul.f32 v34, v45;
	v36 =	vmul.f32 v63, v45  }
0x652: {  	v49 =	vsub.f32 v45, v40;
	v38 =	vmul.f32 v41, v57;
	v59 =	vmul.f32 v63, v58  }
0x653: {  	v54 =	vadd.f32 v26, v25;
	v51 =	vmul.f32 v58, v40;
	v40 =	vmul.f32 v40, v57  }
0x654: {  	v52 =	vsub.f32 v57, v63;
	v62 =	vmul.f32 v47, v58;
	v42 =	vmul.f32 v41, v58  }
0x655: {  	v39 =	vadd.f32 v54, v27;
	v46 =	vsub.f32 v37, v34;
	v63 =	vmul.f32 v37, v57  }
0x656: {  	v34 =	vsub.f32 v58, v34;
	v37 =	vmul.f32 v37, v45;
	v58 =	vadd.s32 $0x500, v23  }
0x657: {  	v48 =	vsub.f32 v59, v60;
	v50 =	vsub.f32 v61, v51;
	v51 =	vmul.f32 v47, v45  }
0x658: {  	v36 =	vsub.f32 v40, v36;
	v60 =	vadd.s32 $0xA00, v23;
	v39 =	vmax.f32 v39, $9.999999960e-13  }
0x659: {  	v55 =	vsub.f32 v62, v63;
	v56 =	vmul.f32 v44, v34;
	v57 =	vmul.f32 v46, v52  }
0x65a: {  	v41 =	vld [tilespmem:s3+$0x0];
	v37 =	vsub.f32 v37, v42;
	v59 =	vmul.f32 v46, v49;
	v34 =	vmul.f32 v43, v34  }
0x65b: {  	v46 =	vld [tilespmem:s26+$0x0];
	v62 =	vadd.s32 $0x1900, v23;
	v63 =	vadd.s32 $0xF00, v23;
	v43 =	vmul.f32 v43, v52  }
0x65c: {  	v38 =	vsub.f32 v38, v51;
	v51 =	vld [tilespmem:s28+$0x0];
	v40 =	vmul.f32 v55, v55;
	v37 =	vmul.f32 v37, v37  }
0x65d: {  	v61 =	vadd.s32 $0x1400, v23;
	v44 =	vmul.f32 v44, v49;
	(erf) = vrcp.f32 v39;
	v42 =	vld.idx.msk [tilespmem:v58+s20+$0x0], $0xffff  }
0x65e: {  	v48 =	vmul.f32 v48, v48;
	v39 =	vsub.f32 v56, v57;
	v37 =	vadd.f32 v37, v40;
	v40 =	vld.idx.msk [tilespmem:v23+s20+$0x0], $0xffff  }
0x65f: {  	v34 =	vsub.f32 v59, v34;
	v56 =	vadd.s32 $0x2300, v23;
	v38 =	vmul.f32 v38, v38;
	v57 =	vld.idx.msk [tilespmem:v60+s20+$0x0], $0xffff  }
0x660: {  	v43 =	vsub.f32 v43, v44;
	v59 =	vmul.f32 v50, v50;
	v58 =	vadd.s32 $0x2800, v23;
	v45 =	vld.idx.msk [tilespmem:v62+s20+$0x0], $0xffff  }
0x661: {  	v36 =	vmul.f32 v36, v36;
	v39 =	vmul.f32 v39, v39;
	v52 =	vld.idx.msk [tilespmem:v63+s20+$0x0], $0xffff;
	v37 =	vadd.f32 v37, v38  }
0x662: {  	v50 =	vld.idx.msk [tilespmem:v61+s20+$0x0], $0xffff;
	v34 =	vmul.f32 v34, v34;
	v44 =	vadd.f32 v59, v48;
	v43 =	vmul.f32 v43, v43  }
0x663: {  	v63 =	vadd.s32 $0x1E00, v23;
	v60 =	vshrl.u32 v37, $0x1;
	v61 =	vmul.f32 $5.000000000e-01, v37  }
0x664: {  	v34 =	vadd.f32 v34, v39;
	v49 =	vld.idx.msk [tilespmem:v56+s20+$0x0], $0xffff;
	v42 =	vsub.f32 v51, v42;
	v48 =	vsub.s32 $0x5F3759DF, v60  }
0x665: {  	v47 =	vld.idx.msk [tilespmem:v58+s20+$0x0], $0xffff;
	v38 =	vsub.f32 v41, v57;
	v40 =	vsub.f32 v46, v40;
	v62 =	vmul.f32 v48, v61  }
0x666: {  	v36 =	vadd.f32 v44, v36;
	v55 =	vmul.f32 v45, v42;
	v59 =	vmul.f32 v52, v42  }
0x667: {  	v41 =	vadd.f32 v34, v43;
	v54 =	vmul.f32 v50, v38;
	v56 =	vmul.f32 v45, v40  }
0x668: {  	v58 =	vld.idx.msk [tilespmem:v63+s20+$0x0], $0xffff;
	v63 =	vadd.s32 $0x3200, v9;
	v57 =	vmul.f32 v38, v52;
	v60 =	vmul.f32 v50, v40  }
0x669: {  	v39 =	vmul.f32 v48, v62;
	v61 =	vmul.f32 v49, v38;
	v34 =	vsub.f32 v54, v55  }
0x66a: {  	v44 =	vsub.f32 v56, v57;
	v62 =	vmul.f32 v47, v42;
	v43 =	vsub.f32 v59, v60  }
0x66b: {  	v57 =	vsub.f32 v47, v45;
	v47 =	vmul.f32 v47, v40;
	v45 =	vsub.f32 v38, v45  }
0x66c: {  	v56 =	vshrl.u32 v41, $0x1;
	v55 =	vadd.s32 $0x3700, v7;
	v39 =	vsub.f32 $1.500000000e+00, v39  }
0x66d: {  	[tilespmem:s5+$0xFFFFEFF0] =	vst v35;
	v46 =	vsub.f32 v61, v62;
	v38 =	vmul.f32 v58, v38;
	v51 =	vsub.f32 v58, v52  }
0x66e: {  	v52 =	vsub.f32 v40, v52;
	v40 =	vmul.f32 v49, v40;
	v61 =	vld.idx.msk [tilespmem:v63+s20+$0x0], $0xffff;
	v63 =	vmul.f32 $5.000000000e-01, v36  }
0x66f: {  	v62 =	vshrl.u32 v36, $0x1;
	v34 =	vmul.f32 v34, v34;
	v44 =	vmul.f32 v44, v44  }
0x670: {  	v43 =	vmul.f32 v43, v43;
	v39 =	vmul.f32 v48, v39;
	v48 =	vsub.f32 v49, v50  }
0x671: {  	v50 =	vsub.f32 v42, v50;
	v42 =	vmul.f32 v58, v42;
	v53 =	vsub.s32 $0x5F3759DF, v62  }
0x672: {  	v58 =	vsub.f32 v47, v38;
	v54 =	vmul.f32 v57, v52;
	v46 =	vmul.f32 v46, v46  }
0x673: {  	v47 =	vadd.s32 $0x3700, v6;
	v59 =	vmul.f32 v48, v45;
	v60 =	vmul.f32 v57, v50  }
0x674: {  	v45 =	vmul.f32 v51, v45;
	v40 =	vsub.f32 v42, v40;
	v42 =	vmul.f32 v53, v63  }
0x675: {  	v34 =	vadd.f32 v44, v34;
	v50 =	vmul.f32 v51, v50;
	v48 =	vmul.f32 v48, v52  }
0x676: {  	v57 =	vmul.f32 $5.000000000e-01, v41;
	v51 =	vsub.s32 $0x5F3759DF, v56;
	v37 =	vmul.f32 v39, v37  }
0x677: {  	v35 =	vmul.f32 v58, v58;
	v43 =	vadd.f32 v34, v43;
	v38 =	vsub.f32 v59, v60  }
0x678: {  	v45 =	vsub.f32 v54, v45;
	v42 =	vmul.f32 v53, v42;
	v52 =	vmul.f32 v51, v57  }
0x679: {  	v48 =	vsub.f32 v50, v48;
	v50 =	vadd.s32 $0x5A00, v21;
	v40 =	vmul.f32 v40, v40  }
0x67a: {  	v35 =	vadd.f32 v35, v46;
	v38 =	vmul.f32 v38, v38;
	v58 =	vmul.f32 v45, v45  }
0x67b: {  	v62 =	vshrl.u32 v43, $0x1;
	v42 =	vsub.f32 $1.500000000e+00, v42;
	v59 =	vmul.f32 v51, v52  }
0x67c: {  	v60 =	vmul.f32 v48, v48;
	v35 =	vadd.f32 v35, v40;
	v38 =	vadd.f32 v58, v38  }
0x67d: {  	v49 =	vmul.f32 v16, v61;
	v40 =	vsub.s32 $0x5F3759DF, v62;
	v42 =	vmul.f32 v53, v42  }
0x67e: {  	v61 =	vsub.f32 $1.500000000e+00, v59;
	v63 =	vshrl.u32 v35, $0x1;
	v38 =	vadd.f32 v38, v60  }
0x67f: {  	v59 =	vmul.f32 $5.000000000e-01, v43;
	v56 =	vmul.f32 $5.000000000e-01, v35;
	v44 =	vsub.s32 $0x5F3759DF, v63  }
0x680: {  	v50 =	vld.idx.msk [tilespmem:v50+s20+$0x0], $0xffff;
	v60 =	vadd.s32 $0x4100, v9;
	v57 =	vshrl.u32 v38, $0x1;
	v58 =	vmul.f32 $5.000000000e-01, v38  }
0x681: {  	v51 =	vmul.f32 v51, v61;
	v52 =	vmul.f32 v40, v59;
	v46 =	vsub.s32 $0x5F3759DF, v57  }
0x682: {  	[tilespmem:s5+$0xFFFFFFD0] =	vst v31;
	v39 =	vadd.s32 $0x5A00, v23;
	v45 =	vmul.f32 v44, v56;
	v48 =	vmul.f32 v46, v58  }
0x683: {  	[tilespmem:s5+$0xFFFFFFE0] =	vst v29;
	v54 =	vadd.s32 $0x4600, v6;
	v41 =	vmul.f32 v51, v41;
	v63 =	vmul.f32 v40, v52  }
0x684: {  	[tilespmem:s5+$0xFFFFFFC0] =	vst v22;
	v31 =	vld.idx.msk [tilespmem:v55+s20+$0x0], $0xffff;
	v6 =	vadd.s32 $0x5500, v6;
	v61 =	vmul.f32 v44, v45;
	v62 =	vmul.f32 v46, v48  }
0x685: {  	v34 =	vld.idx.msk [tilespmem:v33+s20+$0x0], $0xffff;
	v36 =	vmul.f32 v42, v36;
	v37 =	vmul.f32 v37, v50;
	v57 =	vsub.f32 $1.500000000e+00, v63  }
0x686: {  	v41 =	vmul.f32 v41, v50;
	v22 =	vsub.f32 $1.500000000e+00, v61;
	v58 =	vld.idx.msk [tilespmem:v60+s20+$0x0], $0xffff;
	v56 =	vsub.f32 $1.500000000e+00, v62  }
0x687: {  	v39 =	vld.idx.msk [tilespmem:v39+s20+$0x0], $0xffff;
	v59 =	vadd.s32 $0x2D00, v18;
	v36 =	vmul.f32 v36, v50;
	v40 =	vmul.f32 v40, v57  }
0x688: {  	v33 =	vld.idx.msk [tilespmem:v32+s20+$0x0], $0xffff;
	v48 =	vadd.s32 $0x5000, v9;
	v22 =	vmul.f32 v44, v22;
	v60 =	vmul.f32 v46, v56  }
0x689: {  	v32 =	vld.idx.msk [tilespmem:v3+s20+$0x0], $0xffff;
	v61 =	vadd.s32 $0x3C00, v18;
	v62 =	vadd.f32 v41, v37;
	v40 =	vmul.f32 v40, v43  }
0x68a: {  	v3 =	vld.idx.msk [tilespmem:v47+s20+$0x0], $0xffff;
	v63 =	vadd.s32 $0x2D00, v19;
	v35 =	vmul.f32 v22, v35;
	v38 =	vmul.f32 v60, v38  }
0x68b: {  	v6 =	vld.idx.msk [tilespmem:v6+s20+$0x0], $0xffff;
	v56 =	vadd.s32 $0x3C00, v19;
	v42 =	vadd.f32 v62, v36;
	v45 =	vmul.f32 v17, v58  }
0x68c: {  	v59 =	vld.idx.msk [tilespmem:v59+s20+$0x0], $0xffff;
	v58 =	vadd.s32 $0x4B00, v18;
	v35 =	vmul.f32 v35, v39;
	v38 =	vmul.f32 v38, v39  }
0x68d: {  	v51 =	vadd.s32 $0x4600, v7;
	v52 =	vadd.s32 $0x5500, v7;
	v57 =	vld.idx.msk [tilespmem:v48+s20+$0x0], $0xffff;
	v48 =	vadd.s32 $0x4B00, v19  }
0x68e: {  	v53 =	vld.idx.msk [tilespmem:v61+s20+$0x0], $0xffff;
	v61 =	vpop (erf);
	v42 =	vmax.f32 v42, $9.999999960e-13;
	v39 =	vmul.f32 v40, v39;
	v60 =	vadd.f32 v38, v35  }
0x68f: {  	v44 =	vld.idx.msk [tilespmem:v63+s20+$0x0], $0xffff;
	v63 =	vadd.s32 $0x2D00, v21;
	v7 =	vmul.f32 v61, v28;
	(erf) = vrcp.f32 v42  }
0x690: {  	v28 =	vmul.f32 v61, v24;
	v24 =	vmul.f32 v61, v30;
	v46 =	vld.idx.msk [tilespmem:v56+s20+$0x0], $0xffff;
	v40 =	vadd.f32 v60, v39  }
0x691: {  	v62 =	vadd.f32 v45, v49;
	v56 =	vadd.s32 $0x3C00, v21;
	v30 =	vld.idx.msk [tilespmem:v58+s20+$0x0], $0xffff;
	v58 =	vmul.f32 v7, v59;
	v59 =	vpop (erf)  }
0x692: {  	v52 =	vld.idx.msk [tilespmem:v52+s20+$0x0], $0xffff;
	v43 =	vmul.f32 v20, v57;
	v26 =	vmul.f32 v59, v26;
	v57 =	vmax.f32 v40, $9.999999960e-13  }
0x693: {  	v25 =	vmul.f32 v59, v25;
	v60 =	vld.idx.msk [tilespmem:v48+s20+$0x0], $0xffff;
	v48 =	vadd.s32 $0x4B00, v21;
	(erf) = vrcp.f32 v57  }
0x694: {  	v22 =	vld.idx.msk [tilespmem:v54+s20+$0x0], $0xffff;
	v61 =	vadd.s32 $0x2D00, v23;
	v45 =	vadd.s32 $0x3C00, v23;
	v53 =	vmul.f32 v28, v53  }
0x695: {  	v42 =	vadd.f32 v62, v43;
	v62 =	vmul.f32 v26, v44;
	v40 =	vld.idx.msk [tilespmem:v63+s20+$0x0], $0xffff;
	v63 =	vmul.f32 v25, v46  }
0x696: {  	v54 =	vadd.s32 $0x4B00, v23;
	v27 =	vmul.f32 v59, v27;
	v53 =	vadd.f32 v53, v58;
	v46 =	vld.idx.msk [tilespmem:v56+s20+$0x0], $0xffff  }
0x697: {  	v49 =	vld.idx.msk [tilespmem:v51+s20+$0x0], $0xffff;
	v56 =	vmul.f32 v24, v30;
	v43 =	vadd.f32 v63, v62;
	v62 =	vadd.s32 $0x4100, v18  }
0x698: {  	v55 =	vpop (erf);
	v63 =	vadd.s32 $0x5000, v18;
	v60 =	vmul.f32 v27, v60;
	v47 =	vld.idx.msk [tilespmem:v48+s20+$0x0], $0xffff;
	v48 =	vadd.s32 $0x3200, v18  }
0x699: {  	v29 =	vmul.f32 v55, v41;
	v30 =	vmul.f32 v55, v37;
	v37 =	vld.idx.msk [tilespmem:v61+s20+$0x0], $0xffff;
	v61 =	vadd.f32 v53, v56  }
0x69a: {  	v51 =	vadd.s32 $0x3700, v9;
	v45 =	vld.idx.msk [tilespmem:v45+s20+$0x0], $0xffff;
	v58 =	vadd.s32 $0x3200, v19  }
0x69b: {  	v54 =	vld.idx.msk [tilespmem:v54+s20+$0x0], $0xffff;
	v59 =	vadd.s32 $0x4100, v19;
	v40 =	vmul.f32 v29, v40;
	v57 =	vmul.f32 v30, v46;
	[tilespmem:s5+$0xFFFFF000] =	vst v61  }
0x69c: {  	[tilespmem:s5+$0xFFFFFFF0] =	vst v42;
	v36 =	vmul.f32 v55, v36;
	v43 =	vadd.f32 v43, v60;
	v61 =	vadd.s32 $0x5000, v19;
	v42 =	vld.idx.msk [tilespmem:v62+s20+$0x0], $0xffff;
	v60 =	vpop (erf)  }
0x69d: {  	v40 =	vadd.f32 v57, v40;
	v50 =	vld.idx.msk [tilespmem:v63+s20+$0x0], $0xffff;
	v38 =	vmul.f32 v60, v38;
	v35 =	vmul.f32 v60, v35  }
0x69e: {  	v62 =	vadd.s32 $0x3200, v21;
	[tilespmem:s5+$0xFFFFF010] =	vst v43;
	v44 =	vld.idx.msk [tilespmem:v48+s20+$0x0], $0xffff;
	v47 =	vmul.f32 v36, v47;
	v39 =	vmul.f32 v60, v39  }
0x69f: {  	v63 =	vadd.s32 $0x4100, v21;
	v41 =	vld.idx.msk [tilespmem:v58+s20+$0x0], $0xffff;
	v37 =	vmul.f32 v38, v37;
	v45 =	vmul.f32 v35, v45  }
0x6a0: {  	v57 =	vadd.s32 $0x5000, v21;
	v46 =	vld.idx.msk [tilespmem:v59+s20+$0x0], $0xffff;
	v40 =	vadd.f32 v40, v47  }
0x6a1: {  	v51 =	vld.idx.msk [tilespmem:v51+s20+$0x0], $0xffff;
	v59 =	vadd.s32 $0x3200, v23;
	v58 =	vmul.f32 v39, v54;
	v37 =	vadd.f32 v45, v37  }
0x6a2: {  	v48 =	vld.idx.msk [tilespmem:v61+s20+$0x0], $0xffff;
	v60 =	vadd.s32 $0x4100, v23;
	[tilespmem:s5+$0xFFFFF020] =	vst v40  }
0x6a3: {  	v5 =	vmul.f32 v5, v34;
	v61 =	vadd.s32 $0x4600, v9;
	v53 =	vld.idx.msk [tilespmem:v62+s20+$0x0], $0xffff;
	v37 =	vadd.f32 v37, v58  }
0x6a4: {  	v42 =	vmul.f32 v28, v42;
	v44 =	vmul.f32 v7, v44;
	v34 =	vld.idx.msk [tilespmem:v63+s20+$0x0], $0xffff;
	v62 =	vadd.s32 $0x5000, v23  }
0x6a5: {  	v9 =	vadd.s32 $0x5500, v9;
	v47 =	vld.idx.msk [tilespmem:v57+s20+$0x0], $0xffff;
	v41 =	vmul.f32 v26, v41;
	v46 =	vmul.f32 v25, v46;
	[tilespmem:s5+$0xFFFFF030] =	vst v37  }
0x6a6: {  	v55 =	vadd.s32 $0x3700, v18;
	v63 =	vmul.f32 v24, v50;
	v42 =	vadd.f32 v42, v44;
	v56 =	vld.idx.msk [tilespmem:v59+s20+$0x0], $0xffff  }
0x6a7: {  	v4 =	vmul.f32 v4, v33;
	v41 =	vadd.f32 v46, v41;
	v58 =	vadd.s32 $0x4600, v18;
	v40 =	vld.idx.msk [tilespmem:v60+s20+$0x0], $0xffff  }
0x6a8: {  	v44 =	vld.idx.msk [tilespmem:v61+s20+$0x0], $0xffff;
	v57 =	vadd.f32 v42, v63;
	v18 =	vadd.s32 $0x5500, v18;
	v61 =	vmul.f32 v29, v53  }
0x6a9: {  	v34 =	vmul.f32 v30, v34;
	v59 =	vmul.f32 v27, v48;
	v60 =	vadd.s32 $0x3700, v19;
	v43 =	vld.idx.msk [tilespmem:v62+s20+$0x0], $0xffff  }
0x6aa: {  	v4 =	vadd.f32 v4, v5;
	v5 =	vld.idx.msk [tilespmem:v9+s20+$0x0], $0xffff;
	v63 =	vadd.s32 $0x4600, v19;
	v53 =	vadd.s32 $0x3700, v21;
	[tilespmem:s5+$0x0] =	vst v57  }
0x6ab: {  	v37 =	vld.idx.msk [tilespmem:v55+s20+$0x0], $0xffff;
	v34 =	vadd.f32 v34, v61;
	v48 =	vmul.f32 v36, v47;
	v62 =	vadd.f32 v41, v59  }
0x6ac: {  	v57 =	vadd.s32 $0x4600, v21;
	v42 =	vld.idx.msk [tilespmem:v58+s20+$0x0], $0xffff;
	v54 =	vmul.f32 v38, v56;
	v40 =	vmul.f32 v35, v40  }
0x6ad: {  	v14 =	vmul.f32 v14, v31;
	v19 =	vadd.s32 $0x5500, v19;
	v55 =	vld.idx.msk [tilespmem:v18+s20+$0x0], $0xffff;
	[tilespmem:s5+$0x10] =	vst v62;
	v56 =	vadd.f32 v34, v48  }
0x6ae: {  	v58 =	vld.idx.msk [tilespmem:v60+s20+$0x0], $0xffff;
	v59 =	vmul.f32 v39, v43;
	v60 =	vadd.s32 $0x3700, v23;
	v40 =	vadd.f32 v40, v54  }
0x6af: {  	v8 =	vmul.f32 v8, v32;
	v3 =	vmul.f32 v10, v3;
	v62 =	vld.idx.msk [tilespmem:v63+s20+$0x0], $0xffff;
	v63 =	vadd.s32 $0x4600, v23;
	[tilespmem:s5+$0x20] =	vst v56  }
0x6b0: {  	v61 =	vmul.f32 v11, v22;
	v41 =	vadd.s32 $0x5500, v21;
	v45 =	vld.idx.msk [tilespmem:v53+s20+$0x0], $0xffff;
	v33 =	vadd.f32 v40, v59  }
0x6b1: {  	v6 =	vmul.f32 v12, v6;
	v13 =	vmul.f32 v13, v52;
	v46 =	vadd.s32 $0x5500, v23;
	v47 =	vld.idx.msk [tilespmem:v57+s20+$0x0], $0xffff  }
0x6b2: {  	v15 =	vmul.f32 v15, v49;
	v3 =	vadd.f32 v61, v3;
	v40 =	vld.idx.msk [tilespmem:v19+s20+$0x0], $0xffff;
	[tilespmem:s5+$0x30] =	vst v33  }
0x6b3: {  	v4 =	vadd.f32 v4, v8;
	v49 =	vmul.f32 v17, v44;
	v48 =	vmul.f32 v16, v51;
	v50 =	vld.idx.msk [tilespmem:v60+s20+$0x0], $0xffff  }
0x6b4: {  	v14 =	vadd.f32 v15, v14;
	v5 =	vmul.f32 v20, v5;
	v3 =	vadd.f32 v3, v6;
	v51 =	vld.idx.msk [tilespmem:v63+s20+$0x0], $0xffff  }
0x6b5: {  	v7 =	vmul.f32 v7, v37;
	v6 =	vadd.f32 v49, v48;
	v52 =	vmul.f32 v28, v42;
	v19 =	vld.idx.msk [tilespmem:v41+s20+$0x0], $0xffff  }
0x6b6: {  	v13 =	vadd.f32 v14, v13;
	v9 =	vmul.f32 v24, v55;
	v53 =	vmul.f32 v26, v58;
	v12 =	vld.idx.msk [tilespmem:v46+s20+$0x0], $0xffff  }
0x6b7: {  	v5 =	vadd.f32 v6, v5;
	v54 =	vmul.f32 v25, v62;
	v57 =	vmul.f32 v29, v45  }
0x6b8: {  	[tilespmem:s5+$0xFC0] =	vst v4;
	v56 =	vadd.f32 v52, v7;
	v8 =	vmul.f32 v30, v47;
	v55 =	vmul.f32 v27, v40  }
0x6b9: {  	s0 =	sadd.s32 $0x8, s0;
	[tilespmem:s5+$0xFD0] =	vst v3;
	v3 =	vadd.f32 v54, v53;
	v58 =	vmul.f32 v38, v50;
	v59 =	vmul.f32 v35, v51  }
0x6ba: {  	p0 =	slt.u32 s0, $0xF8;
	[tilespmem:s5+$0xFE0] =	vst v13;
	v4 =	vadd.f32 v56, v9;
	v60 =	vmul.f32 v36, v19;
	v7 =	vadd.f32 v8, v57  }
.Ltmp7:
0x6bb: {  	[tilespmem:s5+$0xFF0] =	vst v5;
	v3 =	vadd.f32 v3, v55;
	v62 =	vmul.f32 v39, v12;
	v61 =	vadd.f32 v59, v58;
	(pc) =	sbr.rel @p0 .LBB2_12-.Ltmp7, $4  }
0x6bc: {  	[tilespmem:s5+$0x1000] =	vst v4;
	v63 =	vadd.f32 v7, v60  }
0x6bd: {  	[tilespmem:s5+$0x1010] =	vst v3;
	v3 =	vadd.f32 v61, v62  }
0x6be: {  	s25 =	sadd.s32 $0x80, s25;
	s3 =	sadd.s32 $0x80, s3;
	[tilespmem:s5+$0x1020] =	vst v63  }
0x6bf: {  	s26 =	sadd.s32 $0x80, s26;
	s28 =	sadd.s32 $0x80, s28;
	[tilespmem:s5+$0x1030] =	vst v3;
	s5 =	sadd.s32 $0x80, s5  }
0x6c0: {  	s0 =	rddreg [dreg:$0x6];
	s1 =	simm.s32 $0x15B80  }
0x6c1: {  	[hbm4b:s0+s2] =	stream.linear.scatter [tilespmem:s1], [sflag:$0x2], $0x1000, $0x38;
	[tilespmem:$0x18B80] =	vst v63  }
0x6c2: {  	_ =	swait.ge [sflag:s14], $0x1000  }
0x6c3: {  	[sflag:s14] =	ssyncset.done $0x0  }
0x6c4: {  	s26 =	simm.s32 $0x16B80;
	s25 =	rddreg [dreg:$0x7];
	[sflag:s14] =	ssyncadd.s32 $0xFFFFF000  }
0x6c5: {  	[hbm4b:s25+s2] =	stream.linear.scatter [tilespmem:s26], [sflag:$0x2], $0x1000, $0x38;
	[tilespmem:$0x18B80] =	vst v63  }
0x6c6: {  	_ =	swait.ge [sflag:s14], $0x1000  }
0x6c7: {  	[sflag:s14] =	ssyncset.done $0x0  }
0x6c8: {  	s29 =	simm.s32 $0x17B80;
	s28 =	rddreg [dreg:$0x8];
	[sflag:s14] =	ssyncadd.s32 $0xFFFFF000  }
0x6c9: {  	[hbm4b:s28+s2] =	stream.linear.scatter [tilespmem:s29], [sflag:$0x2], $0x1000, $0x38;
	[tilespmem:$0x18B80] =	vst v63  }
0x6ca: {  	_ =	swait.ge [sflag:s14], $0x1000  }
0x6cb: {  	s30 =	rddreg [dreg:$0xa]  }
0x6cc: {  	s31 =	rddreg [dreg:$0x9];
	s1 =	sadd.s32 $0x1, s30  }
0x6cd: {  	p0 =	sne.s32 s1, s31  }
.Ltmp8:
0x6ce: {  	_ = 	snop;
	(pc) =	sbr.rel @p0 .LBB2_1-.Ltmp8, $3  }
0x6cf: {  	_ =	sdelay $0x1  }
0x6d0: {  	[sflag:s14] =	ssyncset.done $0x0  }
0x6d1: {  	[sflag:s14] =	ssyncadd.s32 $0xFFFFF000  }
0x6d2: {  	_ =	sfence.sel $0x180000  }
0x6d3: {  	[bflag:$0x0] =	sbarrier.arrive $0xFFFF  }
0x6d4: {  	_ =	strace $0x90000047  }
0x6d5: {  	s0 =	stileid.u32;
	[bflag:$0x2] =	sbarrier.arrive $0xFFFF  }
0x6d6: {  	p0 =	sne.s32 s0, $0x0;
	s0 =	rddreg [dreg:$0x2]  }
0x6d7: {  	s0 =	sadd.s32 @!p0 $0x100000, s0  }
0x6d8: {  	[sflag:s0] =	ssyncadd.tile.s32 @!p0 $0x1;
	_ =	shalt  }
.Lfunc_end2:
_tile_overlayer_lowered:
.L_overlay_start_2:
0x6d9: {  	(tag) =	ssettag $0x2  }
0x6da: {  	s0 =	rddreg [dreg:$0x0];
	s2 =	stileid.u32  }
0x6db: {  	s1 =	rddreg [dreg:$0x1];
	p0 =	sne.s32 s2, $0x0  }
0x6dc: {  	s3 =	rddreg [dreg:$0x2];
	[bflag:$0x3] =	sbarrier.arrive $0xFFFF;
	s2 =	simm.s32 @!p0 $0x1C02  }
0x6dd: {  	[timem:s3], [sflag:s2] =	dma.local @!p0 [hbm:s0], s1  }
0x6de: {  	s0 =	simm.s32 @!p0 $0x2  }
0x6df: {  	_ =	swait.ge @!p0 [sflag:s0], s1  }
0x6e0: {  	s1 =	ssub.s32 @!p0 $0x0, s1;
	[sflag:s0] =	ssyncset.done @!p0 $0x0  }
0x6e1: {  	[sflag:s0] =	ssyncadd.s32 @!p0 s1  }
0x6e2: {  	[bflag:$0x3] =	sbarrier.arrive $0xFFFF  }
0x6e3: {  	_ =	shalt  }

</sc_bundles>
